<compile_context>
chip_gen: v7x
topology: tpu7x:2x2x1
jax: 0.10.2.dev20260603
libtpu: 0.0.44.dev20260713+nightly
codegen_flags: <defaults>
</compile_context>

<pallas_src>
import functools

import jax
import jax.numpy as jnp
from jax import lax
from jax.experimental import pallas as pl
from jax.experimental.pallas import tpu as pltpu
from jax.experimental.pallas import tpu_sc as plsc

NC = 2
NS = 16
LANES = 16
CHUNK = 80


def _sc_aggregate(x, src, dst, w, n_nodes, d):
    e = src.shape[0]
    nw = NC * NS
    e_tile = e // nw
    nchunk = e_tile // CHUNK
    dblk = d // LANES
    rpt = (n_nodes // NS) // 8 * 8
    rpt_last = n_nodes - (NS - 1) * rpt

    zblk = jnp.zeros((rpt_last, d), dtype=jnp.float32)

    mesh = plsc.VectorSubcoreMesh(core_axis_name="c", subcore_axis_name="s")

    @functools.partial(
        pl.kernel,
        mesh=mesh,
        name="sage_agg_v3r",
        out_type=(
            jax.ShapeDtypeStruct((n_nodes, d), jnp.float32),
            jax.ShapeDtypeStruct((n_nodes, d), jnp.float32),
        ),
        scratch_types=[
            pltpu.VMEM((e_tile,), jnp.int32),
            pltpu.VMEM((e_tile,), jnp.float32),
            pltpu.VMEM((e_tile,), jnp.int32),
            pltpu.VMEM((CHUNK, d), jnp.float32),
            pltpu.VMEM((CHUNK, d), jnp.float32),
            pltpu.VMEM_SHARED((n_nodes, d), jnp.float32),
            pltpu.SemaphoreType.DMA,
            pltpu.SemaphoreType.DMA,
            pltpu.SemaphoreType.DMA,
            pltpu.SemaphoreType.DMA,
        ],
    )
    def agg_kernel(x_hbm, src_hbm, dst_hbm, w_hbm, z_hbm, p0_hbm, p1_hbm,
                   src_v, w_v, dst_v, rows0_v, rows1_v, acc,
                   gsem0, gsem1, ssem0, ssem1):
        cid = lax.axis_index("c")
        sid = lax.axis_index("s")
        wid = cid * NS + sid
        ebase = wid * e_tile
        rbase = sid * rpt

        @pl.when(sid == NS - 1)
        def _():
            pltpu.sync_copy(z_hbm, acc.at[pl.ds(rbase, rpt_last)])

        @pl.when(sid != NS - 1)
        def _():
            pltpu.sync_copy(z_hbm.at[pl.ds(0, rpt)], acc.at[pl.ds(rbase, rpt)])
        pltpu.sync_copy(src_hbm.at[pl.ds(ebase, e_tile)], src_v)
        pltpu.sync_copy(dst_hbm.at[pl.ds(ebase, e_tile)], dst_v)
        pltpu.sync_copy(w_hbm.at[pl.ds(ebase, e_tile)], w_v)
        plsc.subcore_barrier()

        bufs = ((rows0_v, gsem0, ssem0), (rows1_v, gsem1, ssem1))

        def issue_fetch(c, buf):
            rows_b, gsem_b, _ = buf
            pltpu.async_copy(x_hbm.at[src_v.at[pl.ds(c * CHUNK, CHUNK)]],
                             rows_b, gsem_b)

        def do_iter(c, cur, nxt):
            rows_b, gsem_b, ssem_b = cur
            nrows_b, _, nssem_b = nxt
            eoff = c * CHUNK

            @pl.when(c >= 1)
            def _():
                pltpu.make_async_copy(
                    nrows_b,
                    acc.at[dst_v.at[pl.ds((c - 1) * CHUNK, CHUNK)]],
                    nssem_b,
                ).wait()

            @pl.when(c + 1 < nchunk)
            def _():
                issue_fetch(c + 1, nxt)

            pltpu.make_async_copy(
                x_hbm.at[src_v.at[pl.ds(eoff, CHUNK)]], rows_b, gsem_b
            ).wait()

            def scale_group(g, carry2):
                w16 = w_v[pl.ds(eoff + g * LANES, LANES)]
                for t in range(LANES):
                    wt = w16[t]
                    i = g * LANES + t
                    for j in range(dblk):
                        sl = pl.ds(j * LANES, LANES)
                        rows_b[i, sl] = rows_b[i, sl] * wt
                return carry2

            lax.fori_loop(0, CHUNK // LANES, scale_group, 0, unroll=False)

            pltpu.async_copy(
                rows_b,
                acc.at[dst_v.at[pl.ds(c * CHUNK, CHUNK)]],
                ssem_b,
                add=True,
            )

        def chunk_body(c, carry):
            @pl.when(c % 2 == 0)
            def _():
                do_iter(c, bufs[0], bufs[1])

            @pl.when(c % 2 == 1)
            def _():
                do_iter(c, bufs[1], bufs[0])

            return carry

        issue_fetch(0, bufs[0])
        lax.fori_loop(0, nchunk, chunk_body, 0, unroll=False)
        rows_l, _, ssem_l = bufs[(nchunk - 1) % 2]
        pltpu.make_async_copy(
            rows_l,
            acc.at[dst_v.at[pl.ds((nchunk - 1) * CHUNK, CHUNK)]],
            ssem_l,
        ).wait()
        plsc.subcore_barrier()

        def copy_out(dest):
            @pl.when(sid == NS - 1)
            def _():
                pltpu.sync_copy(acc.at[pl.ds(rbase, rpt_last)],
                                dest.at[pl.ds(rbase, rpt_last)])

            @pl.when(sid != NS - 1)
            def _():
                pltpu.sync_copy(acc.at[pl.ds(rbase, rpt)],
                                dest.at[pl.ds(rbase, rpt)])

        @pl.when(cid == 0)
        def _():
            copy_out(p0_hbm)

        @pl.when(cid != 0)
        def _():
            copy_out(p1_hbm)

    return agg_kernel(x, src, dst, w, zblk)


def _tc_linear(p0, p1, W_l, b_l):
    n, d_in = p0.shape
    d_out = W_l.shape[1]
    blk = 2000

    def mm_body(p0_ref, p1_ref, w_ref, b_ref, o_ref):
        s = p0_ref[...] + p1_ref[...]
        o_ref[...] = (
            jnp.dot(s, w_ref[...], preferred_element_type=jnp.float32)
            + b_ref[...]
        )

    return pl.pallas_call(
        mm_body,
        grid=(n // blk,),
        in_specs=[
            pl.BlockSpec((blk, d_in), lambda i: (i, 0)),
            pl.BlockSpec((blk, d_in), lambda i: (i, 0)),
            pl.BlockSpec((d_in, d_out), lambda i: (0, 0)),
            pl.BlockSpec((1, d_out), lambda i: (0, 0)),
        ],
        out_specs=pl.BlockSpec((blk, d_out), lambda i: (i, 0)),
        out_shape=jax.ShapeDtypeStruct((n, d_out), jnp.float32),
    )(p0, p1, W_l, b_l.reshape(1, d_out))


def kernel(x, edge_index, edge_weight, W_l, b_l):
    n, d = x.shape
    dst = edge_index[0]
    src = edge_index[1]
    p0, p1 = _sc_aggregate(x, src, dst, edge_weight, n, d)
    return _tc_linear(p0, p1, W_l, b_l)

# --- scband reference (transcript-rebuilt; emitter-appended) ---
"""Pipeline reference for scband-sage-convolution-47837345743433 (READ-ONLY COPY).

The authoritative reference and input builder live on the scoring server;
editing this copy changes nothing except your own understanding.
"""

import jax, jax.numpy as jnp
import numpy as np

N = 10000
E = 320000
D_IN = 128
D_OUT = 128


def setup_inputs(seed: int = 0) -> dict:
    key = jax.random.key(seed)
    k1, k2, k3, k4, k5 = jax.random.split(key, 5)
    x = jax.random.normal(k1, (N, D_IN), dtype=jnp.float32)
    edge_index = jax.random.randint(k2, (2, E), 0, N, dtype=jnp.int32)
    edge_weight = jax.random.uniform(k3, (E,), dtype=jnp.float32)
    stdv = 1.0 / np.sqrt(D_OUT)
    W_l = jax.random.uniform(k4, (D_IN, D_OUT), minval=-stdv, maxval=stdv, dtype=jnp.float32)
    b_l = jax.random.uniform(k5, (D_OUT,), minval=-stdv, maxval=stdv, dtype=jnp.float32)
    return {"x": x, "edge_index": edge_index, "edge_weight": edge_weight, "W_l": W_l, "b_l": b_l}


def reference(x, edge_index, edge_weight, W_l, b_l):
    # output = input @ weight_l
    h = x @ W_l
    # spmm(adj, h): adj given in COO form as (dst=edge_index[0], src=edge_index[1], edge_weight)
    dst = edge_index[0]
    src = edge_index[1]
    msgs = jnp.take(h, src, axis=0) * edge_weight[:, None]
    agg = jax.ops.segment_sum(msgs, dst, num_segments=N)
    # output = output + bias_l  (root_weight=False, so no skip term)
    out = agg + b_l
    return out

if __name__ == "__main__":
    import jax
    _d = setup_inputs()
    print(jax.jit(kernel)(*tuple(_d.values())))

</pallas_src>

<mosaic_0001>
#map = affine_map<(d0, d1) -> (0, 0)>
#map1 = affine_map<(d0, d1) -> (0)>
module attributes {stable_mosaic.version = 14 : i64} {
  func.func @sage_agg_v3r(%arg0: i32, %arg1: i32, %arg2: memref<10000x128xf32, #tpu.memory_space<hbm>>, %arg3: memref<320000xi32, #tpu.memory_space<hbm>>, %arg4: memref<320000xi32, #tpu.memory_space<hbm>>, %arg5: memref<320000xf32, #tpu.memory_space<hbm>>, %arg6: memref<640x128xf32, #tpu.memory_space<hbm>>, %arg7: memref<10000x128xf32, #tpu.memory_space<hbm>>, %arg8: memref<10000x128xf32, #tpu.memory_space<hbm>>, %arg9: memref<10000xi32, #tpu.memory_space<vmem>>, %arg10: memref<10000xf32, #tpu.memory_space<vmem>>, %arg11: memref<10000xi32, #tpu.memory_space<vmem>>, %arg12: memref<80x128xf32, #tpu.memory_space<vmem>>, %arg13: memref<80x128xf32, #tpu.memory_space<vmem>>, %arg14: memref<10000x128xf32, #tpu.memory_space<vmem_shared>>, %arg15: memref<!tpu.dma_semaphore, #tpu.memory_space<semaphore_mem>>, %arg16: memref<!tpu.dma_semaphore, #tpu.memory_space<semaphore_mem>>, %arg17: memref<!tpu.dma_semaphore, #tpu.memory_space<semaphore_mem>>, %arg18: memref<!tpu.dma_semaphore, #tpu.memory_space<semaphore_mem>>) attributes {dimension_semantics = [#tpu.dimension_semantics<core_parallel>, #tpu.dimension_semantics<subcore_parallel>], iteration_bounds = array<i64: 2, 16>, scalar_prefetch = 0 : i64, scratch_operands = 10 : i64, tpu.core_type = #tpu.core_type<sc_vector_subcore>, window_params = [{transform_indices = #map}, {transform_indices = #map1}, {transform_indices = #map1}, {transform_indices = #map1}, {transform_indices = #map}, {transform_indices = #map}, {transform_indices = #map}]} {
    %mul3A = arith.constant 16 : i32
    %mul3A_0 = arith.muli %arg0, %mul3A : i32
    %add3A = arith.addi %mul3A_0, %arg1 : i32
    %mul3A_1 = arith.constant 10000 : i32
    %mul3A_2 = arith.muli %add3A, %mul3A_1 : i32
    %mul3A_3 = arith.constant 624 : i32
    %mul3A_4 = arith.muli %arg1, %mul3A_3 : i32
    %eq3A = arith.constant 15 : i32
    %eq3A_5 = arith.cmpi eq, %arg1, %eq3A : i32
    %convert_element_type3A = arith.extui %eq3A_5 : i1 to i32
    %cond3A = arith.constant 0 : i32
    %cond3A_6 = arith.cmpi ne, %convert_element_type3A, %cond3A : i32
    scf.if %cond3A_6 {
      "tpu.region"() ({
        %run_scoped3A = tpu.sem_alloc : memref<!tpu.dma_semaphore, #tpu.memory_space<semaphore_mem>>
        %dma_start3A_35 = arith.constant 0 : i32
        %dma_start3A_36 = tpu.memref_slice %arg14[%mul3A_4, %dma_start3A_35] : memref<10000x128xf32, #tpu.memory_space<vmem_shared>> -> memref<640x128xf32, #tpu.memory_space<vmem_shared>>
        tpu.enqueue_dma source(%arg6 : memref<640x128xf32, #tpu.memory_space<hbm>>) target(%dma_start3A_36 : memref<640x128xf32, #tpu.memory_space<vmem_shared>>) target_semaphore(%run_scoped3A : memref<!tpu.dma_semaphore, #tpu.memory_space<semaphore_mem>>)
        %dma_wait3A_37 = arith.constant 0 : i32
        %dma_wait3A_38 = tpu.memref_slice %arg14[%mul3A_4, %dma_wait3A_37] : memref<10000x128xf32, #tpu.memory_space<vmem_shared>> -> memref<640x128xf32, #tpu.memory_space<vmem_shared>>
        tpu.wait_dma2 semaphore(%run_scoped3A : memref<!tpu.dma_semaphore, #tpu.memory_space<semaphore_mem>>) src(%arg6 : memref<640x128xf32, #tpu.memory_space<hbm>>) dst(%dma_wait3A_38 : memref<640x128xf32, #tpu.memory_space<vmem_shared>>)
        tpu.yield
      }) : () -> ()
    } else {
    }
    %ne3A = arith.constant 15 : i32
    %ne3A_7 = arith.cmpi ne, %arg1, %ne3A : i32
    %convert_element_type3A_8 = arith.extui %ne3A_7 : i1 to i32
    %cond3A_9 = arith.constant 0 : i32
    %cond3A_10 = arith.cmpi ne, %convert_element_type3A_8, %cond3A_9 : i32
    scf.if %cond3A_10 {
      "tpu.region"() ({
        %run_scoped3A = tpu.sem_alloc : memref<!tpu.dma_semaphore, #tpu.memory_space<semaphore_mem>>
        %dma_start3A_35 = arith.constant 0 : i32
        %dma_start3A_36 = tpu.memref_slice %arg14[%mul3A_4, %dma_start3A_35] : memref<10000x128xf32, #tpu.memory_space<vmem_shared>> -> memref<624x128xf32, #tpu.memory_space<vmem_shared>>
        %dma_start3A_37 = arith.constant 0 : i32
        %dma_start3A_38 = arith.constant 0 : i32
        %dma_start3A_39 = tpu.memref_slice %arg6[%dma_start3A_37, %dma_start3A_38] : memref<640x128xf32, #tpu.memory_space<hbm>> -> memref<624x128xf32, #tpu.memory_space<hbm>>
        tpu.enqueue_dma source(%dma_start3A_39 : memref<624x128xf32, #tpu.memory_space<hbm>>) target(%dma_start3A_36 : memref<624x128xf32, #tpu.memory_space<vmem_shared>>) target_semaphore(%run_scoped3A : memref<!tpu.dma_semaphore, #tpu.memory_space<semaphore_mem>>)
        %dma_wait3A_40 = arith.constant 0 : i32
        %dma_wait3A_41 = tpu.memref_slice %arg14[%mul3A_4, %dma_wait3A_40] : memref<10000x128xf32, #tpu.memory_space<vmem_shared>> -> memref<624x128xf32, #tpu.memory_space<vmem_shared>>
        %dma_wait3A_42 = arith.constant 0 : i32
        %dma_wait3A_43 = arith.constant 0 : i32
        %dma_wait3A_44 = tpu.memref_slice %arg6[%dma_wait3A_42, %dma_wait3A_43] : memref<640x128xf32, #tpu.memory_space<hbm>> -> memref<624x128xf32, #tpu.memory_space<hbm>>
        tpu.wait_dma2 semaphore(%run_scoped3A : memref<!tpu.dma_semaphore, #tpu.memory_space<semaphore_mem>>) src(%dma_wait3A_44 : memref<624x128xf32, #tpu.memory_space<hbm>>) dst(%dma_wait3A_41 : memref<624x128xf32, #tpu.memory_space<vmem_shared>>)
        tpu.yield
      }) : () -> ()
    } else {
    }
    "tpu.region"() ({
      %run_scoped3A = tpu.sem_alloc : memref<!tpu.dma_semaphore, #tpu.memory_space<semaphore_mem>>
      %dma_start3A_35 = tpu.memref_slice %arg3[%mul3A_2] : memref<320000xi32, #tpu.memory_space<hbm>> -> memref<10000xi32, #tpu.memory_space<hbm>>
      %dma_start3A_36 = tpu.memref_slice %arg3[%mul3A_2] : memref<320000xi32, #tpu.memory_space<hbm>> -> memref<10000xi32, #tpu.memory_space<hbm>>
      tpu.enqueue_dma source(%dma_start3A_36 : memref<10000xi32, #tpu.memory_space<hbm>>) target(%arg9 : memref<10000xi32, #tpu.memory_space<vmem>>) target_semaphore(%run_scoped3A : memref<!tpu.dma_semaphore, #tpu.memory_space<semaphore_mem>>)
      %dma_wait3A_37 = tpu.memref_slice %arg3[%mul3A_2] : memref<320000xi32, #tpu.memory_space<hbm>> -> memref<10000xi32, #tpu.memory_space<hbm>>
      %dma_wait3A_38 = tpu.memref_slice %arg3[%mul3A_2] : memref<320000xi32, #tpu.memory_space<hbm>> -> memref<10000xi32, #tpu.memory_space<hbm>>
      tpu.wait_dma2 semaphore(%run_scoped3A : memref<!tpu.dma_semaphore, #tpu.memory_space<semaphore_mem>>) src(%dma_wait3A_38 : memref<10000xi32, #tpu.memory_space<hbm>>) dst(%arg9 : memref<10000xi32, #tpu.memory_space<vmem>>)
      tpu.yield
    }) : () -> ()
    "tpu.region"() ({
      %run_scoped3A = tpu.sem_alloc : memref<!tpu.dma_semaphore, #tpu.memory_space<semaphore_mem>>
      %dma_start3A_35 = tpu.memref_slice %arg4[%mul3A_2] : memref<320000xi32, #tpu.memory_space<hbm>> -> memref<10000xi32, #tpu.memory_space<hbm>>
      %dma_start3A_36 = tpu.memref_slice %arg4[%mul3A_2] : memref<320000xi32, #tpu.memory_space<hbm>> -> memref<10000xi32, #tpu.memory_space<hbm>>
      tpu.enqueue_dma source(%dma_start3A_36 : memref<10000xi32, #tpu.memory_space<hbm>>) target(%arg11 : memref<10000xi32, #tpu.memory_space<vmem>>) target_semaphore(%run_scoped3A : memref<!tpu.dma_semaphore, #tpu.memory_space<semaphore_mem>>)
      %dma_wait3A_37 = tpu.memref_slice %arg4[%mul3A_2] : memref<320000xi32, #tpu.memory_space<hbm>> -> memref<10000xi32, #tpu.memory_space<hbm>>
      %dma_wait3A_38 = tpu.memref_slice %arg4[%mul3A_2] : memref<320000xi32, #tpu.memory_space<hbm>> -> memref<10000xi32, #tpu.memory_space<hbm>>
      tpu.wait_dma2 semaphore(%run_scoped3A : memref<!tpu.dma_semaphore, #tpu.memory_space<semaphore_mem>>) src(%dma_wait3A_38 : memref<10000xi32, #tpu.memory_space<hbm>>) dst(%arg11 : memref<10000xi32, #tpu.memory_space<vmem>>)
      tpu.yield
    }) : () -> ()
    "tpu.region"() ({
      %run_scoped3A = tpu.sem_alloc : memref<!tpu.dma_semaphore, #tpu.memory_space<semaphore_mem>>
      %dma_start3A_35 = tpu.memref_slice %arg5[%mul3A_2] : memref<320000xf32, #tpu.memory_space<hbm>> -> memref<10000xf32, #tpu.memory_space<hbm>>
      %dma_start3A_36 = tpu.memref_slice %arg5[%mul3A_2] : memref<320000xf32, #tpu.memory_space<hbm>> -> memref<10000xf32, #tpu.memory_space<hbm>>
      tpu.enqueue_dma source(%dma_start3A_36 : memref<10000xf32, #tpu.memory_space<hbm>>) target(%arg10 : memref<10000xf32, #tpu.memory_space<vmem>>) target_semaphore(%run_scoped3A : memref<!tpu.dma_semaphore, #tpu.memory_space<semaphore_mem>>)
      %dma_wait3A_37 = tpu.memref_slice %arg5[%mul3A_2] : memref<320000xf32, #tpu.memory_space<hbm>> -> memref<10000xf32, #tpu.memory_space<hbm>>
      %dma_wait3A_38 = tpu.memref_slice %arg5[%mul3A_2] : memref<320000xf32, #tpu.memory_space<hbm>> -> memref<10000xf32, #tpu.memory_space<hbm>>
      tpu.wait_dma2 semaphore(%run_scoped3A : memref<!tpu.dma_semaphore, #tpu.memory_space<semaphore_mem>>) src(%dma_wait3A_38 : memref<10000xf32, #tpu.memory_space<hbm>>) dst(%arg10 : memref<10000xf32, #tpu.memory_space<vmem>>)
      tpu.yield
    }) : () -> ()
    %barrier3A = arith.constant 0 : index
    tpu.barrier barrier_id(%barrier3A)
    %dma_start3A = arith.constant 0 : i32
    %dma_start3A_11 = tpu.memref_slice %arg9[%dma_start3A] : memref<10000xi32, #tpu.memory_space<vmem>> -> memref<80xi32, #tpu.memory_space<vmem>>
    %dma_start3A_12 = arith.constant 0 : i32
    %dma_start3A_13 = arith.constant 0 : i32
    %dma_start3A_14 = tpu.memref_slice %arg2[%dma_start3A_12, %dma_start3A_13] : memref<10000x128xf32, #tpu.memory_space<hbm>> -> memref<10000x128xf32, #tpu.memory_space<hbm>>
    tpu.enqueue_indirect_dma source(%dma_start3A_14 : memref<10000x128xf32, #tpu.memory_space<hbm>>) target(%arg12 : memref<80x128xf32, #tpu.memory_space<vmem>>) offsets(%dma_start3A_11 : memref<80xi32, #tpu.memory_space<vmem>>) semaphore(%arg15 : memref<!tpu.dma_semaphore, #tpu.memory_space<semaphore_mem>>)
    %scan3A = arith.constant 0 : i32
    %scan3A_15 = arith.constant 0 : i32
    %scan3A_16 = arith.constant 125 : i32
    %scan3A_17 = arith.addi %scan3A_15, %scan3A_16 : i32
    %scan3A_18 = arith.constant 1 : i32
    scf.for %scan3A_35 = %scan3A_15 to %scan3A_17 step %scan3A_18  : i32 {
      %jit3A = arith.constant 2 : i32
      %eq3A_36 = arith.constant 0 : i32
      %eq3A_37 = arith.cmpi eq, %jit3A, %eq3A_36 : i32
      %jit3A_38 = arith.constant 1 : i32
      %select_n3A = arith.select %eq3A_37, %jit3A_38, %jit3A : i32
      %rem3A = arith.remsi %scan3A_35, %select_n3A : i32
      %ne3A_39 = arith.constant 0 : i32
      %ne3A_40 = arith.cmpi ne, %rem3A, %ne3A_39 : i32
      %lt3A = arith.constant 0 : i32
      %lt3A_41 = arith.cmpi slt, %rem3A, %lt3A : i32
      %lt3A_42 = arith.constant 0 : i32
      %lt3A_43 = arith.cmpi slt, %select_n3A, %lt3A_42 : i32
      %ne3A_44 = arith.xori %lt3A_41, %lt3A_43 : i1
      %and3A = arith.andi %ne3A_44, %ne3A_40 : i1
      %add3A_45 = arith.addi %rem3A, %select_n3A : i32
      %select_n3A_46 = arith.select %and3A, %add3A_45, %rem3A : i32
      %eq3A_47 = arith.constant 0 : i32
      %eq3A_48 = arith.cmpi eq, %select_n3A_46, %eq3A_47 : i32
      %convert_element_type3A_49 = arith.extui %eq3A_48 : i1 to i32
      %cond3A_50 = arith.constant 0 : i32
      %cond3A_51 = arith.cmpi ne, %convert_element_type3A_49, %cond3A_50 : i32
      scf.if %cond3A_51 {
        %mul3A_73 = arith.constant 80 : i32
        %mul3A_74 = arith.muli %scan3A_35, %mul3A_73 : i32
        %ge3A = arith.constant 1 : i32
        %ge3A_75 = arith.cmpi sge, %scan3A_35, %ge3A : i32
        %convert_element_type3A_76 = arith.extui %ge3A_75 : i1 to i32
        %cond3A_77 = arith.constant 0 : i32
        %cond3A_78 = arith.cmpi ne, %convert_element_type3A_76, %cond3A_77 : i32
        scf.if %cond3A_78 {
          %sub3A = arith.constant 1 : i32
          %sub3A_102 = arith.subi %scan3A_35, %sub3A : i32
          %mul3A_103 = arith.constant 80 : i32
          %mul3A_104 = arith.muli %sub3A_102, %mul3A_103 : i32
          %dma_wait3A_105 = tpu.memref_slice %arg11[%mul3A_104] : memref<10000xi32, #tpu.memory_space<vmem>> -> memref<80xi32, #tpu.memory_space<vmem>>
          %dma_wait3A_106 = arith.constant 0 : i32
          %dma_wait3A_107 = arith.constant 0 : i32
          %dma_wait3A_108 = tpu.memref_slice %arg14[%dma_wait3A_106, %dma_wait3A_107] : memref<10000x128xf32, #tpu.memory_space<vmem_shared>> -> memref<10000x128xf32, #tpu.memory_space<vmem_shared>>
          tpu.wait_indirect_dma semaphore(%arg18 : memref<!tpu.dma_semaphore, #tpu.memory_space<semaphore_mem>>) src(%arg13 : memref<80x128xf32, #tpu.memory_space<vmem>>) dst(%dma_wait3A_108 : memref<10000x128xf32, #tpu.memory_space<vmem_shared>>)
        } else {
        }
        %add3A_79 = arith.constant 1 : i32
        %add3A_80 = arith.addi %scan3A_35, %add3A_79 : i32
        %lt3A_81 = arith.constant 125 : i32
        %lt3A_82 = arith.cmpi slt, %add3A_80, %lt3A_81 : i32
        %convert_element_type3A_83 = arith.extui %lt3A_82 : i1 to i32
        %cond3A_84 = arith.constant 0 : i32
        %cond3A_85 = arith.cmpi ne, %convert_element_type3A_83, %cond3A_84 : i32
        scf.if %cond3A_85 {
          %add3A_102 = arith.constant 1 : i32
          %add3A_103 = arith.addi %scan3A_35, %add3A_102 : i32
          %mul3A_104 = arith.constant 80 : i32
          %mul3A_105 = arith.muli %add3A_103, %mul3A_104 : i32
          %dma_start3A_106 = tpu.memref_slice %arg9[%mul3A_105] : memref<10000xi32, #tpu.memory_space<vmem>> -> memref<80xi32, #tpu.memory_space<vmem>>
          %dma_start3A_107 = arith.constant 0 : i32
          %dma_start3A_108 = arith.constant 0 : i32
          %dma_start3A_109 = tpu.memref_slice %arg2[%dma_start3A_107, %dma_start3A_108] : memref<10000x128xf32, #tpu.memory_space<hbm>> -> memref<10000x128xf32, #tpu.memory_space<hbm>>
          tpu.enqueue_indirect_dma source(%dma_start3A_109 : memref<10000x128xf32, #tpu.memory_space<hbm>>) target(%arg13 : memref<80x128xf32, #tpu.memory_space<vmem>>) offsets(%dma_start3A_106 : memref<80xi32, #tpu.memory_space<vmem>>) semaphore(%arg16 : memref<!tpu.dma_semaphore, #tpu.memory_space<semaphore_mem>>)
        } else {
        }
        %dma_wait3A_86 = tpu.memref_slice %arg9[%mul3A_74] : memref<10000xi32, #tpu.memory_space<vmem>> -> memref<80xi32, #tpu.memory_space<vmem>>
        %dma_wait3A_87 = arith.constant 0 : i32
        %dma_wait3A_88 = arith.constant 0 : i32
        %dma_wait3A_89 = tpu.memref_slice %arg2[%dma_wait3A_87, %dma_wait3A_88] : memref<10000x128xf32, #tpu.memory_space<hbm>> -> memref<10000x128xf32, #tpu.memory_space<hbm>>
        tpu.wait_indirect_dma semaphore(%arg15 : memref<!tpu.dma_semaphore, #tpu.memory_space<semaphore_mem>>) src(%dma_wait3A_89 : memref<10000x128xf32, #tpu.memory_space<hbm>>) dst(%arg12 : memref<80x128xf32, #tpu.memory_space<vmem>>)
        %scan3A_90 = arith.constant 0 : i32
        %scan3A_91 = arith.constant 0 : i32
        %scan3A_92 = arith.constant 5 : i32
        %scan3A_93 = arith.addi %scan3A_91, %scan3A_92 : i32
        %scan3A_94 = arith.constant 1 : i32
        scf.for %scan3A_102 = %scan3A_91 to %scan3A_93 step %scan3A_94  : i32 {
          %mul3A_103 = arith.constant 16 : i32
          %mul3A_104 = arith.muli %scan3A_102, %mul3A_103 : i32
          %add3A_105 = arith.addi %mul3A_74, %mul3A_104 : i32
          %get3A = arith.index_cast %add3A_105 : i32 to index
          %get3A_106 = tpu.vector_load %arg10[%get3A] {strides = array<i32>} : memref<10000xf32, #tpu.memory_space<vmem>>, vector<16xf32>,
          %get3A_107 = vector.shape_cast %get3A_106 : vector<16xf32> to vector<16xf32>
          %slice3A = vector.extract_strided_slice %get3A_107 {offsets = [0], sizes = [1], strides = [1]} : vector<16xf32> to vector<1xf32>
          %squeeze3A = vector.extract %slice3A[0] : f32 from vector<1xf32>
          %mul3A_108 = arith.constant 16 : i32
          %mul3A_109 = arith.muli %scan3A_102, %mul3A_108 : i32
          %add3A_110 = arith.constant 0 : i32
          %add3A_111 = arith.addi %mul3A_109, %add3A_110 : i32
          %get3A_112 = arith.index_cast %add3A_111 : i32 to index
          %get3A_113 = arith.constant 0 : index
          %get3A_114 = tpu.vector_load %arg12[%get3A_112, %get3A_113] {strides = array<i32>} : memref<80x128xf32, #tpu.memory_space<vmem>>, vector<1x16xf32>,
          %get3A_115 = vector.shape_cast %get3A_114 : vector<1x16xf32> to vector<16xf32>
          %mul3A_116 = vector.broadcast %squeeze3A : f32 to vector<16xf32>
          %mul3A_117 = arith.mulf %get3A_115, %mul3A_116 : vector<16xf32>
          %swap3A = arith.index_cast %add3A_111 : i32 to index
          %swap3A_118 = arith.constant 0 : index
          %swap3A_119 = tpu.vector_load %arg12[%swap3A, %swap3A_118] {strides = array<i32>} : memref<80x128xf32, #tpu.memory_space<vmem>>, vector<1x16xf32>,
          %swap3A_120 = vector.shape_cast %swap3A_119 : vector<1x16xf32> to vector<16xf32>
          %swap3A_121 = vector.shape_cast %mul3A_117 : vector<16xf32> to vector<1x16xf32>
          tpu.vector_store %arg12[%swap3A, %swap3A_118], %swap3A_121 {strides = array<i32>} : memref<80x128xf32, #tpu.memory_space<vmem>>, vector<1x16xf32>,
          %get3A_122 = arith.index_cast %add3A_111 : i32 to index
          %get3A_123 = arith.constant 16 : index
          %get3A_124 = tpu.vector_load %arg12[%get3A_122, %get3A_123] {strides = array<i32>} : memref<80x128xf32, #tpu.memory_space<vmem>>, vector<1x16xf32>,
          %get3A_125 = vector.shape_cast %get3A_124 : vector<1x16xf32> to vector<16xf32>
          %mul3A_126 = vector.broadcast %squeeze3A : f32 to vector<16xf32>
          %mul3A_127 = arith.mulf %get3A_125, %mul3A_126 : vector<16xf32>
          %swap3A_128 = arith.index_cast %add3A_111 : i32 to index
          %swap3A_129 = arith.constant 16 : index
          %swap3A_130 = tpu.vector_load %arg12[%swap3A_128, %swap3A_129] {strides = array<i32>} : memref<80x128xf32, #tpu.memory_space<vmem>>, vector<1x16xf32>,
          %swap3A_131 = vector.shape_cast %swap3A_130 : vector<1x16xf32> to vector<16xf32>
          %swap3A_132 = vector.shape_cast %mul3A_127 : vector<16xf32> to vector<1x16xf32>
          tpu.vector_store %arg12[%swap3A_128, %swap3A_129], %swap3A_132 {strides = array<i32>} : memref<80x128xf32, #tpu.memory_space<vmem>>, vector<1x16xf32>,
          %get3A_133 = arith.index_cast %add3A_111 : i32 to index
          %get3A_134 = arith.constant 32 : index
          %get3A_135 = tpu.vector_load %arg12[%get3A_133, %get3A_134] {strides = array<i32>} : memref<80x128xf32, #tpu.memory_space<vmem>>, vector<1x16xf32>,
          %get3A_136 = vector.shape_cast %get3A_135 : vector<1x16xf32> to vector<16xf32>
          %mul3A_137 = vector.broadcast %squeeze3A : f32 to vector<16xf32>
          %mul3A_138 = arith.mulf %get3A_136, %mul3A_137 : vector<16xf32>
          %swap3A_139 = arith.index_cast %add3A_111 : i32 to index
          %swap3A_140 = arith.constant 32 : index
          %swap3A_141 = tpu.vector_load %arg12[%swap3A_139, %swap3A_140] {strides = array<i32>} : memref<80x128xf32, #tpu.memory_space<vmem>>, vector<1x16xf32>,
          %swap3A_142 = vector.shape_cast %swap3A_141 : vector<1x16xf32> to vector<16xf32>
          %swap3A_143 = vector.shape_cast %mul3A_138 : vector<16xf32> to vector<1x16xf32>
          tpu.vector_store %arg12[%swap3A_139, %swap3A_140], %swap3A_143 {strides = array<i32>} : memref<80x128xf32, #tpu.memory_space<vmem>>, vector<1x16xf32>,
          %get3A_144 = arith.index_cast %add3A_111 : i32 to index
          %get3A_145 = arith.constant 48 : index
          %get3A_146 = tpu.vector_load %arg12[%get3A_144, %get3A_145] {strides = array<i32>} : memref<80x128xf32, #tpu.memory_space<vmem>>, vector<1x16xf32>,
          %get3A_147 = vector.shape_cast %get3A_146 : vector<1x16xf32> to vector<16xf32>
          %mul3A_148 = vector.broadcast %squeeze3A : f32 to vector<16xf32>
          %mul3A_149 = arith.mulf %get3A_147, %mul3A_148 : vector<16xf32>
          %swap3A_150 = arith.index_cast %add3A_111 : i32 to index
          %swap3A_151 = arith.constant 48 : index
          %swap3A_152 = tpu.vector_load %arg12[%swap3A_150, %swap3A_151] {strides = array<i32>} : memref<80x128xf32, #tpu.memory_space<vmem>>, vector<1x16xf32>,
          %swap3A_153 = vector.shape_cast %swap3A_152 : vector<1x16xf32> to vector<16xf32>
          %swap3A_154 = vector.shape_cast %mul3A_149 : vector<16xf32> to vector<1x16xf32>
          tpu.vector_store %arg12[%swap3A_150, %swap3A_151], %swap3A_154 {strides = array<i32>} : memref<80x128xf32, #tpu.memory_space<vmem>>, vector<1x16xf32>,
          %get3A_155 = arith.index_cast %add3A_111 : i32 to index
          %get3A_156 = arith.constant 64 : index
          %get3A_157 = tpu.vector_load %arg12[%get3A_155, %get3A_156] {strides = array<i32>} : memref<80x128xf32, #tpu.memory_space<vmem>>, vector<1x16xf32>,
          %get3A_158 = vector.shape_cast %get3A_157 : vector<1x16xf32> to vector<16xf32>
          %mul3A_159 = vector.broadcast %squeeze3A : f32 to vector<16xf32>
          %mul3A_160 = arith.mulf %get3A_158, %mul3A_159 : vector<16xf32>
          %swap3A_161 = arith.index_cast %add3A_111 : i32 to index
          %swap3A_162 = arith.constant 64 : index
          %swap3A_163 = tpu.vector_load %arg12[%swap3A_161, %swap3A_162] {strides = array<i32>} : memref<80x128xf32, #tpu.memory_space<vmem>>, vector<1x16xf32>,
          %swap3A_164 = vector.shape_cast %swap3A_163 : vector<1x16xf32> to vector<16xf32>
          %swap3A_165 = vector.shape_cast %mul3A_160 : vector<16xf32> to vector<1x16xf32>
          tpu.vector_store %arg12[%swap3A_161, %swap3A_162], %swap3A_165 {strides = array<i32>} : memref<80x128xf32, #tpu.memory_space<vmem>>, vector<1x16xf32>,
          %get3A_166 = arith.index_cast %add3A_111 : i32 to index
          %get3A_167 = arith.constant 80 : index
          %get3A_168 = tpu.vector_load %arg12[%get3A_166, %get3A_167] {strides = array<i32>} : memref<80x128xf32, #tpu.memory_space<vmem>>, vector<1x16xf32>,
          %get3A_169 = vector.shape_cast %get3A_168 : vector<1x16xf32> to vector<16xf32>
          %mul3A_170 = vector.broadcast %squeeze3A : f32 to vector<16xf32>
          %mul3A_171 = arith.mulf %get3A_169, %mul3A_170 : vector<16xf32>
          %swap3A_172 = arith.index_cast %add3A_111 : i32 to index
          %swap3A_173 = arith.constant 80 : index
          %swap3A_174 = tpu.vector_load %arg12[%swap3A_172, %swap3A_173] {strides = array<i32>} : memref<80x128xf32, #tpu.memory_space<vmem>>, vector<1x16xf32>,
          %swap3A_175 = vector.shape_cast %swap3A_174 : vector<1x16xf32> to vector<16xf32>
          %swap3A_176 = vector.shape_cast %mul3A_171 : vector<16xf32> to vector<1x16xf32>
          tpu.vector_store %arg12[%swap3A_172, %swap3A_173], %swap3A_176 {strides = array<i32>} : memref<80x128xf32, #tpu.memory_space<vmem>>, vector<1x16xf32>,
          %get3A_177 = arith.index_cast %add3A_111 : i32 to index
          %get3A_178 = arith.constant 96 : index
          %get3A_179 = tpu.vector_load %arg12[%get3A_177, %get3A_178] {strides = array<i32>} : memref<80x128xf32, #tpu.memory_space<vmem>>, vector<1x16xf32>,
          %get3A_180 = vector.shape_cast %get3A_179 : vector<1x16xf32> to vector<16xf32>
          %mul3A_181 = vector.broadcast %squeeze3A : f32 to vector<16xf32>
          %mul3A_182 = arith.mulf %get3A_180, %mul3A_181 : vector<16xf32>
          %swap3A_183 = arith.index_cast %add3A_111 : i32 to index
          %swap3A_184 = arith.constant 96 : index
          %swap3A_185 = tpu.vector_load %arg12[%swap3A_183, %swap3A_184] {strides = array<i32>} : memref<80x128xf32, #tpu.memory_space<vmem>>, vector<1x16xf32>,
          %swap3A_186 = vector.shape_cast %swap3A_185 : vector<1x16xf32> to vector<16xf32>
          %swap3A_187 = vector.shape_cast %mul3A_182 : vector<16xf32> to vector<1x16xf32>
          tpu.vector_store %arg12[%swap3A_183, %swap3A_184], %swap3A_187 {strides = array<i32>} : memref<80x128xf32, #tpu.memory_space<vmem>>, vector<1x16xf32>,
          %get3A_188 = arith.index_cast %add3A_111 : i32 to index
          %get3A_189 = arith.constant 112 : index
          %get3A_190 = tpu.vector_load %arg12[%get3A_188, %get3A_189] {strides = array<i32>} : memref<80x128xf32, #tpu.memory_space<vmem>>, vector<1x16xf32>,
          %get3A_191 = vector.shape_cast %get3A_190 : vector<1x16xf32> to vector<16xf32>
          %mul3A_192 = vector.broadcast %squeeze3A : f32 to vector<16xf32>
          %mul3A_193 = arith.mulf %get3A_191, %mul3A_192 : vector<16xf32>
          %swap3A_194 = arith.index_cast %add3A_111 : i32 to index
          %swap3A_195 = arith.constant 112 : index
          %swap3A_196 = tpu.vector_load %arg12[%swap3A_194, %swap3A_195] {strides = array<i32>} : memref<80x128xf32, #tpu.memory_space<vmem>>, vector<1x16xf32>,
          %swap3A_197 = vector.shape_cast %swap3A_196 : vector<1x16xf32> to vector<16xf32>
          %swap3A_198 = vector.shape_cast %mul3A_193 : vector<16xf32> to vector<1x16xf32>
          tpu.vector_store %arg12[%swap3A_194, %swap3A_195], %swap3A_198 {strides = array<i32>} : memref<80x128xf32, #tpu.memory_space<vmem>>, vector<1x16xf32>,
          %slice3A_199 = vector.extract_strided_slice %get3A_107 {offsets = [1], sizes = [1], strides = [1]} : vector<16xf32> to vector<1xf32>
          %squeeze3A_200 = vector.extract %slice3A_199[0] : f32 from vector<1xf32>
          %mul3A_201 = arith.constant 16 : i32
          %mul3A_202 = arith.muli %scan3A_102, %mul3A_201 : i32
          %add3A_203 = arith.constant 1 : i32
          %add3A_204 = arith.addi %mul3A_202, %add3A_203 : i32
          %get3A_205 = arith.index_cast %add3A_204 : i32 to index
          %get3A_206 = arith.constant 0 : index
          %get3A_207 = tpu.vector_load %arg12[%get3A_205, %get3A_206] {strides = array<i32>} : memref<80x128xf32, #tpu.memory_space<vmem>>, vector<1x16xf32>,
          %get3A_208 = vector.shape_cast %get3A_207 : vector<1x16xf32> to vector<16xf32>
          %mul3A_209 = vector.broadcast %squeeze3A_200 : f32 to vector<16xf32>
          %mul3A_210 = arith.mulf %get3A_208, %mul3A_209 : vector<16xf32>
          %swap3A_211 = arith.index_cast %add3A_204 : i32 to index
          %swap3A_212 = arith.constant 0 : index
          %swap3A_213 = tpu.vector_load %arg12[%swap3A_211, %swap3A_212] {strides = array<i32>} : memref<80x128xf32, #tpu.memory_space<vmem>>, vector<1x16xf32>,
          %swap3A_214 = vector.shape_cast %swap3A_213 : vector<1x16xf32> to vector<16xf32>
          %swap3A_215 = vector.shape_cast %mul3A_210 : vector<16xf32> to vector<1x16xf32>
          tpu.vector_store %arg12[%swap3A_211, %swap3A_212], %swap3A_215 {strides = array<i32>} : memref<80x128xf32, #tpu.memory_space<vmem>>, vector<1x16xf32>,
          %get3A_216 = arith.index_cast %add3A_204 : i32 to index
          %get3A_217 = arith.constant 16 : index
          %get3A_218 = tpu.vector_load %arg12[%get3A_216, %get3A_217] {strides = array<i32>} : memref<80x128xf32, #tpu.memory_space<vmem>>, vector<1x16xf32>,
          %get3A_219 = vector.shape_cast %get3A_218 : vector<1x16xf32> to vector<16xf32>
          %mul3A_220 = vector.broadcast %squeeze3A_200 : f32 to vector<16xf32>
          %mul3A_221 = arith.mulf %get3A_219, %mul3A_220 : vector<16xf32>
          %swap3A_222 = arith.index_cast %add3A_204 : i32 to index
          %swap3A_223 = arith.constant 16 : index
          %swap3A_224 = tpu.vector_load %arg12[%swap3A_222, %swap3A_223] {strides = array<i32>} : memref<80x128xf32, #tpu.memory_space<vmem>>, vector<1x16xf32>,
          %swap3A_225 = vector.shape_cast %swap3A_224 : vector<1x16xf32> to vector<16xf32>
          %swap3A_226 = vector.shape_cast %mul3A_221 : vector<16xf32> to vector<1x16xf32>
          tpu.vector_store %arg12[%swap3A_222, %swap3A_223], %swap3A_226 {strides = array<i32>} : memref<80x128xf32, #tpu.memory_space<vmem>>, vector<1x16xf32>,
          %get3A_227 = arith.index_cast %add3A_204 : i32 to index
          %get3A_228 = arith.constant 32 : index
          %get3A_229 = tpu.vector_load %arg12[%get3A_227, %get3A_228] {strides = array<i32>} : memref<80x128xf32, #tpu.memory_space<vmem>>, vector<1x16xf32>,
          %get3A_230 = vector.shape_cast %get3A_229 : vector<1x16xf32> to vector<16xf32>
          %mul3A_231 = vector.broadcast %squeeze3A_200 : f32 to vector<16xf32>
          %mul3A_232 = arith.mulf %get3A_230, %mul3A_231 : vector<16xf32>
          %swap3A_233 = arith.index_cast %add3A_204 : i32 to index
          %swap3A_234 = arith.constant 32 : index
          %swap3A_235 = tpu.vector_load %arg12[%swap3A_233, %swap3A_234] {strides = array<i32>} : memref<80x128xf32, #tpu.memory_space<vmem>>, vector<1x16xf32>,
          %swap3A_236 = vector.shape_cast %swap3A_235 : vector<1x16xf32> to vector<16xf32>
          %swap3A_237 = vector.shape_cast %mul3A_232 : vector<16xf32> to vector<1x16xf32>
          tpu.vector_store %arg12[%swap3A_233, %swap3A_234], %swap3A_237 {strides = array<i32>} : memref<80x128xf32, #tpu.memory_space<vmem>>, vector<1x16xf32>,
          %get3A_238 = arith.index_cast %add3A_204 : i32 to index
          %get3A_239 = arith.constant 48 : index
          %get3A_240 = tpu.vector_load %arg12[%get3A_238, %get3A_239] {strides = array<i32>} : memref<80x128xf32, #tpu.memory_space<vmem>>, vector<1x16xf32>,
          %get3A_241 = vector.shape_cast %get3A_240 : vector<1x16xf32> to vector<16xf32>
          %mul3A_242 = vector.broadcast %squeeze3A_200 : f32 to vector<16xf32>
          %mul3A_243 = arith.mulf %get3A_241, %mul3A_242 : vector<16xf32>
          %swap3A_244 = arith.index_cast %add3A_204 : i32 to index
          %swap3A_245 = arith.constant 48 : index
          %swap3A_246 = tpu.vector_load %arg12[%swap3A_244, %swap3A_245] {strides = array<i32>} : memref<80x128xf32, #tpu.memory_space<vmem>>, vector<1x16xf32>,
          %swap3A_247 = vector.shape_cast %swap3A_246 : vector<1x16xf32> to vector<16xf32>
          %swap3A_248 = vector.shape_cast %mul3A_243 : vector<16xf32> to vector<1x16xf32>
          tpu.vector_store %arg12[%swap3A_244, %swap3A_245], %swap3A_248 {strides = array<i32>} : memref<80x128xf32, #tpu.memory_space<vmem>>, vector<1x16xf32>,
          %get3A_249 = arith.index_cast %add3A_204 : i32 to index
          %get3A_250 = arith.constant 64 : index
          %get3A_251 = tpu.vector_load %arg12[%get3A_249, %get3A_250] {strides = array<i32>} : memref<80x128xf32, #tpu.memory_space<vmem>>, vector<1x16xf32>,
          %get3A_252 = vector.shape_cast %get3A_251 : vector<1x16xf32> to vector<16xf32>
          %mul3A_253 = vector.broadcast %squeeze3A_200 : f32 to vector<16xf32>
          %mul3A_254 = arith.mulf %get3A_252, %mul3A_253 : vector<16xf32>
          %swap3A_255 = arith.index_cast %add3A_204 : i32 to index
          %swap3A_256 = arith.constant 64 : index
          %swap3A_257 = tpu.vector_load %arg12[%swap3A_255, %swap3A_256] {strides = array<i32>} : memref<80x128xf32, #tpu.memory_space<vmem>>, vector<1x16xf32>,
          %swap3A_258 = vector.shape_cast %swap3A_257 : vector<1x16xf32> to vector<16xf32>
          %swap3A_259 = vector.shape_cast %mul3A_254 : vector<16xf32> to vector<1x16xf32>
          tpu.vector_store %arg12[%swap3A_255, %swap3A_256], %swap3A_259 {strides = array<i32>} : memref<80x128xf32, #tpu.memory_space<vmem>>, vector<1x16xf32>,
          %get3A_260 = arith.index_cast %add3A_204 : i32 to index
          %get3A_261 = arith.constant 80 : index
          %get3A_262 = tpu.vector_load %arg12[%get3A_260, %get3A_261] {strides = array<i32>} : memref<80x128xf32, #tpu.memory_space<vmem>>, vector<1x16xf32>,
          %get3A_263 = vector.shape_cast %get3A_262 : vector<1x16xf32> to vector<16xf32>
          %mul3A_264 = vector.broadcast %squeeze3A_200 : f32 to vector<16xf32>
          %mul3A_265 = arith.mulf %get3A_263, %mul3A_264 : vector<16xf32>
          %swap3A_266 = arith.index_cast %add3A_204 : i32 to index
          %swap3A_267 = arith.constant 80 : index
          %swap3A_268 = tpu.vector_load %arg12[%swap3A_266, %swap3A_267] {strides = array<i32>} : memref<80x128xf32, #tpu.memory_space<vmem>>, vector<1x16xf32>,
          %swap3A_269 = vector.shape_cast %swap3A_268 : vector<1x16xf32> to vector<16xf32>
          %swap3A_270 = vector.shape_cast %mul3A_265 : vector<16xf32> to vector<1x16xf32>
          tpu.vector_store %arg12[%swap3A_266, %swap3A_267], %swap3A_270 {strides = array<i32>} : memref<80x128xf32, #tpu.memory_space<vmem>>, vector<1x16xf32>,
          %get3A_271 = arith.index_cast %add3A_204 : i32 to index
          %get3A_272 = arith.constant 96 : index
          %get3A_273 = tpu.vector_load %arg12[%get3A_271, %get3A_272] {strides = array<i32>} : memref<80x128xf32, #tpu.memory_space<vmem>>, vector<1x16xf32>,
          %get3A_274 = vector.shape_cast %get3A_273 : vector<1x16xf32> to vector<16xf32>
          %mul3A_275 = vector.broadcast %squeeze3A_200 : f32 to vector<16xf32>
          %mul3A_276 = arith.mulf %get3A_274, %mul3A_275 : vector<16xf32>
          %swap3A_277 = arith.index_cast %add3A_204 : i32 to index
          %swap3A_278 = arith.constant 96 : index
          %swap3A_279 = tpu.vector_load %arg12[%swap3A_277, %swap3A_278] {strides = array<i32>} : memref<80x128xf32, #tpu.memory_space<vmem>>, vector<1x16xf32>,
          %swap3A_280 = vector.shape_cast %swap3A_279 : vector<1x16xf32> to vector<16xf32>
          %swap3A_281 = vector.shape_cast %mul3A_276 : vector<16xf32> to vector<1x16xf32>
          tpu.vector_store %arg12[%swap3A_277, %swap3A_278], %swap3A_281 {strides = array<i32>} : memref<80x128xf32, #tpu.memory_space<vmem>>, vector<1x16xf32>,
          %get3A_282 = arith.index_cast %add3A_204 : i32 to index
          %get3A_283 = arith.constant 112 : index
          %get3A_284 = tpu.vector_load %arg12[%get3A_282, %get3A_283] {strides = array<i32>} : memref<80x128xf32, #tpu.memory_space<vmem>>, vector<1x16xf32>,
          %get3A_285 = vector.shape_cast %get3A_284 : vector<1x16xf32> to vector<16xf32>
          %mul3A_286 = vector.broadcast %squeeze3A_200 : f32 to vector<16xf32>
          %mul3A_287 = arith.mulf %get3A_285, %mul3A_286 : vector<16xf32>
          %swap3A_288 = arith.index_cast %add3A_204 : i32 to index
          %swap3A_289 = arith.constant 112 : index
          %swap3A_290 = tpu.vector_load %arg12[%swap3A_288, %swap3A_289] {strides = array<i32>} : memref<80x128xf32, #tpu.memory_space<vmem>>, vector<1x16xf32>,
          %swap3A_291 = vector.shape_cast %swap3A_290 : vector<1x16xf32> to vector<16xf32>
          %swap3A_292 = vector.shape_cast %mul3A_287 : vector<16xf32> to vector<1x16xf32>
          tpu.vector_store %arg12[%swap3A_288, %swap3A_289], %swap3A_292 {strides = array<i32>} : memref<80x128xf32, #tpu.memory_space<vmem>>, vector<1x16xf32>,
          %slice3A_293 = vector.extract_strided_slice %get3A_107 {offsets = [2], sizes = [1], strides = [1]} : vector<16xf32> to vector<1xf32>
          %squeeze3A_294 = vector.extract %slice3A_293[0] : f32 from vector<1xf32>
          %mul3A_295 = arith.constant 16 : i32
          %mul3A_296 = arith.muli %scan3A_102, %mul3A_295 : i32
          %add3A_297 = arith.constant 2 : i32
          %add3A_298 = arith.addi %mul3A_296, %add3A_297 : i32
          %get3A_299 = arith.index_cast %add3A_298 : i32 to index
          %get3A_300 = arith.constant 0 : index
          %get3A_301 = tpu.vector_load %arg12[%get3A_299, %get3A_300] {strides = array<i32>} : memref<80x128xf32, #tpu.memory_space<vmem>>, vector<1x16xf32>,
          %get3A_302 = vector.shape_cast %get3A_301 : vector<1x16xf32> to vector<16xf32>
          %mul3A_303 = vector.broadcast %squeeze3A_294 : f32 to vector<16xf32>
          %mul3A_304 = arith.mulf %get3A_302, %mul3A_303 : vector<16xf32>
          %swap3A_305 = arith.index_cast %add3A_298 : i32 to index
          %swap3A_306 = arith.constant 0 : index
          %swap3A_307 = tpu.vector_load %arg12[%swap3A_305, %swap3A_306] {strides = array<i32>} : memref<80x128xf32, #tpu.memory_space<vmem>>, vector<1x16xf32>,
          %swap3A_308 = vector.shape_cast %swap3A_307 : vector<1x16xf32> to vector<16xf32>
          %swap3A_309 = vector.shape_cast %mul3A_304 : vector<16xf32> to vector<1x16xf32>
          tpu.vector_store %arg12[%swap3A_305, %swap3A_306], %swap3A_309 {strides = array<i32>} : memref<80x128xf32, #tpu.memory_space<vmem>>, vector<1x16xf32>,
          %get3A_310 = arith.index_cast %add3A_298 : i32 to index
          %get3A_311 = arith.constant 16 : index
          %get3A_312 = tpu.vector_load %arg12[%get3A_310, %get3A_311] {strides = array<i32>} : memref<80x128xf32, #tpu.memory_space<vmem>>, vector<1x16xf32>,
          %get3A_313 = vector.shape_cast %get3A_312 : vector<1x16xf32> to vector<16xf32>
          %mul3A_314 = vector.broadcast %squeeze3A_294 : f32 to vector<16xf32>
          %mul3A_315 = arith.mulf %get3A_313, %mul3A_314 : vector<16xf32>
          %swap3A_316 = arith.index_cast %add3A_298 : i32 to index
          %swap3A_317 = arith.constant 16 : index
          %swap3A_318 = tpu.vector_load %arg12[%swap3A_316, %swap3A_317] {strides = array<i32>} : memref<80x128xf32, #tpu.memory_space<vmem>>, vector<1x16xf32>,
          %swap3A_319 = vector.shape_cast %swap3A_318 : vector<1x16xf32> to vector<16xf32>
          %swap3A_320 = vector.shape_cast %mul3A_315 : vector<16xf32> to vector<1x16xf32>
          tpu.vector_store %arg12[%swap3A_316, %swap3A_317], %swap3A_320 {strides = array<i32>} : memref<80x128xf32, #tpu.memory_space<vmem>>, vector<1x16xf32>,
          %get3A_321 = arith.index_cast %add3A_298 : i32 to index
          %get3A_322 = arith.constant 32 : index
          %get3A_323 = tpu.vector_load %arg12[%get3A_321, %get3A_322] {strides = array<i32>} : memref<80x128xf32, #tpu.memory_space<vmem>>, vector<1x16xf32>,
          %get3A_324 = vector.shape_cast %get3A_323 : vector<1x16xf32> to vector<16xf32>
          %mul3A_325 = vector.broadcast %squeeze3A_294 : f32 to vector<16xf32>
          %mul3A_326 = arith.mulf %get3A_324, %mul3A_325 : vector<16xf32>
          %swap3A_327 = arith.index_cast %add3A_298 : i32 to index
          %swap3A_328 = arith.constant 32 : index
          %swap3A_329 = tpu.vector_load %arg12[%swap3A_327, %swap3A_328] {strides = array<i32>} : memref<80x128xf32, #tpu.memory_space<vmem>>, vector<1x16xf32>,
          %swap3A_330 = vector.shape_cast %swap3A_329 : vector<1x16xf32> to vector<16xf32>
          %swap3A_331 = vector.shape_cast %mul3A_326 : vector<16xf32> to vector<1x16xf32>
          tpu.vector_store %arg12[%swap3A_327, %swap3A_328], %swap3A_331 {strides = array<i32>} : memref<80x128xf32, #tpu.memory_space<vmem>>, vector<1x16xf32>,
          %get3A_332 = arith.index_cast %add3A_298 : i32 to index
          %get3A_333 = arith.constant 48 : index
          %get3A_334 = tpu.vector_load %arg12[%get3A_332, %get3A_333] {strides = array<i32>} : memref<80x128xf32, #tpu.memory_space<vmem>>, vector<1x16xf32>,
          %get3A_335 = vector.shape_cast %get3A_334 : vector<1x16xf32> to vector<16xf32>
          %mul3A_336 = vector.broadcast %squeeze3A_294 : f32 to vector<16xf32>
          %mul3A_337 = arith.mulf %get3A_335, %mul3A_336 : vector<16xf32>
          %swap3A_338 = arith.index_cast %add3A_298 : i32 to index
          %swap3A_339 = arith.constant 48 : index
          %swap3A_340 = tpu.vector_load %arg12[%swap3A_338, %swap3A_339] {strides = array<i32>} : memref<80x128xf32, #tpu.memory_space<vmem>>, vector<1x16xf32>,
          %swap3A_341 = vector.shape_cast %swap3A_340 : vector<1x16xf32> to vector<16xf32>
          %swap3A_342 = vector.shape_cast %mul3A_337 : vector<16xf32> to vector<1x16xf32>
          tpu.vector_store %arg12[%swap3A_338, %swap3A_339], %swap3A_342 {strides = array<i32>} : memref<80x128xf32, #tpu.memory_space<vmem>>, vector<1x16xf32>,
          %get3A_343 = arith.index_cast %add3A_298 : i32 to index
          %get3A_344 = arith.constant 64 : index
          %get3A_345 = tpu.vector_load %arg12[%get3A_343, %get3A_344] {strides = array<i32>} : memref<80x128xf32, #tpu.memory_space<vmem>>, vector<1x16xf32>,
          %get3A_346 = vector.shape_cast %get3A_345 : vector<1x16xf32> to vector<16xf32>
          %mul3A_347 = vector.broadcast %squeeze3A_294 : f32 to vector<16xf32>
          %mul3A_348 = arith.mulf %get3A_346, %mul3A_347 : vector<16xf32>
          %swap3A_349 = arith.index_cast %add3A_298 : i32 to index
          %swap3A_350 = arith.constant 64 : index
          %swap3A_351 = tpu.vector_load %arg12[%swap3A_349, %swap3A_350] {strides = array<i32>} : memref<80x128xf32, #tpu.memory_space<vmem>>, vector<1x16xf32>,
          %swap3A_352 = vector.shape_cast %swap3A_351 : vector<1x16xf32> to vector<16xf32>
          %swap3A_353 = vector.shape_cast %mul3A_348 : vector<16xf32> to vector<1x16xf32>
          tpu.vector_store %arg12[%swap3A_349, %swap3A_350], %swap3A_353 {strides = array<i32>} : memref<80x128xf32, #tpu.memory_space<vmem>>, vector<1x16xf32>,
          %get3A_354 = arith.index_cast %add3A_298 : i32 to index
          %get3A_355 = arith.constant 80 : index
          %get3A_356 = tpu.vector_load %arg12[%get3A_354, %get3A_355] {strides = array<i32>} : memref<80x128xf32, #tpu.memory_space<vmem>>, vector<1x16xf32>,
          %get3A_357 = vector.shape_cast %get3A_356 : vector<1x16xf32> to vector<16xf32>
          %mul3A_358 = vector.broadcast %squeeze3A_294 : f32 to vector<16xf32>
          %mul3A_359 = arith.mulf %get3A_357, %mul3A_358 : vector<16xf32>
          %swap3A_360 = arith.index_cast %add3A_298 : i32 to index
          %swap3A_361 = arith.constant 80 : index
          %swap3A_362 = tpu.vector_load %arg12[%swap3A_360, %swap3A_361] {strides = array<i32>} : memref<80x128xf32, #tpu.memory_space<vmem>>, vector<1x16xf32>,
          %swap3A_363 = vector.shape_cast %swap3A_362 : vector<1x16xf32> to vector<16xf32>
          %swap3A_364 = vector.shape_cast %mul3A_359 : vector<16xf32> to vector<1x16xf32>
          tpu.vector_store %arg12[%swap3A_360, %swap3A_361], %swap3A_364 {strides = array<i32>} : memref<80x128xf32, #tpu.memory_space<vmem>>, vector<1x16xf32>,
          %get3A_365 = arith.index_cast %add3A_298 : i32 to index
          %get3A_366 = arith.constant 96 : index
          %get3A_367 = tpu.vector_load %arg12[%get3A_365, %get3A_366] {strides = array<i32>} : memref<80x128xf32, #tpu.memory_space<vmem>>, vector<1x16xf32>,
          %get3A_368 = vector.shape_cast %get3A_367 : vector<1x16xf32> to vector<16xf32>
          %mul3A_369 = vector.broadcast %squeeze3A_294 : f32 to vector<16xf32>
          %mul3A_370 = arith.mulf %get3A_368, %mul3A_369 : vector<16xf32>
          %swap3A_371 = arith.index_cast %add3A_298 : i32 to index
          %swap3A_372 = arith.constant 96 : index
          %swap3A_373 = tpu.vector_load %arg12[%swap3A_371, %swap3A_372] {strides = array<i32>} : memref<80x128xf32, #tpu.memory_space<vmem>>, vector<1x16xf32>,
          %swap3A_374 = vector.shape_cast %swap3A_373 : vector<1x16xf32> to vector<16xf32>
          %swap3A_375 = vector.shape_cast %mul3A_370 : vector<16xf32> to vector<1x16xf32>
          tpu.vector_store %arg12[%swap3A_371, %swap3A_372], %swap3A_375 {strides = array<i32>} : memref<80x128xf32, #tpu.memory_space<vmem>>, vector<1x16xf32>,
          %get3A_376 = arith.index_cast %add3A_298 : i32 to index
          %get3A_377 = arith.constant 112 : index
          %get3A_378 = tpu.vector_load %arg12[%get3A_376, %get3A_377] {strides = array<i32>} : memref<80x128xf32, #tpu.memory_space<vmem>>, vector<1x16xf32>,
          %get3A_379 = vector.shape_cast %get3A_378 : vector<1x16xf32> to vector<16xf32>
          %mul3A_380 = vector.broadcast %squeeze3A_294 : f32 to vector<16xf32>
          %mul3A_381 = arith.mulf %get3A_379, %mul3A_380 : vector<16xf32>
          %swap3A_382 = arith.index_cast %add3A_298 : i32 to index
          %swap3A_383 = arith.constant 112 : index
          %swap3A_384 = tpu.vector_load %arg12[%swap3A_382, %swap3A_383] {strides = array<i32>} : memref<80x128xf32, #tpu.memory_space<vmem>>, vector<1x16xf32>,
          %swap3A_385 = vector.shape_cast %swap3A_384 : vector<1x16xf32> to vector<16xf32>
          %swap3A_386 = vector.shape_cast %mul3A_381 : vector<16xf32> to vector<1x16xf32>
          tpu.vector_store %arg12[%swap3A_382, %swap3A_383], %swap3A_386 {strides = array<i32>} : memref<80x128xf32, #tpu.memory_space<vmem>>, vector<1x16xf32>,
          %slice3A_387 = vector.extract_strided_slice %get3A_107 {offsets = [3], sizes = [1], strides = [1]} : vector<16xf32> to vector<1xf32>
          %squeeze3A_388 = vector.extract %slice3A_387[0] : f32 from vector<1xf32>
          %mul3A_389 = arith.constant 16 : i32
          %mul3A_390 = arith.muli %scan3A_102, %mul3A_389 : i32
          %add3A_391 = arith.constant 3 : i32
          %add3A_392 = arith.addi %mul3A_390, %add3A_391 : i32
          %get3A_393 = arith.index_cast %add3A_392 : i32 to index
          %get3A_394 = arith.constant 0 : index
          %get3A_395 = tpu.vector_load %arg12[%get3A_393, %get3A_394] {strides = array<i32>} : memref<80x128xf32, #tpu.memory_space<vmem>>, vector<1x16xf32>,
          %get3A_396 = vector.shape_cast %get3A_395 : vector<1x16xf32> to vector<16xf32>
          %mul3A_397 = vector.broadcast %squeeze3A_388 : f32 to vector<16xf32>
          %mul3A_398 = arith.mulf %get3A_396, %mul3A_397 : vector<16xf32>
          %swap3A_399 = arith.index_cast %add3A_392 : i32 to index
          %swap3A_400 = arith.constant 0 : index
          %swap3A_401 = tpu.vector_load %arg12[%swap3A_399, %swap3A_400] {strides = array<i32>} : memref<80x128xf32, #tpu.memory_space<vmem>>, vector<1x16xf32>,
          %swap3A_402 = vector.shape_cast %swap3A_401 : vector<1x16xf32> to vector<16xf32>
          %swap3A_403 = vector.shape_cast %mul3A_398 : vector<16xf32> to vector<1x16xf32>
          tpu.vector_store %arg12[%swap3A_399, %swap3A_400], %swap3A_403 {strides = array<i32>} : memref<80x128xf32, #tpu.memory_space<vmem>>, vector<1x16xf32>,
          %get3A_404 = arith.index_cast %add3A_392 : i32 to index
          %get3A_405 = arith.constant 16 : index
          %get3A_406 = tpu.vector_load %arg12[%get3A_404, %get3A_405] {strides = array<i32>} : memref<80x128xf32, #tpu.memory_space<vmem>>, vector<1x16xf32>,
          %get3A_407 = vector.shape_cast %get3A_406 : vector<1x16xf32> to vector<16xf32>
          %mul3A_408 = vector.broadcast %squeeze3A_388 : f32 to vector<16xf32>
          %mul3A_409 = arith.mulf %get3A_407, %mul3A_408 : vector<16xf32>
          %swap3A_410 = arith.index_cast %add3A_392 : i32 to index
          %swap3A_411 = arith.constant 16 : index
          %swap3A_412 = tpu.vector_load %arg12[%swap3A_410, %swap3A_411] {strides = array<i32>} : memref<80x128xf32, #tpu.memory_space<vmem>>, vector<1x16xf32>,
          %swap3A_413 = vector.shape_cast %swap3A_412 : vector<1x16xf32> to vector<16xf32>
          %swap3A_414 = vector.shape_cast %mul3A_409 : vector<16xf32> to vector<1x16xf32>
          tpu.vector_store %arg12[%swap3A_410, %swap3A_411], %swap3A_414 {strides = array<i32>} : memref<80x128xf32, #tpu.memory_space<vmem>>, vector<1x16xf32>,
          %get3A_415 = arith.index_cast %add3A_392 : i32 to index
          %get3A_416 = arith.constant 32 : index
          %get3A_417 = tpu.vector_load %arg12[%get3A_415, %get3A_416] {strides = array<i32>} : memref<80x128xf32, #tpu.memory_space<vmem>>, vector<1x16xf32>,
          %get3A_418 = vector.shape_cast %get3A_417 : vector<1x16xf32> to vector<16xf32>
          %mul3A_419 = vector.broadcast %squeeze3A_388 : f32 to vector<16xf32>
          %mul3A_420 = arith.mulf %get3A_418, %mul3A_419 : vector<16xf32>
          %swap3A_421 = arith.index_cast %add3A_392 : i32 to index
          %swap3A_422 = arith.constant 32 : index
          %swap3A_423 = tpu.vector_load %arg12[%swap3A_421, %swap3A_422] {strides = array<i32>} : memref<80x128xf32, #tpu.memory_space<vmem>>, vector<1x16xf32>,
          %swap3A_424 = vector.shape_cast %swap3A_423 : vector<1x16xf32> to vector<16xf32>
          %swap3A_425 = vector.shape_cast %mul3A_420 : vector<16xf32> to vector<1x16xf32>
          tpu.vector_store %arg12[%swap3A_421, %swap3A_422], %swap3A_425 {strides = array<i32>} : memref<80x128xf32, #tpu.memory_space<vmem>>, vector<1x16xf32>,
          %get3A_426 = arith.index_cast %add3A_392 : i32 to index
          %get3A_427 = arith.constant 48 : index
          %get3A_428 = tpu.vector_load %arg12[%get3A_426, %get3A_427] {strides = array<i32>} : memref<80x128xf32, #tpu.memory_space<vmem>>, vector<1x16xf32>,
          %get3A_429 = vector.shape_cast %get3A_428 : vector<1x16xf32> to vector<16xf32>
          %mul3A_430 = vector.broadcast %squeeze3A_388 : f32 to vector<16xf32>
          %mul3A_431 = arith.mulf %get3A_429, %mul3A_430 : vector<16xf32>
          %swap3A_432 = arith.index_cast %add3A_392 : i32 to index
          %swap3A_433 = arith.constant 48 : index
          %swap3A_434 = tpu.vector_load %arg12[%swap3A_432, %swap3A_433] {strides = array<i32>} : memref<80x128xf32, #tpu.memory_space<vmem>>, vector<1x16xf32>,
          %swap3A_435 = vector.shape_cast %swap3A_434 : vector<1x16xf32> to vector<16xf32>
          %swap3A_436 = vector.shape_cast %mul3A_431 : vector<16xf32> to vector<1x16xf32>
          tpu.vector_store %arg12[%swap3A_432, %swap3A_433], %swap3A_436 {strides = array<i32>} : memref<80x128xf32, #tpu.memory_space<vmem>>, vector<1x16xf32>,
          %get3A_437 = arith.index_cast %add3A_392 : i32 to index
          %get3A_438 = arith.constant 64 : index
          %get3A_439 = tpu.vector_load %arg12[%get3A_437, %get3A_438] {strides = array<i32>} : memref<80x128xf32, #tpu.memory_space<vmem>>, vector<1x16xf32>,
          %get3A_440 = vector.shape_cast %get3A_439 : vector<1x16xf32> to vector<16xf32>
          %mul3A_441 = vector.broadcast %squeeze3A_388 : f32 to vector<16xf32>
          %mul3A_442 = arith.mulf %get3A_440, %mul3A_441 : vector<16xf32>
          %swap3A_443 = arith.index_cast %add3A_392 : i32 to index
          %swap3A_444 = arith.constant 64 : index
          %swap3A_445 = tpu.vector_load %arg12[%swap3A_443, %swap3A_444] {strides = array<i32>} : memref<80x128xf32, #tpu.memory_space<vmem>>, vector<1x16xf32>,
          %swap3A_446 = vector.shape_cast %swap3A_445 : vector<1x16xf32> to vector<16xf32>
          %swap3A_447 = vector.shape_cast %mul3A_442 : vector<16xf32> to vector<1x16xf32>
          tpu.vector_store %arg12[%swap3A_443, %swap3A_444], %swap3A_447 {strides = array<i32>} : memref<80x128xf32, #tpu.memory_space<vmem>>, vector<1x16xf32>,
          %get3A_448 = arith.index_cast %add3A_392 : i32 to index
          %get3A_449 = arith.constant 80 : index
          %get3A_450 = tpu.vector_load %arg12[%get3A_448, %get3A_449] {strides = array<i32>} : memref<80x128xf32, #tpu.memory_space<vmem>>, vector<1x16xf32>,
          %get3A_451 = vector.shape_cast %get3A_450 : vector<1x16xf32> to vector<16xf32>
          %mul3A_452 = vector.broadcast %squeeze3A_388 : f32 to vector<16xf32>
          %mul3A_453 = arith.mulf %get3A_451, %mul3A_452 : vector<16xf32>
          %swap3A_454 = arith.index_cast %add3A_392 : i32 to index
          %swap3A_455 = arith.constant 80 : index
          %swap3A_456 = tpu.vector_load %arg12[%swap3A_454, %swap3A_455] {strides = array<i32>} : memref<80x128xf32, #tpu.memory_space<vmem>>, vector<1x16xf32>,
          %swap3A_457 = vector.shape_cast %swap3A_456 : vector<1x16xf32> to vector<16xf32>
          %swap3A_458 = vector.shape_cast %mul3A_453 : vector<16xf32> to vector<1x16xf32>
          tpu.vector_store %arg12[%swap3A_454, %swap3A_455], %swap3A_458 {strides = array<i32>} : memref<80x128xf32, #tpu.memory_space<vmem>>, vector<1x16xf32>,
          %get3A_459 = arith.index_cast %add3A_392 : i32 to index
          %get3A_460 = arith.constant 96 : index
          %get3A_461 = tpu.vector_load %arg12[%get3A_459, %get3A_460] {strides = array<i32>} : memref<80x128xf32, #tpu.memory_space<vmem>>, vector<1x16xf32>,
          %get3A_462 = vector.shape_cast %get3A_461 : vector<1x16xf32> to vector<16xf32>
          %mul3A_463 = vector.broadcast %squeeze3A_388 : f32 to vector<16xf32>
          %mul3A_464 = arith.mulf %get3A_462, %mul3A_463 : vector<16xf32>
          %swap3A_465 = arith.index_cast %add3A_392 : i32 to index
          %swap3A_466 = arith.constant 96 : index
          %swap3A_467 = tpu.vector_load %arg12[%swap3A_465, %swap3A_466] {strides = array<i32>} : memref<80x128xf32, #tpu.memory_space<vmem>>, vector<1x16xf32>,
          %swap3A_468 = vector.shape_cast %swap3A_467 : vector<1x16xf32> to vector<16xf32>
          %swap3A_469 = vector.shape_cast %mul3A_464 : vector<16xf32> to vector<1x16xf32>
          tpu.vector_store %arg12[%swap3A_465, %swap3A_466], %swap3A_469 {strides = array<i32>} : memref<80x128xf32, #tpu.memory_space<vmem>>, vector<1x16xf32>,
          %get3A_470 = arith.index_cast %add3A_392 : i32 to index
          %get3A_471 = arith.constant 112 : index
          %get3A_472 = tpu.vector_load %arg12[%get3A_470, %get3A_471] {strides = array<i32>} : memref<80x128xf32, #tpu.memory_space<vmem>>, vector<1x16xf32>,
          %get3A_473 = vector.shape_cast %get3A_472 : vector<1x16xf32> to vector<16xf32>
          %mul3A_474 = vector.broadcast %squeeze3A_388 : f32 to vector<16xf32>
          %mul3A_475 = arith.mulf %get3A_473, %mul3A_474 : vector<16xf32>
          %swap3A_476 = arith.index_cast %add3A_392 : i32 to index
          %swap3A_477 = arith.constant 112 : index
          %swap3A_478 = tpu.vector_load %arg12[%swap3A_476, %swap3A_477] {strides = array<i32>} : memref<80x128xf32, #tpu.memory_space<vmem>>, vector<1x16xf32>,
          %swap3A_479 = vector.shape_cast %swap3A_478 : vector<1x16xf32> to vector<16xf32>
          %swap3A_480 = vector.shape_cast %mul3A_475 : vector<16xf32> to vector<1x16xf32>
          tpu.vector_store %arg12[%swap3A_476, %swap3A_477], %swap3A_480 {strides = array<i32>} : memref<80x128xf32, #tpu.memory_space<vmem>>, vector<1x16xf32>,
          %slice3A_481 = vector.extract_strided_slice %get3A_107 {offsets = [4], sizes = [1], strides = [1]} : vector<16xf32> to vector<1xf32>
          %squeeze3A_482 = vector.extract %slice3A_481[0] : f32 from vector<1xf32>
          %mul3A_483 = arith.constant 16 : i32
          %mul3A_484 = arith.muli %scan3A_102, %mul3A_483 : i32
          %add3A_485 = arith.constant 4 : i32
          %add3A_486 = arith.addi %mul3A_484, %add3A_485 : i32
          %get3A_487 = arith.index_cast %add3A_486 : i32 to index
          %get3A_488 = arith.constant 0 : index
          %get3A_489 = tpu.vector_load %arg12[%get3A_487, %get3A_488] {strides = array<i32>} : memref<80x128xf32, #tpu.memory_space<vmem>>, vector<1x16xf32>,
          %get3A_490 = vector.shape_cast %get3A_489 : vector<1x16xf32> to vector<16xf32>
          %mul3A_491 = vector.broadcast %squeeze3A_482 : f32 to vector<16xf32>
          %mul3A_492 = arith.mulf %get3A_490, %mul3A_491 : vector<16xf32>
          %swap3A_493 = arith.index_cast %add3A_486 : i32 to index
          %swap3A_494 = arith.constant 0 : index
          %swap3A_495 = tpu.vector_load %arg12[%swap3A_493, %swap3A_494] {strides = array<i32>} : memref<80x128xf32, #tpu.memory_space<vmem>>, vector<1x16xf32>,
          %swap3A_496 = vector.shape_cast %swap3A_495 : vector<1x16xf32> to vector<16xf32>
          %swap3A_497 = vector.shape_cast %mul3A_492 : vector<16xf32> to vector<1x16xf32>
          tpu.vector_store %arg12[%swap3A_493, %swap3A_494], %swap3A_497 {strides = array<i32>} : memref<80x128xf32, #tpu.memory_space<vmem>>, vector<1x16xf32>,
          %get3A_498 = arith.index_cast %add3A_486 : i32 to index
          %get3A_499 = arith.constant 16 : index
          %get3A_500 = tpu.vector_load %arg12[%get3A_498, %get3A_499] {strides = array<i32>} : memref<80x128xf32, #tpu.memory_space<vmem>>, vector<1x16xf32>,
          %get3A_501 = vector.shape_cast %get3A_500 : vector<1x16xf32> to vector<16xf32>
          %mul3A_502 = vector.broadcast %squeeze3A_482 : f32 to vector<16xf32>
          %mul3A_503 = arith.mulf %get3A_501, %mul3A_502 : vector<16xf32>
          %swap3A_504 = arith.index_cast %add3A_486 : i32 to index
          %swap3A_505 = arith.constant 16 : index
          %swap3A_506 = tpu.vector_load %arg12[%swap3A_504, %swap3A_505] {strides = array<i32>} : memref<80x128xf32, #tpu.memory_space<vmem>>, vector<1x16xf32>,
          %swap3A_507 = vector.shape_cast %swap3A_506 : vector<1x16xf32> to vector<16xf32>
          %swap3A_508 = vector.shape_cast %mul3A_503 : vector<16xf32> to vector<1x16xf32>
          tpu.vector_store %arg12[%swap3A_504, %swap3A_505], %swap3A_508 {strides = array<i32>} : memref<80x128xf32, #tpu.memory_space<vmem>>, vector<1x16xf32>,
          %get3A_509 = arith.index_cast %add3A_486 : i32 to index
          %get3A_510 = arith.constant 32 : index
          %get3A_511 = tpu.vector_load %arg12[%get3A_509, %get3A_510] {strides = array<i32>} : memref<80x128xf32, #tpu.memory_space<vmem>>, vector<1x16xf32>,
          %get3A_512 = vector.shape_cast %get3A_511 : vector<1x16xf32> to vector<16xf32>
          %mul3A_513 = vector.broadcast %squeeze3A_482 : f32 to vector<16xf32>
          %mul3A_514 = arith.mulf %get3A_512, %mul3A_513 : vector<16xf32>
          %swap3A_515 = arith.index_cast %add3A_486 : i32 to index
          %swap3A_516 = arith.constant 32 : index
          %swap3A_517 = tpu.vector_load %arg12[%swap3A_515, %swap3A_516] {strides = array<i32>} : memref<80x128xf32, #tpu.memory_space<vmem>>, vector<1x16xf32>,
          %swap3A_518 = vector.shape_cast %swap3A_517 : vector<1x16xf32> to vector<16xf32>
          %swap3A_519 = vector.shape_cast %mul3A_514 : vector<16xf32> to vector<1x16xf32>
          tpu.vector_store %arg12[%swap3A_515, %swap3A_516], %swap3A_519 {strides = array<i32>} : memref<80x128xf32, #tpu.memory_space<vmem>>, vector<1x16xf32>,
          %get3A_520 = arith.index_cast %add3A_486 : i32 to index
          %get3A_521 = arith.constant 48 : index
          %get3A_522 = tpu.vector_load %arg12[%get3A_520, %get3A_521] {strides = array<i32>} : memref<80x128xf32, #tpu.memory_space<vmem>>, vector<1x16xf32>,
          %get3A_523 = vector.shape_cast %get3A_522 : vector<1x16xf32> to vector<16xf32>
          %mul3A_524 = vector.broadcast %squeeze3A_482 : f32 to vector<16xf32>
          %mul3A_525 = arith.mulf %get3A_523, %mul3A_524 : vector<16xf32>
          %swap3A_526 = arith.index_cast %add3A_486 : i32 to index
          %swap3A_527 = arith.constant 48 : index
          %swap3A_528 = tpu.vector_load %arg12[%swap3A_526, %swap3A_527] {strides = array<i32>} : memref<80x128xf32, #tpu.memory_space<vmem>>, vector<1x16xf32>,
          %swap3A_529 = vector.shape_cast %swap3A_528 : vector<1x16xf32> to vector<16xf32>
          %swap3A_530 = vector.shape_cast %mul3A_525 : vector<16xf32> to vector<1x16xf32>
          tpu.vector_store %arg12[%swap3A_526, %swap3A_527], %swap3A_530 {strides = array<i32>} : memref<80x128xf32, #tpu.memory_space<vmem>>, vector<1x16xf32>,
          %get3A_531 = arith.index_cast %add3A_486 : i32 to index
          %get3A_532 = arith.constant 64 : index
          %get3A_533 = tpu.vector_load %arg12[%get3A_531, %get3A_532] {strides = array<i32>} : memref<80x128xf32, #tpu.memory_space<vmem>>, vector<1x16xf32>,
          %get3A_534 = vector.shape_cast %get3A_533 : vector<1x16xf32> to vector<16xf32>
          %mul3A_535 = vector.broadcast %squeeze3A_482 : f32 to vector<16xf32>
          %mul3A_536 = arith.mulf %get3A_534, %mul3A_535 : vector<16xf32>
          %swap3A_537 = arith.index_cast %add3A_486 : i32 to index
          %swap3A_538 = arith.constant 64 : index
          %swap3A_539 = tpu.vector_load %arg12[%swap3A_537, %swap3A_538] {strides = array<i32>} : memref<80x128xf32, #tpu.memory_space<vmem>>, vector<1x16xf32>,
          %swap3A_540 = vector.shape_cast %swap3A_539 : vector<1x16xf32> to vector<16xf32>
          %swap3A_541 = vector.shape_cast %mul3A_536 : vector<16xf32> to vector<1x16xf32>
          tpu.vector_store %arg12[%swap3A_537, %swap3A_538], %swap3A_541 {strides = array<i32>} : memref<80x128xf32, #tpu.memory_space<vmem>>, vector<1x16xf32>,
          %get3A_542 = arith.index_cast %add3A_486 : i32 to index
          %get3A_543 = arith.constant 80 : index
          %get3A_544 = tpu.vector_load %arg12[%get3A_542, %get3A_543] {strides = array<i32>} : memref<80x128xf32, #tpu.memory_space<vmem>>, vector<1x16xf32>,
          %get3A_545 = vector.shape_cast %get3A_544 : vector<1x16xf32> to vector<16xf32>
          %mul3A_546 = vector.broadcast %squeeze3A_482 : f32 to vector<16xf32>
          %mul3A_547 = arith.mulf %get3A_545, %mul3A_546 : vector<16xf32>
          %swap3A_548 = arith.index_cast %add3A_486 : i32 to index
          %swap3A_549 = arith.constant 80 : index
          %swap3A_550 = tpu.vector_load %arg12[%swap3A_548, %swap3A_549] {strides = array<i32>} : memref<80x128xf32, #tpu.memory_space<vmem>>, vector<1x16xf32>,
          %swap3A_551 = vector.shape_cast %swap3A_550 : vector<1x16xf32> to vector<16xf32>
          %swap3A_552 = vector.shape_cast %mul3A_547 : vector<16xf32> to vector<1x16xf32>
          tpu.vector_store %arg12[%swap3A_548, %swap3A_549], %swap3A_552 {strides = array<i32>} : memref<80x128xf32, #tpu.memory_space<vmem>>, vector<1x16xf32>,
          %get3A_553 = arith.index_cast %add3A_486 : i32 to index
          %get3A_554 = arith.constant 96 : index
          %get3A_555 = tpu.vector_load %arg12[%get3A_553, %get3A_554] {strides = array<i32>} : memref<80x128xf32, #tpu.memory_space<vmem>>, vector<1x16xf32>,
          %get3A_556 = vector.shape_cast %get3A_555 : vector<1x16xf32> to vector<16xf32>
          %mul3A_557 = vector.broadcast %squeeze3A_482 : f32 to vector<16xf32>
          %mul3A_558 = arith.mulf %get3A_556, %mul3A_557 : vector<16xf32>
          %swap3A_559 = arith.index_cast %add3A_486 : i32 to index
          %swap3A_560 = arith.constant 96 : index
          %swap3A_561 = tpu.vector_load %arg12[%swap3A_559, %swap3A_560] {strides = array<i32>} : memref<80x128xf32, #tpu.memory_space<vmem>>, vector<1x16xf32>,
          %swap3A_562 = vector.shape_cast %swap3A_561 : vector<1x16xf32> to vector<16xf32>
          %swap3A_563 = vector.shape_cast %mul3A_558 : vector<16xf32> to vector<1x16xf32>
          tpu.vector_store %arg12[%swap3A_559, %swap3A_560], %swap3A_563 {strides = array<i32>} : memref<80x128xf32, #tpu.memory_space<vmem>>, vector<1x16xf32>,
          %get3A_564 = arith.index_cast %add3A_486 : i32 to index
          %get3A_565 = arith.constant 112 : index
          %get3A_566 = tpu.vector_load %arg12[%get3A_564, %get3A_565] {strides = array<i32>} : memref<80x128xf32, #tpu.memory_space<vmem>>, vector<1x16xf32>,
          %get3A_567 = vector.shape_cast %get3A_566 : vector<1x16xf32> to vector<16xf32>
          %mul3A_568 = vector.broadcast %squeeze3A_482 : f32 to vector<16xf32>
          %mul3A_569 = arith.mulf %get3A_567, %mul3A_568 : vector<16xf32>
          %swap3A_570 = arith.index_cast %add3A_486 : i32 to index
          %swap3A_571 = arith.constant 112 : index
          %swap3A_572 = tpu.vector_load %arg12[%swap3A_570, %swap3A_571] {strides = array<i32>} : memref<80x128xf32, #tpu.memory_space<vmem>>, vector<1x16xf32>,
          %swap3A_573 = vector.shape_cast %swap3A_572 : vector<1x16xf32> to vector<16xf32>
          %swap3A_574 = vector.shape_cast %mul3A_569 : vector<16xf32> to vector<1x16xf32>
          tpu.vector_store %arg12[%swap3A_570, %swap3A_571], %swap3A_574 {strides = array<i32>} : memref<80x128xf32, #tpu.memory_space<vmem>>, vector<1x16xf32>,
          %slice3A_575 = vector.extract_strided_slice %get3A_107 {offsets = [5], sizes = [1], strides = [1]} : vector<16xf32> to vector<1xf32>
          %squeeze3A_576 = vector.extract %slice3A_575[0] : f32 from vector<1xf32>
          %mul3A_577 = arith.constant 16 : i32
          %mul3A_578 = arith.muli %scan3A_102, %mul3A_577 : i32
          %add3A_579 = arith.constant 5 : i32
          %add3A_580 = arith.addi %mul3A_578, %add3A_579 : i32
          %get3A_581 = arith.index_cast %add3A_580 : i32 to index
          %get3A_582 = arith.constant 0 : index
          %get3A_583 = tpu.vector_load %arg12[%get3A_581, %get3A_582] {strides = array<i32>} : memref<80x128xf32, #tpu.memory_space<vmem>>, vector<1x16xf32>,
          %get3A_584 = vector.shape_cast %get3A_583 : vector<1x16xf32> to vector<16xf32>
          %mul3A_585 = vector.broadcast %squeeze3A_576 : f32 to vector<16xf32>
          %mul3A_586 = arith.mulf %get3A_584, %mul3A_585 : vector<16xf32>
          %swap3A_587 = arith.index_cast %add3A_580 : i32 to index
          %swap3A_588 = arith.constant 0 : index
          %swap3A_589 = tpu.vector_load %arg12[%swap3A_587, %swap3A_588] {strides = array<i32>} : memref<80x128xf32, #tpu.memory_space<vmem>>, vector<1x16xf32>,
          %swap3A_590 = vector.shape_cast %swap3A_589 : vector<1x16xf32> to vector<16xf32>
          %swap3A_591 = vector.shape_cast %mul3A_586 : vector<16xf32> to vector<1x16xf32>
          tpu.vector_store %arg12[%swap3A_587, %swap3A_588], %swap3A_591 {strides = array<i32>} : memref<80x128xf32, #tpu.memory_space<vmem>>, vector<1x16xf32>,
          %get3A_592 = arith.index_cast %add3A_580 : i32 to index
          %get3A_593 = arith.constant 16 : index
          %get3A_594 = tpu.vector_load %arg12[%get3A_592, %get3A_593] {strides = array<i32>} : memref<80x128xf32, #tpu.memory_space<vmem>>, vector<1x16xf32>,
          %get3A_595 = vector.shape_cast %get3A_594 : vector<1x16xf32> to vector<16xf32>
          %mul3A_596 = vector.broadcast %squeeze3A_576 : f32 to vector<16xf32>
          %mul3A_597 = arith.mulf %get3A_595, %mul3A_596 : vector<16xf32>
          %swap3A_598 = arith.index_cast %add3A_580 : i32 to index
          %swap3A_599 = arith.constant 16 : index
          %swap3A_600 = tpu.vector_load %arg12[%swap3A_598, %swap3A_599] {strides = array<i32>} : memref<80x128xf32, #tpu.memory_space<vmem>>, vector<1x16xf32>,
          %swap3A_601 = vector.shape_cast %swap3A_600 : vector<1x16xf32> to vector<16xf32>
          %swap3A_602 = vector.shape_cast %mul3A_597 : vector<16xf32> to vector<1x16xf32>
          tpu.vector_store %arg12[%swap3A_598, %swap3A_599], %swap3A_602 {strides = array<i32>} : memref<80x128xf32, #tpu.memory_space<vmem>>, vector<1x16xf32>,
          %get3A_603 = arith.index_cast %add3A_580 : i32 to index
          %get3A_604 = arith.constant 32 : index
          %get3A_605 = tpu.vector_load %arg12[%get3A_603, %get3A_604] {strides = array<i32>} : memref<80x128xf32, #tpu.memory_space<vmem>>, vector<1x16xf32>,
          %get3A_606 = vector.shape_cast %get3A_605 : vector<1x16xf32> to vector<16xf32>
          %mul3A_607 = vector.broadcast %squeeze3A_576 : f32 to vector<16xf32>
          %mul3A_608 = arith.mulf %get3A_606, %mul3A_607 : vector<16xf32>
          %swap3A_609 = arith.index_cast %add3A_580 : i32 to index
          %swap3A_610 = arith.constant 32 : index
          %swap3A_611 = tpu.vector_load %arg12[%swap3A_609, %swap3A_610] {strides = array<i32>} : memref<80x128xf32, #tpu.memory_space<vmem>>, vector<1x16xf32>,
          %swap3A_612 = vector.shape_cast %swap3A_611 : vector<1x16xf32> to vector<16xf32>
          %swap3A_613 = vector.shape_cast %mul3A_608 : vector<16xf32> to vector<1x16xf32>
          tpu.vector_store %arg12[%swap3A_609, %swap3A_610], %swap3A_613 {strides = array<i32>} : memref<80x128xf32, #tpu.memory_space<vmem>>, vector<1x16xf32>,
          %get3A_614 = arith.index_cast %add3A_580 : i32 to index
          %get3A_615 = arith.constant 48 : index
          %get3A_616 = tpu.vector_load %arg12[%get3A_614, %get3A_615] {strides = array<i32>} : memref<80x128xf32, #tpu.memory_space<vmem>>, vector<1x16xf32>,
          %get3A_617 = vector.shape_cast %get3A_616 : vector<1x16xf32> to vector<16xf32>
          %mul3A_618 = vector.broadcast %squeeze3A_576 : f32 to vector<16xf32>
          %mul3A_619 = arith.mulf %get3A_617, %mul3A_618 : vector<16xf32>
          %swap3A_620 = arith.index_cast %add3A_580 : i32 to index
          %swap3A_621 = arith.constant 48 : index
          %swap3A_622 = tpu.vector_load %arg12[%swap3A_620, %swap3A_621] {strides = array<i32>} : memref<80x128xf32, #tpu.memory_space<vmem>>, vector<1x16xf32>,
          %swap3A_623 = vector.shape_cast %swap3A_622 : vector<1x16xf32> to vector<16xf32>
          %swap3A_624 = vector.shape_cast %mul3A_619 : vector<16xf32> to vector<1x16xf32>
          tpu.vector_store %arg12[%swap3A_620, %swap3A_621], %swap3A_624 {strides = array<i32>} : memref<80x128xf32, #tpu.memory_space<vmem>>, vector<1x16xf32>,
          %get3A_625 = arith.index_cast %add3A_580 : i32 to index
          %get3A_626 = arith.constant 64 : index
          %get3A_627 = tpu.vector_load %arg12[%get3A_625, %get3A_626] {strides = array<i32>} : memref<80x128xf32, #tpu.memory_space<vmem>>, vector<1x16xf32>,
          %get3A_628 = vector.shape_cast %get3A_627 : vector<1x16xf32> to vector<16xf32>
          %mul3A_629 = vector.broadcast %squeeze3A_576 : f32 to vector<16xf32>
          %mul3A_630 = arith.mulf %get3A_628, %mul3A_629 : vector<16xf32>
          %swap3A_631 = arith.index_cast %add3A_580 : i32 to index
          %swap3A_632 = arith.constant 64 : index
          %swap3A_633 = tpu.vector_load %arg12[%swap3A_631, %swap3A_632] {strides = array<i32>} : memref<80x128xf32, #tpu.memory_space<vmem>>, vector<1x16xf32>,
          %swap3A_634 = vector.shape_cast %swap3A_633 : vector<1x16xf32> to vector<16xf32>
          %swap3A_635 = vector.shape_cast %mul3A_630 : vector<16xf32> to vector<1x16xf32>
          tpu.vector_store %arg12[%swap3A_631, %swap3A_632], %swap3A_635 {strides = array<i32>} : memref<80x128xf32, #tpu.memory_space<vmem>>, vector<1x16xf32>,
          %get3A_636 = arith.index_cast %add3A_580 : i32 to index
          %get3A_637 = arith.constant 80 : index
          %get3A_638 = tpu.vector_load %arg12[%get3A_636, %get3A_637] {strides = array<i32>} : memref<80x128xf32, #tpu.memory_space<vmem>>, vector<1x16xf32>,
          %get3A_639 = vector.shape_cast %get3A_638 : vector<1x16xf32> to vector<16xf32>
          %mul3A_640 = vector.broadcast %squeeze3A_576 : f32 to vector<16xf32>
          %mul3A_641 = arith.mulf %get3A_639, %mul3A_640 : vector<16xf32>
          %swap3A_642 = arith.index_cast %add3A_580 : i32 to index
          %swap3A_643 = arith.constant 80 : index
          %swap3A_644 = tpu.vector_load %arg12[%swap3A_642, %swap3A_643] {strides = array<i32>} : memref<80x128xf32, #tpu.memory_space<vmem>>, vector<1x16xf32>,
          %swap3A_645 = vector.shape_cast %swap3A_644 : vector<1x16xf32> to vector<16xf32>
          %swap3A_646 = vector.shape_cast %mul3A_641 : vector<16xf32> to vector<1x16xf32>
          tpu.vector_store %arg12[%swap3A_642, %swap3A_643], %swap3A_646 {strides = array<i32>} : memref<80x128xf32, #tpu.memory_space<vmem>>, vector<1x16xf32>,
          %get3A_647 = arith.index_cast %add3A_580 : i32 to index
          %get3A_648 = arith.constant 96 : index
          %get3A_649 = tpu.vector_load %arg12[%get3A_647, %get3A_648] {strides = array<i32>} : memref<80x128xf32, #tpu.memory_space<vmem>>, vector<1x16xf32>,
          %get3A_650 = vector.shape_cast %get3A_649 : vector<1x16xf32> to vector<16xf32>
          %mul3A_651 = vector.broadcast %squeeze3A_576 : f32 to vector<16xf32>
          %mul3A_652 = arith.mulf %get3A_650, %mul3A_651 : vector<16xf32>
          %swap3A_653 = arith.index_cast %add3A_580 : i32 to index
          %swap3A_654 = arith.constant 96 : index
          %swap3A_655 = tpu.vector_load %arg12[%swap3A_653, %swap3A_654] {strides = array<i32>} : memref<80x128xf32, #tpu.memory_space<vmem>>, vector<1x16xf32>,
          %swap3A_656 = vector.shape_cast %swap3A_655 : vector<1x16xf32> to vector<16xf32>
          %swap3A_657 = vector.shape_cast %mul3A_652 : vector<16xf32> to vector<1x16xf32>
          tpu.vector_store %arg12[%swap3A_653, %swap3A_654], %swap3A_657 {strides = array<i32>} : memref<80x128xf32, #tpu.memory_space<vmem>>, vector<1x16xf32>,
          %get3A_658 = arith.index_cast %add3A_580 : i32 to index
          %get3A_659 = arith.constant 112 : index
          %get3A_660 = tpu.vector_load %arg12[%get3A_658, %get3A_659] {strides = array<i32>} : memref<80x128xf32, #tpu.memory_space<vmem>>, vector<1x16xf32>,
          %get3A_661 = vector.shape_cast %get3A_660 : vector<1x16xf32> to vector<16xf32>
          %mul3A_662 = vector.broadcast %squeeze3A_576 : f32 to vector<16xf32>
          %mul3A_663 = arith.mulf %get3A_661, %mul3A_662 : vector<16xf32>
          %swap3A_664 = arith.index_cast %add3A_580 : i32 to index
          %swap3A_665 = arith.constant 112 : index
          %swap3A_666 = tpu.vector_load %arg12[%swap3A_664, %swap3A_665] {strides = array<i32>} : memref<80x128xf32, #tpu.memory_space<vmem>>, vector<1x16xf32>,
          %swap3A_667 = vector.shape_cast %swap3A_666 : vector<1x16xf32> to vector<16xf32>
          %swap3A_668 = vector.shape_cast %mul3A_663 : vector<16xf32> to vector<1x16xf32>
          tpu.vector_store %arg12[%swap3A_664, %swap3A_665], %swap3A_668 {strides = array<i32>} : memref<80x128xf32, #tpu.memory_space<vmem>>, vector<1x16xf32>,
          %slice3A_669 = vector.extract_strided_slice %get3A_107 {offsets = [6], sizes = [1], strides = [1]} : vector<16xf32> to vector<1xf32>
          %squeeze3A_670 = vector.extract %slice3A_669[0] : f32 from vector<1xf32>
          %mul3A_671 = arith.constant 16 : i32
          %mul3A_672 = arith.muli %scan3A_102, %mul3A_671 : i32
          %add3A_673 = arith.constant 6 : i32
          %add3A_674 = arith.addi %mul3A_672, %add3A_673 : i32
          %get3A_675 = arith.index_cast %add3A_674 : i32 to index
          %get3A_676 = arith.constant 0 : index
          %get3A_677 = tpu.vector_load %arg12[%get3A_675, %get3A_676] {strides = array<i32>} : memref<80x128xf32, #tpu.memory_space<vmem>>, vector<1x16xf32>,
          %get3A_678 = vector.shape_cast %get3A_677 : vector<1x16xf32> to vector<16xf32>
          %mul3A_679 = vector.broadcast %squeeze3A_670 : f32 to vector<16xf32>
          %mul3A_680 = arith.mulf %get3A_678, %mul3A_679 : vector<16xf32>
          %swap3A_681 = arith.index_cast %add3A_674 : i32 to index
          %swap3A_682 = arith.constant 0 : index
          %swap3A_683 = tpu.vector_load %arg12[%swap3A_681, %swap3A_682] {strides = array<i32>} : memref<80x128xf32, #tpu.memory_space<vmem>>, vector<1x16xf32>,
          %swap3A_684 = vector.shape_cast %swap3A_683 : vector<1x16xf32> to vector<16xf32>
          %swap3A_685 = vector.shape_cast %mul3A_680 : vector<16xf32> to vector<1x16xf32>
          tpu.vector_store %arg12[%swap3A_681, %swap3A_682], %swap3A_685 {strides = array<i32>} : memref<80x128xf32, #tpu.memory_space<vmem>>, vector<1x16xf32>,
          %get3A_686 = arith.index_cast %add3A_674 : i32 to index
          %get3A_687 = arith.constant 16 : index
          %get3A_688 = tpu.vector_load %arg12[%get3A_686, %get3A_687] {strides = array<i32>} : memref<80x128xf32, #tpu.memory_space<vmem>>, vector<1x16xf32>,
          %get3A_689 = vector.shape_cast %get3A_688 : vector<1x16xf32> to vector<16xf32>
          %mul3A_690 = vector.broadcast %squeeze3A_670 : f32 to vector<16xf32>
          %mul3A_691 = arith.mulf %get3A_689, %mul3A_690 : vector<16xf32>
          %swap3A_692 = arith.index_cast %add3A_674 : i32 to index
          %swap3A_693 = arith.constant 16 : index
          %swap3A_694 = tpu.vector_load %arg12[%swap3A_692, %swap3A_693] {strides = array<i32>} : memref<80x128xf32, #tpu.memory_space<vmem>>, vector<1x16xf32>,
          %swap3A_695 = vector.shape_cast %swap3A_694 : vector<1x16xf32> to vector<16xf32>
          %swap3A_696 = vector.shape_cast %mul3A_691 : vector<16xf32> to vector<1x16xf32>
          tpu.vector_store %arg12[%swap3A_692, %swap3A_693], %swap3A_696 {strides = array<i32>} : memref<80x128xf32, #tpu.memory_space<vmem>>, vector<1x16xf32>,
          %get3A_697 = arith.index_cast %add3A_674 : i32 to index
          %get3A_698 = arith.constant 32 : index
          %get3A_699 = tpu.vector_load %arg12[%get3A_697, %get3A_698] {strides = array<i32>} : memref<80x128xf32, #tpu.memory_space<vmem>>, vector<1x16xf32>,
          %get3A_700 = vector.shape_cast %get3A_699 : vector<1x16xf32> to vector<16xf32>
          %mul3A_701 = vector.broadcast %squeeze3A_670 : f32 to vector<16xf32>
          %mul3A_702 = arith.mulf %get3A_700, %mul3A_701 : vector<16xf32>
          %swap3A_703 = arith.index_cast %add3A_674 : i32 to index
          %swap3A_704 = arith.constant 32 : index
          %swap3A_705 = tpu.vector_load %arg12[%swap3A_703, %swap3A_704] {strides = array<i32>} : memref<80x128xf32, #tpu.memory_space<vmem>>, vector<1x16xf32>,
          %swap3A_706 = vector.shape_cast %swap3A_705 : vector<1x16xf32> to vector<16xf32>
          %swap3A_707 = vector.shape_cast %mul3A_702 : vector<16xf32> to vector<1x16xf32>
          tpu.vector_store %arg12[%swap3A_703, %swap3A_704], %swap3A_707 {strides = array<i32>} : memref<80x128xf32, #tpu.memory_space<vmem>>, vector<1x16xf32>,
          %get3A_708 = arith.index_cast %add3A_674 : i32 to index
          %get3A_709 = arith.constant 48 : index
          %get3A_710 = tpu.vector_load %arg12[%get3A_708, %get3A_709] {strides = array<i32>} : memref<80x128xf32, #tpu.memory_space<vmem>>, vector<1x16xf32>,
          %get3A_711 = vector.shape_cast %get3A_710 : vector<1x16xf32> to vector<16xf32>
          %mul3A_712 = vector.broadcast %squeeze3A_670 : f32 to vector<16xf32>
          %mul3A_713 = arith.mulf %get3A_711, %mul3A_712 : vector<16xf32>
          %swap3A_714 = arith.index_cast %add3A_674 : i32 to index
          %swap3A_715 = arith.constant 48 : index
          %swap3A_716 = tpu.vector_load %arg12[%swap3A_714, %swap3A_715] {strides = array<i32>} : memref<80x128xf32, #tpu.memory_space<vmem>>, vector<1x16xf32>,
          %swap3A_717 = vector.shape_cast %swap3A_716 : vector<1x16xf32> to vector<16xf32>
          %swap3A_718 = vector.shape_cast %mul3A_713 : vector<16xf32> to vector<1x16xf32>
          tpu.vector_store %arg12[%swap3A_714, %swap3A_715], %swap3A_718 {strides = array<i32>} : memref<80x128xf32, #tpu.memory_space<vmem>>, vector<1x16xf32>,
          %get3A_719 = arith.index_cast %add3A_674 : i32 to index
          %get3A_720 = arith.constant 64 : index
          %get3A_721 = tpu.vector_load %arg12[%get3A_719, %get3A_720] {strides = array<i32>} : memref<80x128xf32, #tpu.memory_space<vmem>>, vector<1x16xf32>,
          %get3A_722 = vector.shape_cast %get3A_721 : vector<1x16xf32> to vector<16xf32>
          %mul3A_723 = vector.broadcast %squeeze3A_670 : f32 to vector<16xf32>
          %mul3A_724 = arith.mulf %get3A_722, %mul3A_723 : vector<16xf32>
          %swap3A_725 = arith.index_cast %add3A_674 : i32 to index
          %swap3A_726 = arith.constant 64 : index
          %swap3A_727 = tpu.vector_load %arg12[%swap3A_725, %swap3A_726] {strides = array<i32>} : memref<80x128xf32, #tpu.memory_space<vmem>>, vector<1x16xf32>,
          %swap3A_728 = vector.shape_cast %swap3A_727 : vector<1x16xf32> to vector<16xf32>
          %swap3A_729 = vector.shape_cast %mul3A_724 : vector<16xf32> to vector<1x16xf32>
          tpu.vector_store %arg12[%swap3A_725, %swap3A_726], %swap3A_729 {strides = array<i32>} : memref<80x128xf32, #tpu.memory_space<vmem>>, vector<1x16xf32>,
          %get3A_730 = arith.index_cast %add3A_674 : i32 to index
          %get3A_731 = arith.constant 80 : index
          %get3A_732 = tpu.vector_load %arg12[%get3A_730, %get3A_731] {strides = array<i32>} : memref<80x128xf32, #tpu.memory_space<vmem>>, vector<1x16xf32>,
          %get3A_733 = vector.shape_cast %get3A_732 : vector<1x16xf32> to vector<16xf32>
          %mul3A_734 = vector.broadcast %squeeze3A_670 : f32 to vector<16xf32>
          %mul3A_735 = arith.mulf %get3A_733, %mul3A_734 : vector<16xf32>
          %swap3A_736 = arith.index_cast %add3A_674 : i32 to index
          %swap3A_737 = arith.constant 80 : index
          %swap3A_738 = tpu.vector_load %arg12[%swap3A_736, %swap3A_737] {strides = array<i32>} : memref<80x128xf32, #tpu.memory_space<vmem>>, vector<1x16xf32>,
          %swap3A_739 = vector.shape_cast %swap3A_738 : vector<1x16xf32> to vector<16xf32>
          %swap3A_740 = vector.shape_cast %mul3A_735 : vector<16xf32> to vector<1x16xf32>
          tpu.vector_store %arg12[%swap3A_736, %swap3A_737], %swap3A_740 {strides = array<i32>} : memref<80x128xf32, #tpu.memory_space<vmem>>, vector<1x16xf32>,
          %get3A_741 = arith.index_cast %add3A_674 : i32 to index
          %get3A_742 = arith.constant 96 : index
          %get3A_743 = tpu.vector_load %arg12[%get3A_741, %get3A_742] {strides = array<i32>} : memref<80x128xf32, #tpu.memory_space<vmem>>, vector<1x16xf32>,
          %get3A_744 = vector.shape_cast %get3A_743 : vector<1x16xf32> to vector<16xf32>
          %mul3A_745 = vector.broadcast %squeeze3A_670 : f32 to vector<16xf32>
          %mul3A_746 = arith.mulf %get3A_744, %mul3A_745 : vector<16xf32>
          %swap3A_747 = arith.index_cast %add3A_674 : i32 to index
          %swap3A_748 = arith.constant 96 : index
          %swap3A_749 = tpu.vector_load %arg12[%swap3A_747, %swap3A_748] {strides = array<i32>} : memref<80x128xf32, #tpu.memory_space<vmem>>, vector<1x16xf32>,
          %swap3A_750 = vector.shape_cast %swap3A_749 : vector<1x16xf32> to vector<16xf32>
          %swap3A_751 = vector.shape_cast %mul3A_746 : vector<16xf32> to vector<1x16xf32>
          tpu.vector_store %arg12[%swap3A_747, %swap3A_748], %swap3A_751 {strides = array<i32>} : memref<80x128xf32, #tpu.memory_space<vmem>>, vector<1x16xf32>,
          %get3A_752 = arith.index_cast %add3A_674 : i32 to index
          %get3A_753 = arith.constant 112 : index
          %get3A_754 = tpu.vector_load %arg12[%get3A_752, %get3A_753] {strides = array<i32>} : memref<80x128xf32, #tpu.memory_space<vmem>>, vector<1x16xf32>,
          %get3A_755 = vector.shape_cast %get3A_754 : vector<1x16xf32> to vector<16xf32>
          %mul3A_756 = vector.broadcast %squeeze3A_670 : f32 to vector<16xf32>
          %mul3A_757 = arith.mulf %get3A_755, %mul3A_756 : vector<16xf32>
          %swap3A_758 = arith.index_cast %add3A_674 : i32 to index
          %swap3A_759 = arith.constant 112 : index
          %swap3A_760 = tpu.vector_load %arg12[%swap3A_758, %swap3A_759] {strides = array<i32>} : memref<80x128xf32, #tpu.memory_space<vmem>>, vector<1x16xf32>,
          %swap3A_761 = vector.shape_cast %swap3A_760 : vector<1x16xf32> to vector<16xf32>
          %swap3A_762 = vector.shape_cast %mul3A_757 : vector<16xf32> to vector<1x16xf32>
          tpu.vector_store %arg12[%swap3A_758, %swap3A_759], %swap3A_762 {strides = array<i32>} : memref<80x128xf32, #tpu.memory_space<vmem>>, vector<1x16xf32>,
          %slice3A_763 = vector.extract_strided_slice %get3A_107 {offsets = [7], sizes = [1], strides = [1]} : vector<16xf32> to vector<1xf32>
          %squeeze3A_764 = vector.extract %slice3A_763[0] : f32 from vector<1xf32>
          %mul3A_765 = arith.constant 16 : i32
          %mul3A_766 = arith.muli %scan3A_102, %mul3A_765 : i32
          %add3A_767 = arith.constant 7 : i32
          %add3A_768 = arith.addi %mul3A_766, %add3A_767 : i32
          %get3A_769 = arith.index_cast %add3A_768 : i32 to index
          %get3A_770 = arith.constant 0 : index
          %get3A_771 = tpu.vector_load %arg12[%get3A_769, %get3A_770] {strides = array<i32>} : memref<80x128xf32, #tpu.memory_space<vmem>>, vector<1x16xf32>,
          %get3A_772 = vector.shape_cast %get3A_771 : vector<1x16xf32> to vector<16xf32>
          %mul3A_773 = vector.broadcast %squeeze3A_764 : f32 to vector<16xf32>
          %mul3A_774 = arith.mulf %get3A_772, %mul3A_773 : vector<16xf32>
          %swap3A_775 = arith.index_cast %add3A_768 : i32 to index
          %swap3A_776 = arith.constant 0 : index
          %swap3A_777 = tpu.vector_load %arg12[%swap3A_775, %swap3A_776] {strides = array<i32>} : memref<80x128xf32, #tpu.memory_space<vmem>>, vector<1x16xf32>,
          %swap3A_778 = vector.shape_cast %swap3A_777 : vector<1x16xf32> to vector<16xf32>
          %swap3A_779 = vector.shape_cast %mul3A_774 : vector<16xf32> to vector<1x16xf32>
          tpu.vector_store %arg12[%swap3A_775, %swap3A_776], %swap3A_779 {strides = array<i32>} : memref<80x128xf32, #tpu.memory_space<vmem>>, vector<1x16xf32>,
          %get3A_780 = arith.index_cast %add3A_768 : i32 to index
          %get3A_781 = arith.constant 16 : index
          %get3A_782 = tpu.vector_load %arg12[%get3A_780, %get3A_781] {strides = array<i32>} : memref<80x128xf32, #tpu.memory_space<vmem>>, vector<1x16xf32>,
          %get3A_783 = vector.shape_cast %get3A_782 : vector<1x16xf32> to vector<16xf32>
          %mul3A_784 = vector.broadcast %squeeze3A_764 : f32 to vector<16xf32>
          %mul3A_785 = arith.mulf %get3A_783, %mul3A_784 : vector<16xf32>
          %swap3A_786 = arith.index_cast %add3A_768 : i32 to index
          %swap3A_787 = arith.constant 16 : index
          %swap3A_788 = tpu.vector_load %arg12[%swap3A_786, %swap3A_787] {strides = array<i32>} : memref<80x128xf32, #tpu.memory_space<vmem>>, vector<1x16xf32>,
          %swap3A_789 = vector.shape_cast %swap3A_788 : vector<1x16xf32> to vector<16xf32>
          %swap3A_790 = vector.shape_cast %mul3A_785 : vector<16xf32> to vector<1x16xf32>
          tpu.vector_store %arg12[%swap3A_786, %swap3A_787], %swap3A_790 {strides = array<i32>} : memref<80x128xf32, #tpu.memory_space<vmem>>, vector<1x16xf32>,
          %get3A_791 = arith.index_cast %add3A_768 : i32 to index
          %get3A_792 = arith.constant 32 : index
          %get3A_793 = tpu.vector_load %arg12[%get3A_791, %get3A_792] {strides = array<i32>} : memref<80x128xf32, #tpu.memory_space<vmem>>, vector<1x16xf32>,
          %get3A_794 = vector.shape_cast %get3A_793 : vector<1x16xf32> to vector<16xf32>
          %mul3A_795 = vector.broadcast %squeeze3A_764 : f32 to vector<16xf32>
          %mul3A_796 = arith.mulf %get3A_794, %mul3A_795 : vector<16xf32>
          %swap3A_797 = arith.index_cast %add3A_768 : i32 to index
          %swap3A_798 = arith.constant 32 : index
          %swap3A_799 = tpu.vector_load %arg12[%swap3A_797, %swap3A_798] {strides = array<i32>} : memref<80x128xf32, #tpu.memory_space<vmem>>, vector<1x16xf32>,
          %swap3A_800 = vector.shape_cast %swap3A_799 : vector<1x16xf32> to vector<16xf32>
          %swap3A_801 = vector.shape_cast %mul3A_796 : vector<16xf32> to vector<1x16xf32>
          tpu.vector_store %arg12[%swap3A_797, %swap3A_798], %swap3A_801 {strides = array<i32>} : memref<80x128xf32, #tpu.memory_space<vmem>>, vector<1x16xf32>,
          %get3A_802 = arith.index_cast %add3A_768 : i32 to index
          %get3A_803 = arith.constant 48 : index
          %get3A_804 = tpu.vector_load %arg12[%get3A_802, %get3A_803] {strides = array<i32>} : memref<80x128xf32, #tpu.memory_space<vmem>>, vector<1x16xf32>,
          %get3A_805 = vector.shape_cast %get3A_804 : vector<1x16xf32> to vector<16xf32>
          %mul3A_806 = vector.broadcast %squeeze3A_764 : f32 to vector<16xf32>
          %mul3A_807 = arith.mulf %get3A_805, %mul3A_806 : vector<16xf32>
          %swap3A_808 = arith.index_cast %add3A_768 : i32 to index
          %swap3A_809 = arith.constant 48 : index
          %swap3A_810 = tpu.vector_load %arg12[%swap3A_808, %swap3A_809] {strides = array<i32>} : memref<80x128xf32, #tpu.memory_space<vmem>>, vector<1x16xf32>,
          %swap3A_811 = vector.shape_cast %swap3A_810 : vector<1x16xf32> to vector<16xf32>
          %swap3A_812 = vector.shape_cast %mul3A_807 : vector<16xf32> to vector<1x16xf32>
          tpu.vector_store %arg12[%swap3A_808, %swap3A_809], %swap3A_812 {strides = array<i32>} : memref<80x128xf32, #tpu.memory_space<vmem>>, vector<1x16xf32>,
          %get3A_813 = arith.index_cast %add3A_768 : i32 to index
          %get3A_814 = arith.constant 64 : index
          %get3A_815 = tpu.vector_load %arg12[%get3A_813, %get3A_814] {strides = array<i32>} : memref<80x128xf32, #tpu.memory_space<vmem>>, vector<1x16xf32>,
          %get3A_816 = vector.shape_cast %get3A_815 : vector<1x16xf32> to vector<16xf32>
          %mul3A_817 = vector.broadcast %squeeze3A_764 : f32 to vector<16xf32>
          %mul3A_818 = arith.mulf %get3A_816, %mul3A_817 : vector<16xf32>
          %swap3A_819 = arith.index_cast %add3A_768 : i32 to index
          %swap3A_820 = arith.constant 64 : index
          %swap3A_821 = tpu.vector_load %arg12[%swap3A_819, %swap3A_820] {strides = array<i32>} : memref<80x128xf32, #tpu.memory_space<vmem>>, vector<1x16xf32>,
          %swap3A_822 = vector.shape_cast %swap3A_821 : vector<1x16xf32> to vector<16xf32>
          %swap3A_823 = vector.shape_cast %mul3A_818 : vector<16xf32> to vector<1x16xf32>
          tpu.vector_store %arg12[%swap3A_819, %swap3A_820], %swap3A_823 {strides = array<i32>} : memref<80x128xf32, #tpu.memory_space<vmem>>, vector<1x16xf32>,
          %get3A_824 = arith.index_cast %add3A_768 : i32 to index
          %get3A_825 = arith.constant 80 : index
          %get3A_826 = tpu.vector_load %arg12[%get3A_824, %get3A_825] {strides = array<i32>} : memref<80x128xf32, #tpu.memory_space<vmem>>, vector<1x16xf32>,
          %get3A_827 = vector.shape_cast %get3A_826 : vector<1x16xf32> to vector<16xf32>
          %mul3A_828 = vector.broadcast %squeeze3A_764 : f32 to vector<16xf32>
          %mul3A_829 = arith.mulf %get3A_827, %mul3A_828 : vector<16xf32>
          %swap3A_830 = arith.index_cast %add3A_768 : i32 to index
          %swap3A_831 = arith.constant 80 : index
          %swap3A_832 = tpu.vector_load %arg12[%swap3A_830, %swap3A_831] {strides = array<i32>} : memref<80x128xf32, #tpu.memory_space<vmem>>, vector<1x16xf32>,
          %swap3A_833 = vector.shape_cast %swap3A_832 : vector<1x16xf32> to vector<16xf32>
          %swap3A_834 = vector.shape_cast %mul3A_829 : vector<16xf32> to vector<1x16xf32>
          tpu.vector_store %arg12[%swap3A_830, %swap3A_831], %swap3A_834 {strides = array<i32>} : memref<80x128xf32, #tpu.memory_space<vmem>>, vector<1x16xf32>,
          %get3A_835 = arith.index_cast %add3A_768 : i32 to index
          %get3A_836 = arith.constant 96 : index
          %get3A_837 = tpu.vector_load %arg12[%get3A_835, %get3A_836] {strides = array<i32>} : memref<80x128xf32, #tpu.memory_space<vmem>>, vector<1x16xf32>,
          %get3A_838 = vector.shape_cast %get3A_837 : vector<1x16xf32> to vector<16xf32>
          %mul3A_839 = vector.broadcast %squeeze3A_764 : f32 to vector<16xf32>
          %mul3A_840 = arith.mulf %get3A_838, %mul3A_839 : vector<16xf32>
          %swap3A_841 = arith.index_cast %add3A_768 : i32 to index
          %swap3A_842 = arith.constant 96 : index
          %swap3A_843 = tpu.vector_load %arg12[%swap3A_841, %swap3A_842] {strides = array<i32>} : memref<80x128xf32, #tpu.memory_space<vmem>>, vector<1x16xf32>,
          %swap3A_844 = vector.shape_cast %swap3A_843 : vector<1x16xf32> to vector<16xf32>
          %swap3A_845 = vector.shape_cast %mul3A_840 : vector<16xf32> to vector<1x16xf32>
          tpu.vector_store %arg12[%swap3A_841, %swap3A_842], %swap3A_845 {strides = array<i32>} : memref<80x128xf32, #tpu.memory_space<vmem>>, vector<1x16xf32>,
          %get3A_846 = arith.index_cast %add3A_768 : i32 to index
          %get3A_847 = arith.constant 112 : index
          %get3A_848 = tpu.vector_load %arg12[%get3A_846, %get3A_847] {strides = array<i32>} : memref<80x128xf32, #tpu.memory_space<vmem>>, vector<1x16xf32>,
          %get3A_849 = vector.shape_cast %get3A_848 : vector<1x16xf32> to vector<16xf32>
          %mul3A_850 = vector.broadcast %squeeze3A_764 : f32 to vector<16xf32>
          %mul3A_851 = arith.mulf %get3A_849, %mul3A_850 : vector<16xf32>
          %swap3A_852 = arith.index_cast %add3A_768 : i32 to index
          %swap3A_853 = arith.constant 112 : index
          %swap3A_854 = tpu.vector_load %arg12[%swap3A_852, %swap3A_853] {strides = array<i32>} : memref<80x128xf32, #tpu.memory_space<vmem>>, vector<1x16xf32>,
          %swap3A_855 = vector.shape_cast %swap3A_854 : vector<1x16xf32> to vector<16xf32>
          %swap3A_856 = vector.shape_cast %mul3A_851 : vector<16xf32> to vector<1x16xf32>
          tpu.vector_store %arg12[%swap3A_852, %swap3A_853], %swap3A_856 {strides = array<i32>} : memref<80x128xf32, #tpu.memory_space<vmem>>, vector<1x16xf32>,
          %slice3A_857 = vector.extract_strided_slice %get3A_107 {offsets = [8], sizes = [1], strides = [1]} : vector<16xf32> to vector<1xf32>
          %squeeze3A_858 = vector.extract %slice3A_857[0] : f32 from vector<1xf32>
          %mul3A_859 = arith.constant 16 : i32
          %mul3A_860 = arith.muli %scan3A_102, %mul3A_859 : i32
          %add3A_861 = arith.constant 8 : i32
          %add3A_862 = arith.addi %mul3A_860, %add3A_861 : i32
          %get3A_863 = arith.index_cast %add3A_862 : i32 to index
          %get3A_864 = arith.constant 0 : index
          %get3A_865 = tpu.vector_load %arg12[%get3A_863, %get3A_864] {strides = array<i32>} : memref<80x128xf32, #tpu.memory_space<vmem>>, vector<1x16xf32>,
          %get3A_866 = vector.shape_cast %get3A_865 : vector<1x16xf32> to vector<16xf32>
          %mul3A_867 = vector.broadcast %squeeze3A_858 : f32 to vector<16xf32>
          %mul3A_868 = arith.mulf %get3A_866, %mul3A_867 : vector<16xf32>
          %swap3A_869 = arith.index_cast %add3A_862 : i32 to index
          %swap3A_870 = arith.constant 0 : index
          %swap3A_871 = tpu.vector_load %arg12[%swap3A_869, %swap3A_870] {strides = array<i32>} : memref<80x128xf32, #tpu.memory_space<vmem>>, vector<1x16xf32>,
          %swap3A_872 = vector.shape_cast %swap3A_871 : vector<1x16xf32> to vector<16xf32>
          %swap3A_873 = vector.shape_cast %mul3A_868 : vector<16xf32> to vector<1x16xf32>
          tpu.vector_store %arg12[%swap3A_869, %swap3A_870], %swap3A_873 {strides = array<i32>} : memref<80x128xf32, #tpu.memory_space<vmem>>, vector<1x16xf32>,
          %get3A_874 = arith.index_cast %add3A_862 : i32 to index
          %get3A_875 = arith.constant 16 : index
          %get3A_876 = tpu.vector_load %arg12[%get3A_874, %get3A_875] {strides = array<i32>} : memref<80x128xf32, #tpu.memory_space<vmem>>, vector<1x16xf32>,
          %get3A_877 = vector.shape_cast %get3A_876 : vector<1x16xf32> to vector<16xf32>
          %mul3A_878 = vector.broadcast %squeeze3A_858 : f32 to vector<16xf32>
          %mul3A_879 = arith.mulf %get3A_877, %mul3A_878 : vector<16xf32>
          %swap3A_880 = arith.index_cast %add3A_862 : i32 to index
          %swap3A_881 = arith.constant 16 : index
          %swap3A_882 = tpu.vector_load %arg12[%swap3A_880, %swap3A_881] {strides = array<i32>} : memref<80x128xf32, #tpu.memory_space<vmem>>, vector<1x16xf32>,
          %swap3A_883 = vector.shape_cast %swap3A_882 : vector<1x16xf32> to vector<16xf32>
          %swap3A_884 = vector.shape_cast %mul3A_879 : vector<16xf32> to vector<1x16xf32>
          tpu.vector_store %arg12[%swap3A_880, %swap3A_881], %swap3A_884 {strides = array<i32>} : memref<80x128xf32, #tpu.memory_space<vmem>>, vector<1x16xf32>,
          %get3A_885 = arith.index_cast %add3A_862 : i32 to index
          %get3A_886 = arith.constant 32 : index
          %get3A_887 = tpu.vector_load %arg12[%get3A_885, %get3A_886] {strides = array<i32>} : memref<80x128xf32, #tpu.memory_space<vmem>>, vector<1x16xf32>,
          %get3A_888 = vector.shape_cast %get3A_887 : vector<1x16xf32> to vector<16xf32>
          %mul3A_889 = vector.broadcast %squeeze3A_858 : f32 to vector<16xf32>
          %mul3A_890 = arith.mulf %get3A_888, %mul3A_889 : vector<16xf32>
          %swap3A_891 = arith.index_cast %add3A_862 : i32 to index
          %swap3A_892 = arith.constant 32 : index
          %swap3A_893 = tpu.vector_load %arg12[%swap3A_891, %swap3A_892] {strides = array<i32>} : memref<80x128xf32, #tpu.memory_space<vmem>>, vector<1x16xf32>,
          %swap3A_894 = vector.shape_cast %swap3A_893 : vector<1x16xf32> to vector<16xf32>
          %swap3A_895 = vector.shape_cast %mul3A_890 : vector<16xf32> to vector<1x16xf32>
          tpu.vector_store %arg12[%swap3A_891, %swap3A_892], %swap3A_895 {strides = array<i32>} : memref<80x128xf32, #tpu.memory_space<vmem>>, vector<1x16xf32>,
          %get3A_896 = arith.index_cast %add3A_862 : i32 to index
          %get3A_897 = arith.constant 48 : index
          %get3A_898 = tpu.vector_load %arg12[%get3A_896, %get3A_897] {strides = array<i32>} : memref<80x128xf32, #tpu.memory_space<vmem>>, vector<1x16xf32>,
          %get3A_899 = vector.shape_cast %get3A_898 : vector<1x16xf32> to vector<16xf32>
          %mul3A_900 = vector.broadcast %squeeze3A_858 : f32 to vector<16xf32>
          %mul3A_901 = arith.mulf %get3A_899, %mul3A_900 : vector<16xf32>
          %swap3A_902 = arith.index_cast %add3A_862 : i32 to index
          %swap3A_903 = arith.constant 48 : index
          %swap3A_904 = tpu.vector_load %arg12[%swap3A_902, %swap3A_903] {strides = array<i32>} : memref<80x128xf32, #tpu.memory_space<vmem>>, vector<1x16xf32>,
          %swap3A_905 = vector.shape_cast %swap3A_904 : vector<1x16xf32> to vector<16xf32>
          %swap3A_906 = vector.shape_cast %mul3A_901 : vector<16xf32> to vector<1x16xf32>
          tpu.vector_store %arg12[%swap3A_902, %swap3A_903], %swap3A_906 {strides = array<i32>} : memref<80x128xf32, #tpu.memory_space<vmem>>, vector<1x16xf32>,
          %get3A_907 = arith.index_cast %add3A_862 : i32 to index
          %get3A_908 = arith.constant 64 : index
          %get3A_909 = tpu.vector_load %arg12[%get3A_907, %get3A_908] {strides = array<i32>} : memref<80x128xf32, #tpu.memory_space<vmem>>, vector<1x16xf32>,
          %get3A_910 = vector.shape_cast %get3A_909 : vector<1x16xf32> to vector<16xf32>
          %mul3A_911 = vector.broadcast %squeeze3A_858 : f32 to vector<16xf32>
          %mul3A_912 = arith.mulf %get3A_910, %mul3A_911 : vector<16xf32>
          %swap3A_913 = arith.index_cast %add3A_862 : i32 to index
          %swap3A_914 = arith.constant 64 : index
          %swap3A_915 = tpu.vector_load %arg12[%swap3A_913, %swap3A_914] {strides = array<i32>} : memref<80x128xf32, #tpu.memory_space<vmem>>, vector<1x16xf32>,
          %swap3A_916 = vector.shape_cast %swap3A_915 : vector<1x16xf32> to vector<16xf32>
          %swap3A_917 = vector.shape_cast %mul3A_912 : vector<16xf32> to vector<1x16xf32>
          tpu.vector_store %arg12[%swap3A_913, %swap3A_914], %swap3A_917 {strides = array<i32>} : memref<80x128xf32, #tpu.memory_space<vmem>>, vector<1x16xf32>,
          %get3A_918 = arith.index_cast %add3A_862 : i32 to index
          %get3A_919 = arith.constant 80 : index
          %get3A_920 = tpu.vector_load %arg12[%get3A_918, %get3A_919] {strides = array<i32>} : memref<80x128xf32, #tpu.memory_space<vmem>>, vector<1x16xf32>,
          %get3A_921 = vector.shape_cast %get3A_920 : vector<1x16xf32> to vector<16xf32>
          %mul3A_922 = vector.broadcast %squeeze3A_858 : f32 to vector<16xf32>
          %mul3A_923 = arith.mulf %get3A_921, %mul3A_922 : vector<16xf32>
          %swap3A_924 = arith.index_cast %add3A_862 : i32 to index
          %swap3A_925 = arith.constant 80 : index
          %swap3A_926 = tpu.vector_load %arg12[%swap3A_924, %swap3A_925] {strides = array<i32>} : memref<80x128xf32, #tpu.memory_space<vmem>>, vector<1x16xf32>,
          %swap3A_927 = vector.shape_cast %swap3A_926 : vector<1x16xf32> to vector<16xf32>
          %swap3A_928 = vector.shape_cast %mul3A_923 : vector<16xf32> to vector<1x16xf32>
          tpu.vector_store %arg12[%swap3A_924, %swap3A_925], %swap3A_928 {strides = array<i32>} : memref<80x128xf32, #tpu.memory_space<vmem>>, vector<1x16xf32>,
          %get3A_929 = arith.index_cast %add3A_862 : i32 to index
          %get3A_930 = arith.constant 96 : index
          %get3A_931 = tpu.vector_load %arg12[%get3A_929, %get3A_930] {strides = array<i32>} : memref<80x128xf32, #tpu.memory_space<vmem>>, vector<1x16xf32>,
          %get3A_932 = vector.shape_cast %get3A_931 : vector<1x16xf32> to vector<16xf32>
          %mul3A_933 = vector.broadcast %squeeze3A_858 : f32 to vector<16xf32>
          %mul3A_934 = arith.mulf %get3A_932, %mul3A_933 : vector<16xf32>
          %swap3A_935 = arith.index_cast %add3A_862 : i32 to index
          %swap3A_936 = arith.constant 96 : index
          %swap3A_937 = tpu.vector_load %arg12[%swap3A_935, %swap3A_936] {strides = array<i32>} : memref<80x128xf32, #tpu.memory_space<vmem>>, vector<1x16xf32>,
          %swap3A_938 = vector.shape_cast %swap3A_937 : vector<1x16xf32> to vector<16xf32>
          %swap3A_939 = vector.shape_cast %mul3A_934 : vector<16xf32> to vector<1x16xf32>
          tpu.vector_store %arg12[%swap3A_935, %swap3A_936], %swap3A_939 {strides = array<i32>} : memref<80x128xf32, #tpu.memory_space<vmem>>, vector<1x16xf32>,
          %get3A_940 = arith.index_cast %add3A_862 : i32 to index
          %get3A_941 = arith.constant 112 : index
          %get3A_942 = tpu.vector_load %arg12[%get3A_940, %get3A_941] {strides = array<i32>} : memref<80x128xf32, #tpu.memory_space<vmem>>, vector<1x16xf32>,
          %get3A_943 = vector.shape_cast %get3A_942 : vector<1x16xf32> to vector<16xf32>
          %mul3A_944 = vector.broadcast %squeeze3A_858 : f32 to vector<16xf32>
          %mul3A_945 = arith.mulf %get3A_943, %mul3A_944 : vector<16xf32>
          %swap3A_946 = arith.index_cast %add3A_862 : i32 to index
          %swap3A_947 = arith.constant 112 : index
          %swap3A_948 = tpu.vector_load %arg12[%swap3A_946, %swap3A_947] {strides = array<i32>} : memref<80x128xf32, #tpu.memory_space<vmem>>, vector<1x16xf32>,
          %swap3A_949 = vector.shape_cast %swap3A_948 : vector<1x16xf32> to vector<16xf32>
          %swap3A_950 = vector.shape_cast %mul3A_945 : vector<16xf32> to vector<1x16xf32>
          tpu.vector_store %arg12[%swap3A_946, %swap3A_947], %swap3A_950 {strides = array<i32>} : memref<80x128xf32, #tpu.memory_space<vmem>>, vector<1x16xf32>,
          %slice3A_951 = vector.extract_strided_slice %get3A_107 {offsets = [9], sizes = [1], strides = [1]} : vector<16xf32> to vector<1xf32>
          %squeeze3A_952 = vector.extract %slice3A_951[0] : f32 from vector<1xf32>
          %mul3A_953 = arith.constant 16 : i32
          %mul3A_954 = arith.muli %scan3A_102, %mul3A_953 : i32
          %add3A_955 = arith.constant 9 : i32
          %add3A_956 = arith.addi %mul3A_954, %add3A_955 : i32
          %get3A_957 = arith.index_cast %add3A_956 : i32 to index
          %get3A_958 = arith.constant 0 : index
          %get3A_959 = tpu.vector_load %arg12[%get3A_957, %get3A_958] {strides = array<i32>} : memref<80x128xf32, #tpu.memory_space<vmem>>, vector<1x16xf32>,
          %get3A_960 = vector.shape_cast %get3A_959 : vector<1x16xf32> to vector<16xf32>
          %mul3A_961 = vector.broadcast %squeeze3A_952 : f32 to vector<16xf32>
          %mul3A_962 = arith.mulf %get3A_960, %mul3A_961 : vector<16xf32>
          %swap3A_963 = arith.index_cast %add3A_956 : i32 to index
          %swap3A_964 = arith.constant 0 : index
          %swap3A_965 = tpu.vector_load %arg12[%swap3A_963, %swap3A_964] {strides = array<i32>} : memref<80x128xf32, #tpu.memory_space<vmem>>, vector<1x16xf32>,
          %swap3A_966 = vector.shape_cast %swap3A_965 : vector<1x16xf32> to vector<16xf32>
          %swap3A_967 = vector.shape_cast %mul3A_962 : vector<16xf32> to vector<1x16xf32>
          tpu.vector_store %arg12[%swap3A_963, %swap3A_964], %swap3A_967 {strides = array<i32>} : memref<80x128xf32, #tpu.memory_space<vmem>>, vector<1x16xf32>,
          %get3A_968 = arith.index_cast %add3A_956 : i32 to index
          %get3A_969 = arith.constant 16 : index
          %get3A_970 = tpu.vector_load %arg12[%get3A_968, %get3A_969] {strides = array<i32>} : memref<80x128xf32, #tpu.memory_space<vmem>>, vector<1x16xf32>,
          %get3A_971 = vector.shape_cast %get3A_970 : vector<1x16xf32> to vector<16xf32>
          %mul3A_972 = vector.broadcast %squeeze3A_952 : f32 to vector<16xf32>
          %mul3A_973 = arith.mulf %get3A_971, %mul3A_972 : vector<16xf32>
          %swap3A_974 = arith.index_cast %add3A_956 : i32 to index
          %swap3A_975 = arith.constant 16 : index
          %swap3A_976 = tpu.vector_load %arg12[%swap3A_974, %swap3A_975] {strides = array<i32>} : memref<80x128xf32, #tpu.memory_space<vmem>>, vector<1x16xf32>,
          %swap3A_977 = vector.shape_cast %swap3A_976 : vector<1x16xf32> to vector<16xf32>
          %swap3A_978 = vector.shape_cast %mul3A_973 : vector<16xf32> to vector<1x16xf32>
          tpu.vector_store %arg12[%swap3A_974, %swap3A_975], %swap3A_978 {strides = array<i32>} : memref<80x128xf32, #tpu.memory_space<vmem>>, vector<1x16xf32>,
          %get3A_979 = arith.index_cast %add3A_956 : i32 to index
          %get3A_980 = arith.constant 32 : index
          %get3A_981 = tpu.vector_load %arg12[%get3A_979, %get3A_980] {strides = array<i32>} : memref<80x128xf32, #tpu.memory_space<vmem>>, vector<1x16xf32>,
          %get3A_982 = vector.shape_cast %get3A_981 : vector<1x16xf32> to vector<16xf32>
          %mul3A_983 = vector.broadcast %squeeze3A_952 : f32 to vector<16xf32>
          %mul3A_984 = arith.mulf %get3A_982, %mul3A_983 : vector<16xf32>
          %swap3A_985 = arith.index_cast %add3A_956 : i32 to index
          %swap3A_986 = arith.constant 32 : index
          %swap3A_987 = tpu.vector_load %arg12[%swap3A_985, %swap3A_986] {strides = array<i32>} : memref<80x128xf32, #tpu.memory_space<vmem>>, vector<1x16xf32>,
          %swap3A_988 = vector.shape_cast %swap3A_987 : vector<1x16xf32> to vector<16xf32>
          %swap3A_989 = vector.shape_cast %mul3A_984 : vector<16xf32> to vector<1x16xf32>
          tpu.vector_store %arg12[%swap3A_985, %swap3A_986], %swap3A_989 {strides = array<i32>} : memref<80x128xf32, #tpu.memory_space<vmem>>, vector<1x16xf32>,
          %get3A_990 = arith.index_cast %add3A_956 : i32 to index
          %get3A_991 = arith.constant 48 : index
          %get3A_992 = tpu.vector_load %arg12[%get3A_990, %get3A_991] {strides = array<i32>} : memref<80x128xf32, #tpu.memory_space<vmem>>, vector<1x16xf32>,
          %get3A_993 = vector.shape_cast %get3A_992 : vector<1x16xf32> to vector<16xf32>
          %mul3A_994 = vector.broadcast %squeeze3A_952 : f32 to vector<16xf32>
          %mul3A_995 = arith.mulf %get3A_993, %mul3A_994 : vector<16xf32>
          %swap3A_996 = arith.index_cast %add3A_956 : i32 to index
          %swap3A_997 = arith.constant 48 : index
          %swap3A_998 = tpu.vector_load %arg12[%swap3A_996, %swap3A_997] {strides = array<i32>} : memref<80x128xf32, #tpu.memory_space<vmem>>, vector<1x16xf32>,
          %swap3A_999 = vector.shape_cast %swap3A_998 : vector<1x16xf32> to vector<16xf32>
          %swap3A_1000 = vector.shape_cast %mul3A_995 : vector<16xf32> to vector<1x16xf32>
          tpu.vector_store %arg12[%swap3A_996, %swap3A_997], %swap3A_1000 {strides = array<i32>} : memref<80x128xf32, #tpu.memory_space<vmem>>, vector<1x16xf32>,
          %get3A_1001 = arith.index_cast %add3A_956 : i32 to index
          %get3A_1002 = arith.constant 64 : index
          %get3A_1003 = tpu.vector_load %arg12[%get3A_1001, %get3A_1002] {strides = array<i32>} : memref<80x128xf32, #tpu.memory_space<vmem>>, vector<1x16xf32>,
          %get3A_1004 = vector.shape_cast %get3A_1003 : vector<1x16xf32> to vector<16xf32>
          %mul3A_1005 = vector.broadcast %squeeze3A_952 : f32 to vector<16xf32>
          %mul3A_1006 = arith.mulf %get3A_1004, %mul3A_1005 : vector<16xf32>
          %swap3A_1007 = arith.index_cast %add3A_956 : i32 to index
          %swap3A_1008 = arith.constant 64 : index
          %swap3A_1009 = tpu.vector_load %arg12[%swap3A_1007, %swap3A_1008] {strides = array<i32>} : memref<80x128xf32, #tpu.memory_space<vmem>>, vector<1x16xf32>,
          %swap3A_1010 = vector.shape_cast %swap3A_1009 : vector<1x16xf32> to vector<16xf32>
          %swap3A_1011 = vector.shape_cast %mul3A_1006 : vector<16xf32> to vector<1x16xf32>
          tpu.vector_store %arg12[%swap3A_1007, %swap3A_1008], %swap3A_1011 {strides = array<i32>} : memref<80x128xf32, #tpu.memory_space<vmem>>, vector<1x16xf32>,
          %get3A_1012 = arith.index_cast %add3A_956 : i32 to index
          %get3A_1013 = arith.constant 80 : index
          %get3A_1014 = tpu.vector_load %arg12[%get3A_1012, %get3A_1013] {strides = array<i32>} : memref<80x128xf32, #tpu.memory_space<vmem>>, vector<1x16xf32>,
          %get3A_1015 = vector.shape_cast %get3A_1014 : vector<1x16xf32> to vector<16xf32>
          %mul3A_1016 = vector.broadcast %squeeze3A_952 : f32 to vector<16xf32>
          %mul3A_1017 = arith.mulf %get3A_1015, %mul3A_1016 : vector<16xf32>
          %swap3A_1018 = arith.index_cast %add3A_956 : i32 to index
          %swap3A_1019 = arith.constant 80 : index
          %swap3A_1020 = tpu.vector_load %arg12[%swap3A_1018, %swap3A_1019] {strides = array<i32>} : memref<80x128xf32, #tpu.memory_space<vmem>>, vector<1x16xf32>,
          %swap3A_1021 = vector.shape_cast %swap3A_1020 : vector<1x16xf32> to vector<16xf32>
          %swap3A_1022 = vector.shape_cast %mul3A_1017 : vector<16xf32> to vector<1x16xf32>
          tpu.vector_store %arg12[%swap3A_1018, %swap3A_1019], %swap3A_1022 {strides = array<i32>} : memref<80x128xf32, #tpu.memory_space<vmem>>, vector<1x16xf32>,
          %get3A_1023 = arith.index_cast %add3A_956 : i32 to index
          %get3A_1024 = arith.constant 96 : index
          %get3A_1025 = tpu.vector_load %arg12[%get3A_1023, %get3A_1024] {strides = array<i32>} : memref<80x128xf32, #tpu.memory_space<vmem>>, vector<1x16xf32>,
          %get3A_1026 = vector.shape_cast %get3A_1025 : vector<1x16xf32> to vector<16xf32>
          %mul3A_1027 = vector.broadcast %squeeze3A_952 : f32 to vector<16xf32>
          %mul3A_1028 = arith.mulf %get3A_1026, %mul3A_1027 : vector<16xf32>
          %swap3A_1029 = arith.index_cast %add3A_956 : i32 to index
          %swap3A_1030 = arith.constant 96 : index
          %swap3A_1031 = tpu.vector_load %arg12[%swap3A_1029, %swap3A_1030] {strides = array<i32>} : memref<80x128xf32, #tpu.memory_space<vmem>>, vector<1x16xf32>,
          %swap3A_1032 = vector.shape_cast %swap3A_1031 : vector<1x16xf32> to vector<16xf32>
          %swap3A_1033 = vector.shape_cast %mul3A_1028 : vector<16xf32> to vector<1x16xf32>
          tpu.vector_store %arg12[%swap3A_1029, %swap3A_1030], %swap3A_1033 {strides = array<i32>} : memref<80x128xf32, #tpu.memory_space<vmem>>, vector<1x16xf32>,
          %get3A_1034 = arith.index_cast %add3A_956 : i32 to index
          %get3A_1035 = arith.constant 112 : index
          %get3A_1036 = tpu.vector_load %arg12[%get3A_1034, %get3A_1035] {strides = array<i32>} : memref<80x128xf32, #tpu.memory_space<vmem>>, vector<1x16xf32>,
          %get3A_1037 = vector.shape_cast %get3A_1036 : vector<1x16xf32> to vector<16xf32>
          %mul3A_1038 = vector.broadcast %squeeze3A_952 : f32 to vector<16xf32>
          %mul3A_1039 = arith.mulf %get3A_1037, %mul3A_1038 : vector<16xf32>
          %swap3A_1040 = arith.index_cast %add3A_956 : i32 to index
          %swap3A_1041 = arith.constant 112 : index
          %swap3A_1042 = tpu.vector_load %arg12[%swap3A_1040, %swap3A_1041] {strides = array<i32>} : memref<80x128xf32, #tpu.memory_space<vmem>>, vector<1x16xf32>,
          %swap3A_1043 = vector.shape_cast %swap3A_1042 : vector<1x16xf32> to vector<16xf32>
          %swap3A_1044 = vector.shape_cast %mul3A_1039 : vector<16xf32> to vector<1x16xf32>
          tpu.vector_store %arg12[%swap3A_1040, %swap3A_1041], %swap3A_1044 {strides = array<i32>} : memref<80x128xf32, #tpu.memory_space<vmem>>, vector<1x16xf32>,
          %slice3A_1045 = vector.extract_strided_slice %get3A_107 {offsets = [10], sizes = [1], strides = [1]} : vector<16xf32> to vector<1xf32>
          %squeeze3A_1046 = vector.extract %slice3A_1045[0] : f32 from vector<1xf32>
          %mul3A_1047 = arith.constant 16 : i32
          %mul3A_1048 = arith.muli %scan3A_102, %mul3A_1047 : i32
          %add3A_1049 = arith.constant 10 : i32
          %add3A_1050 = arith.addi %mul3A_1048, %add3A_1049 : i32
          %get3A_1051 = arith.index_cast %add3A_1050 : i32 to index
          %get3A_1052 = arith.constant 0 : index
          %get3A_1053 = tpu.vector_load %arg12[%get3A_1051, %get3A_1052] {strides = array<i32>} : memref<80x128xf32, #tpu.memory_space<vmem>>, vector<1x16xf32>,
          %get3A_1054 = vector.shape_cast %get3A_1053 : vector<1x16xf32> to vector<16xf32>
          %mul3A_1055 = vector.broadcast %squeeze3A_1046 : f32 to vector<16xf32>
          %mul3A_1056 = arith.mulf %get3A_1054, %mul3A_1055 : vector<16xf32>
          %swap3A_1057 = arith.index_cast %add3A_1050 : i32 to index
          %swap3A_1058 = arith.constant 0 : index
          %swap3A_1059 = tpu.vector_load %arg12[%swap3A_1057, %swap3A_1058] {strides = array<i32>} : memref<80x128xf32, #tpu.memory_space<vmem>>, vector<1x16xf32>,
          %swap3A_1060 = vector.shape_cast %swap3A_1059 : vector<1x16xf32> to vector<16xf32>
          %swap3A_1061 = vector.shape_cast %mul3A_1056 : vector<16xf32> to vector<1x16xf32>
          tpu.vector_store %arg12[%swap3A_1057, %swap3A_1058], %swap3A_1061 {strides = array<i32>} : memref<80x128xf32, #tpu.memory_space<vmem>>, vector<1x16xf32>,
          %get3A_1062 = arith.index_cast %add3A_1050 : i32 to index
          %get3A_1063 = arith.constant 16 : index
          %get3A_1064 = tpu.vector_load %arg12[%get3A_1062, %get3A_1063] {strides = array<i32>} : memref<80x128xf32, #tpu.memory_space<vmem>>, vector<1x16xf32>,
          %get3A_1065 = vector.shape_cast %get3A_1064 : vector<1x16xf32> to vector<16xf32>
          %mul3A_1066 = vector.broadcast %squeeze3A_1046 : f32 to vector<16xf32>
          %mul3A_1067 = arith.mulf %get3A_1065, %mul3A_1066 : vector<16xf32>
          %swap3A_1068 = arith.index_cast %add3A_1050 : i32 to index
          %swap3A_1069 = arith.constant 16 : index
          %swap3A_1070 = tpu.vector_load %arg12[%swap3A_1068, %swap3A_1069] {strides = array<i32>} : memref<80x128xf32, #tpu.memory_space<vmem>>, vector<1x16xf32>,
          %swap3A_1071 = vector.shape_cast %swap3A_1070 : vector<1x16xf32> to vector<16xf32>
          %swap3A_1072 = vector.shape_cast %mul3A_1067 : vector<16xf32> to vector<1x16xf32>
          tpu.vector_store %arg12[%swap3A_1068, %swap3A_1069], %swap3A_1072 {strides = array<i32>} : memref<80x128xf32, #tpu.memory_space<vmem>>, vector<1x16xf32>,
          %get3A_1073 = arith.index_cast %add3A_1050 : i32 to index
          %get3A_1074 = arith.constant 32 : index
          %get3A_1075 = tpu.vector_load %arg12[%get3A_1073, %get3A_1074] {strides = array<i32>} : memref<80x128xf32, #tpu.memory_space<vmem>>, vector<1x16xf32>,
          %get3A_1076 = vector.shape_cast %get3A_1075 : vector<1x16xf32> to vector<16xf32>
          %mul3A_1077 = vector.broadcast %squeeze3A_1046 : f32 to vector<16xf32>
          %mul3A_1078 = arith.mulf %get3A_1076, %mul3A_1077 : vector<16xf32>
          %swap3A_1079 = arith.index_cast %add3A_1050 : i32 to index
          %swap3A_1080 = arith.constant 32 : index
          %swap3A_1081 = tpu.vector_load %arg12[%swap3A_1079, %swap3A_1080] {strides = array<i32>} : memref<80x128xf32, #tpu.memory_space<vmem>>, vector<1x16xf32>,
          %swap3A_1082 = vector.shape_cast %swap3A_1081 : vector<1x16xf32> to vector<16xf32>
          %swap3A_1083 = vector.shape_cast %mul3A_1078 : vector<16xf32> to vector<1x16xf32>
          tpu.vector_store %arg12[%swap3A_1079, %swap3A_1080], %swap3A_1083 {strides = array<i32>} : memref<80x128xf32, #tpu.memory_space<vmem>>, vector<1x16xf32>,
          %get3A_1084 = arith.index_cast %add3A_1050 : i32 to index
          %get3A_1085 = arith.constant 48 : index
          %get3A_1086 = tpu.vector_load %arg12[%get3A_1084, %get3A_1085] {strides = array<i32>} : memref<80x128xf32, #tpu.memory_space<vmem>>, vector<1x16xf32>,
          %get3A_1087 = vector.shape_cast %get3A_1086 : vector<1x16xf32> to vector<16xf32>
          %mul3A_1088 = vector.broadcast %squeeze3A_1046 : f32 to vector<16xf32>
          %mul3A_1089 = arith.mulf %get3A_1087, %mul3A_1088 : vector<16xf32>
          %swap3A_1090 = arith.index_cast %add3A_1050 : i32 to index
          %swap3A_1091 = arith.constant 48 : index
          %swap3A_1092 = tpu.vector_load %arg12[%swap3A_1090, %swap3A_1091] {strides = array<i32>} : memref<80x128xf32, #tpu.memory_space<vmem>>, vector<1x16xf32>,
          %swap3A_1093 = vector.shape_cast %swap3A_1092 : vector<1x16xf32> to vector<16xf32>
          %swap3A_1094 = vector.shape_cast %mul3A_1089 : vector<16xf32> to vector<1x16xf32>
          tpu.vector_store %arg12[%swap3A_1090, %swap3A_1091], %swap3A_1094 {strides = array<i32>} : memref<80x128xf32, #tpu.memory_space<vmem>>, vector<1x16xf32>,
          %get3A_1095 = arith.index_cast %add3A_1050 : i32 to index
          %get3A_1096 = arith.constant 64 : index
          %get3A_1097 = tpu.vector_load %arg12[%get3A_1095, %get3A_1096] {strides = array<i32>} : memref<80x128xf32, #tpu.memory_space<vmem>>, vector<1x16xf32>,
          %get3A_1098 = vector.shape_cast %get3A_1097 : vector<1x16xf32> to vector<16xf32>
          %mul3A_1099 = vector.broadcast %squeeze3A_1046 : f32 to vector<16xf32>
          %mul3A_1100 = arith.mulf %get3A_1098, %mul3A_1099 : vector<16xf32>
          %swap3A_1101 = arith.index_cast %add3A_1050 : i32 to index
          %swap3A_1102 = arith.constant 64 : index
          %swap3A_1103 = tpu.vector_load %arg12[%swap3A_1101, %swap3A_1102] {strides = array<i32>} : memref<80x128xf32, #tpu.memory_space<vmem>>, vector<1x16xf32>,
          %swap3A_1104 = vector.shape_cast %swap3A_1103 : vector<1x16xf32> to vector<16xf32>
          %swap3A_1105 = vector.shape_cast %mul3A_1100 : vector<16xf32> to vector<1x16xf32>
          tpu.vector_store %arg12[%swap3A_1101, %swap3A_1102], %swap3A_1105 {strides = array<i32>} : memref<80x128xf32, #tpu.memory_space<vmem>>, vector<1x16xf32>,
          %get3A_1106 = arith.index_cast %add3A_1050 : i32 to index
          %get3A_1107 = arith.constant 80 : index
          %get3A_1108 = tpu.vector_load %arg12[%get3A_1106, %get3A_1107] {strides = array<i32>} : memref<80x128xf32, #tpu.memory_space<vmem>>, vector<1x16xf32>,
          %get3A_1109 = vector.shape_cast %get3A_1108 : vector<1x16xf32> to vector<16xf32>
          %mul3A_1110 = vector.broadcast %squeeze3A_1046 : f32 to vector<16xf32>
          %mul3A_1111 = arith.mulf %get3A_1109, %mul3A_1110 : vector<16xf32>
          %swap3A_1112 = arith.index_cast %add3A_1050 : i32 to index
          %swap3A_1113 = arith.constant 80 : index
          %swap3A_1114 = tpu.vector_load %arg12[%swap3A_1112, %swap3A_1113] {strides = array<i32>} : memref<80x128xf32, #tpu.memory_space<vmem>>, vector<1x16xf32>,
          %swap3A_1115 = vector.shape_cast %swap3A_1114 : vector<1x16xf32> to vector<16xf32>
          %swap3A_1116 = vector.shape_cast %mul3A_1111 : vector<16xf32> to vector<1x16xf32>
          tpu.vector_store %arg12[%swap3A_1112, %swap3A_1113], %swap3A_1116 {strides = array<i32>} : memref<80x128xf32, #tpu.memory_space<vmem>>, vector<1x16xf32>,
          %get3A_1117 = arith.index_cast %add3A_1050 : i32 to index
          %get3A_1118 = arith.constant 96 : index
          %get3A_1119 = tpu.vector_load %arg12[%get3A_1117, %get3A_1118] {strides = array<i32>} : memref<80x128xf32, #tpu.memory_space<vmem>>, vector<1x16xf32>,
          %get3A_1120 = vector.shape_cast %get3A_1119 : vector<1x16xf32> to vector<16xf32>
          %mul3A_1121 = vector.broadcast %squeeze3A_1046 : f32 to vector<16xf32>
          %mul3A_1122 = arith.mulf %get3A_1120, %mul3A_1121 : vector<16xf32>
          %swap3A_1123 = arith.index_cast %add3A_1050 : i32 to index
          %swap3A_1124 = arith.constant 96 : index
          %swap3A_1125 = tpu.vector_load %arg12[%swap3A_1123, %swap3A_1124] {strides = array<i32>} : memref<80x128xf32, #tpu.memory_space<vmem>>, vector<1x16xf32>,
          %swap3A_1126 = vector.shape_cast %swap3A_1125 : vector<1x16xf32> to vector<16xf32>
          %swap3A_1127 = vector.shape_cast %mul3A_1122 : vector<16xf32> to vector<1x16xf32>
          tpu.vector_store %arg12[%swap3A_1123, %swap3A_1124], %swap3A_1127 {strides = array<i32>} : memref<80x128xf32, #tpu.memory_space<vmem>>, vector<1x16xf32>,
          %get3A_1128 = arith.index_cast %add3A_1050 : i32 to index
          %get3A_1129 = arith.constant 112 : index
          %get3A_1130 = tpu.vector_load %arg12[%get3A_1128, %get3A_1129] {strides = array<i32>} : memref<80x128xf32, #tpu.memory_space<vmem>>, vector<1x16xf32>,
          %get3A_1131 = vector.shape_cast %get3A_1130 : vector<1x16xf32> to vector<16xf32>
          %mul3A_1132 = vector.broadcast %squeeze3A_1046 : f32 to vector<16xf32>
          %mul3A_1133 = arith.mulf %get3A_1131, %mul3A_1132 : vector<16xf32>
          %swap3A_1134 = arith.index_cast %add3A_1050 : i32 to index
          %swap3A_1135 = arith.constant 112 : index
          %swap3A_1136 = tpu.vector_load %arg12[%swap3A_1134, %swap3A_1135] {strides = array<i32>} : memref<80x128xf32, #tpu.memory_space<vmem>>, vector<1x16xf32>,
          %swap3A_1137 = vector.shape_cast %swap3A_1136 : vector<1x16xf32> to vector<16xf32>
          %swap3A_1138 = vector.shape_cast %mul3A_1133 : vector<16xf32> to vector<1x16xf32>
          tpu.vector_store %arg12[%swap3A_1134, %swap3A_1135], %swap3A_1138 {strides = array<i32>} : memref<80x128xf32, #tpu.memory_space<vmem>>, vector<1x16xf32>,
          %slice3A_1139 = vector.extract_strided_slice %get3A_107 {offsets = [11], sizes = [1], strides = [1]} : vector<16xf32> to vector<1xf32>
          %squeeze3A_1140 = vector.extract %slice3A_1139[0] : f32 from vector<1xf32>
          %mul3A_1141 = arith.constant 16 : i32
          %mul3A_1142 = arith.muli %scan3A_102, %mul3A_1141 : i32
          %add3A_1143 = arith.constant 11 : i32
          %add3A_1144 = arith.addi %mul3A_1142, %add3A_1143 : i32
          %get3A_1145 = arith.index_cast %add3A_1144 : i32 to index
          %get3A_1146 = arith.constant 0 : index
          %get3A_1147 = tpu.vector_load %arg12[%get3A_1145, %get3A_1146] {strides = array<i32>} : memref<80x128xf32, #tpu.memory_space<vmem>>, vector<1x16xf32>,
          %get3A_1148 = vector.shape_cast %get3A_1147 : vector<1x16xf32> to vector<16xf32>
          %mul3A_1149 = vector.broadcast %squeeze3A_1140 : f32 to vector<16xf32>
          %mul3A_1150 = arith.mulf %get3A_1148, %mul3A_1149 : vector<16xf32>
          %swap3A_1151 = arith.index_cast %add3A_1144 : i32 to index
          %swap3A_1152 = arith.constant 0 : index
          %swap3A_1153 = tpu.vector_load %arg12[%swap3A_1151, %swap3A_1152] {strides = array<i32>} : memref<80x128xf32, #tpu.memory_space<vmem>>, vector<1x16xf32>,
          %swap3A_1154 = vector.shape_cast %swap3A_1153 : vector<1x16xf32> to vector<16xf32>
          %swap3A_1155 = vector.shape_cast %mul3A_1150 : vector<16xf32> to vector<1x16xf32>
          tpu.vector_store %arg12[%swap3A_1151, %swap3A_1152], %swap3A_1155 {strides = array<i32>} : memref<80x128xf32, #tpu.memory_space<vmem>>, vector<1x16xf32>,
          %get3A_1156 = arith.index_cast %add3A_1144 : i32 to index
          %get3A_1157 = arith.constant 16 : index
          %get3A_1158 = tpu.vector_load %arg12[%get3A_1156, %get3A_1157] {strides = array<i32>} : memref<80x128xf32, #tpu.memory_space<vmem>>, vector<1x16xf32>,
          %get3A_1159 = vector.shape_cast %get3A_1158 : vector<1x16xf32> to vector<16xf32>
          %mul3A_1160 = vector.broadcast %squeeze3A_1140 : f32 to vector<16xf32>
          %mul3A_1161 = arith.mulf %get3A_1159, %mul3A_1160 : vector<16xf32>
          %swap3A_1162 = arith.index_cast %add3A_1144 : i32 to index
          %swap3A_1163 = arith.constant 16 : index
          %swap3A_1164 = tpu.vector_load %arg12[%swap3A_1162, %swap3A_1163] {strides = array<i32>} : memref<80x128xf32, #tpu.memory_space<vmem>>, vector<1x16xf32>,
          %swap3A_1165 = vector.shape_cast %swap3A_1164 : vector<1x16xf32> to vector<16xf32>
          %swap3A_1166 = vector.shape_cast %mul3A_1161 : vector<16xf32> to vector<1x16xf32>
          tpu.vector_store %arg12[%swap3A_1162, %swap3A_1163], %swap3A_1166 {strides = array<i32>} : memref<80x128xf32, #tpu.memory_space<vmem>>, vector<1x16xf32>,
          %get3A_1167 = arith.index_cast %add3A_1144 : i32 to index
          %get3A_1168 = arith.constant 32 : index
          %get3A_1169 = tpu.vector_load %arg12[%get3A_1167, %get3A_1168] {strides = array<i32>} : memref<80x128xf32, #tpu.memory_space<vmem>>, vector<1x16xf32>,
          %get3A_1170 = vector.shape_cast %get3A_1169 : vector<1x16xf32> to vector<16xf32>
          %mul3A_1171 = vector.broadcast %squeeze3A_1140 : f32 to vector<16xf32>
          %mul3A_1172 = arith.mulf %get3A_1170, %mul3A_1171 : vector<16xf32>
          %swap3A_1173 = arith.index_cast %add3A_1144 : i32 to index
          %swap3A_1174 = arith.constant 32 : index
          %swap3A_1175 = tpu.vector_load %arg12[%swap3A_1173, %swap3A_1174] {strides = array<i32>} : memref<80x128xf32, #tpu.memory_space<vmem>>, vector<1x16xf32>,
          %swap3A_1176 = vector.shape_cast %swap3A_1175 : vector<1x16xf32> to vector<16xf32>
          %swap3A_1177 = vector.shape_cast %mul3A_1172 : vector<16xf32> to vector<1x16xf32>
          tpu.vector_store %arg12[%swap3A_1173, %swap3A_1174], %swap3A_1177 {strides = array<i32>} : memref<80x128xf32, #tpu.memory_space<vmem>>, vector<1x16xf32>,
          %get3A_1178 = arith.index_cast %add3A_1144 : i32 to index
          %get3A_1179 = arith.constant 48 : index
          %get3A_1180 = tpu.vector_load %arg12[%get3A_1178, %get3A_1179] {strides = array<i32>} : memref<80x128xf32, #tpu.memory_space<vmem>>, vector<1x16xf32>,
          %get3A_1181 = vector.shape_cast %get3A_1180 : vector<1x16xf32> to vector<16xf32>
          %mul3A_1182 = vector.broadcast %squeeze3A_1140 : f32 to vector<16xf32>
          %mul3A_1183 = arith.mulf %get3A_1181, %mul3A_1182 : vector<16xf32>
          %swap3A_1184 = arith.index_cast %add3A_1144 : i32 to index
          %swap3A_1185 = arith.constant 48 : index
          %swap3A_1186 = tpu.vector_load %arg12[%swap3A_1184, %swap3A_1185] {strides = array<i32>} : memref<80x128xf32, #tpu.memory_space<vmem>>, vector<1x16xf32>,
          %swap3A_1187 = vector.shape_cast %swap3A_1186 : vector<1x16xf32> to vector<16xf32>
          %swap3A_1188 = vector.shape_cast %mul3A_1183 : vector<16xf32> to vector<1x16xf32>
          tpu.vector_store %arg12[%swap3A_1184, %swap3A_1185], %swap3A_1188 {strides = array<i32>} : memref<80x128xf32, #tpu.memory_space<vmem>>, vector<1x16xf32>,
          %get3A_1189 = arith.index_cast %add3A_1144 : i32 to index
          %get3A_1190 = arith.constant 64 : index
          %get3A_1191 = tpu.vector_load %arg12[%get3A_1189, %get3A_1190] {strides = array<i32>} : memref<80x128xf32, #tpu.memory_space<vmem>>, vector<1x16xf32>,
          %get3A_1192 = vector.shape_cast %get3A_1191 : vector<1x16xf32> to vector<16xf32>
          %mul3A_1193 = vector.broadcast %squeeze3A_1140 : f32 to vector<16xf32>
          %mul3A_1194 = arith.mulf %get3A_1192, %mul3A_1193 : vector<16xf32>
          %swap3A_1195 = arith.index_cast %add3A_1144 : i32 to index
          %swap3A_1196 = arith.constant 64 : index
          %swap3A_1197 = tpu.vector_load %arg12[%swap3A_1195, %swap3A_1196] {strides = array<i32>} : memref<80x128xf32, #tpu.memory_space<vmem>>, vector<1x16xf32>,
          %swap3A_1198 = vector.shape_cast %swap3A_1197 : vector<1x16xf32> to vector<16xf32>
          %swap3A_1199 = vector.shape_cast %mul3A_1194 : vector<16xf32> to vector<1x16xf32>
          tpu.vector_store %arg12[%swap3A_1195, %swap3A_1196], %swap3A_1199 {strides = array<i32>} : memref<80x128xf32, #tpu.memory_space<vmem>>, vector<1x16xf32>,
          %get3A_1200 = arith.index_cast %add3A_1144 : i32 to index
          %get3A_1201 = arith.constant 80 : index
          %get3A_1202 = tpu.vector_load %arg12[%get3A_1200, %get3A_1201] {strides = array<i32>} : memref<80x128xf32, #tpu.memory_space<vmem>>, vector<1x16xf32>,
          %get3A_1203 = vector.shape_cast %get3A_1202 : vector<1x16xf32> to vector<16xf32>
          %mul3A_1204 = vector.broadcast %squeeze3A_1140 : f32 to vector<16xf32>
          %mul3A_1205 = arith.mulf %get3A_1203, %mul3A_1204 : vector<16xf32>
          %swap3A_1206 = arith.index_cast %add3A_1144 : i32 to index
          %swap3A_1207 = arith.constant 80 : index
          %swap3A_1208 = tpu.vector_load %arg12[%swap3A_1206, %swap3A_1207] {strides = array<i32>} : memref<80x128xf32, #tpu.memory_space<vmem>>, vector<1x16xf32>,
          %swap3A_1209 = vector.shape_cast %swap3A_1208 : vector<1x16xf32> to vector<16xf32>
          %swap3A_1210 = vector.shape_cast %mul3A_1205 : vector<16xf32> to vector<1x16xf32>
          tpu.vector_store %arg12[%swap3A_1206, %swap3A_1207], %swap3A_1210 {strides = array<i32>} : memref<80x128xf32, #tpu.memory_space<vmem>>, vector<1x16xf32>,
          %get3A_1211 = arith.index_cast %add3A_1144 : i32 to index
          %get3A_1212 = arith.constant 96 : index
          %get3A_1213 = tpu.vector_load %arg12[%get3A_1211, %get3A_1212] {strides = array<i32>} : memref<80x128xf32, #tpu.memory_space<vmem>>, vector<1x16xf32>,
          %get3A_1214 = vector.shape_cast %get3A_1213 : vector<1x16xf32> to vector<16xf32>
          %mul3A_1215 = vector.broadcast %squeeze3A_1140 : f32 to vector<16xf32>
          %mul3A_1216 = arith.mulf %get3A_1214, %mul3A_1215 : vector<16xf32>
          %swap3A_1217 = arith.index_cast %add3A_1144 : i32 to index
          %swap3A_1218 = arith.constant 96 : index
          %swap3A_1219 = tpu.vector_load %arg12[%swap3A_1217, %swap3A_1218] {strides = array<i32>} : memref<80x128xf32, #tpu.memory_space<vmem>>, vector<1x16xf32>,
          %swap3A_1220 = vector.shape_cast %swap3A_1219 : vector<1x16xf32> to vector<16xf32>
          %swap3A_1221 = vector.shape_cast %mul3A_1216 : vector<16xf32> to vector<1x16xf32>
          tpu.vector_store %arg12[%swap3A_1217, %swap3A_1218], %swap3A_1221 {strides = array<i32>} : memref<80x128xf32, #tpu.memory_space<vmem>>, vector<1x16xf32>,
          %get3A_1222 = arith.index_cast %add3A_1144 : i32 to index
          %get3A_1223 = arith.constant 112 : index
          %get3A_1224 = tpu.vector_load %arg12[%get3A_1222, %get3A_1223] {strides = array<i32>} : memref<80x128xf32, #tpu.memory_space<vmem>>, vector<1x16xf32>,
          %get3A_1225 = vector.shape_cast %get3A_1224 : vector<1x16xf32> to vector<16xf32>
          %mul3A_1226 = vector.broadcast %squeeze3A_1140 : f32 to vector<16xf32>
          %mul3A_1227 = arith.mulf %get3A_1225, %mul3A_1226 : vector<16xf32>
          %swap3A_1228 = arith.index_cast %add3A_1144 : i32 to index
          %swap3A_1229 = arith.constant 112 : index
          %swap3A_1230 = tpu.vector_load %arg12[%swap3A_1228, %swap3A_1229] {strides = array<i32>} : memref<80x128xf32, #tpu.memory_space<vmem>>, vector<1x16xf32>,
          %swap3A_1231 = vector.shape_cast %swap3A_1230 : vector<1x16xf32> to vector<16xf32>
          %swap3A_1232 = vector.shape_cast %mul3A_1227 : vector<16xf32> to vector<1x16xf32>
          tpu.vector_store %arg12[%swap3A_1228, %swap3A_1229], %swap3A_1232 {strides = array<i32>} : memref<80x128xf32, #tpu.memory_space<vmem>>, vector<1x16xf32>,
          %slice3A_1233 = vector.extract_strided_slice %get3A_107 {offsets = [12], sizes = [1], strides = [1]} : vector<16xf32> to vector<1xf32>
          %squeeze3A_1234 = vector.extract %slice3A_1233[0] : f32 from vector<1xf32>
          %mul3A_1235 = arith.constant 16 : i32
          %mul3A_1236 = arith.muli %scan3A_102, %mul3A_1235 : i32
          %add3A_1237 = arith.constant 12 : i32
          %add3A_1238 = arith.addi %mul3A_1236, %add3A_1237 : i32
          %get3A_1239 = arith.index_cast %add3A_1238 : i32 to index
          %get3A_1240 = arith.constant 0 : index
          %get3A_1241 = tpu.vector_load %arg12[%get3A_1239, %get3A_1240] {strides = array<i32>} : memref<80x128xf32, #tpu.memory_space<vmem>>, vector<1x16xf32>,
          %get3A_1242 = vector.shape_cast %get3A_1241 : vector<1x16xf32> to vector<16xf32>
          %mul3A_1243 = vector.broadcast %squeeze3A_1234 : f32 to vector<16xf32>
          %mul3A_1244 = arith.mulf %get3A_1242, %mul3A_1243 : vector<16xf32>
          %swap3A_1245 = arith.index_cast %add3A_1238 : i32 to index
          %swap3A_1246 = arith.constant 0 : index
          %swap3A_1247 = tpu.vector_load %arg12[%swap3A_1245, %swap3A_1246] {strides = array<i32>} : memref<80x128xf32, #tpu.memory_space<vmem>>, vector<1x16xf32>,
          %swap3A_1248 = vector.shape_cast %swap3A_1247 : vector<1x16xf32> to vector<16xf32>
          %swap3A_1249 = vector.shape_cast %mul3A_1244 : vector<16xf32> to vector<1x16xf32>
          tpu.vector_store %arg12[%swap3A_1245, %swap3A_1246], %swap3A_1249 {strides = array<i32>} : memref<80x128xf32, #tpu.memory_space<vmem>>, vector<1x16xf32>,
          %get3A_1250 = arith.index_cast %add3A_1238 : i32 to index
          %get3A_1251 = arith.constant 16 : index
          %get3A_1252 = tpu.vector_load %arg12[%get3A_1250, %get3A_1251] {strides = array<i32>} : memref<80x128xf32, #tpu.memory_space<vmem>>, vector<1x16xf32>,
          %get3A_1253 = vector.shape_cast %get3A_1252 : vector<1x16xf32> to vector<16xf32>
          %mul3A_1254 = vector.broadcast %squeeze3A_1234 : f32 to vector<16xf32>
          %mul3A_1255 = arith.mulf %get3A_1253, %mul3A_1254 : vector<16xf32>
          %swap3A_1256 = arith.index_cast %add3A_1238 : i32 to index
          %swap3A_1257 = arith.constant 16 : index
          %swap3A_1258 = tpu.vector_load %arg12[%swap3A_1256, %swap3A_1257] {strides = array<i32>} : memref<80x128xf32, #tpu.memory_space<vmem>>, vector<1x16xf32>,
          %swap3A_1259 = vector.shape_cast %swap3A_1258 : vector<1x16xf32> to vector<16xf32>
          %swap3A_1260 = vector.shape_cast %mul3A_1255 : vector<16xf32> to vector<1x16xf32>
          tpu.vector_store %arg12[%swap3A_1256, %swap3A_1257], %swap3A_1260 {strides = array<i32>} : memref<80x128xf32, #tpu.memory_space<vmem>>, vector<1x16xf32>,
          %get3A_1261 = arith.index_cast %add3A_1238 : i32 to index
          %get3A_1262 = arith.constant 32 : index
          %get3A_1263 = tpu.vector_load %arg12[%get3A_1261, %get3A_1262] {strides = array<i32>} : memref<80x128xf32, #tpu.memory_space<vmem>>, vector<1x16xf32>,
          %get3A_1264 = vector.shape_cast %get3A_1263 : vector<1x16xf32> to vector<16xf32>
          %mul3A_1265 = vector.broadcast %squeeze3A_1234 : f32 to vector<16xf32>
          %mul3A_1266 = arith.mulf %get3A_1264, %mul3A_1265 : vector<16xf32>
          %swap3A_1267 = arith.index_cast %add3A_1238 : i32 to index
          %swap3A_1268 = arith.constant 32 : index
          %swap3A_1269 = tpu.vector_load %arg12[%swap3A_1267, %swap3A_1268] {strides = array<i32>} : memref<80x128xf32, #tpu.memory_space<vmem>>, vector<1x16xf32>,
          %swap3A_1270 = vector.shape_cast %swap3A_1269 : vector<1x16xf32> to vector<16xf32>
          %swap3A_1271 = vector.shape_cast %mul3A_1266 : vector<16xf32> to vector<1x16xf32>
          tpu.vector_store %arg12[%swap3A_1267, %swap3A_1268], %swap3A_1271 {strides = array<i32>} : memref<80x128xf32, #tpu.memory_space<vmem>>, vector<1x16xf32>,
          %get3A_1272 = arith.index_cast %add3A_1238 : i32 to index
          %get3A_1273 = arith.constant 48 : index
          %get3A_1274 = tpu.vector_load %arg12[%get3A_1272, %get3A_1273] {strides = array<i32>} : memref<80x128xf32, #tpu.memory_space<vmem>>, vector<1x16xf32>,
          %get3A_1275 = vector.shape_cast %get3A_1274 : vector<1x16xf32> to vector<16xf32>
          %mul3A_1276 = vector.broadcast %squeeze3A_1234 : f32 to vector<16xf32>
          %mul3A_1277 = arith.mulf %get3A_1275, %mul3A_1276 : vector<16xf32>
          %swap3A_1278 = arith.index_cast %add3A_1238 : i32 to index
          %swap3A_1279 = arith.constant 48 : index
          %swap3A_1280 = tpu.vector_load %arg12[%swap3A_1278, %swap3A_1279] {strides = array<i32>} : memref<80x128xf32, #tpu.memory_space<vmem>>, vector<1x16xf32>,
          %swap3A_1281 = vector.shape_cast %swap3A_1280 : vector<1x16xf32> to vector<16xf32>
          %swap3A_1282 = vector.shape_cast %mul3A_1277 : vector<16xf32> to vector<1x16xf32>
          tpu.vector_store %arg12[%swap3A_1278, %swap3A_1279], %swap3A_1282 {strides = array<i32>} : memref<80x128xf32, #tpu.memory_space<vmem>>, vector<1x16xf32>,
          %get3A_1283 = arith.index_cast %add3A_1238 : i32 to index
          %get3A_1284 = arith.constant 64 : index
          %get3A_1285 = tpu.vector_load %arg12[%get3A_1283, %get3A_1284] {strides = array<i32>} : memref<80x128xf32, #tpu.memory_space<vmem>>, vector<1x16xf32>,
          %get3A_1286 = vector.shape_cast %get3A_1285 : vector<1x16xf32> to vector<16xf32>
          %mul3A_1287 = vector.broadcast %squeeze3A_1234 : f32 to vector<16xf32>
          %mul3A_1288 = arith.mulf %get3A_1286, %mul3A_1287 : vector<16xf32>
          %swap3A_1289 = arith.index_cast %add3A_1238 : i32 to index
          %swap3A_1290 = arith.constant 64 : index
          %swap3A_1291 = tpu.vector_load %arg12[%swap3A_1289, %swap3A_1290] {strides = array<i32>} : memref<80x128xf32, #tpu.memory_space<vmem>>, vector<1x16xf32>,
          %swap3A_1292 = vector.shape_cast %swap3A_1291 : vector<1x16xf32> to vector<16xf32>
          %swap3A_1293 = vector.shape_cast %mul3A_1288 : vector<16xf32> to vector<1x16xf32>
          tpu.vector_store %arg12[%swap3A_1289, %swap3A_1290], %swap3A_1293 {strides = array<i32>} : memref<80x128xf32, #tpu.memory_space<vmem>>, vector<1x16xf32>,
          %get3A_1294 = arith.index_cast %add3A_1238 : i32 to index
          %get3A_1295 = arith.constant 80 : index
          %get3A_1296 = tpu.vector_load %arg12[%get3A_1294, %get3A_1295] {strides = array<i32>} : memref<80x128xf32, #tpu.memory_space<vmem>>, vector<1x16xf32>,
          %get3A_1297 = vector.shape_cast %get3A_1296 : vector<1x16xf32> to vector<16xf32>
          %mul3A_1298 = vector.broadcast %squeeze3A_1234 : f32 to vector<16xf32>
          %mul3A_1299 = arith.mulf %get3A_1297, %mul3A_1298 : vector<16xf32>
          %swap3A_1300 = arith.index_cast %add3A_1238 : i32 to index
          %swap3A_1301 = arith.constant 80 : index
          %swap3A_1302 = tpu.vector_load %arg12[%swap3A_1300, %swap3A_1301] {strides = array<i32>} : memref<80x128xf32, #tpu.memory_space<vmem>>, vector<1x16xf32>,
          %swap3A_1303 = vector.shape_cast %swap3A_1302 : vector<1x16xf32> to vector<16xf32>
          %swap3A_1304 = vector.shape_cast %mul3A_1299 : vector<16xf32> to vector<1x16xf32>
          tpu.vector_store %arg12[%swap3A_1300, %swap3A_1301], %swap3A_1304 {strides = array<i32>} : memref<80x128xf32, #tpu.memory_space<vmem>>, vector<1x16xf32>,
          %get3A_1305 = arith.index_cast %add3A_1238 : i32 to index
          %get3A_1306 = arith.constant 96 : index
          %get3A_1307 = tpu.vector_load %arg12[%get3A_1305, %get3A_1306] {strides = array<i32>} : memref<80x128xf32, #tpu.memory_space<vmem>>, vector<1x16xf32>,
          %get3A_1308 = vector.shape_cast %get3A_1307 : vector<1x16xf32> to vector<16xf32>
          %mul3A_1309 = vector.broadcast %squeeze3A_1234 : f32 to vector<16xf32>
          %mul3A_1310 = arith.mulf %get3A_1308, %mul3A_1309 : vector<16xf32>
          %swap3A_1311 = arith.index_cast %add3A_1238 : i32 to index
          %swap3A_1312 = arith.constant 96 : index
          %swap3A_1313 = tpu.vector_load %arg12[%swap3A_1311, %swap3A_1312] {strides = array<i32>} : memref<80x128xf32, #tpu.memory_space<vmem>>, vector<1x16xf32>,
          %swap3A_1314 = vector.shape_cast %swap3A_1313 : vector<1x16xf32> to vector<16xf32>
          %swap3A_1315 = vector.shape_cast %mul3A_1310 : vector<16xf32> to vector<1x16xf32>
          tpu.vector_store %arg12[%swap3A_1311, %swap3A_1312], %swap3A_1315 {strides = array<i32>} : memref<80x128xf32, #tpu.memory_space<vmem>>, vector<1x16xf32>,
          %get3A_1316 = arith.index_cast %add3A_1238 : i32 to index
          %get3A_1317 = arith.constant 112 : index
          %get3A_1318 = tpu.vector_load %arg12[%get3A_1316, %get3A_1317] {strides = array<i32>} : memref<80x128xf32, #tpu.memory_space<vmem>>, vector<1x16xf32>,
          %get3A_1319 = vector.shape_cast %get3A_1318 : vector<1x16xf32> to vector<16xf32>
          %mul3A_1320 = vector.broadcast %squeeze3A_1234 : f32 to vector<16xf32>
          %mul3A_1321 = arith.mulf %get3A_1319, %mul3A_1320 : vector<16xf32>
          %swap3A_1322 = arith.index_cast %add3A_1238 : i32 to index
          %swap3A_1323 = arith.constant 112 : index
          %swap3A_1324 = tpu.vector_load %arg12[%swap3A_1322, %swap3A_1323] {strides = array<i32>} : memref<80x128xf32, #tpu.memory_space<vmem>>, vector<1x16xf32>,
          %swap3A_1325 = vector.shape_cast %swap3A_1324 : vector<1x16xf32> to vector<16xf32>
          %swap3A_1326 = vector.shape_cast %mul3A_1321 : vector<16xf32> to vector<1x16xf32>
          tpu.vector_store %arg12[%swap3A_1322, %swap3A_1323], %swap3A_1326 {strides = array<i32>} : memref<80x128xf32, #tpu.memory_space<vmem>>, vector<1x16xf32>,
          %slice3A_1327 = vector.extract_strided_slice %get3A_107 {offsets = [13], sizes = [1], strides = [1]} : vector<16xf32> to vector<1xf32>
          %squeeze3A_1328 = vector.extract %slice3A_1327[0] : f32 from vector<1xf32>
          %mul3A_1329 = arith.constant 16 : i32
          %mul3A_1330 = arith.muli %scan3A_102, %mul3A_1329 : i32
          %add3A_1331 = arith.constant 13 : i32
          %add3A_1332 = arith.addi %mul3A_1330, %add3A_1331 : i32
          %get3A_1333 = arith.index_cast %add3A_1332 : i32 to index
          %get3A_1334 = arith.constant 0 : index
          %get3A_1335 = tpu.vector_load %arg12[%get3A_1333, %get3A_1334] {strides = array<i32>} : memref<80x128xf32, #tpu.memory_space<vmem>>, vector<1x16xf32>,
          %get3A_1336 = vector.shape_cast %get3A_1335 : vector<1x16xf32> to vector<16xf32>
          %mul3A_1337 = vector.broadcast %squeeze3A_1328 : f32 to vector<16xf32>
          %mul3A_1338 = arith.mulf %get3A_1336, %mul3A_1337 : vector<16xf32>
          %swap3A_1339 = arith.index_cast %add3A_1332 : i32 to index
          %swap3A_1340 = arith.constant 0 : index
          %swap3A_1341 = tpu.vector_load %arg12[%swap3A_1339, %swap3A_1340] {strides = array<i32>} : memref<80x128xf32, #tpu.memory_space<vmem>>, vector<1x16xf32>,
          %swap3A_1342 = vector.shape_cast %swap3A_1341 : vector<1x16xf32> to vector<16xf32>
          %swap3A_1343 = vector.shape_cast %mul3A_1338 : vector<16xf32> to vector<1x16xf32>
          tpu.vector_store %arg12[%swap3A_1339, %swap3A_1340], %swap3A_1343 {strides = array<i32>} : memref<80x128xf32, #tpu.memory_space<vmem>>, vector<1x16xf32>,
          %get3A_1344 = arith.index_cast %add3A_1332 : i32 to index
          %get3A_1345 = arith.constant 16 : index
          %get3A_1346 = tpu.vector_load %arg12[%get3A_1344, %get3A_1345] {strides = array<i32>} : memref<80x128xf32, #tpu.memory_space<vmem>>, vector<1x16xf32>,
          %get3A_1347 = vector.shape_cast %get3A_1346 : vector<1x16xf32> to vector<16xf32>
          %mul3A_1348 = vector.broadcast %squeeze3A_1328 : f32 to vector<16xf32>
          %mul3A_1349 = arith.mulf %get3A_1347, %mul3A_1348 : vector<16xf32>
          %swap3A_1350 = arith.index_cast %add3A_1332 : i32 to index
          %swap3A_1351 = arith.constant 16 : index
          %swap3A_1352 = tpu.vector_load %arg12[%swap3A_1350, %swap3A_1351] {strides = array<i32>} : memref<80x128xf32, #tpu.memory_space<vmem>>, vector<1x16xf32>,
          %swap3A_1353 = vector.shape_cast %swap3A_1352 : vector<1x16xf32> to vector<16xf32>
          %swap3A_1354 = vector.shape_cast %mul3A_1349 : vector<16xf32> to vector<1x16xf32>
          tpu.vector_store %arg12[%swap3A_1350, %swap3A_1351], %swap3A_1354 {strides = array<i32>} : memref<80x128xf32, #tpu.memory_space<vmem>>, vector<1x16xf32>,
          %get3A_1355 = arith.index_cast %add3A_1332 : i32 to index
          %get3A_1356 = arith.constant 32 : index
          %get3A_1357 = tpu.vector_load %arg12[%get3A_1355, %get3A_1356] {strides = array<i32>} : memref<80x128xf32, #tpu.memory_space<vmem>>, vector<1x16xf32>,
          %get3A_1358 = vector.shape_cast %get3A_1357 : vector<1x16xf32> to vector<16xf32>
          %mul3A_1359 = vector.broadcast %squeeze3A_1328 : f32 to vector<16xf32>
          %mul3A_1360 = arith.mulf %get3A_1358, %mul3A_1359 : vector<16xf32>
          %swap3A_1361 = arith.index_cast %add3A_1332 : i32 to index
          %swap3A_1362 = arith.constant 32 : index
          %swap3A_1363 = tpu.vector_load %arg12[%swap3A_1361, %swap3A_1362] {strides = array<i32>} : memref<80x128xf32, #tpu.memory_space<vmem>>, vector<1x16xf32>,
          %swap3A_1364 = vector.shape_cast %swap3A_1363 : vector<1x16xf32> to vector<16xf32>
          %swap3A_1365 = vector.shape_cast %mul3A_1360 : vector<16xf32> to vector<1x16xf32>
          tpu.vector_store %arg12[%swap3A_1361, %swap3A_1362], %swap3A_1365 {strides = array<i32>} : memref<80x128xf32, #tpu.memory_space<vmem>>, vector<1x16xf32>,
          %get3A_1366 = arith.index_cast %add3A_1332 : i32 to index
          %get3A_1367 = arith.constant 48 : index
          %get3A_1368 = tpu.vector_load %arg12[%get3A_1366, %get3A_1367] {strides = array<i32>} : memref<80x128xf32, #tpu.memory_space<vmem>>, vector<1x16xf32>,
          %get3A_1369 = vector.shape_cast %get3A_1368 : vector<1x16xf32> to vector<16xf32>
          %mul3A_1370 = vector.broadcast %squeeze3A_1328 : f32 to vector<16xf32>
          %mul3A_1371 = arith.mulf %get3A_1369, %mul3A_1370 : vector<16xf32>
          %swap3A_1372 = arith.index_cast %add3A_1332 : i32 to index
          %swap3A_1373 = arith.constant 48 : index
          %swap3A_1374 = tpu.vector_load %arg12[%swap3A_1372, %swap3A_1373] {strides = array<i32>} : memref<80x128xf32, #tpu.memory_space<vmem>>, vector<1x16xf32>,
          %swap3A_1375 = vector.shape_cast %swap3A_1374 : vector<1x16xf32> to vector<16xf32>
          %swap3A_1376 = vector.shape_cast %mul3A_1371 : vector<16xf32> to vector<1x16xf32>
          tpu.vector_store %arg12[%swap3A_1372, %swap3A_1373], %swap3A_1376 {strides = array<i32>} : memref<80x128xf32, #tpu.memory_space<vmem>>, vector<1x16xf32>,
          %get3A_1377 = arith.index_cast %add3A_1332 : i32 to index
          %get3A_1378 = arith.constant 64 : index
          %get3A_1379 = tpu.vector_load %arg12[%get3A_1377, %get3A_1378] {strides = array<i32>} : memref<80x128xf32, #tpu.memory_space<vmem>>, vector<1x16xf32>,
          %get3A_1380 = vector.shape_cast %get3A_1379 : vector<1x16xf32> to vector<16xf32>
          %mul3A_1381 = vector.broadcast %squeeze3A_1328 : f32 to vector<16xf32>
          %mul3A_1382 = arith.mulf %get3A_1380, %mul3A_1381 : vector<16xf32>
          %swap3A_1383 = arith.index_cast %add3A_1332 : i32 to index
          %swap3A_1384 = arith.constant 64 : index
          %swap3A_1385 = tpu.vector_load %arg12[%swap3A_1383, %swap3A_1384] {strides = array<i32>} : memref<80x128xf32, #tpu.memory_space<vmem>>, vector<1x16xf32>,
          %swap3A_1386 = vector.shape_cast %swap3A_1385 : vector<1x16xf32> to vector<16xf32>
          %swap3A_1387 = vector.shape_cast %mul3A_1382 : vector<16xf32> to vector<1x16xf32>
          tpu.vector_store %arg12[%swap3A_1383, %swap3A_1384], %swap3A_1387 {strides = array<i32>} : memref<80x128xf32, #tpu.memory_space<vmem>>, vector<1x16xf32>,
          %get3A_1388 = arith.index_cast %add3A_1332 : i32 to index
          %get3A_1389 = arith.constant 80 : index
          %get3A_1390 = tpu.vector_load %arg12[%get3A_1388, %get3A_1389] {strides = array<i32>} : memref<80x128xf32, #tpu.memory_space<vmem>>, vector<1x16xf32>,
          %get3A_1391 = vector.shape_cast %get3A_1390 : vector<1x16xf32> to vector<16xf32>
          %mul3A_1392 = vector.broadcast %squeeze3A_1328 : f32 to vector<16xf32>
          %mul3A_1393 = arith.mulf %get3A_1391, %mul3A_1392 : vector<16xf32>
          %swap3A_1394 = arith.index_cast %add3A_1332 : i32 to index
          %swap3A_1395 = arith.constant 80 : index
          %swap3A_1396 = tpu.vector_load %arg12[%swap3A_1394, %swap3A_1395] {strides = array<i32>} : memref<80x128xf32, #tpu.memory_space<vmem>>, vector<1x16xf32>,
          %swap3A_1397 = vector.shape_cast %swap3A_1396 : vector<1x16xf32> to vector<16xf32>
          %swap3A_1398 = vector.shape_cast %mul3A_1393 : vector<16xf32> to vector<1x16xf32>
          tpu.vector_store %arg12[%swap3A_1394, %swap3A_1395], %swap3A_1398 {strides = array<i32>} : memref<80x128xf32, #tpu.memory_space<vmem>>, vector<1x16xf32>,
          %get3A_1399 = arith.index_cast %add3A_1332 : i32 to index
          %get3A_1400 = arith.constant 96 : index
          %get3A_1401 = tpu.vector_load %arg12[%get3A_1399, %get3A_1400] {strides = array<i32>} : memref<80x128xf32, #tpu.memory_space<vmem>>, vector<1x16xf32>,
          %get3A_1402 = vector.shape_cast %get3A_1401 : vector<1x16xf32> to vector<16xf32>
          %mul3A_1403 = vector.broadcast %squeeze3A_1328 : f32 to vector<16xf32>
          %mul3A_1404 = arith.mulf %get3A_1402, %mul3A_1403 : vector<16xf32>
          %swap3A_1405 = arith.index_cast %add3A_1332 : i32 to index
          %swap3A_1406 = arith.constant 96 : index
          %swap3A_1407 = tpu.vector_load %arg12[%swap3A_1405, %swap3A_1406] {strides = array<i32>} : memref<80x128xf32, #tpu.memory_space<vmem>>, vector<1x16xf32>,
          %swap3A_1408 = vector.shape_cast %swap3A_1407 : vector<1x16xf32> to vector<16xf32>
          %swap3A_1409 = vector.shape_cast %mul3A_1404 : vector<16xf32> to vector<1x16xf32>
          tpu.vector_store %arg12[%swap3A_1405, %swap3A_1406], %swap3A_1409 {strides = array<i32>} : memref<80x128xf32, #tpu.memory_space<vmem>>, vector<1x16xf32>,
          %get3A_1410 = arith.index_cast %add3A_1332 : i32 to index
          %get3A_1411 = arith.constant 112 : index
          %get3A_1412 = tpu.vector_load %arg12[%get3A_1410, %get3A_1411] {strides = array<i32>} : memref<80x128xf32, #tpu.memory_space<vmem>>, vector<1x16xf32>,
          %get3A_1413 = vector.shape_cast %get3A_1412 : vector<1x16xf32> to vector<16xf32>
          %mul3A_1414 = vector.broadcast %squeeze3A_1328 : f32 to vector<16xf32>
          %mul3A_1415 = arith.mulf %get3A_1413, %mul3A_1414 : vector<16xf32>
          %swap3A_1416 = arith.index_cast %add3A_1332 : i32 to index
          %swap3A_1417 = arith.constant 112 : index
          %swap3A_1418 = tpu.vector_load %arg12[%swap3A_1416, %swap3A_1417] {strides = array<i32>} : memref<80x128xf32, #tpu.memory_space<vmem>>, vector<1x16xf32>,
          %swap3A_1419 = vector.shape_cast %swap3A_1418 : vector<1x16xf32> to vector<16xf32>
          %swap3A_1420 = vector.shape_cast %mul3A_1415 : vector<16xf32> to vector<1x16xf32>
          tpu.vector_store %arg12[%swap3A_1416, %swap3A_1417], %swap3A_1420 {strides = array<i32>} : memref<80x128xf32, #tpu.memory_space<vmem>>, vector<1x16xf32>,
          %slice3A_1421 = vector.extract_strided_slice %get3A_107 {offsets = [14], sizes = [1], strides = [1]} : vector<16xf32> to vector<1xf32>
          %squeeze3A_1422 = vector.extract %slice3A_1421[0] : f32 from vector<1xf32>
          %mul3A_1423 = arith.constant 16 : i32
          %mul3A_1424 = arith.muli %scan3A_102, %mul3A_1423 : i32
          %add3A_1425 = arith.constant 14 : i32
          %add3A_1426 = arith.addi %mul3A_1424, %add3A_1425 : i32
          %get3A_1427 = arith.index_cast %add3A_1426 : i32 to index
          %get3A_1428 = arith.constant 0 : index
          %get3A_1429 = tpu.vector_load %arg12[%get3A_1427, %get3A_1428] {strides = array<i32>} : memref<80x128xf32, #tpu.memory_space<vmem>>, vector<1x16xf32>,
          %get3A_1430 = vector.shape_cast %get3A_1429 : vector<1x16xf32> to vector<16xf32>
          %mul3A_1431 = vector.broadcast %squeeze3A_1422 : f32 to vector<16xf32>
          %mul3A_1432 = arith.mulf %get3A_1430, %mul3A_1431 : vector<16xf32>
          %swap3A_1433 = arith.index_cast %add3A_1426 : i32 to index
          %swap3A_1434 = arith.constant 0 : index
          %swap3A_1435 = tpu.vector_load %arg12[%swap3A_1433, %swap3A_1434] {strides = array<i32>} : memref<80x128xf32, #tpu.memory_space<vmem>>, vector<1x16xf32>,
          %swap3A_1436 = vector.shape_cast %swap3A_1435 : vector<1x16xf32> to vector<16xf32>
          %swap3A_1437 = vector.shape_cast %mul3A_1432 : vector<16xf32> to vector<1x16xf32>
          tpu.vector_store %arg12[%swap3A_1433, %swap3A_1434], %swap3A_1437 {strides = array<i32>} : memref<80x128xf32, #tpu.memory_space<vmem>>, vector<1x16xf32>,
          %get3A_1438 = arith.index_cast %add3A_1426 : i32 to index
          %get3A_1439 = arith.constant 16 : index
          %get3A_1440 = tpu.vector_load %arg12[%get3A_1438, %get3A_1439] {strides = array<i32>} : memref<80x128xf32, #tpu.memory_space<vmem>>, vector<1x16xf32>,
          %get3A_1441 = vector.shape_cast %get3A_1440 : vector<1x16xf32> to vector<16xf32>
          %mul3A_1442 = vector.broadcast %squeeze3A_1422 : f32 to vector<16xf32>
          %mul3A_1443 = arith.mulf %get3A_1441, %mul3A_1442 : vector<16xf32>
          %swap3A_1444 = arith.index_cast %add3A_1426 : i32 to index
          %swap3A_1445 = arith.constant 16 : index
          %swap3A_1446 = tpu.vector_load %arg12[%swap3A_1444, %swap3A_1445] {strides = array<i32>} : memref<80x128xf32, #tpu.memory_space<vmem>>, vector<1x16xf32>,
          %swap3A_1447 = vector.shape_cast %swap3A_1446 : vector<1x16xf32> to vector<16xf32>
          %swap3A_1448 = vector.shape_cast %mul3A_1443 : vector<16xf32> to vector<1x16xf32>
          tpu.vector_store %arg12[%swap3A_1444, %swap3A_1445], %swap3A_1448 {strides = array<i32>} : memref<80x128xf32, #tpu.memory_space<vmem>>, vector<1x16xf32>,
          %get3A_1449 = arith.index_cast %add3A_1426 : i32 to index
          %get3A_1450 = arith.constant 32 : index
          %get3A_1451 = tpu.vector_load %arg12[%get3A_1449, %get3A_1450] {strides = array<i32>} : memref<80x128xf32, #tpu.memory_space<vmem>>, vector<1x16xf32>,
          %get3A_1452 = vector.shape_cast %get3A_1451 : vector<1x16xf32> to vector<16xf32>
          %mul3A_1453 = vector.broadcast %squeeze3A_1422 : f32 to vector<16xf32>
          %mul3A_1454 = arith.mulf %get3A_1452, %mul3A_1453 : vector<16xf32>
          %swap3A_1455 = arith.index_cast %add3A_1426 : i32 to index
          %swap3A_1456 = arith.constant 32 : index
          %swap3A_1457 = tpu.vector_load %arg12[%swap3A_1455, %swap3A_1456] {strides = array<i32>} : memref<80x128xf32, #tpu.memory_space<vmem>>, vector<1x16xf32>,
          %swap3A_1458 = vector.shape_cast %swap3A_1457 : vector<1x16xf32> to vector<16xf32>
          %swap3A_1459 = vector.shape_cast %mul3A_1454 : vector<16xf32> to vector<1x16xf32>
          tpu.vector_store %arg12[%swap3A_1455, %swap3A_1456], %swap3A_1459 {strides = array<i32>} : memref<80x128xf32, #tpu.memory_space<vmem>>, vector<1x16xf32>,
          %get3A_1460 = arith.index_cast %add3A_1426 : i32 to index
          %get3A_1461 = arith.constant 48 : index
          %get3A_1462 = tpu.vector_load %arg12[%get3A_1460, %get3A_1461] {strides = array<i32>} : memref<80x128xf32, #tpu.memory_space<vmem>>, vector<1x16xf32>,
          %get3A_1463 = vector.shape_cast %get3A_1462 : vector<1x16xf32> to vector<16xf32>
          %mul3A_1464 = vector.broadcast %squeeze3A_1422 : f32 to vector<16xf32>
          %mul3A_1465 = arith.mulf %get3A_1463, %mul3A_1464 : vector<16xf32>
          %swap3A_1466 = arith.index_cast %add3A_1426 : i32 to index
          %swap3A_1467 = arith.constant 48 : index
          %swap3A_1468 = tpu.vector_load %arg12[%swap3A_1466, %swap3A_1467] {strides = array<i32>} : memref<80x128xf32, #tpu.memory_space<vmem>>, vector<1x16xf32>,
          %swap3A_1469 = vector.shape_cast %swap3A_1468 : vector<1x16xf32> to vector<16xf32>
          %swap3A_1470 = vector.shape_cast %mul3A_1465 : vector<16xf32> to vector<1x16xf32>
          tpu.vector_store %arg12[%swap3A_1466, %swap3A_1467], %swap3A_1470 {strides = array<i32>} : memref<80x128xf32, #tpu.memory_space<vmem>>, vector<1x16xf32>,
          %get3A_1471 = arith.index_cast %add3A_1426 : i32 to index
          %get3A_1472 = arith.constant 64 : index
          %get3A_1473 = tpu.vector_load %arg12[%get3A_1471, %get3A_1472] {strides = array<i32>} : memref<80x128xf32, #tpu.memory_space<vmem>>, vector<1x16xf32>,
          %get3A_1474 = vector.shape_cast %get3A_1473 : vector<1x16xf32> to vector<16xf32>
          %mul3A_1475 = vector.broadcast %squeeze3A_1422 : f32 to vector<16xf32>
          %mul3A_1476 = arith.mulf %get3A_1474, %mul3A_1475 : vector<16xf32>
          %swap3A_1477 = arith.index_cast %add3A_1426 : i32 to index
          %swap3A_1478 = arith.constant 64 : index
          %swap3A_1479 = tpu.vector_load %arg12[%swap3A_1477, %swap3A_1478] {strides = array<i32>} : memref<80x128xf32, #tpu.memory_space<vmem>>, vector<1x16xf32>,
          %swap3A_1480 = vector.shape_cast %swap3A_1479 : vector<1x16xf32> to vector<16xf32>
          %swap3A_1481 = vector.shape_cast %mul3A_1476 : vector<16xf32> to vector<1x16xf32>
          tpu.vector_store %arg12[%swap3A_1477, %swap3A_1478], %swap3A_1481 {strides = array<i32>} : memref<80x128xf32, #tpu.memory_space<vmem>>, vector<1x16xf32>,
          %get3A_1482 = arith.index_cast %add3A_1426 : i32 to index
          %get3A_1483 = arith.constant 80 : index
          %get3A_1484 = tpu.vector_load %arg12[%get3A_1482, %get3A_1483] {strides = array<i32>} : memref<80x128xf32, #tpu.memory_space<vmem>>, vector<1x16xf32>,
          %get3A_1485 = vector.shape_cast %get3A_1484 : vector<1x16xf32> to vector<16xf32>
          %mul3A_1486 = vector.broadcast %squeeze3A_1422 : f32 to vector<16xf32>
          %mul3A_1487 = arith.mulf %get3A_1485, %mul3A_1486 : vector<16xf32>
          %swap3A_1488 = arith.index_cast %add3A_1426 : i32 to index
          %swap3A_1489 = arith.constant 80 : index
          %swap3A_1490 = tpu.vector_load %arg12[%swap3A_1488, %swap3A_1489] {strides = array<i32>} : memref<80x128xf32, #tpu.memory_space<vmem>>, vector<1x16xf32>,
          %swap3A_1491 = vector.shape_cast %swap3A_1490 : vector<1x16xf32> to vector<16xf32>
          %swap3A_1492 = vector.shape_cast %mul3A_1487 : vector<16xf32> to vector<1x16xf32>
          tpu.vector_store %arg12[%swap3A_1488, %swap3A_1489], %swap3A_1492 {strides = array<i32>} : memref<80x128xf32, #tpu.memory_space<vmem>>, vector<1x16xf32>,
          %get3A_1493 = arith.index_cast %add3A_1426 : i32 to index
          %get3A_1494 = arith.constant 96 : index
          %get3A_1495 = tpu.vector_load %arg12[%get3A_1493, %get3A_1494] {strides = array<i32>} : memref<80x128xf32, #tpu.memory_space<vmem>>, vector<1x16xf32>,
          %get3A_1496 = vector.shape_cast %get3A_1495 : vector<1x16xf32> to vector<16xf32>
          %mul3A_1497 = vector.broadcast %squeeze3A_1422 : f32 to vector<16xf32>
          %mul3A_1498 = arith.mulf %get3A_1496, %mul3A_1497 : vector<16xf32>
          %swap3A_1499 = arith.index_cast %add3A_1426 : i32 to index
          %swap3A_1500 = arith.constant 96 : index
          %swap3A_1501 = tpu.vector_load %arg12[%swap3A_1499, %swap3A_1500] {strides = array<i32>} : memref<80x128xf32, #tpu.memory_space<vmem>>, vector<1x16xf32>,
          %swap3A_1502 = vector.shape_cast %swap3A_1501 : vector<1x16xf32> to vector<16xf32>
          %swap3A_1503 = vector.shape_cast %mul3A_1498 : vector<16xf32> to vector<1x16xf32>
          tpu.vector_store %arg12[%swap3A_1499, %swap3A_1500], %swap3A_1503 {strides = array<i32>} : memref<80x128xf32, #tpu.memory_space<vmem>>, vector<1x16xf32>,
          %get3A_1504 = arith.index_cast %add3A_1426 : i32 to index
          %get3A_1505 = arith.constant 112 : index
          %get3A_1506 = tpu.vector_load %arg12[%get3A_1504, %get3A_1505] {strides = array<i32>} : memref<80x128xf32, #tpu.memory_space<vmem>>, vector<1x16xf32>,
          %get3A_1507 = vector.shape_cast %get3A_1506 : vector<1x16xf32> to vector<16xf32>
          %mul3A_1508 = vector.broadcast %squeeze3A_1422 : f32 to vector<16xf32>
          %mul3A_1509 = arith.mulf %get3A_1507, %mul3A_1508 : vector<16xf32>
          %swap3A_1510 = arith.index_cast %add3A_1426 : i32 to index
          %swap3A_1511 = arith.constant 112 : index
          %swap3A_1512 = tpu.vector_load %arg12[%swap3A_1510, %swap3A_1511] {strides = array<i32>} : memref<80x128xf32, #tpu.memory_space<vmem>>, vector<1x16xf32>,
          %swap3A_1513 = vector.shape_cast %swap3A_1512 : vector<1x16xf32> to vector<16xf32>
          %swap3A_1514 = vector.shape_cast %mul3A_1509 : vector<16xf32> to vector<1x16xf32>
          tpu.vector_store %arg12[%swap3A_1510, %swap3A_1511], %swap3A_1514 {strides = array<i32>} : memref<80x128xf32, #tpu.memory_space<vmem>>, vector<1x16xf32>,
          %slice3A_1515 = vector.extract_strided_slice %get3A_107 {offsets = [15], sizes = [1], strides = [1]} : vector<16xf32> to vector<1xf32>
          %squeeze3A_1516 = vector.extract %slice3A_1515[0] : f32 from vector<1xf32>
          %mul3A_1517 = arith.constant 16 : i32
          %mul3A_1518 = arith.muli %scan3A_102, %mul3A_1517 : i32
          %add3A_1519 = arith.constant 15 : i32
          %add3A_1520 = arith.addi %mul3A_1518, %add3A_1519 : i32
          %get3A_1521 = arith.index_cast %add3A_1520 : i32 to index
          %get3A_1522 = arith.constant 0 : index
          %get3A_1523 = tpu.vector_load %arg12[%get3A_1521, %get3A_1522] {strides = array<i32>} : memref<80x128xf32, #tpu.memory_space<vmem>>, vector<1x16xf32>,
          %get3A_1524 = vector.shape_cast %get3A_1523 : vector<1x16xf32> to vector<16xf32>
          %mul3A_1525 = vector.broadcast %squeeze3A_1516 : f32 to vector<16xf32>
          %mul3A_1526 = arith.mulf %get3A_1524, %mul3A_1525 : vector<16xf32>
          %swap3A_1527 = arith.index_cast %add3A_1520 : i32 to index
          %swap3A_1528 = arith.constant 0 : index
          %swap3A_1529 = tpu.vector_load %arg12[%swap3A_1527, %swap3A_1528] {strides = array<i32>} : memref<80x128xf32, #tpu.memory_space<vmem>>, vector<1x16xf32>,
          %swap3A_1530 = vector.shape_cast %swap3A_1529 : vector<1x16xf32> to vector<16xf32>
          %swap3A_1531 = vector.shape_cast %mul3A_1526 : vector<16xf32> to vector<1x16xf32>
          tpu.vector_store %arg12[%swap3A_1527, %swap3A_1528], %swap3A_1531 {strides = array<i32>} : memref<80x128xf32, #tpu.memory_space<vmem>>, vector<1x16xf32>,
          %get3A_1532 = arith.index_cast %add3A_1520 : i32 to index
          %get3A_1533 = arith.constant 16 : index
          %get3A_1534 = tpu.vector_load %arg12[%get3A_1532, %get3A_1533] {strides = array<i32>} : memref<80x128xf32, #tpu.memory_space<vmem>>, vector<1x16xf32>,
          %get3A_1535 = vector.shape_cast %get3A_1534 : vector<1x16xf32> to vector<16xf32>
          %mul3A_1536 = vector.broadcast %squeeze3A_1516 : f32 to vector<16xf32>
          %mul3A_1537 = arith.mulf %get3A_1535, %mul3A_1536 : vector<16xf32>
          %swap3A_1538 = arith.index_cast %add3A_1520 : i32 to index
          %swap3A_1539 = arith.constant 16 : index
          %swap3A_1540 = tpu.vector_load %arg12[%swap3A_1538, %swap3A_1539] {strides = array<i32>} : memref<80x128xf32, #tpu.memory_space<vmem>>, vector<1x16xf32>,
          %swap3A_1541 = vector.shape_cast %swap3A_1540 : vector<1x16xf32> to vector<16xf32>
          %swap3A_1542 = vector.shape_cast %mul3A_1537 : vector<16xf32> to vector<1x16xf32>
          tpu.vector_store %arg12[%swap3A_1538, %swap3A_1539], %swap3A_1542 {strides = array<i32>} : memref<80x128xf32, #tpu.memory_space<vmem>>, vector<1x16xf32>,
          %get3A_1543 = arith.index_cast %add3A_1520 : i32 to index
          %get3A_1544 = arith.constant 32 : index
          %get3A_1545 = tpu.vector_load %arg12[%get3A_1543, %get3A_1544] {strides = array<i32>} : memref<80x128xf32, #tpu.memory_space<vmem>>, vector<1x16xf32>,
          %get3A_1546 = vector.shape_cast %get3A_1545 : vector<1x16xf32> to vector<16xf32>
          %mul3A_1547 = vector.broadcast %squeeze3A_1516 : f32 to vector<16xf32>
          %mul3A_1548 = arith.mulf %get3A_1546, %mul3A_1547 : vector<16xf32>
          %swap3A_1549 = arith.index_cast %add3A_1520 : i32 to index
          %swap3A_1550 = arith.constant 32 : index
          %swap3A_1551 = tpu.vector_load %arg12[%swap3A_1549, %swap3A_1550] {strides = array<i32>} : memref<80x128xf32, #tpu.memory_space<vmem>>, vector<1x16xf32>,
          %swap3A_1552 = vector.shape_cast %swap3A_1551 : vector<1x16xf32> to vector<16xf32>
          %swap3A_1553 = vector.shape_cast %mul3A_1548 : vector<16xf32> to vector<1x16xf32>
          tpu.vector_store %arg12[%swap3A_1549, %swap3A_1550], %swap3A_1553 {strides = array<i32>} : memref<80x128xf32, #tpu.memory_space<vmem>>, vector<1x16xf32>,
          %get3A_1554 = arith.index_cast %add3A_1520 : i32 to index
          %get3A_1555 = arith.constant 48 : index
          %get3A_1556 = tpu.vector_load %arg12[%get3A_1554, %get3A_1555] {strides = array<i32>} : memref<80x128xf32, #tpu.memory_space<vmem>>, vector<1x16xf32>,
          %get3A_1557 = vector.shape_cast %get3A_1556 : vector<1x16xf32> to vector<16xf32>
          %mul3A_1558 = vector.broadcast %squeeze3A_1516 : f32 to vector<16xf32>
          %mul3A_1559 = arith.mulf %get3A_1557, %mul3A_1558 : vector<16xf32>
          %swap3A_1560 = arith.index_cast %add3A_1520 : i32 to index
          %swap3A_1561 = arith.constant 48 : index
          %swap3A_1562 = tpu.vector_load %arg12[%swap3A_1560, %swap3A_1561] {strides = array<i32>} : memref<80x128xf32, #tpu.memory_space<vmem>>, vector<1x16xf32>,
          %swap3A_1563 = vector.shape_cast %swap3A_1562 : vector<1x16xf32> to vector<16xf32>
          %swap3A_1564 = vector.shape_cast %mul3A_1559 : vector<16xf32> to vector<1x16xf32>
          tpu.vector_store %arg12[%swap3A_1560, %swap3A_1561], %swap3A_1564 {strides = array<i32>} : memref<80x128xf32, #tpu.memory_space<vmem>>, vector<1x16xf32>,
          %get3A_1565 = arith.index_cast %add3A_1520 : i32 to index
          %get3A_1566 = arith.constant 64 : index
          %get3A_1567 = tpu.vector_load %arg12[%get3A_1565, %get3A_1566] {strides = array<i32>} : memref<80x128xf32, #tpu.memory_space<vmem>>, vector<1x16xf32>,
          %get3A_1568 = vector.shape_cast %get3A_1567 : vector<1x16xf32> to vector<16xf32>
          %mul3A_1569 = vector.broadcast %squeeze3A_1516 : f32 to vector<16xf32>
          %mul3A_1570 = arith.mulf %get3A_1568, %mul3A_1569 : vector<16xf32>
          %swap3A_1571 = arith.index_cast %add3A_1520 : i32 to index
          %swap3A_1572 = arith.constant 64 : index
          %swap3A_1573 = tpu.vector_load %arg12[%swap3A_1571, %swap3A_1572] {strides = array<i32>} : memref<80x128xf32, #tpu.memory_space<vmem>>, vector<1x16xf32>,
          %swap3A_1574 = vector.shape_cast %swap3A_1573 : vector<1x16xf32> to vector<16xf32>
          %swap3A_1575 = vector.shape_cast %mul3A_1570 : vector<16xf32> to vector<1x16xf32>
          tpu.vector_store %arg12[%swap3A_1571, %swap3A_1572], %swap3A_1575 {strides = array<i32>} : memref<80x128xf32, #tpu.memory_space<vmem>>, vector<1x16xf32>,
          %get3A_1576 = arith.index_cast %add3A_1520 : i32 to index
          %get3A_1577 = arith.constant 80 : index
          %get3A_1578 = tpu.vector_load %arg12[%get3A_1576, %get3A_1577] {strides = array<i32>} : memref<80x128xf32, #tpu.memory_space<vmem>>, vector<1x16xf32>,
          %get3A_1579 = vector.shape_cast %get3A_1578 : vector<1x16xf32> to vector<16xf32>
          %mul3A_1580 = vector.broadcast %squeeze3A_1516 : f32 to vector<16xf32>
          %mul3A_1581 = arith.mulf %get3A_1579, %mul3A_1580 : vector<16xf32>
          %swap3A_1582 = arith.index_cast %add3A_1520 : i32 to index
          %swap3A_1583 = arith.constant 80 : index
          %swap3A_1584 = tpu.vector_load %arg12[%swap3A_1582, %swap3A_1583] {strides = array<i32>} : memref<80x128xf32, #tpu.memory_space<vmem>>, vector<1x16xf32>,
          %swap3A_1585 = vector.shape_cast %swap3A_1584 : vector<1x16xf32> to vector<16xf32>
          %swap3A_1586 = vector.shape_cast %mul3A_1581 : vector<16xf32> to vector<1x16xf32>
          tpu.vector_store %arg12[%swap3A_1582, %swap3A_1583], %swap3A_1586 {strides = array<i32>} : memref<80x128xf32, #tpu.memory_space<vmem>>, vector<1x16xf32>,
          %get3A_1587 = arith.index_cast %add3A_1520 : i32 to index
          %get3A_1588 = arith.constant 96 : index
          %get3A_1589 = tpu.vector_load %arg12[%get3A_1587, %get3A_1588] {strides = array<i32>} : memref<80x128xf32, #tpu.memory_space<vmem>>, vector<1x16xf32>,
          %get3A_1590 = vector.shape_cast %get3A_1589 : vector<1x16xf32> to vector<16xf32>
          %mul3A_1591 = vector.broadcast %squeeze3A_1516 : f32 to vector<16xf32>
          %mul3A_1592 = arith.mulf %get3A_1590, %mul3A_1591 : vector<16xf32>
          %swap3A_1593 = arith.index_cast %add3A_1520 : i32 to index
          %swap3A_1594 = arith.constant 96 : index
          %swap3A_1595 = tpu.vector_load %arg12[%swap3A_1593, %swap3A_1594] {strides = array<i32>} : memref<80x128xf32, #tpu.memory_space<vmem>>, vector<1x16xf32>,
          %swap3A_1596 = vector.shape_cast %swap3A_1595 : vector<1x16xf32> to vector<16xf32>
          %swap3A_1597 = vector.shape_cast %mul3A_1592 : vector<16xf32> to vector<1x16xf32>
          tpu.vector_store %arg12[%swap3A_1593, %swap3A_1594], %swap3A_1597 {strides = array<i32>} : memref<80x128xf32, #tpu.memory_space<vmem>>, vector<1x16xf32>,
          %get3A_1598 = arith.index_cast %add3A_1520 : i32 to index
          %get3A_1599 = arith.constant 112 : index
          %get3A_1600 = tpu.vector_load %arg12[%get3A_1598, %get3A_1599] {strides = array<i32>} : memref<80x128xf32, #tpu.memory_space<vmem>>, vector<1x16xf32>,
          %get3A_1601 = vector.shape_cast %get3A_1600 : vector<1x16xf32> to vector<16xf32>
          %mul3A_1602 = vector.broadcast %squeeze3A_1516 : f32 to vector<16xf32>
          %mul3A_1603 = arith.mulf %get3A_1601, %mul3A_1602 : vector<16xf32>
          %swap3A_1604 = arith.index_cast %add3A_1520 : i32 to index
          %swap3A_1605 = arith.constant 112 : index
          %swap3A_1606 = tpu.vector_load %arg12[%swap3A_1604, %swap3A_1605] {strides = array<i32>} : memref<80x128xf32, #tpu.memory_space<vmem>>, vector<1x16xf32>,
          %swap3A_1607 = vector.shape_cast %swap3A_1606 : vector<1x16xf32> to vector<16xf32>
          %swap3A_1608 = vector.shape_cast %mul3A_1603 : vector<16xf32> to vector<1x16xf32>
          tpu.vector_store %arg12[%swap3A_1604, %swap3A_1605], %swap3A_1608 {strides = array<i32>} : memref<80x128xf32, #tpu.memory_space<vmem>>, vector<1x16xf32>,
        }
        %scan3A_95 = arith.constant 5 : i32
        %mul3A_96 = arith.constant 80 : i32
        %mul3A_97 = arith.muli %scan3A_35, %mul3A_96 : i32
        %dma_start3A_98 = tpu.memref_slice %arg11[%mul3A_97] : memref<10000xi32, #tpu.memory_space<vmem>> -> memref<80xi32, #tpu.memory_space<vmem>>
        %dma_start3A_99 = arith.constant 0 : i32
        %dma_start3A_100 = arith.constant 0 : i32
        %dma_start3A_101 = tpu.memref_slice %arg14[%dma_start3A_99, %dma_start3A_100] : memref<10000x128xf32, #tpu.memory_space<vmem_shared>> -> memref<10000x128xf32, #tpu.memory_space<vmem_shared>>
        tpu.enqueue_indirect_dma source(%arg12 : memref<80x128xf32, #tpu.memory_space<vmem>>) target(%dma_start3A_101 : memref<10000x128xf32, #tpu.memory_space<vmem_shared>>) offsets(%dma_start3A_98 : memref<80xi32, #tpu.memory_space<vmem>>) semaphore(%arg17 : memref<!tpu.dma_semaphore, #tpu.memory_space<semaphore_mem>>) {add = true}
      } else {
      }
      %jit3A_52 = arith.constant 2 : i32
      %eq3A_53 = arith.constant 0 : i32
      %eq3A_54 = arith.cmpi eq, %jit3A_52, %eq3A_53 : i32
      %jit3A_55 = arith.constant 1 : i32
      %select_n3A_56 = arith.select %eq3A_54, %jit3A_55, %jit3A_52 : i32
      %rem3A_57 = arith.remsi %scan3A_35, %select_n3A_56 : i32
      %ne3A_58 = arith.constant 0 : i32
      %ne3A_59 = arith.cmpi ne, %rem3A_57, %ne3A_58 : i32
      %lt3A_60 = arith.constant 0 : i32
      %lt3A_61 = arith.cmpi slt, %rem3A_57, %lt3A_60 : i32
      %lt3A_62 = arith.constant 0 : i32
      %lt3A_63 = arith.cmpi slt, %select_n3A_56, %lt3A_62 : i32
      %ne3A_64 = arith.xori %lt3A_61, %lt3A_63 : i1
      %and3A_65 = arith.andi %ne3A_64, %ne3A_59 : i1
      %add3A_66 = arith.addi %rem3A_57, %select_n3A_56 : i32
      %select_n3A_67 = arith.select %and3A_65, %add3A_66, %rem3A_57 : i32
      %eq3A_68 = arith.constant 1 : i32
      %eq3A_69 = arith.cmpi eq, %select_n3A_67, %eq3A_68 : i32
      %convert_element_type3A_70 = arith.extui %eq3A_69 : i1 to i32
      %cond3A_71 = arith.constant 0 : i32
      %cond3A_72 = arith.cmpi ne, %convert_element_type3A_70, %cond3A_71 : i32
      scf.if %cond3A_72 {
        %mul3A_73 = arith.constant 80 : i32
        %mul3A_74 = arith.muli %scan3A_35, %mul3A_73 : i32
        %ge3A = arith.constant 1 : i32
        %ge3A_75 = arith.cmpi sge, %scan3A_35, %ge3A : i32
        %convert_element_type3A_76 = arith.extui %ge3A_75 : i1 to i32
        %cond3A_77 = arith.constant 0 : i32
        %cond3A_78 = arith.cmpi ne, %convert_element_type3A_76, %cond3A_77 : i32
        scf.if %cond3A_78 {
          %sub3A = arith.constant 1 : i32
          %sub3A_102 = arith.subi %scan3A_35, %sub3A : i32
          %mul3A_103 = arith.constant 80 : i32
          %mul3A_104 = arith.muli %sub3A_102, %mul3A_103 : i32
          %dma_wait3A_105 = tpu.memref_slice %arg11[%mul3A_104] : memref<10000xi32, #tpu.memory_space<vmem>> -> memref<80xi32, #tpu.memory_space<vmem>>
          %dma_wait3A_106 = arith.constant 0 : i32
          %dma_wait3A_107 = arith.constant 0 : i32
          %dma_wait3A_108 = tpu.memref_slice %arg14[%dma_wait3A_106, %dma_wait3A_107] : memref<10000x128xf32, #tpu.memory_space<vmem_shared>> -> memref<10000x128xf32, #tpu.memory_space<vmem_shared>>
          tpu.wait_indirect_dma semaphore(%arg17 : memref<!tpu.dma_semaphore, #tpu.memory_space<semaphore_mem>>) src(%arg12 : memref<80x128xf32, #tpu.memory_space<vmem>>) dst(%dma_wait3A_108 : memref<10000x128xf32, #tpu.memory_space<vmem_shared>>)
        } else {
        }
        %add3A_79 = arith.constant 1 : i32
        %add3A_80 = arith.addi %scan3A_35, %add3A_79 : i32
        %lt3A_81 = arith.constant 125 : i32
        %lt3A_82 = arith.cmpi slt, %add3A_80, %lt3A_81 : i32
        %convert_element_type3A_83 = arith.extui %lt3A_82 : i1 to i32
        %cond3A_84 = arith.constant 0 : i32
        %cond3A_85 = arith.cmpi ne, %convert_element_type3A_83, %cond3A_84 : i32
        scf.if %cond3A_85 {
          %add3A_102 = arith.constant 1 : i32
          %add3A_103 = arith.addi %scan3A_35, %add3A_102 : i32
          %mul3A_104 = arith.constant 80 : i32
          %mul3A_105 = arith.muli %add3A_103, %mul3A_104 : i32
          %dma_start3A_106 = tpu.memref_slice %arg9[%mul3A_105] : memref<10000xi32, #tpu.memory_space<vmem>> -> memref<80xi32, #tpu.memory_space<vmem>>
          %dma_start3A_107 = arith.constant 0 : i32
          %dma_start3A_108 = arith.constant 0 : i32
          %dma_start3A_109 = tpu.memref_slice %arg2[%dma_start3A_107, %dma_start3A_108] : memref<10000x128xf32, #tpu.memory_space<hbm>> -> memref<10000x128xf32, #tpu.memory_space<hbm>>
          tpu.enqueue_indirect_dma source(%dma_start3A_109 : memref<10000x128xf32, #tpu.memory_space<hbm>>) target(%arg12 : memref<80x128xf32, #tpu.memory_space<vmem>>) offsets(%dma_start3A_106 : memref<80xi32, #tpu.memory_space<vmem>>) semaphore(%arg15 : memref<!tpu.dma_semaphore, #tpu.memory_space<semaphore_mem>>)
        } else {
        }
        %dma_wait3A_86 = tpu.memref_slice %arg9[%mul3A_74] : memref<10000xi32, #tpu.memory_space<vmem>> -> memref<80xi32, #tpu.memory_space<vmem>>
        %dma_wait3A_87 = arith.constant 0 : i32
        %dma_wait3A_88 = arith.constant 0 : i32
        %dma_wait3A_89 = tpu.memref_slice %arg2[%dma_wait3A_87, %dma_wait3A_88] : memref<10000x128xf32, #tpu.memory_space<hbm>> -> memref<10000x128xf32, #tpu.memory_space<hbm>>
        tpu.wait_indirect_dma semaphore(%arg16 : memref<!tpu.dma_semaphore, #tpu.memory_space<semaphore_mem>>) src(%dma_wait3A_89 : memref<10000x128xf32, #tpu.memory_space<hbm>>) dst(%arg13 : memref<80x128xf32, #tpu.memory_space<vmem>>)
        %scan3A_90 = arith.constant 0 : i32
        %scan3A_91 = arith.constant 0 : i32
        %scan3A_92 = arith.constant 5 : i32
        %scan3A_93 = arith.addi %scan3A_91, %scan3A_92 : i32
        %scan3A_94 = arith.constant 1 : i32
        scf.for %scan3A_102 = %scan3A_91 to %scan3A_93 step %scan3A_94  : i32 {
          %mul3A_103 = arith.constant 16 : i32
          %mul3A_104 = arith.muli %scan3A_102, %mul3A_103 : i32
          %add3A_105 = arith.addi %mul3A_74, %mul3A_104 : i32
          %get3A = arith.index_cast %add3A_105 : i32 to index
          %get3A_106 = tpu.vector_load %arg10[%get3A] {strides = array<i32>} : memref<10000xf32, #tpu.memory_space<vmem>>, vector<16xf32>,
          %get3A_107 = vector.shape_cast %get3A_106 : vector<16xf32> to vector<16xf32>
          %slice3A = vector.extract_strided_slice %get3A_107 {offsets = [0], sizes = [1], strides = [1]} : vector<16xf32> to vector<1xf32>
          %squeeze3A = vector.extract %slice3A[0] : f32 from vector<1xf32>
          %mul3A_108 = arith.constant 16 : i32
          %mul3A_109 = arith.muli %scan3A_102, %mul3A_108 : i32
          %add3A_110 = arith.constant 0 : i32
          %add3A_111 = arith.addi %mul3A_109, %add3A_110 : i32
          %get3A_112 = arith.index_cast %add3A_111 : i32 to index
          %get3A_113 = arith.constant 0 : index
          %get3A_114 = tpu.vector_load %arg13[%get3A_112, %get3A_113] {strides = array<i32>} : memref<80x128xf32, #tpu.memory_space<vmem>>, vector<1x16xf32>,
          %get3A_115 = vector.shape_cast %get3A_114 : vector<1x16xf32> to vector<16xf32>
          %mul3A_116 = vector.broadcast %squeeze3A : f32 to vector<16xf32>
          %mul3A_117 = arith.mulf %get3A_115, %mul3A_116 : vector<16xf32>
          %swap3A = arith.index_cast %add3A_111 : i32 to index
          %swap3A_118 = arith.constant 0 : index
          %swap3A_119 = tpu.vector_load %arg13[%swap3A, %swap3A_118] {strides = array<i32>} : memref<80x128xf32, #tpu.memory_space<vmem>>, vector<1x16xf32>,
          %swap3A_120 = vector.shape_cast %swap3A_119 : vector<1x16xf32> to vector<16xf32>
          %swap3A_121 = vector.shape_cast %mul3A_117 : vector<16xf32> to vector<1x16xf32>
          tpu.vector_store %arg13[%swap3A, %swap3A_118], %swap3A_121 {strides = array<i32>} : memref<80x128xf32, #tpu.memory_space<vmem>>, vector<1x16xf32>,
          %get3A_122 = arith.index_cast %add3A_111 : i32 to index
          %get3A_123 = arith.constant 16 : index
          %get3A_124 = tpu.vector_load %arg13[%get3A_122, %get3A_123] {strides = array<i32>} : memref<80x128xf32, #tpu.memory_space<vmem>>, vector<1x16xf32>,
          %get3A_125 = vector.shape_cast %get3A_124 : vector<1x16xf32> to vector<16xf32>
          %mul3A_126 = vector.broadcast %squeeze3A : f32 to vector<16xf32>
          %mul3A_127 = arith.mulf %get3A_125, %mul3A_126 : vector<16xf32>
          %swap3A_128 = arith.index_cast %add3A_111 : i32 to index
          %swap3A_129 = arith.constant 16 : index
          %swap3A_130 = tpu.vector_load %arg13[%swap3A_128, %swap3A_129] {strides = array<i32>} : memref<80x128xf32, #tpu.memory_space<vmem>>, vector<1x16xf32>,
          %swap3A_131 = vector.shape_cast %swap3A_130 : vector<1x16xf32> to vector<16xf32>
          %swap3A_132 = vector.shape_cast %mul3A_127 : vector<16xf32> to vector<1x16xf32>
          tpu.vector_store %arg13[%swap3A_128, %swap3A_129], %swap3A_132 {strides = array<i32>} : memref<80x128xf32, #tpu.memory_space<vmem>>, vector<1x16xf32>,
          %get3A_133 = arith.index_cast %add3A_111 : i32 to index
          %get3A_134 = arith.constant 32 : index
          %get3A_135 = tpu.vector_load %arg13[%get3A_133, %get3A_134] {strides = array<i32>} : memref<80x128xf32, #tpu.memory_space<vmem>>, vector<1x16xf32>,
          %get3A_136 = vector.shape_cast %get3A_135 : vector<1x16xf32> to vector<16xf32>
          %mul3A_137 = vector.broadcast %squeeze3A : f32 to vector<16xf32>
          %mul3A_138 = arith.mulf %get3A_136, %mul3A_137 : vector<16xf32>
          %swap3A_139 = arith.index_cast %add3A_111 : i32 to index
          %swap3A_140 = arith.constant 32 : index
          %swap3A_141 = tpu.vector_load %arg13[%swap3A_139, %swap3A_140] {strides = array<i32>} : memref<80x128xf32, #tpu.memory_space<vmem>>, vector<1x16xf32>,
          %swap3A_142 = vector.shape_cast %swap3A_141 : vector<1x16xf32> to vector<16xf32>
          %swap3A_143 = vector.shape_cast %mul3A_138 : vector<16xf32> to vector<1x16xf32>
          tpu.vector_store %arg13[%swap3A_139, %swap3A_140], %swap3A_143 {strides = array<i32>} : memref<80x128xf32, #tpu.memory_space<vmem>>, vector<1x16xf32>,
          %get3A_144 = arith.index_cast %add3A_111 : i32 to index
          %get3A_145 = arith.constant 48 : index
          %get3A_146 = tpu.vector_load %arg13[%get3A_144, %get3A_145] {strides = array<i32>} : memref<80x128xf32, #tpu.memory_space<vmem>>, vector<1x16xf32>,
          %get3A_147 = vector.shape_cast %get3A_146 : vector<1x16xf32> to vector<16xf32>
          %mul3A_148 = vector.broadcast %squeeze3A : f32 to vector<16xf32>
          %mul3A_149 = arith.mulf %get3A_147, %mul3A_148 : vector<16xf32>
          %swap3A_150 = arith.index_cast %add3A_111 : i32 to index
          %swap3A_151 = arith.constant 48 : index
          %swap3A_152 = tpu.vector_load %arg13[%swap3A_150, %swap3A_151] {strides = array<i32>} : memref<80x128xf32, #tpu.memory_space<vmem>>, vector<1x16xf32>,
          %swap3A_153 = vector.shape_cast %swap3A_152 : vector<1x16xf32> to vector<16xf32>
          %swap3A_154 = vector.shape_cast %mul3A_149 : vector<16xf32> to vector<1x16xf32>
          tpu.vector_store %arg13[%swap3A_150, %swap3A_151], %swap3A_154 {strides = array<i32>} : memref<80x128xf32, #tpu.memory_space<vmem>>, vector<1x16xf32>,
          %get3A_155 = arith.index_cast %add3A_111 : i32 to index
          %get3A_156 = arith.constant 64 : index
          %get3A_157 = tpu.vector_load %arg13[%get3A_155, %get3A_156] {strides = array<i32>} : memref<80x128xf32, #tpu.memory_space<vmem>>, vector<1x16xf32>,
          %get3A_158 = vector.shape_cast %get3A_157 : vector<1x16xf32> to vector<16xf32>
          %mul3A_159 = vector.broadcast %squeeze3A : f32 to vector<16xf32>
          %mul3A_160 = arith.mulf %get3A_158, %mul3A_159 : vector<16xf32>
          %swap3A_161 = arith.index_cast %add3A_111 : i32 to index
          %swap3A_162 = arith.constant 64 : index
          %swap3A_163 = tpu.vector_load %arg13[%swap3A_161, %swap3A_162] {strides = array<i32>} : memref<80x128xf32, #tpu.memory_space<vmem>>, vector<1x16xf32>,
          %swap3A_164 = vector.shape_cast %swap3A_163 : vector<1x16xf32> to vector<16xf32>
          %swap3A_165 = vector.shape_cast %mul3A_160 : vector<16xf32> to vector<1x16xf32>
          tpu.vector_store %arg13[%swap3A_161, %swap3A_162], %swap3A_165 {strides = array<i32>} : memref<80x128xf32, #tpu.memory_space<vmem>>, vector<1x16xf32>,
          %get3A_166 = arith.index_cast %add3A_111 : i32 to index
          %get3A_167 = arith.constant 80 : index
          %get3A_168 = tpu.vector_load %arg13[%get3A_166, %get3A_167] {strides = array<i32>} : memref<80x128xf32, #tpu.memory_space<vmem>>, vector<1x16xf32>,
          %get3A_169 = vector.shape_cast %get3A_168 : vector<1x16xf32> to vector<16xf32>
          %mul3A_170 = vector.broadcast %squeeze3A : f32 to vector<16xf32>
          %mul3A_171 = arith.mulf %get3A_169, %mul3A_170 : vector<16xf32>
          %swap3A_172 = arith.index_cast %add3A_111 : i32 to index
          %swap3A_173 = arith.constant 80 : index
          %swap3A_174 = tpu.vector_load %arg13[%swap3A_172, %swap3A_173] {strides = array<i32>} : memref<80x128xf32, #tpu.memory_space<vmem>>, vector<1x16xf32>,
          %swap3A_175 = vector.shape_cast %swap3A_174 : vector<1x16xf32> to vector<16xf32>
          %swap3A_176 = vector.shape_cast %mul3A_171 : vector<16xf32> to vector<1x16xf32>
          tpu.vector_store %arg13[%swap3A_172, %swap3A_173], %swap3A_176 {strides = array<i32>} : memref<80x128xf32, #tpu.memory_space<vmem>>, vector<1x16xf32>,
          %get3A_177 = arith.index_cast %add3A_111 : i32 to index
          %get3A_178 = arith.constant 96 : index
          %get3A_179 = tpu.vector_load %arg13[%get3A_177, %get3A_178] {strides = array<i32>} : memref<80x128xf32, #tpu.memory_space<vmem>>, vector<1x16xf32>,
          %get3A_180 = vector.shape_cast %get3A_179 : vector<1x16xf32> to vector<16xf32>
          %mul3A_181 = vector.broadcast %squeeze3A : f32 to vector<16xf32>
          %mul3A_182 = arith.mulf %get3A_180, %mul3A_181 : vector<16xf32>
          %swap3A_183 = arith.index_cast %add3A_111 : i32 to index
          %swap3A_184 = arith.constant 96 : index
          %swap3A_185 = tpu.vector_load %arg13[%swap3A_183, %swap3A_184] {strides = array<i32>} : memref<80x128xf32, #tpu.memory_space<vmem>>, vector<1x16xf32>,
          %swap3A_186 = vector.shape_cast %swap3A_185 : vector<1x16xf32> to vector<16xf32>
          %swap3A_187 = vector.shape_cast %mul3A_182 : vector<16xf32> to vector<1x16xf32>
          tpu.vector_store %arg13[%swap3A_183, %swap3A_184], %swap3A_187 {strides = array<i32>} : memref<80x128xf32, #tpu.memory_space<vmem>>, vector<1x16xf32>,
          %get3A_188 = arith.index_cast %add3A_111 : i32 to index
          %get3A_189 = arith.constant 112 : index
          %get3A_190 = tpu.vector_load %arg13[%get3A_188, %get3A_189] {strides = array<i32>} : memref<80x128xf32, #tpu.memory_space<vmem>>, vector<1x16xf32>,
          %get3A_191 = vector.shape_cast %get3A_190 : vector<1x16xf32> to vector<16xf32>
          %mul3A_192 = vector.broadcast %squeeze3A : f32 to vector<16xf32>
          %mul3A_193 = arith.mulf %get3A_191, %mul3A_192 : vector<16xf32>
          %swap3A_194 = arith.index_cast %add3A_111 : i32 to index
          %swap3A_195 = arith.constant 112 : index
          %swap3A_196 = tpu.vector_load %arg13[%swap3A_194, %swap3A_195] {strides = array<i32>} : memref<80x128xf32, #tpu.memory_space<vmem>>, vector<1x16xf32>,
          %swap3A_197 = vector.shape_cast %swap3A_196 : vector<1x16xf32> to vector<16xf32>
          %swap3A_198 = vector.shape_cast %mul3A_193 : vector<16xf32> to vector<1x16xf32>
          tpu.vector_store %arg13[%swap3A_194, %swap3A_195], %swap3A_198 {strides = array<i32>} : memref<80x128xf32, #tpu.memory_space<vmem>>, vector<1x16xf32>,
          %slice3A_199 = vector.extract_strided_slice %get3A_107 {offsets = [1], sizes = [1], strides = [1]} : vector<16xf32> to vector<1xf32>
          %squeeze3A_200 = vector.extract %slice3A_199[0] : f32 from vector<1xf32>
          %mul3A_201 = arith.constant 16 : i32
          %mul3A_202 = arith.muli %scan3A_102, %mul3A_201 : i32
          %add3A_203 = arith.constant 1 : i32
          %add3A_204 = arith.addi %mul3A_202, %add3A_203 : i32
          %get3A_205 = arith.index_cast %add3A_204 : i32 to index
          %get3A_206 = arith.constant 0 : index
          %get3A_207 = tpu.vector_load %arg13[%get3A_205, %get3A_206] {strides = array<i32>} : memref<80x128xf32, #tpu.memory_space<vmem>>, vector<1x16xf32>,
          %get3A_208 = vector.shape_cast %get3A_207 : vector<1x16xf32> to vector<16xf32>
          %mul3A_209 = vector.broadcast %squeeze3A_200 : f32 to vector<16xf32>
          %mul3A_210 = arith.mulf %get3A_208, %mul3A_209 : vector<16xf32>
          %swap3A_211 = arith.index_cast %add3A_204 : i32 to index
          %swap3A_212 = arith.constant 0 : index
          %swap3A_213 = tpu.vector_load %arg13[%swap3A_211, %swap3A_212] {strides = array<i32>} : memref<80x128xf32, #tpu.memory_space<vmem>>, vector<1x16xf32>,
          %swap3A_214 = vector.shape_cast %swap3A_213 : vector<1x16xf32> to vector<16xf32>
          %swap3A_215 = vector.shape_cast %mul3A_210 : vector<16xf32> to vector<1x16xf32>
          tpu.vector_store %arg13[%swap3A_211, %swap3A_212], %swap3A_215 {strides = array<i32>} : memref<80x128xf32, #tpu.memory_space<vmem>>, vector<1x16xf32>,
          %get3A_216 = arith.index_cast %add3A_204 : i32 to index
          %get3A_217 = arith.constant 16 : index
          %get3A_218 = tpu.vector_load %arg13[%get3A_216, %get3A_217] {strides = array<i32>} : memref<80x128xf32, #tpu.memory_space<vmem>>, vector<1x16xf32>,
          %get3A_219 = vector.shape_cast %get3A_218 : vector<1x16xf32> to vector<16xf32>
          %mul3A_220 = vector.broadcast %squeeze3A_200 : f32 to vector<16xf32>
          %mul3A_221 = arith.mulf %get3A_219, %mul3A_220 : vector<16xf32>
          %swap3A_222 = arith.index_cast %add3A_204 : i32 to index
          %swap3A_223 = arith.constant 16 : index
          %swap3A_224 = tpu.vector_load %arg13[%swap3A_222, %swap3A_223] {strides = array<i32>} : memref<80x128xf32, #tpu.memory_space<vmem>>, vector<1x16xf32>,
          %swap3A_225 = vector.shape_cast %swap3A_224 : vector<1x16xf32> to vector<16xf32>
          %swap3A_226 = vector.shape_cast %mul3A_221 : vector<16xf32> to vector<1x16xf32>
          tpu.vector_store %arg13[%swap3A_222, %swap3A_223], %swap3A_226 {strides = array<i32>} : memref<80x128xf32, #tpu.memory_space<vmem>>, vector<1x16xf32>,
          %get3A_227 = arith.index_cast %add3A_204 : i32 to index
          %get3A_228 = arith.constant 32 : index
          %get3A_229 = tpu.vector_load %arg13[%get3A_227, %get3A_228] {strides = array<i32>} : memref<80x128xf32, #tpu.memory_space<vmem>>, vector<1x16xf32>,
          %get3A_230 = vector.shape_cast %get3A_229 : vector<1x16xf32> to vector<16xf32>
          %mul3A_231 = vector.broadcast %squeeze3A_200 : f32 to vector<16xf32>
          %mul3A_232 = arith.mulf %get3A_230, %mul3A_231 : vector<16xf32>
          %swap3A_233 = arith.index_cast %add3A_204 : i32 to index
          %swap3A_234 = arith.constant 32 : index
          %swap3A_235 = tpu.vector_load %arg13[%swap3A_233, %swap3A_234] {strides = array<i32>} : memref<80x128xf32, #tpu.memory_space<vmem>>, vector<1x16xf32>,
          %swap3A_236 = vector.shape_cast %swap3A_235 : vector<1x16xf32> to vector<16xf32>
          %swap3A_237 = vector.shape_cast %mul3A_232 : vector<16xf32> to vector<1x16xf32>
          tpu.vector_store %arg13[%swap3A_233, %swap3A_234], %swap3A_237 {strides = array<i32>} : memref<80x128xf32, #tpu.memory_space<vmem>>, vector<1x16xf32>,
          %get3A_238 = arith.index_cast %add3A_204 : i32 to index
          %get3A_239 = arith.constant 48 : index
          %get3A_240 = tpu.vector_load %arg13[%get3A_238, %get3A_239] {strides = array<i32>} : memref<80x128xf32, #tpu.memory_space<vmem>>, vector<1x16xf32>,
          %get3A_241 = vector.shape_cast %get3A_240 : vector<1x16xf32> to vector<16xf32>
          %mul3A_242 = vector.broadcast %squeeze3A_200 : f32 to vector<16xf32>
          %mul3A_243 = arith.mulf %get3A_241, %mul3A_242 : vector<16xf32>
          %swap3A_244 = arith.index_cast %add3A_204 : i32 to index
          %swap3A_245 = arith.constant 48 : index
          %swap3A_246 = tpu.vector_load %arg13[%swap3A_244, %swap3A_245] {strides = array<i32>} : memref<80x128xf32, #tpu.memory_space<vmem>>, vector<1x16xf32>,
          %swap3A_247 = vector.shape_cast %swap3A_246 : vector<1x16xf32> to vector<16xf32>
          %swap3A_248 = vector.shape_cast %mul3A_243 : vector<16xf32> to vector<1x16xf32>
          tpu.vector_store %arg13[%swap3A_244, %swap3A_245], %swap3A_248 {strides = array<i32>} : memref<80x128xf32, #tpu.memory_space<vmem>>, vector<1x16xf32>,
          %get3A_249 = arith.index_cast %add3A_204 : i32 to index
          %get3A_250 = arith.constant 64 : index
          %get3A_251 = tpu.vector_load %arg13[%get3A_249, %get3A_250] {strides = array<i32>} : memref<80x128xf32, #tpu.memory_space<vmem>>, vector<1x16xf32>,
          %get3A_252 = vector.shape_cast %get3A_251 : vector<1x16xf32> to vector<16xf32>
          %mul3A_253 = vector.broadcast %squeeze3A_200 : f32 to vector<16xf32>
          %mul3A_254 = arith.mulf %get3A_252, %mul3A_253 : vector<16xf32>
          %swap3A_255 = arith.index_cast %add3A_204 : i32 to index
          %swap3A_256 = arith.constant 64 : index
          %swap3A_257 = tpu.vector_load %arg13[%swap3A_255, %swap3A_256] {strides = array<i32>} : memref<80x128xf32, #tpu.memory_space<vmem>>, vector<1x16xf32>,
          %swap3A_258 = vector.shape_cast %swap3A_257 : vector<1x16xf32> to vector<16xf32>
          %swap3A_259 = vector.shape_cast %mul3A_254 : vector<16xf32> to vector<1x16xf32>
          tpu.vector_store %arg13[%swap3A_255, %swap3A_256], %swap3A_259 {strides = array<i32>} : memref<80x128xf32, #tpu.memory_space<vmem>>, vector<1x16xf32>,
          %get3A_260 = arith.index_cast %add3A_204 : i32 to index
          %get3A_261 = arith.constant 80 : index
          %get3A_262 = tpu.vector_load %arg13[%get3A_260, %get3A_261] {strides = array<i32>} : memref<80x128xf32, #tpu.memory_space<vmem>>, vector<1x16xf32>,
          %get3A_263 = vector.shape_cast %get3A_262 : vector<1x16xf32> to vector<16xf32>
          %mul3A_264 = vector.broadcast %squeeze3A_200 : f32 to vector<16xf32>
          %mul3A_265 = arith.mulf %get3A_263, %mul3A_264 : vector<16xf32>
          %swap3A_266 = arith.index_cast %add3A_204 : i32 to index
          %swap3A_267 = arith.constant 80 : index
          %swap3A_268 = tpu.vector_load %arg13[%swap3A_266, %swap3A_267] {strides = array<i32>} : memref<80x128xf32, #tpu.memory_space<vmem>>, vector<1x16xf32>,
          %swap3A_269 = vector.shape_cast %swap3A_268 : vector<1x16xf32> to vector<16xf32>
          %swap3A_270 = vector.shape_cast %mul3A_265 : vector<16xf32> to vector<1x16xf32>
          tpu.vector_store %arg13[%swap3A_266, %swap3A_267], %swap3A_270 {strides = array<i32>} : memref<80x128xf32, #tpu.memory_space<vmem>>, vector<1x16xf32>,
          %get3A_271 = arith.index_cast %add3A_204 : i32 to index
          %get3A_272 = arith.constant 96 : index
          %get3A_273 = tpu.vector_load %arg13[%get3A_271, %get3A_272] {strides = array<i32>} : memref<80x128xf32, #tpu.memory_space<vmem>>, vector<1x16xf32>,
          %get3A_274 = vector.shape_cast %get3A_273 : vector<1x16xf32> to vector<16xf32>
          %mul3A_275 = vector.broadcast %squeeze3A_200 : f32 to vector<16xf32>
          %mul3A_276 = arith.mulf %get3A_274, %mul3A_275 : vector<16xf32>
          %swap3A_277 = arith.index_cast %add3A_204 : i32 to index
          %swap3A_278 = arith.constant 96 : index
          %swap3A_279 = tpu.vector_load %arg13[%swap3A_277, %swap3A_278] {strides = array<i32>} : memref<80x128xf32, #tpu.memory_space<vmem>>, vector<1x16xf32>,
          %swap3A_280 = vector.shape_cast %swap3A_279 : vector<1x16xf32> to vector<16xf32>
          %swap3A_281 = vector.shape_cast %mul3A_276 : vector<16xf32> to vector<1x16xf32>
          tpu.vector_store %arg13[%swap3A_277, %swap3A_278], %swap3A_281 {strides = array<i32>} : memref<80x128xf32, #tpu.memory_space<vmem>>, vector<1x16xf32>,
          %get3A_282 = arith.index_cast %add3A_204 : i32 to index
          %get3A_283 = arith.constant 112 : index
          %get3A_284 = tpu.vector_load %arg13[%get3A_282, %get3A_283] {strides = array<i32>} : memref<80x128xf32, #tpu.memory_space<vmem>>, vector<1x16xf32>,
          %get3A_285 = vector.shape_cast %get3A_284 : vector<1x16xf32> to vector<16xf32>
          %mul3A_286 = vector.broadcast %squeeze3A_200 : f32 to vector<16xf32>
          %mul3A_287 = arith.mulf %get3A_285, %mul3A_286 : vector<16xf32>
          %swap3A_288 = arith.index_cast %add3A_204 : i32 to index
          %swap3A_289 = arith.constant 112 : index
          %swap3A_290 = tpu.vector_load %arg13[%swap3A_288, %swap3A_289] {strides = array<i32>} : memref<80x128xf32, #tpu.memory_space<vmem>>, vector<1x16xf32>,
          %swap3A_291 = vector.shape_cast %swap3A_290 : vector<1x16xf32> to vector<16xf32>
          %swap3A_292 = vector.shape_cast %mul3A_287 : vector<16xf32> to vector<1x16xf32>
          tpu.vector_store %arg13[%swap3A_288, %swap3A_289], %swap3A_292 {strides = array<i32>} : memref<80x128xf32, #tpu.memory_space<vmem>>, vector<1x16xf32>,
          %slice3A_293 = vector.extract_strided_slice %get3A_107 {offsets = [2], sizes = [1], strides = [1]} : vector<16xf32> to vector<1xf32>
          %squeeze3A_294 = vector.extract %slice3A_293[0] : f32 from vector<1xf32>
          %mul3A_295 = arith.constant 16 : i32
          %mul3A_296 = arith.muli %scan3A_102, %mul3A_295 : i32
          %add3A_297 = arith.constant 2 : i32
          %add3A_298 = arith.addi %mul3A_296, %add3A_297 : i32
          %get3A_299 = arith.index_cast %add3A_298 : i32 to index
          %get3A_300 = arith.constant 0 : index
          %get3A_301 = tpu.vector_load %arg13[%get3A_299, %get3A_300] {strides = array<i32>} : memref<80x128xf32, #tpu.memory_space<vmem>>, vector<1x16xf32>,
          %get3A_302 = vector.shape_cast %get3A_301 : vector<1x16xf32> to vector<16xf32>
          %mul3A_303 = vector.broadcast %squeeze3A_294 : f32 to vector<16xf32>
          %mul3A_304 = arith.mulf %get3A_302, %mul3A_303 : vector<16xf32>
          %swap3A_305 = arith.index_cast %add3A_298 : i32 to index
          %swap3A_306 = arith.constant 0 : index
          %swap3A_307 = tpu.vector_load %arg13[%swap3A_305, %swap3A_306] {strides = array<i32>} : memref<80x128xf32, #tpu.memory_space<vmem>>, vector<1x16xf32>,
          %swap3A_308 = vector.shape_cast %swap3A_307 : vector<1x16xf32> to vector<16xf32>
          %swap3A_309 = vector.shape_cast %mul3A_304 : vector<16xf32> to vector<1x16xf32>
          tpu.vector_store %arg13[%swap3A_305, %swap3A_306], %swap3A_309 {strides = array<i32>} : memref<80x128xf32, #tpu.memory_space<vmem>>, vector<1x16xf32>,
          %get3A_310 = arith.index_cast %add3A_298 : i32 to index
          %get3A_311 = arith.constant 16 : index
          %get3A_312 = tpu.vector_load %arg13[%get3A_310, %get3A_311] {strides = array<i32>} : memref<80x128xf32, #tpu.memory_space<vmem>>, vector<1x16xf32>,
          %get3A_313 = vector.shape_cast %get3A_312 : vector<1x16xf32> to vector<16xf32>
          %mul3A_314 = vector.broadcast %squeeze3A_294 : f32 to vector<16xf32>
          %mul3A_315 = arith.mulf %get3A_313, %mul3A_314 : vector<16xf32>
          %swap3A_316 = arith.index_cast %add3A_298 : i32 to index
          %swap3A_317 = arith.constant 16 : index
          %swap3A_318 = tpu.vector_load %arg13[%swap3A_316, %swap3A_317] {strides = array<i32>} : memref<80x128xf32, #tpu.memory_space<vmem>>, vector<1x16xf32>,
          %swap3A_319 = vector.shape_cast %swap3A_318 : vector<1x16xf32> to vector<16xf32>
          %swap3A_320 = vector.shape_cast %mul3A_315 : vector<16xf32> to vector<1x16xf32>
          tpu.vector_store %arg13[%swap3A_316, %swap3A_317], %swap3A_320 {strides = array<i32>} : memref<80x128xf32, #tpu.memory_space<vmem>>, vector<1x16xf32>,
          %get3A_321 = arith.index_cast %add3A_298 : i32 to index
          %get3A_322 = arith.constant 32 : index
          %get3A_323 = tpu.vector_load %arg13[%get3A_321, %get3A_322] {strides = array<i32>} : memref<80x128xf32, #tpu.memory_space<vmem>>, vector<1x16xf32>,
          %get3A_324 = vector.shape_cast %get3A_323 : vector<1x16xf32> to vector<16xf32>
          %mul3A_325 = vector.broadcast %squeeze3A_294 : f32 to vector<16xf32>
          %mul3A_326 = arith.mulf %get3A_324, %mul3A_325 : vector<16xf32>
          %swap3A_327 = arith.index_cast %add3A_298 : i32 to index
          %swap3A_328 = arith.constant 32 : index
          %swap3A_329 = tpu.vector_load %arg13[%swap3A_327, %swap3A_328] {strides = array<i32>} : memref<80x128xf32, #tpu.memory_space<vmem>>, vector<1x16xf32>,
          %swap3A_330 = vector.shape_cast %swap3A_329 : vector<1x16xf32> to vector<16xf32>
          %swap3A_331 = vector.shape_cast %mul3A_326 : vector<16xf32> to vector<1x16xf32>
          tpu.vector_store %arg13[%swap3A_327, %swap3A_328], %swap3A_331 {strides = array<i32>} : memref<80x128xf32, #tpu.memory_space<vmem>>, vector<1x16xf32>,
          %get3A_332 = arith.index_cast %add3A_298 : i32 to index
          %get3A_333 = arith.constant 48 : index
          %get3A_334 = tpu.vector_load %arg13[%get3A_332, %get3A_333] {strides = array<i32>} : memref<80x128xf32, #tpu.memory_space<vmem>>, vector<1x16xf32>,
          %get3A_335 = vector.shape_cast %get3A_334 : vector<1x16xf32> to vector<16xf32>
          %mul3A_336 = vector.broadcast %squeeze3A_294 : f32 to vector<16xf32>
          %mul3A_337 = arith.mulf %get3A_335, %mul3A_336 : vector<16xf32>
          %swap3A_338 = arith.index_cast %add3A_298 : i32 to index
          %swap3A_339 = arith.constant 48 : index
          %swap3A_340 = tpu.vector_load %arg13[%swap3A_338, %swap3A_339] {strides = array<i32>} : memref<80x128xf32, #tpu.memory_space<vmem>>, vector<1x16xf32>,
          %swap3A_341 = vector.shape_cast %swap3A_340 : vector<1x16xf32> to vector<16xf32>
          %swap3A_342 = vector.shape_cast %mul3A_337 : vector<16xf32> to vector<1x16xf32>
          tpu.vector_store %arg13[%swap3A_338, %swap3A_339], %swap3A_342 {strides = array<i32>} : memref<80x128xf32, #tpu.memory_space<vmem>>, vector<1x16xf32>,
          %get3A_343 = arith.index_cast %add3A_298 : i32 to index
          %get3A_344 = arith.constant 64 : index
          %get3A_345 = tpu.vector_load %arg13[%get3A_343, %get3A_344] {strides = array<i32>} : memref<80x128xf32, #tpu.memory_space<vmem>>, vector<1x16xf32>,
          %get3A_346 = vector.shape_cast %get3A_345 : vector<1x16xf32> to vector<16xf32>
          %mul3A_347 = vector.broadcast %squeeze3A_294 : f32 to vector<16xf32>
          %mul3A_348 = arith.mulf %get3A_346, %mul3A_347 : vector<16xf32>
          %swap3A_349 = arith.index_cast %add3A_298 : i32 to index
          %swap3A_350 = arith.constant 64 : index
          %swap3A_351 = tpu.vector_load %arg13[%swap3A_349, %swap3A_350] {strides = array<i32>} : memref<80x128xf32, #tpu.memory_space<vmem>>, vector<1x16xf32>,
          %swap3A_352 = vector.shape_cast %swap3A_351 : vector<1x16xf32> to vector<16xf32>
          %swap3A_353 = vector.shape_cast %mul3A_348 : vector<16xf32> to vector<1x16xf32>
          tpu.vector_store %arg13[%swap3A_349, %swap3A_350], %swap3A_353 {strides = array<i32>} : memref<80x128xf32, #tpu.memory_space<vmem>>, vector<1x16xf32>,
          %get3A_354 = arith.index_cast %add3A_298 : i32 to index
          %get3A_355 = arith.constant 80 : index
          %get3A_356 = tpu.vector_load %arg13[%get3A_354, %get3A_355] {strides = array<i32>} : memref<80x128xf32, #tpu.memory_space<vmem>>, vector<1x16xf32>,
          %get3A_357 = vector.shape_cast %get3A_356 : vector<1x16xf32> to vector<16xf32>
          %mul3A_358 = vector.broadcast %squeeze3A_294 : f32 to vector<16xf32>
          %mul3A_359 = arith.mulf %get3A_357, %mul3A_358 : vector<16xf32>
          %swap3A_360 = arith.index_cast %add3A_298 : i32 to index
          %swap3A_361 = arith.constant 80 : index
          %swap3A_362 = tpu.vector_load %arg13[%swap3A_360, %swap3A_361] {strides = array<i32>} : memref<80x128xf32, #tpu.memory_space<vmem>>, vector<1x16xf32>,
          %swap3A_363 = vector.shape_cast %swap3A_362 : vector<1x16xf32> to vector<16xf32>
          %swap3A_364 = vector.shape_cast %mul3A_359 : vector<16xf32> to vector<1x16xf32>
          tpu.vector_store %arg13[%swap3A_360, %swap3A_361], %swap3A_364 {strides = array<i32>} : memref<80x128xf32, #tpu.memory_space<vmem>>, vector<1x16xf32>,
          %get3A_365 = arith.index_cast %add3A_298 : i32 to index
          %get3A_366 = arith.constant 96 : index
          %get3A_367 = tpu.vector_load %arg13[%get3A_365, %get3A_366] {strides = array<i32>} : memref<80x128xf32, #tpu.memory_space<vmem>>, vector<1x16xf32>,
          %get3A_368 = vector.shape_cast %get3A_367 : vector<1x16xf32> to vector<16xf32>
          %mul3A_369 = vector.broadcast %squeeze3A_294 : f32 to vector<16xf32>
          %mul3A_370 = arith.mulf %get3A_368, %mul3A_369 : vector<16xf32>
          %swap3A_371 = arith.index_cast %add3A_298 : i32 to index
          %swap3A_372 = arith.constant 96 : index
          %swap3A_373 = tpu.vector_load %arg13[%swap3A_371, %swap3A_372] {strides = array<i32>} : memref<80x128xf32, #tpu.memory_space<vmem>>, vector<1x16xf32>,
          %swap3A_374 = vector.shape_cast %swap3A_373 : vector<1x16xf32> to vector<16xf32>
          %swap3A_375 = vector.shape_cast %mul3A_370 : vector<16xf32> to vector<1x16xf32>
          tpu.vector_store %arg13[%swap3A_371, %swap3A_372], %swap3A_375 {strides = array<i32>} : memref<80x128xf32, #tpu.memory_space<vmem>>, vector<1x16xf32>,
          %get3A_376 = arith.index_cast %add3A_298 : i32 to index
          %get3A_377 = arith.constant 112 : index
          %get3A_378 = tpu.vector_load %arg13[%get3A_376, %get3A_377] {strides = array<i32>} : memref<80x128xf32, #tpu.memory_space<vmem>>, vector<1x16xf32>,
          %get3A_379 = vector.shape_cast %get3A_378 : vector<1x16xf32> to vector<16xf32>
          %mul3A_380 = vector.broadcast %squeeze3A_294 : f32 to vector<16xf32>
          %mul3A_381 = arith.mulf %get3A_379, %mul3A_380 : vector<16xf32>
          %swap3A_382 = arith.index_cast %add3A_298 : i32 to index
          %swap3A_383 = arith.constant 112 : index
          %swap3A_384 = tpu.vector_load %arg13[%swap3A_382, %swap3A_383] {strides = array<i32>} : memref<80x128xf32, #tpu.memory_space<vmem>>, vector<1x16xf32>,
          %swap3A_385 = vector.shape_cast %swap3A_384 : vector<1x16xf32> to vector<16xf32>
          %swap3A_386 = vector.shape_cast %mul3A_381 : vector<16xf32> to vector<1x16xf32>
          tpu.vector_store %arg13[%swap3A_382, %swap3A_383], %swap3A_386 {strides = array<i32>} : memref<80x128xf32, #tpu.memory_space<vmem>>, vector<1x16xf32>,
          %slice3A_387 = vector.extract_strided_slice %get3A_107 {offsets = [3], sizes = [1], strides = [1]} : vector<16xf32> to vector<1xf32>
          %squeeze3A_388 = vector.extract %slice3A_387[0] : f32 from vector<1xf32>
          %mul3A_389 = arith.constant 16 : i32
          %mul3A_390 = arith.muli %scan3A_102, %mul3A_389 : i32
          %add3A_391 = arith.constant 3 : i32
          %add3A_392 = arith.addi %mul3A_390, %add3A_391 : i32
          %get3A_393 = arith.index_cast %add3A_392 : i32 to index
          %get3A_394 = arith.constant 0 : index
          %get3A_395 = tpu.vector_load %arg13[%get3A_393, %get3A_394] {strides = array<i32>} : memref<80x128xf32, #tpu.memory_space<vmem>>, vector<1x16xf32>,
          %get3A_396 = vector.shape_cast %get3A_395 : vector<1x16xf32> to vector<16xf32>
          %mul3A_397 = vector.broadcast %squeeze3A_388 : f32 to vector<16xf32>
          %mul3A_398 = arith.mulf %get3A_396, %mul3A_397 : vector<16xf32>
          %swap3A_399 = arith.index_cast %add3A_392 : i32 to index
          %swap3A_400 = arith.constant 0 : index
          %swap3A_401 = tpu.vector_load %arg13[%swap3A_399, %swap3A_400] {strides = array<i32>} : memref<80x128xf32, #tpu.memory_space<vmem>>, vector<1x16xf32>,
          %swap3A_402 = vector.shape_cast %swap3A_401 : vector<1x16xf32> to vector<16xf32>
          %swap3A_403 = vector.shape_cast %mul3A_398 : vector<16xf32> to vector<1x16xf32>
          tpu.vector_store %arg13[%swap3A_399, %swap3A_400], %swap3A_403 {strides = array<i32>} : memref<80x128xf32, #tpu.memory_space<vmem>>, vector<1x16xf32>,
          %get3A_404 = arith.index_cast %add3A_392 : i32 to index
          %get3A_405 = arith.constant 16 : index
          %get3A_406 = tpu.vector_load %arg13[%get3A_404, %get3A_405] {strides = array<i32>} : memref<80x128xf32, #tpu.memory_space<vmem>>, vector<1x16xf32>,
          %get3A_407 = vector.shape_cast %get3A_406 : vector<1x16xf32> to vector<16xf32>
          %mul3A_408 = vector.broadcast %squeeze3A_388 : f32 to vector<16xf32>
          %mul3A_409 = arith.mulf %get3A_407, %mul3A_408 : vector<16xf32>
          %swap3A_410 = arith.index_cast %add3A_392 : i32 to index
          %swap3A_411 = arith.constant 16 : index
          %swap3A_412 = tpu.vector_load %arg13[%swap3A_410, %swap3A_411] {strides = array<i32>} : memref<80x128xf32, #tpu.memory_space<vmem>>, vector<1x16xf32>,
          %swap3A_413 = vector.shape_cast %swap3A_412 : vector<1x16xf32> to vector<16xf32>
          %swap3A_414 = vector.shape_cast %mul3A_409 : vector<16xf32> to vector<1x16xf32>
          tpu.vector_store %arg13[%swap3A_410, %swap3A_411], %swap3A_414 {strides = array<i32>} : memref<80x128xf32, #tpu.memory_space<vmem>>, vector<1x16xf32>,
          %get3A_415 = arith.index_cast %add3A_392 : i32 to index
          %get3A_416 = arith.constant 32 : index
          %get3A_417 = tpu.vector_load %arg13[%get3A_415, %get3A_416] {strides = array<i32>} : memref<80x128xf32, #tpu.memory_space<vmem>>, vector<1x16xf32>,
          %get3A_418 = vector.shape_cast %get3A_417 : vector<1x16xf32> to vector<16xf32>
          %mul3A_419 = vector.broadcast %squeeze3A_388 : f32 to vector<16xf32>
          %mul3A_420 = arith.mulf %get3A_418, %mul3A_419 : vector<16xf32>
          %swap3A_421 = arith.index_cast %add3A_392 : i32 to index
          %swap3A_422 = arith.constant 32 : index
          %swap3A_423 = tpu.vector_load %arg13[%swap3A_421, %swap3A_422] {strides = array<i32>} : memref<80x128xf32, #tpu.memory_space<vmem>>, vector<1x16xf32>,
          %swap3A_424 = vector.shape_cast %swap3A_423 : vector<1x16xf32> to vector<16xf32>
          %swap3A_425 = vector.shape_cast %mul3A_420 : vector<16xf32> to vector<1x16xf32>
          tpu.vector_store %arg13[%swap3A_421, %swap3A_422], %swap3A_425 {strides = array<i32>} : memref<80x128xf32, #tpu.memory_space<vmem>>, vector<1x16xf32>,
          %get3A_426 = arith.index_cast %add3A_392 : i32 to index
          %get3A_427 = arith.constant 48 : index
          %get3A_428 = tpu.vector_load %arg13[%get3A_426, %get3A_427] {strides = array<i32>} : memref<80x128xf32, #tpu.memory_space<vmem>>, vector<1x16xf32>,
          %get3A_429 = vector.shape_cast %get3A_428 : vector<1x16xf32> to vector<16xf32>
          %mul3A_430 = vector.broadcast %squeeze3A_388 : f32 to vector<16xf32>
          %mul3A_431 = arith.mulf %get3A_429, %mul3A_430 : vector<16xf32>
          %swap3A_432 = arith.index_cast %add3A_392 : i32 to index
          %swap3A_433 = arith.constant 48 : index
          %swap3A_434 = tpu.vector_load %arg13[%swap3A_432, %swap3A_433] {strides = array<i32>} : memref<80x128xf32, #tpu.memory_space<vmem>>, vector<1x16xf32>,
          %swap3A_435 = vector.shape_cast %swap3A_434 : vector<1x16xf32> to vector<16xf32>
          %swap3A_436 = vector.shape_cast %mul3A_431 : vector<16xf32> to vector<1x16xf32>
          tpu.vector_store %arg13[%swap3A_432, %swap3A_433], %swap3A_436 {strides = array<i32>} : memref<80x128xf32, #tpu.memory_space<vmem>>, vector<1x16xf32>,
          %get3A_437 = arith.index_cast %add3A_392 : i32 to index
          %get3A_438 = arith.constant 64 : index
          %get3A_439 = tpu.vector_load %arg13[%get3A_437, %get3A_438] {strides = array<i32>} : memref<80x128xf32, #tpu.memory_space<vmem>>, vector<1x16xf32>,
          %get3A_440 = vector.shape_cast %get3A_439 : vector<1x16xf32> to vector<16xf32>
          %mul3A_441 = vector.broadcast %squeeze3A_388 : f32 to vector<16xf32>
          %mul3A_442 = arith.mulf %get3A_440, %mul3A_441 : vector<16xf32>
          %swap3A_443 = arith.index_cast %add3A_392 : i32 to index
          %swap3A_444 = arith.constant 64 : index
          %swap3A_445 = tpu.vector_load %arg13[%swap3A_443, %swap3A_444] {strides = array<i32>} : memref<80x128xf32, #tpu.memory_space<vmem>>, vector<1x16xf32>,
          %swap3A_446 = vector.shape_cast %swap3A_445 : vector<1x16xf32> to vector<16xf32>
          %swap3A_447 = vector.shape_cast %mul3A_442 : vector<16xf32> to vector<1x16xf32>
          tpu.vector_store %arg13[%swap3A_443, %swap3A_444], %swap3A_447 {strides = array<i32>} : memref<80x128xf32, #tpu.memory_space<vmem>>, vector<1x16xf32>,
          %get3A_448 = arith.index_cast %add3A_392 : i32 to index
          %get3A_449 = arith.constant 80 : index
          %get3A_450 = tpu.vector_load %arg13[%get3A_448, %get3A_449] {strides = array<i32>} : memref<80x128xf32, #tpu.memory_space<vmem>>, vector<1x16xf32>,
          %get3A_451 = vector.shape_cast %get3A_450 : vector<1x16xf32> to vector<16xf32>
          %mul3A_452 = vector.broadcast %squeeze3A_388 : f32 to vector<16xf32>
          %mul3A_453 = arith.mulf %get3A_451, %mul3A_452 : vector<16xf32>
          %swap3A_454 = arith.index_cast %add3A_392 : i32 to index
          %swap3A_455 = arith.constant 80 : index
          %swap3A_456 = tpu.vector_load %arg13[%swap3A_454, %swap3A_455] {strides = array<i32>} : memref<80x128xf32, #tpu.memory_space<vmem>>, vector<1x16xf32>,
          %swap3A_457 = vector.shape_cast %swap3A_456 : vector<1x16xf32> to vector<16xf32>
          %swap3A_458 = vector.shape_cast %mul3A_453 : vector<16xf32> to vector<1x16xf32>
          tpu.vector_store %arg13[%swap3A_454, %swap3A_455], %swap3A_458 {strides = array<i32>} : memref<80x128xf32, #tpu.memory_space<vmem>>, vector<1x16xf32>,
          %get3A_459 = arith.index_cast %add3A_392 : i32 to index
          %get3A_460 = arith.constant 96 : index
          %get3A_461 = tpu.vector_load %arg13[%get3A_459, %get3A_460] {strides = array<i32>} : memref<80x128xf32, #tpu.memory_space<vmem>>, vector<1x16xf32>,
          %get3A_462 = vector.shape_cast %get3A_461 : vector<1x16xf32> to vector<16xf32>
          %mul3A_463 = vector.broadcast %squeeze3A_388 : f32 to vector<16xf32>
          %mul3A_464 = arith.mulf %get3A_462, %mul3A_463 : vector<16xf32>
          %swap3A_465 = arith.index_cast %add3A_392 : i32 to index
          %swap3A_466 = arith.constant 96 : index
          %swap3A_467 = tpu.vector_load %arg13[%swap3A_465, %swap3A_466] {strides = array<i32>} : memref<80x128xf32, #tpu.memory_space<vmem>>, vector<1x16xf32>,
          %swap3A_468 = vector.shape_cast %swap3A_467 : vector<1x16xf32> to vector<16xf32>
          %swap3A_469 = vector.shape_cast %mul3A_464 : vector<16xf32> to vector<1x16xf32>
          tpu.vector_store %arg13[%swap3A_465, %swap3A_466], %swap3A_469 {strides = array<i32>} : memref<80x128xf32, #tpu.memory_space<vmem>>, vector<1x16xf32>,
          %get3A_470 = arith.index_cast %add3A_392 : i32 to index
          %get3A_471 = arith.constant 112 : index
          %get3A_472 = tpu.vector_load %arg13[%get3A_470, %get3A_471] {strides = array<i32>} : memref<80x128xf32, #tpu.memory_space<vmem>>, vector<1x16xf32>,
          %get3A_473 = vector.shape_cast %get3A_472 : vector<1x16xf32> to vector<16xf32>
          %mul3A_474 = vector.broadcast %squeeze3A_388 : f32 to vector<16xf32>
          %mul3A_475 = arith.mulf %get3A_473, %mul3A_474 : vector<16xf32>
          %swap3A_476 = arith.index_cast %add3A_392 : i32 to index
          %swap3A_477 = arith.constant 112 : index
          %swap3A_478 = tpu.vector_load %arg13[%swap3A_476, %swap3A_477] {strides = array<i32>} : memref<80x128xf32, #tpu.memory_space<vmem>>, vector<1x16xf32>,
          %swap3A_479 = vector.shape_cast %swap3A_478 : vector<1x16xf32> to vector<16xf32>
          %swap3A_480 = vector.shape_cast %mul3A_475 : vector<16xf32> to vector<1x16xf32>
          tpu.vector_store %arg13[%swap3A_476, %swap3A_477], %swap3A_480 {strides = array<i32>} : memref<80x128xf32, #tpu.memory_space<vmem>>, vector<1x16xf32>,
          %slice3A_481 = vector.extract_strided_slice %get3A_107 {offsets = [4], sizes = [1], strides = [1]} : vector<16xf32> to vector<1xf32>
          %squeeze3A_482 = vector.extract %slice3A_481[0] : f32 from vector<1xf32>
          %mul3A_483 = arith.constant 16 : i32
          %mul3A_484 = arith.muli %scan3A_102, %mul3A_483 : i32
          %add3A_485 = arith.constant 4 : i32
          %add3A_486 = arith.addi %mul3A_484, %add3A_485 : i32
          %get3A_487 = arith.index_cast %add3A_486 : i32 to index
          %get3A_488 = arith.constant 0 : index
          %get3A_489 = tpu.vector_load %arg13[%get3A_487, %get3A_488] {strides = array<i32>} : memref<80x128xf32, #tpu.memory_space<vmem>>, vector<1x16xf32>,
          %get3A_490 = vector.shape_cast %get3A_489 : vector<1x16xf32> to vector<16xf32>
          %mul3A_491 = vector.broadcast %squeeze3A_482 : f32 to vector<16xf32>
          %mul3A_492 = arith.mulf %get3A_490, %mul3A_491 : vector<16xf32>
          %swap3A_493 = arith.index_cast %add3A_486 : i32 to index
          %swap3A_494 = arith.constant 0 : index
          %swap3A_495 = tpu.vector_load %arg13[%swap3A_493, %swap3A_494] {strides = array<i32>} : memref<80x128xf32, #tpu.memory_space<vmem>>, vector<1x16xf32>,
          %swap3A_496 = vector.shape_cast %swap3A_495 : vector<1x16xf32> to vector<16xf32>
          %swap3A_497 = vector.shape_cast %mul3A_492 : vector<16xf32> to vector<1x16xf32>
          tpu.vector_store %arg13[%swap3A_493, %swap3A_494], %swap3A_497 {strides = array<i32>} : memref<80x128xf32, #tpu.memory_space<vmem>>, vector<1x16xf32>,
          %get3A_498 = arith.index_cast %add3A_486 : i32 to index
          %get3A_499 = arith.constant 16 : index
          %get3A_500 = tpu.vector_load %arg13[%get3A_498, %get3A_499] {strides = array<i32>} : memref<80x128xf32, #tpu.memory_space<vmem>>, vector<1x16xf32>,
          %get3A_501 = vector.shape_cast %get3A_500 : vector<1x16xf32> to vector<16xf32>
          %mul3A_502 = vector.broadcast %squeeze3A_482 : f32 to vector<16xf32>
          %mul3A_503 = arith.mulf %get3A_501, %mul3A_502 : vector<16xf32>
          %swap3A_504 = arith.index_cast %add3A_486 : i32 to index
          %swap3A_505 = arith.constant 16 : index
          %swap3A_506 = tpu.vector_load %arg13[%swap3A_504, %swap3A_505] {strides = array<i32>} : memref<80x128xf32, #tpu.memory_space<vmem>>, vector<1x16xf32>,
          %swap3A_507 = vector.shape_cast %swap3A_506 : vector<1x16xf32> to vector<16xf32>
          %swap3A_508 = vector.shape_cast %mul3A_503 : vector<16xf32> to vector<1x16xf32>
          tpu.vector_store %arg13[%swap3A_504, %swap3A_505], %swap3A_508 {strides = array<i32>} : memref<80x128xf32, #tpu.memory_space<vmem>>, vector<1x16xf32>,
          %get3A_509 = arith.index_cast %add3A_486 : i32 to index
          %get3A_510 = arith.constant 32 : index
          %get3A_511 = tpu.vector_load %arg13[%get3A_509, %get3A_510] {strides = array<i32>} : memref<80x128xf32, #tpu.memory_space<vmem>>, vector<1x16xf32>,
          %get3A_512 = vector.shape_cast %get3A_511 : vector<1x16xf32> to vector<16xf32>
          %mul3A_513 = vector.broadcast %squeeze3A_482 : f32 to vector<16xf32>
          %mul3A_514 = arith.mulf %get3A_512, %mul3A_513 : vector<16xf32>
          %swap3A_515 = arith.index_cast %add3A_486 : i32 to index
          %swap3A_516 = arith.constant 32 : index
          %swap3A_517 = tpu.vector_load %arg13[%swap3A_515, %swap3A_516] {strides = array<i32>} : memref<80x128xf32, #tpu.memory_space<vmem>>, vector<1x16xf32>,
          %swap3A_518 = vector.shape_cast %swap3A_517 : vector<1x16xf32> to vector<16xf32>
          %swap3A_519 = vector.shape_cast %mul3A_514 : vector<16xf32> to vector<1x16xf32>
          tpu.vector_store %arg13[%swap3A_515, %swap3A_516], %swap3A_519 {strides = array<i32>} : memref<80x128xf32, #tpu.memory_space<vmem>>, vector<1x16xf32>,
          %get3A_520 = arith.index_cast %add3A_486 : i32 to index
          %get3A_521 = arith.constant 48 : index
          %get3A_522 = tpu.vector_load %arg13[%get3A_520, %get3A_521] {strides = array<i32>} : memref<80x128xf32, #tpu.memory_space<vmem>>, vector<1x16xf32>,
          %get3A_523 = vector.shape_cast %get3A_522 : vector<1x16xf32> to vector<16xf32>
          %mul3A_524 = vector.broadcast %squeeze3A_482 : f32 to vector<16xf32>
          %mul3A_525 = arith.mulf %get3A_523, %mul3A_524 : vector<16xf32>
          %swap3A_526 = arith.index_cast %add3A_486 : i32 to index
          %swap3A_527 = arith.constant 48 : index
          %swap3A_528 = tpu.vector_load %arg13[%swap3A_526, %swap3A_527] {strides = array<i32>} : memref<80x128xf32, #tpu.memory_space<vmem>>, vector<1x16xf32>,
          %swap3A_529 = vector.shape_cast %swap3A_528 : vector<1x16xf32> to vector<16xf32>
          %swap3A_530 = vector.shape_cast %mul3A_525 : vector<16xf32> to vector<1x16xf32>
          tpu.vector_store %arg13[%swap3A_526, %swap3A_527], %swap3A_530 {strides = array<i32>} : memref<80x128xf32, #tpu.memory_space<vmem>>, vector<1x16xf32>,
          %get3A_531 = arith.index_cast %add3A_486 : i32 to index
          %get3A_532 = arith.constant 64 : index
          %get3A_533 = tpu.vector_load %arg13[%get3A_531, %get3A_532] {strides = array<i32>} : memref<80x128xf32, #tpu.memory_space<vmem>>, vector<1x16xf32>,
          %get3A_534 = vector.shape_cast %get3A_533 : vector<1x16xf32> to vector<16xf32>
          %mul3A_535 = vector.broadcast %squeeze3A_482 : f32 to vector<16xf32>
          %mul3A_536 = arith.mulf %get3A_534, %mul3A_535 : vector<16xf32>
          %swap3A_537 = arith.index_cast %add3A_486 : i32 to index
          %swap3A_538 = arith.constant 64 : index
          %swap3A_539 = tpu.vector_load %arg13[%swap3A_537, %swap3A_538] {strides = array<i32>} : memref<80x128xf32, #tpu.memory_space<vmem>>, vector<1x16xf32>,
          %swap3A_540 = vector.shape_cast %swap3A_539 : vector<1x16xf32> to vector<16xf32>
          %swap3A_541 = vector.shape_cast %mul3A_536 : vector<16xf32> to vector<1x16xf32>
          tpu.vector_store %arg13[%swap3A_537, %swap3A_538], %swap3A_541 {strides = array<i32>} : memref<80x128xf32, #tpu.memory_space<vmem>>, vector<1x16xf32>,
          %get3A_542 = arith.index_cast %add3A_486 : i32 to index
          %get3A_543 = arith.constant 80 : index
          %get3A_544 = tpu.vector_load %arg13[%get3A_542, %get3A_543] {strides = array<i32>} : memref<80x128xf32, #tpu.memory_space<vmem>>, vector<1x16xf32>,
          %get3A_545 = vector.shape_cast %get3A_544 : vector<1x16xf32> to vector<16xf32>
          %mul3A_546 = vector.broadcast %squeeze3A_482 : f32 to vector<16xf32>
          %mul3A_547 = arith.mulf %get3A_545, %mul3A_546 : vector<16xf32>
          %swap3A_548 = arith.index_cast %add3A_486 : i32 to index
          %swap3A_549 = arith.constant 80 : index
          %swap3A_550 = tpu.vector_load %arg13[%swap3A_548, %swap3A_549] {strides = array<i32>} : memref<80x128xf32, #tpu.memory_space<vmem>>, vector<1x16xf32>,
          %swap3A_551 = vector.shape_cast %swap3A_550 : vector<1x16xf32> to vector<16xf32>
          %swap3A_552 = vector.shape_cast %mul3A_547 : vector<16xf32> to vector<1x16xf32>
          tpu.vector_store %arg13[%swap3A_548, %swap3A_549], %swap3A_552 {strides = array<i32>} : memref<80x128xf32, #tpu.memory_space<vmem>>, vector<1x16xf32>,
          %get3A_553 = arith.index_cast %add3A_486 : i32 to index
          %get3A_554 = arith.constant 96 : index
          %get3A_555 = tpu.vector_load %arg13[%get3A_553, %get3A_554] {strides = array<i32>} : memref<80x128xf32, #tpu.memory_space<vmem>>, vector<1x16xf32>,
          %get3A_556 = vector.shape_cast %get3A_555 : vector<1x16xf32> to vector<16xf32>
          %mul3A_557 = vector.broadcast %squeeze3A_482 : f32 to vector<16xf32>
          %mul3A_558 = arith.mulf %get3A_556, %mul3A_557 : vector<16xf32>
          %swap3A_559 = arith.index_cast %add3A_486 : i32 to index
          %swap3A_560 = arith.constant 96 : index
          %swap3A_561 = tpu.vector_load %arg13[%swap3A_559, %swap3A_560] {strides = array<i32>} : memref<80x128xf32, #tpu.memory_space<vmem>>, vector<1x16xf32>,
          %swap3A_562 = vector.shape_cast %swap3A_561 : vector<1x16xf32> to vector<16xf32>
          %swap3A_563 = vector.shape_cast %mul3A_558 : vector<16xf32> to vector<1x16xf32>
          tpu.vector_store %arg13[%swap3A_559, %swap3A_560], %swap3A_563 {strides = array<i32>} : memref<80x128xf32, #tpu.memory_space<vmem>>, vector<1x16xf32>,
          %get3A_564 = arith.index_cast %add3A_486 : i32 to index
          %get3A_565 = arith.constant 112 : index
          %get3A_566 = tpu.vector_load %arg13[%get3A_564, %get3A_565] {strides = array<i32>} : memref<80x128xf32, #tpu.memory_space<vmem>>, vector<1x16xf32>,
          %get3A_567 = vector.shape_cast %get3A_566 : vector<1x16xf32> to vector<16xf32>
          %mul3A_568 = vector.broadcast %squeeze3A_482 : f32 to vector<16xf32>
          %mul3A_569 = arith.mulf %get3A_567, %mul3A_568 : vector<16xf32>
          %swap3A_570 = arith.index_cast %add3A_486 : i32 to index
          %swap3A_571 = arith.constant 112 : index
          %swap3A_572 = tpu.vector_load %arg13[%swap3A_570, %swap3A_571] {strides = array<i32>} : memref<80x128xf32, #tpu.memory_space<vmem>>, vector<1x16xf32>,
          %swap3A_573 = vector.shape_cast %swap3A_572 : vector<1x16xf32> to vector<16xf32>
          %swap3A_574 = vector.shape_cast %mul3A_569 : vector<16xf32> to vector<1x16xf32>
          tpu.vector_store %arg13[%swap3A_570, %swap3A_571], %swap3A_574 {strides = array<i32>} : memref<80x128xf32, #tpu.memory_space<vmem>>, vector<1x16xf32>,
          %slice3A_575 = vector.extract_strided_slice %get3A_107 {offsets = [5], sizes = [1], strides = [1]} : vector<16xf32> to vector<1xf32>
          %squeeze3A_576 = vector.extract %slice3A_575[0] : f32 from vector<1xf32>
          %mul3A_577 = arith.constant 16 : i32
          %mul3A_578 = arith.muli %scan3A_102, %mul3A_577 : i32
          %add3A_579 = arith.constant 5 : i32
          %add3A_580 = arith.addi %mul3A_578, %add3A_579 : i32
          %get3A_581 = arith.index_cast %add3A_580 : i32 to index
          %get3A_582 = arith.constant 0 : index
          %get3A_583 = tpu.vector_load %arg13[%get3A_581, %get3A_582] {strides = array<i32>} : memref<80x128xf32, #tpu.memory_space<vmem>>, vector<1x16xf32>,
          %get3A_584 = vector.shape_cast %get3A_583 : vector<1x16xf32> to vector<16xf32>
          %mul3A_585 = vector.broadcast %squeeze3A_576 : f32 to vector<16xf32>
          %mul3A_586 = arith.mulf %get3A_584, %mul3A_585 : vector<16xf32>
          %swap3A_587 = arith.index_cast %add3A_580 : i32 to index
          %swap3A_588 = arith.constant 0 : index
          %swap3A_589 = tpu.vector_load %arg13[%swap3A_587, %swap3A_588] {strides = array<i32>} : memref<80x128xf32, #tpu.memory_space<vmem>>, vector<1x16xf32>,
          %swap3A_590 = vector.shape_cast %swap3A_589 : vector<1x16xf32> to vector<16xf32>
          %swap3A_591 = vector.shape_cast %mul3A_586 : vector<16xf32> to vector<1x16xf32>
          tpu.vector_store %arg13[%swap3A_587, %swap3A_588], %swap3A_591 {strides = array<i32>} : memref<80x128xf32, #tpu.memory_space<vmem>>, vector<1x16xf32>,
          %get3A_592 = arith.index_cast %add3A_580 : i32 to index
          %get3A_593 = arith.constant 16 : index
          %get3A_594 = tpu.vector_load %arg13[%get3A_592, %get3A_593] {strides = array<i32>} : memref<80x128xf32, #tpu.memory_space<vmem>>, vector<1x16xf32>,
          %get3A_595 = vector.shape_cast %get3A_594 : vector<1x16xf32> to vector<16xf32>
          %mul3A_596 = vector.broadcast %squeeze3A_576 : f32 to vector<16xf32>
          %mul3A_597 = arith.mulf %get3A_595, %mul3A_596 : vector<16xf32>
          %swap3A_598 = arith.index_cast %add3A_580 : i32 to index
          %swap3A_599 = arith.constant 16 : index
          %swap3A_600 = tpu.vector_load %arg13[%swap3A_598, %swap3A_599] {strides = array<i32>} : memref<80x128xf32, #tpu.memory_space<vmem>>, vector<1x16xf32>,
          %swap3A_601 = vector.shape_cast %swap3A_600 : vector<1x16xf32> to vector<16xf32>
          %swap3A_602 = vector.shape_cast %mul3A_597 : vector<16xf32> to vector<1x16xf32>
          tpu.vector_store %arg13[%swap3A_598, %swap3A_599], %swap3A_602 {strides = array<i32>} : memref<80x128xf32, #tpu.memory_space<vmem>>, vector<1x16xf32>,
          %get3A_603 = arith.index_cast %add3A_580 : i32 to index
          %get3A_604 = arith.constant 32 : index
          %get3A_605 = tpu.vector_load %arg13[%get3A_603, %get3A_604] {strides = array<i32>} : memref<80x128xf32, #tpu.memory_space<vmem>>, vector<1x16xf32>,
          %get3A_606 = vector.shape_cast %get3A_605 : vector<1x16xf32> to vector<16xf32>
          %mul3A_607 = vector.broadcast %squeeze3A_576 : f32 to vector<16xf32>
          %mul3A_608 = arith.mulf %get3A_606, %mul3A_607 : vector<16xf32>
          %swap3A_609 = arith.index_cast %add3A_580 : i32 to index
          %swap3A_610 = arith.constant 32 : index
          %swap3A_611 = tpu.vector_load %arg13[%swap3A_609, %swap3A_610] {strides = array<i32>} : memref<80x128xf32, #tpu.memory_space<vmem>>, vector<1x16xf32>,
          %swap3A_612 = vector.shape_cast %swap3A_611 : vector<1x16xf32> to vector<16xf32>
          %swap3A_613 = vector.shape_cast %mul3A_608 : vector<16xf32> to vector<1x16xf32>
          tpu.vector_store %arg13[%swap3A_609, %swap3A_610], %swap3A_613 {strides = array<i32>} : memref<80x128xf32, #tpu.memory_space<vmem>>, vector<1x16xf32>,
          %get3A_614 = arith.index_cast %add3A_580 : i32 to index
          %get3A_615 = arith.constant 48 : index
          %get3A_616 = tpu.vector_load %arg13[%get3A_614, %get3A_615] {strides = array<i32>} : memref<80x128xf32, #tpu.memory_space<vmem>>, vector<1x16xf32>,
          %get3A_617 = vector.shape_cast %get3A_616 : vector<1x16xf32> to vector<16xf32>
          %mul3A_618 = vector.broadcast %squeeze3A_576 : f32 to vector<16xf32>
          %mul3A_619 = arith.mulf %get3A_617, %mul3A_618 : vector<16xf32>
          %swap3A_620 = arith.index_cast %add3A_580 : i32 to index
          %swap3A_621 = arith.constant 48 : index
          %swap3A_622 = tpu.vector_load %arg13[%swap3A_620, %swap3A_621] {strides = array<i32>} : memref<80x128xf32, #tpu.memory_space<vmem>>, vector<1x16xf32>,
          %swap3A_623 = vector.shape_cast %swap3A_622 : vector<1x16xf32> to vector<16xf32>
          %swap3A_624 = vector.shape_cast %mul3A_619 : vector<16xf32> to vector<1x16xf32>
          tpu.vector_store %arg13[%swap3A_620, %swap3A_621], %swap3A_624 {strides = array<i32>} : memref<80x128xf32, #tpu.memory_space<vmem>>, vector<1x16xf32>,
          %get3A_625 = arith.index_cast %add3A_580 : i32 to index
          %get3A_626 = arith.constant 64 : index
          %get3A_627 = tpu.vector_load %arg13[%get3A_625, %get3A_626] {strides = array<i32>} : memref<80x128xf32, #tpu.memory_space<vmem>>, vector<1x16xf32>,
          %get3A_628 = vector.shape_cast %get3A_627 : vector<1x16xf32> to vector<16xf32>
          %mul3A_629 = vector.broadcast %squeeze3A_576 : f32 to vector<16xf32>
          %mul3A_630 = arith.mulf %get3A_628, %mul3A_629 : vector<16xf32>
          %swap3A_631 = arith.index_cast %add3A_580 : i32 to index
          %swap3A_632 = arith.constant 64 : index
          %swap3A_633 = tpu.vector_load %arg13[%swap3A_631, %swap3A_632] {strides = array<i32>} : memref<80x128xf32, #tpu.memory_space<vmem>>, vector<1x16xf32>,
          %swap3A_634 = vector.shape_cast %swap3A_633 : vector<1x16xf32> to vector<16xf32>
          %swap3A_635 = vector.shape_cast %mul3A_630 : vector<16xf32> to vector<1x16xf32>
          tpu.vector_store %arg13[%swap3A_631, %swap3A_632], %swap3A_635 {strides = array<i32>} : memref<80x128xf32, #tpu.memory_space<vmem>>, vector<1x16xf32>,
          %get3A_636 = arith.index_cast %add3A_580 : i32 to index
          %get3A_637 = arith.constant 80 : index
          %get3A_638 = tpu.vector_load %arg13[%get3A_636, %get3A_637] {strides = array<i32>} : memref<80x128xf32, #tpu.memory_space<vmem>>, vector<1x16xf32>,
          %get3A_639 = vector.shape_cast %get3A_638 : vector<1x16xf32> to vector<16xf32>
          %mul3A_640 = vector.broadcast %squeeze3A_576 : f32 to vector<16xf32>
          %mul3A_641 = arith.mulf %get3A_639, %mul3A_640 : vector<16xf32>
          %swap3A_642 = arith.index_cast %add3A_580 : i32 to index
          %swap3A_643 = arith.constant 80 : index
          %swap3A_644 = tpu.vector_load %arg13[%swap3A_642, %swap3A_643] {strides = array<i32>} : memref<80x128xf32, #tpu.memory_space<vmem>>, vector<1x16xf32>,
          %swap3A_645 = vector.shape_cast %swap3A_644 : vector<1x16xf32> to vector<16xf32>
          %swap3A_646 = vector.shape_cast %mul3A_641 : vector<16xf32> to vector<1x16xf32>
          tpu.vector_store %arg13[%swap3A_642, %swap3A_643], %swap3A_646 {strides = array<i32>} : memref<80x128xf32, #tpu.memory_space<vmem>>, vector<1x16xf32>,
          %get3A_647 = arith.index_cast %add3A_580 : i32 to index
          %get3A_648 = arith.constant 96 : index
          %get3A_649 = tpu.vector_load %arg13[%get3A_647, %get3A_648] {strides = array<i32>} : memref<80x128xf32, #tpu.memory_space<vmem>>, vector<1x16xf32>,
          %get3A_650 = vector.shape_cast %get3A_649 : vector<1x16xf32> to vector<16xf32>
          %mul3A_651 = vector.broadcast %squeeze3A_576 : f32 to vector<16xf32>
          %mul3A_652 = arith.mulf %get3A_650, %mul3A_651 : vector<16xf32>
          %swap3A_653 = arith.index_cast %add3A_580 : i32 to index
          %swap3A_654 = arith.constant 96 : index
          %swap3A_655 = tpu.vector_load %arg13[%swap3A_653, %swap3A_654] {strides = array<i32>} : memref<80x128xf32, #tpu.memory_space<vmem>>, vector<1x16xf32>,
          %swap3A_656 = vector.shape_cast %swap3A_655 : vector<1x16xf32> to vector<16xf32>
          %swap3A_657 = vector.shape_cast %mul3A_652 : vector<16xf32> to vector<1x16xf32>
          tpu.vector_store %arg13[%swap3A_653, %swap3A_654], %swap3A_657 {strides = array<i32>} : memref<80x128xf32, #tpu.memory_space<vmem>>, vector<1x16xf32>,
          %get3A_658 = arith.index_cast %add3A_580 : i32 to index
          %get3A_659 = arith.constant 112 : index
          %get3A_660 = tpu.vector_load %arg13[%get3A_658, %get3A_659] {strides = array<i32>} : memref<80x128xf32, #tpu.memory_space<vmem>>, vector<1x16xf32>,
          %get3A_661 = vector.shape_cast %get3A_660 : vector<1x16xf32> to vector<16xf32>
          %mul3A_662 = vector.broadcast %squeeze3A_576 : f32 to vector<16xf32>
          %mul3A_663 = arith.mulf %get3A_661, %mul3A_662 : vector<16xf32>
          %swap3A_664 = arith.index_cast %add3A_580 : i32 to index
          %swap3A_665 = arith.constant 112 : index
          %swap3A_666 = tpu.vector_load %arg13[%swap3A_664, %swap3A_665] {strides = array<i32>} : memref<80x128xf32, #tpu.memory_space<vmem>>, vector<1x16xf32>,
          %swap3A_667 = vector.shape_cast %swap3A_666 : vector<1x16xf32> to vector<16xf32>
          %swap3A_668 = vector.shape_cast %mul3A_663 : vector<16xf32> to vector<1x16xf32>
          tpu.vector_store %arg13[%swap3A_664, %swap3A_665], %swap3A_668 {strides = array<i32>} : memref<80x128xf32, #tpu.memory_space<vmem>>, vector<1x16xf32>,
          %slice3A_669 = vector.extract_strided_slice %get3A_107 {offsets = [6], sizes = [1], strides = [1]} : vector<16xf32> to vector<1xf32>
          %squeeze3A_670 = vector.extract %slice3A_669[0] : f32 from vector<1xf32>
          %mul3A_671 = arith.constant 16 : i32
          %mul3A_672 = arith.muli %scan3A_102, %mul3A_671 : i32
          %add3A_673 = arith.constant 6 : i32
          %add3A_674 = arith.addi %mul3A_672, %add3A_673 : i32
          %get3A_675 = arith.index_cast %add3A_674 : i32 to index
          %get3A_676 = arith.constant 0 : index
          %get3A_677 = tpu.vector_load %arg13[%get3A_675, %get3A_676] {strides = array<i32>} : memref<80x128xf32, #tpu.memory_space<vmem>>, vector<1x16xf32>,
          %get3A_678 = vector.shape_cast %get3A_677 : vector<1x16xf32> to vector<16xf32>
          %mul3A_679 = vector.broadcast %squeeze3A_670 : f32 to vector<16xf32>
          %mul3A_680 = arith.mulf %get3A_678, %mul3A_679 : vector<16xf32>
          %swap3A_681 = arith.index_cast %add3A_674 : i32 to index
          %swap3A_682 = arith.constant 0 : index
          %swap3A_683 = tpu.vector_load %arg13[%swap3A_681, %swap3A_682] {strides = array<i32>} : memref<80x128xf32, #tpu.memory_space<vmem>>, vector<1x16xf32>,
          %swap3A_684 = vector.shape_cast %swap3A_683 : vector<1x16xf32> to vector<16xf32>
          %swap3A_685 = vector.shape_cast %mul3A_680 : vector<16xf32> to vector<1x16xf32>
          tpu.vector_store %arg13[%swap3A_681, %swap3A_682], %swap3A_685 {strides = array<i32>} : memref<80x128xf32, #tpu.memory_space<vmem>>, vector<1x16xf32>,
          %get3A_686 = arith.index_cast %add3A_674 : i32 to index
          %get3A_687 = arith.constant 16 : index
          %get3A_688 = tpu.vector_load %arg13[%get3A_686, %get3A_687] {strides = array<i32>} : memref<80x128xf32, #tpu.memory_space<vmem>>, vector<1x16xf32>,
          %get3A_689 = vector.shape_cast %get3A_688 : vector<1x16xf32> to vector<16xf32>
          %mul3A_690 = vector.broadcast %squeeze3A_670 : f32 to vector<16xf32>
          %mul3A_691 = arith.mulf %get3A_689, %mul3A_690 : vector<16xf32>
          %swap3A_692 = arith.index_cast %add3A_674 : i32 to index
          %swap3A_693 = arith.constant 16 : index
          %swap3A_694 = tpu.vector_load %arg13[%swap3A_692, %swap3A_693] {strides = array<i32>} : memref<80x128xf32, #tpu.memory_space<vmem>>, vector<1x16xf32>,
          %swap3A_695 = vector.shape_cast %swap3A_694 : vector<1x16xf32> to vector<16xf32>
          %swap3A_696 = vector.shape_cast %mul3A_691 : vector<16xf32> to vector<1x16xf32>
          tpu.vector_store %arg13[%swap3A_692, %swap3A_693], %swap3A_696 {strides = array<i32>} : memref<80x128xf32, #tpu.memory_space<vmem>>, vector<1x16xf32>,
          %get3A_697 = arith.index_cast %add3A_674 : i32 to index
          %get3A_698 = arith.constant 32 : index
          %get3A_699 = tpu.vector_load %arg13[%get3A_697, %get3A_698] {strides = array<i32>} : memref<80x128xf32, #tpu.memory_space<vmem>>, vector<1x16xf32>,
          %get3A_700 = vector.shape_cast %get3A_699 : vector<1x16xf32> to vector<16xf32>
          %mul3A_701 = vector.broadcast %squeeze3A_670 : f32 to vector<16xf32>
          %mul3A_702 = arith.mulf %get3A_700, %mul3A_701 : vector<16xf32>
          %swap3A_703 = arith.index_cast %add3A_674 : i32 to index
          %swap3A_704 = arith.constant 32 : index
          %swap3A_705 = tpu.vector_load %arg13[%swap3A_703, %swap3A_704] {strides = array<i32>} : memref<80x128xf32, #tpu.memory_space<vmem>>, vector<1x16xf32>,
          %swap3A_706 = vector.shape_cast %swap3A_705 : vector<1x16xf32> to vector<16xf32>
          %swap3A_707 = vector.shape_cast %mul3A_702 : vector<16xf32> to vector<1x16xf32>
          tpu.vector_store %arg13[%swap3A_703, %swap3A_704], %swap3A_707 {strides = array<i32>} : memref<80x128xf32, #tpu.memory_space<vmem>>, vector<1x16xf32>,
          %get3A_708 = arith.index_cast %add3A_674 : i32 to index
          %get3A_709 = arith.constant 48 : index
          %get3A_710 = tpu.vector_load %arg13[%get3A_708, %get3A_709] {strides = array<i32>} : memref<80x128xf32, #tpu.memory_space<vmem>>, vector<1x16xf32>,
          %get3A_711 = vector.shape_cast %get3A_710 : vector<1x16xf32> to vector<16xf32>
          %mul3A_712 = vector.broadcast %squeeze3A_670 : f32 to vector<16xf32>
          %mul3A_713 = arith.mulf %get3A_711, %mul3A_712 : vector<16xf32>
          %swap3A_714 = arith.index_cast %add3A_674 : i32 to index
          %swap3A_715 = arith.constant 48 : index
          %swap3A_716 = tpu.vector_load %arg13[%swap3A_714, %swap3A_715] {strides = array<i32>} : memref<80x128xf32, #tpu.memory_space<vmem>>, vector<1x16xf32>,
          %swap3A_717 = vector.shape_cast %swap3A_716 : vector<1x16xf32> to vector<16xf32>
          %swap3A_718 = vector.shape_cast %mul3A_713 : vector<16xf32> to vector<1x16xf32>
          tpu.vector_store %arg13[%swap3A_714, %swap3A_715], %swap3A_718 {strides = array<i32>} : memref<80x128xf32, #tpu.memory_space<vmem>>, vector<1x16xf32>,
          %get3A_719 = arith.index_cast %add3A_674 : i32 to index
          %get3A_720 = arith.constant 64 : index
          %get3A_721 = tpu.vector_load %arg13[%get3A_719, %get3A_720] {strides = array<i32>} : memref<80x128xf32, #tpu.memory_space<vmem>>, vector<1x16xf32>,
          %get3A_722 = vector.shape_cast %get3A_721 : vector<1x16xf32> to vector<16xf32>
          %mul3A_723 = vector.broadcast %squeeze3A_670 : f32 to vector<16xf32>
          %mul3A_724 = arith.mulf %get3A_722, %mul3A_723 : vector<16xf32>
          %swap3A_725 = arith.index_cast %add3A_674 : i32 to index
          %swap3A_726 = arith.constant 64 : index
          %swap3A_727 = tpu.vector_load %arg13[%swap3A_725, %swap3A_726] {strides = array<i32>} : memref<80x128xf32, #tpu.memory_space<vmem>>, vector<1x16xf32>,
          %swap3A_728 = vector.shape_cast %swap3A_727 : vector<1x16xf32> to vector<16xf32>
          %swap3A_729 = vector.shape_cast %mul3A_724 : vector<16xf32> to vector<1x16xf32>
          tpu.vector_store %arg13[%swap3A_725, %swap3A_726], %swap3A_729 {strides = array<i32>} : memref<80x128xf32, #tpu.memory_space<vmem>>, vector<1x16xf32>,
          %get3A_730 = arith.index_cast %add3A_674 : i32 to index
          %get3A_731 = arith.constant 80 : index
          %get3A_732 = tpu.vector_load %arg13[%get3A_730, %get3A_731] {strides = array<i32>} : memref<80x128xf32, #tpu.memory_space<vmem>>, vector<1x16xf32>,
          %get3A_733 = vector.shape_cast %get3A_732 : vector<1x16xf32> to vector<16xf32>
          %mul3A_734 = vector.broadcast %squeeze3A_670 : f32 to vector<16xf32>
          %mul3A_735 = arith.mulf %get3A_733, %mul3A_734 : vector<16xf32>
          %swap3A_736 = arith.index_cast %add3A_674 : i32 to index
          %swap3A_737 = arith.constant 80 : index
          %swap3A_738 = tpu.vector_load %arg13[%swap3A_736, %swap3A_737] {strides = array<i32>} : memref<80x128xf32, #tpu.memory_space<vmem>>, vector<1x16xf32>,
          %swap3A_739 = vector.shape_cast %swap3A_738 : vector<1x16xf32> to vector<16xf32>
          %swap3A_740 = vector.shape_cast %mul3A_735 : vector<16xf32> to vector<1x16xf32>
          tpu.vector_store %arg13[%swap3A_736, %swap3A_737], %swap3A_740 {strides = array<i32>} : memref<80x128xf32, #tpu.memory_space<vmem>>, vector<1x16xf32>,
          %get3A_741 = arith.index_cast %add3A_674 : i32 to index
          %get3A_742 = arith.constant 96 : index
          %get3A_743 = tpu.vector_load %arg13[%get3A_741, %get3A_742] {strides = array<i32>} : memref<80x128xf32, #tpu.memory_space<vmem>>, vector<1x16xf32>,
          %get3A_744 = vector.shape_cast %get3A_743 : vector<1x16xf32> to vector<16xf32>
          %mul3A_745 = vector.broadcast %squeeze3A_670 : f32 to vector<16xf32>
          %mul3A_746 = arith.mulf %get3A_744, %mul3A_745 : vector<16xf32>
          %swap3A_747 = arith.index_cast %add3A_674 : i32 to index
          %swap3A_748 = arith.constant 96 : index
          %swap3A_749 = tpu.vector_load %arg13[%swap3A_747, %swap3A_748] {strides = array<i32>} : memref<80x128xf32, #tpu.memory_space<vmem>>, vector<1x16xf32>,
          %swap3A_750 = vector.shape_cast %swap3A_749 : vector<1x16xf32> to vector<16xf32>
          %swap3A_751 = vector.shape_cast %mul3A_746 : vector<16xf32> to vector<1x16xf32>
          tpu.vector_store %arg13[%swap3A_747, %swap3A_748], %swap3A_751 {strides = array<i32>} : memref<80x128xf32, #tpu.memory_space<vmem>>, vector<1x16xf32>,
          %get3A_752 = arith.index_cast %add3A_674 : i32 to index
          %get3A_753 = arith.constant 112 : index
          %get3A_754 = tpu.vector_load %arg13[%get3A_752, %get3A_753] {strides = array<i32>} : memref<80x128xf32, #tpu.memory_space<vmem>>, vector<1x16xf32>,
          %get3A_755 = vector.shape_cast %get3A_754 : vector<1x16xf32> to vector<16xf32>
          %mul3A_756 = vector.broadcast %squeeze3A_670 : f32 to vector<16xf32>
          %mul3A_757 = arith.mulf %get3A_755, %mul3A_756 : vector<16xf32>
          %swap3A_758 = arith.index_cast %add3A_674 : i32 to index
          %swap3A_759 = arith.constant 112 : index
          %swap3A_760 = tpu.vector_load %arg13[%swap3A_758, %swap3A_759] {strides = array<i32>} : memref<80x128xf32, #tpu.memory_space<vmem>>, vector<1x16xf32>,
          %swap3A_761 = vector.shape_cast %swap3A_760 : vector<1x16xf32> to vector<16xf32>
          %swap3A_762 = vector.shape_cast %mul3A_757 : vector<16xf32> to vector<1x16xf32>
          tpu.vector_store %arg13[%swap3A_758, %swap3A_759], %swap3A_762 {strides = array<i32>} : memref<80x128xf32, #tpu.memory_space<vmem>>, vector<1x16xf32>,
          %slice3A_763 = vector.extract_strided_slice %get3A_107 {offsets = [7], sizes = [1], strides = [1]} : vector<16xf32> to vector<1xf32>
          %squeeze3A_764 = vector.extract %slice3A_763[0] : f32 from vector<1xf32>
          %mul3A_765 = arith.constant 16 : i32
          %mul3A_766 = arith.muli %scan3A_102, %mul3A_765 : i32
          %add3A_767 = arith.constant 7 : i32
          %add3A_768 = arith.addi %mul3A_766, %add3A_767 : i32
          %get3A_769 = arith.index_cast %add3A_768 : i32 to index
          %get3A_770 = arith.constant 0 : index
          %get3A_771 = tpu.vector_load %arg13[%get3A_769, %get3A_770] {strides = array<i32>} : memref<80x128xf32, #tpu.memory_space<vmem>>, vector<1x16xf32>,
          %get3A_772 = vector.shape_cast %get3A_771 : vector<1x16xf32> to vector<16xf32>
          %mul3A_773 = vector.broadcast %squeeze3A_764 : f32 to vector<16xf32>
          %mul3A_774 = arith.mulf %get3A_772, %mul3A_773 : vector<16xf32>
          %swap3A_775 = arith.index_cast %add3A_768 : i32 to index
          %swap3A_776 = arith.constant 0 : index
          %swap3A_777 = tpu.vector_load %arg13[%swap3A_775, %swap3A_776] {strides = array<i32>} : memref<80x128xf32, #tpu.memory_space<vmem>>, vector<1x16xf32>,
          %swap3A_778 = vector.shape_cast %swap3A_777 : vector<1x16xf32> to vector<16xf32>
          %swap3A_779 = vector.shape_cast %mul3A_774 : vector<16xf32> to vector<1x16xf32>
          tpu.vector_store %arg13[%swap3A_775, %swap3A_776], %swap3A_779 {strides = array<i32>} : memref<80x128xf32, #tpu.memory_space<vmem>>, vector<1x16xf32>,
          %get3A_780 = arith.index_cast %add3A_768 : i32 to index
          %get3A_781 = arith.constant 16 : index
          %get3A_782 = tpu.vector_load %arg13[%get3A_780, %get3A_781] {strides = array<i32>} : memref<80x128xf32, #tpu.memory_space<vmem>>, vector<1x16xf32>,
          %get3A_783 = vector.shape_cast %get3A_782 : vector<1x16xf32> to vector<16xf32>
          %mul3A_784 = vector.broadcast %squeeze3A_764 : f32 to vector<16xf32>
          %mul3A_785 = arith.mulf %get3A_783, %mul3A_784 : vector<16xf32>
          %swap3A_786 = arith.index_cast %add3A_768 : i32 to index
          %swap3A_787 = arith.constant 16 : index
          %swap3A_788 = tpu.vector_load %arg13[%swap3A_786, %swap3A_787] {strides = array<i32>} : memref<80x128xf32, #tpu.memory_space<vmem>>, vector<1x16xf32>,
          %swap3A_789 = vector.shape_cast %swap3A_788 : vector<1x16xf32> to vector<16xf32>
          %swap3A_790 = vector.shape_cast %mul3A_785 : vector<16xf32> to vector<1x16xf32>
          tpu.vector_store %arg13[%swap3A_786, %swap3A_787], %swap3A_790 {strides = array<i32>} : memref<80x128xf32, #tpu.memory_space<vmem>>, vector<1x16xf32>,
          %get3A_791 = arith.index_cast %add3A_768 : i32 to index
          %get3A_792 = arith.constant 32 : index
          %get3A_793 = tpu.vector_load %arg13[%get3A_791, %get3A_792] {strides = array<i32>} : memref<80x128xf32, #tpu.memory_space<vmem>>, vector<1x16xf32>,
          %get3A_794 = vector.shape_cast %get3A_793 : vector<1x16xf32> to vector<16xf32>
          %mul3A_795 = vector.broadcast %squeeze3A_764 : f32 to vector<16xf32>
          %mul3A_796 = arith.mulf %get3A_794, %mul3A_795 : vector<16xf32>
          %swap3A_797 = arith.index_cast %add3A_768 : i32 to index
          %swap3A_798 = arith.constant 32 : index
          %swap3A_799 = tpu.vector_load %arg13[%swap3A_797, %swap3A_798] {strides = array<i32>} : memref<80x128xf32, #tpu.memory_space<vmem>>, vector<1x16xf32>,
          %swap3A_800 = vector.shape_cast %swap3A_799 : vector<1x16xf32> to vector<16xf32>
          %swap3A_801 = vector.shape_cast %mul3A_796 : vector<16xf32> to vector<1x16xf32>
          tpu.vector_store %arg13[%swap3A_797, %swap3A_798], %swap3A_801 {strides = array<i32>} : memref<80x128xf32, #tpu.memory_space<vmem>>, vector<1x16xf32>,
          %get3A_802 = arith.index_cast %add3A_768 : i32 to index
          %get3A_803 = arith.constant 48 : index
          %get3A_804 = tpu.vector_load %arg13[%get3A_802, %get3A_803] {strides = array<i32>} : memref<80x128xf32, #tpu.memory_space<vmem>>, vector<1x16xf32>,
          %get3A_805 = vector.shape_cast %get3A_804 : vector<1x16xf32> to vector<16xf32>
          %mul3A_806 = vector.broadcast %squeeze3A_764 : f32 to vector<16xf32>
          %mul3A_807 = arith.mulf %get3A_805, %mul3A_806 : vector<16xf32>
          %swap3A_808 = arith.index_cast %add3A_768 : i32 to index
          %swap3A_809 = arith.constant 48 : index
          %swap3A_810 = tpu.vector_load %arg13[%swap3A_808, %swap3A_809] {strides = array<i32>} : memref<80x128xf32, #tpu.memory_space<vmem>>, vector<1x16xf32>,
          %swap3A_811 = vector.shape_cast %swap3A_810 : vector<1x16xf32> to vector<16xf32>
          %swap3A_812 = vector.shape_cast %mul3A_807 : vector<16xf32> to vector<1x16xf32>
          tpu.vector_store %arg13[%swap3A_808, %swap3A_809], %swap3A_812 {strides = array<i32>} : memref<80x128xf32, #tpu.memory_space<vmem>>, vector<1x16xf32>,
          %get3A_813 = arith.index_cast %add3A_768 : i32 to index
          %get3A_814 = arith.constant 64 : index
          %get3A_815 = tpu.vector_load %arg13[%get3A_813, %get3A_814] {strides = array<i32>} : memref<80x128xf32, #tpu.memory_space<vmem>>, vector<1x16xf32>,
          %get3A_816 = vector.shape_cast %get3A_815 : vector<1x16xf32> to vector<16xf32>
          %mul3A_817 = vector.broadcast %squeeze3A_764 : f32 to vector<16xf32>
          %mul3A_818 = arith.mulf %get3A_816, %mul3A_817 : vector<16xf32>
          %swap3A_819 = arith.index_cast %add3A_768 : i32 to index
          %swap3A_820 = arith.constant 64 : index
          %swap3A_821 = tpu.vector_load %arg13[%swap3A_819, %swap3A_820] {strides = array<i32>} : memref<80x128xf32, #tpu.memory_space<vmem>>, vector<1x16xf32>,
          %swap3A_822 = vector.shape_cast %swap3A_821 : vector<1x16xf32> to vector<16xf32>
          %swap3A_823 = vector.shape_cast %mul3A_818 : vector<16xf32> to vector<1x16xf32>
          tpu.vector_store %arg13[%swap3A_819, %swap3A_820], %swap3A_823 {strides = array<i32>} : memref<80x128xf32, #tpu.memory_space<vmem>>, vector<1x16xf32>,
          %get3A_824 = arith.index_cast %add3A_768 : i32 to index
          %get3A_825 = arith.constant 80 : index
          %get3A_826 = tpu.vector_load %arg13[%get3A_824, %get3A_825] {strides = array<i32>} : memref<80x128xf32, #tpu.memory_space<vmem>>, vector<1x16xf32>,
          %get3A_827 = vector.shape_cast %get3A_826 : vector<1x16xf32> to vector<16xf32>
          %mul3A_828 = vector.broadcast %squeeze3A_764 : f32 to vector<16xf32>
          %mul3A_829 = arith.mulf %get3A_827, %mul3A_828 : vector<16xf32>
          %swap3A_830 = arith.index_cast %add3A_768 : i32 to index
          %swap3A_831 = arith.constant 80 : index
          %swap3A_832 = tpu.vector_load %arg13[%swap3A_830, %swap3A_831] {strides = array<i32>} : memref<80x128xf32, #tpu.memory_space<vmem>>, vector<1x16xf32>,
          %swap3A_833 = vector.shape_cast %swap3A_832 : vector<1x16xf32> to vector<16xf32>
          %swap3A_834 = vector.shape_cast %mul3A_829 : vector<16xf32> to vector<1x16xf32>
          tpu.vector_store %arg13[%swap3A_830, %swap3A_831], %swap3A_834 {strides = array<i32>} : memref<80x128xf32, #tpu.memory_space<vmem>>, vector<1x16xf32>,
          %get3A_835 = arith.index_cast %add3A_768 : i32 to index
          %get3A_836 = arith.constant 96 : index
          %get3A_837 = tpu.vector_load %arg13[%get3A_835, %get3A_836] {strides = array<i32>} : memref<80x128xf32, #tpu.memory_space<vmem>>, vector<1x16xf32>,
          %get3A_838 = vector.shape_cast %get3A_837 : vector<1x16xf32> to vector<16xf32>
          %mul3A_839 = vector.broadcast %squeeze3A_764 : f32 to vector<16xf32>
          %mul3A_840 = arith.mulf %get3A_838, %mul3A_839 : vector<16xf32>
          %swap3A_841 = arith.index_cast %add3A_768 : i32 to index
          %swap3A_842 = arith.constant 96 : index
          %swap3A_843 = tpu.vector_load %arg13[%swap3A_841, %swap3A_842] {strides = array<i32>} : memref<80x128xf32, #tpu.memory_space<vmem>>, vector<1x16xf32>,
          %swap3A_844 = vector.shape_cast %swap3A_843 : vector<1x16xf32> to vector<16xf32>
          %swap3A_845 = vector.shape_cast %mul3A_840 : vector<16xf32> to vector<1x16xf32>
          tpu.vector_store %arg13[%swap3A_841, %swap3A_842], %swap3A_845 {strides = array<i32>} : memref<80x128xf32, #tpu.memory_space<vmem>>, vector<1x16xf32>,
          %get3A_846 = arith.index_cast %add3A_768 : i32 to index
          %get3A_847 = arith.constant 112 : index
          %get3A_848 = tpu.vector_load %arg13[%get3A_846, %get3A_847] {strides = array<i32>} : memref<80x128xf32, #tpu.memory_space<vmem>>, vector<1x16xf32>,
          %get3A_849 = vector.shape_cast %get3A_848 : vector<1x16xf32> to vector<16xf32>
          %mul3A_850 = vector.broadcast %squeeze3A_764 : f32 to vector<16xf32>
          %mul3A_851 = arith.mulf %get3A_849, %mul3A_850 : vector<16xf32>
          %swap3A_852 = arith.index_cast %add3A_768 : i32 to index
          %swap3A_853 = arith.constant 112 : index
          %swap3A_854 = tpu.vector_load %arg13[%swap3A_852, %swap3A_853] {strides = array<i32>} : memref<80x128xf32, #tpu.memory_space<vmem>>, vector<1x16xf32>,
          %swap3A_855 = vector.shape_cast %swap3A_854 : vector<1x16xf32> to vector<16xf32>
          %swap3A_856 = vector.shape_cast %mul3A_851 : vector<16xf32> to vector<1x16xf32>
          tpu.vector_store %arg13[%swap3A_852, %swap3A_853], %swap3A_856 {strides = array<i32>} : memref<80x128xf32, #tpu.memory_space<vmem>>, vector<1x16xf32>,
          %slice3A_857 = vector.extract_strided_slice %get3A_107 {offsets = [8], sizes = [1], strides = [1]} : vector<16xf32> to vector<1xf32>
          %squeeze3A_858 = vector.extract %slice3A_857[0] : f32 from vector<1xf32>
          %mul3A_859 = arith.constant 16 : i32
          %mul3A_860 = arith.muli %scan3A_102, %mul3A_859 : i32
          %add3A_861 = arith.constant 8 : i32
          %add3A_862 = arith.addi %mul3A_860, %add3A_861 : i32
          %get3A_863 = arith.index_cast %add3A_862 : i32 to index
          %get3A_864 = arith.constant 0 : index
          %get3A_865 = tpu.vector_load %arg13[%get3A_863, %get3A_864] {strides = array<i32>} : memref<80x128xf32, #tpu.memory_space<vmem>>, vector<1x16xf32>,
          %get3A_866 = vector.shape_cast %get3A_865 : vector<1x16xf32> to vector<16xf32>
          %mul3A_867 = vector.broadcast %squeeze3A_858 : f32 to vector<16xf32>
          %mul3A_868 = arith.mulf %get3A_866, %mul3A_867 : vector<16xf32>
          %swap3A_869 = arith.index_cast %add3A_862 : i32 to index
          %swap3A_870 = arith.constant 0 : index
          %swap3A_871 = tpu.vector_load %arg13[%swap3A_869, %swap3A_870] {strides = array<i32>} : memref<80x128xf32, #tpu.memory_space<vmem>>, vector<1x16xf32>,
          %swap3A_872 = vector.shape_cast %swap3A_871 : vector<1x16xf32> to vector<16xf32>
          %swap3A_873 = vector.shape_cast %mul3A_868 : vector<16xf32> to vector<1x16xf32>
          tpu.vector_store %arg13[%swap3A_869, %swap3A_870], %swap3A_873 {strides = array<i32>} : memref<80x128xf32, #tpu.memory_space<vmem>>, vector<1x16xf32>,
          %get3A_874 = arith.index_cast %add3A_862 : i32 to index
          %get3A_875 = arith.constant 16 : index
          %get3A_876 = tpu.vector_load %arg13[%get3A_874, %get3A_875] {strides = array<i32>} : memref<80x128xf32, #tpu.memory_space<vmem>>, vector<1x16xf32>,
          %get3A_877 = vector.shape_cast %get3A_876 : vector<1x16xf32> to vector<16xf32>
          %mul3A_878 = vector.broadcast %squeeze3A_858 : f32 to vector<16xf32>
          %mul3A_879 = arith.mulf %get3A_877, %mul3A_878 : vector<16xf32>
          %swap3A_880 = arith.index_cast %add3A_862 : i32 to index
          %swap3A_881 = arith.constant 16 : index
          %swap3A_882 = tpu.vector_load %arg13[%swap3A_880, %swap3A_881] {strides = array<i32>} : memref<80x128xf32, #tpu.memory_space<vmem>>, vector<1x16xf32>,
          %swap3A_883 = vector.shape_cast %swap3A_882 : vector<1x16xf32> to vector<16xf32>
          %swap3A_884 = vector.shape_cast %mul3A_879 : vector<16xf32> to vector<1x16xf32>
          tpu.vector_store %arg13[%swap3A_880, %swap3A_881], %swap3A_884 {strides = array<i32>} : memref<80x128xf32, #tpu.memory_space<vmem>>, vector<1x16xf32>,
          %get3A_885 = arith.index_cast %add3A_862 : i32 to index
          %get3A_886 = arith.constant 32 : index
          %get3A_887 = tpu.vector_load %arg13[%get3A_885, %get3A_886] {strides = array<i32>} : memref<80x128xf32, #tpu.memory_space<vmem>>, vector<1x16xf32>,
          %get3A_888 = vector.shape_cast %get3A_887 : vector<1x16xf32> to vector<16xf32>
          %mul3A_889 = vector.broadcast %squeeze3A_858 : f32 to vector<16xf32>
          %mul3A_890 = arith.mulf %get3A_888, %mul3A_889 : vector<16xf32>
          %swap3A_891 = arith.index_cast %add3A_862 : i32 to index
          %swap3A_892 = arith.constant 32 : index
          %swap3A_893 = tpu.vector_load %arg13[%swap3A_891, %swap3A_892] {strides = array<i32>} : memref<80x128xf32, #tpu.memory_space<vmem>>, vector<1x16xf32>,
          %swap3A_894 = vector.shape_cast %swap3A_893 : vector<1x16xf32> to vector<16xf32>
          %swap3A_895 = vector.shape_cast %mul3A_890 : vector<16xf32> to vector<1x16xf32>
          tpu.vector_store %arg13[%swap3A_891, %swap3A_892], %swap3A_895 {strides = array<i32>} : memref<80x128xf32, #tpu.memory_space<vmem>>, vector<1x16xf32>,
          %get3A_896 = arith.index_cast %add3A_862 : i32 to index
          %get3A_897 = arith.constant 48 : index
          %get3A_898 = tpu.vector_load %arg13[%get3A_896, %get3A_897] {strides = array<i32>} : memref<80x128xf32, #tpu.memory_space<vmem>>, vector<1x16xf32>,
          %get3A_899 = vector.shape_cast %get3A_898 : vector<1x16xf32> to vector<16xf32>
          %mul3A_900 = vector.broadcast %squeeze3A_858 : f32 to vector<16xf32>
          %mul3A_901 = arith.mulf %get3A_899, %mul3A_900 : vector<16xf32>
          %swap3A_902 = arith.index_cast %add3A_862 : i32 to index
          %swap3A_903 = arith.constant 48 : index
          %swap3A_904 = tpu.vector_load %arg13[%swap3A_902, %swap3A_903] {strides = array<i32>} : memref<80x128xf32, #tpu.memory_space<vmem>>, vector<1x16xf32>,
          %swap3A_905 = vector.shape_cast %swap3A_904 : vector<1x16xf32> to vector<16xf32>
          %swap3A_906 = vector.shape_cast %mul3A_901 : vector<16xf32> to vector<1x16xf32>
          tpu.vector_store %arg13[%swap3A_902, %swap3A_903], %swap3A_906 {strides = array<i32>} : memref<80x128xf32, #tpu.memory_space<vmem>>, vector<1x16xf32>,
          %get3A_907 = arith.index_cast %add3A_862 : i32 to index
          %get3A_908 = arith.constant 64 : index
          %get3A_909 = tpu.vector_load %arg13[%get3A_907, %get3A_908] {strides = array<i32>} : memref<80x128xf32, #tpu.memory_space<vmem>>, vector<1x16xf32>,
          %get3A_910 = vector.shape_cast %get3A_909 : vector<1x16xf32> to vector<16xf32>
          %mul3A_911 = vector.broadcast %squeeze3A_858 : f32 to vector<16xf32>
          %mul3A_912 = arith.mulf %get3A_910, %mul3A_911 : vector<16xf32>
          %swap3A_913 = arith.index_cast %add3A_862 : i32 to index
          %swap3A_914 = arith.constant 64 : index
          %swap3A_915 = tpu.vector_load %arg13[%swap3A_913, %swap3A_914] {strides = array<i32>} : memref<80x128xf32, #tpu.memory_space<vmem>>, vector<1x16xf32>,
          %swap3A_916 = vector.shape_cast %swap3A_915 : vector<1x16xf32> to vector<16xf32>
          %swap3A_917 = vector.shape_cast %mul3A_912 : vector<16xf32> to vector<1x16xf32>
          tpu.vector_store %arg13[%swap3A_913, %swap3A_914], %swap3A_917 {strides = array<i32>} : memref<80x128xf32, #tpu.memory_space<vmem>>, vector<1x16xf32>,
          %get3A_918 = arith.index_cast %add3A_862 : i32 to index
          %get3A_919 = arith.constant 80 : index
          %get3A_920 = tpu.vector_load %arg13[%get3A_918, %get3A_919] {strides = array<i32>} : memref<80x128xf32, #tpu.memory_space<vmem>>, vector<1x16xf32>,
          %get3A_921 = vector.shape_cast %get3A_920 : vector<1x16xf32> to vector<16xf32>
          %mul3A_922 = vector.broadcast %squeeze3A_858 : f32 to vector<16xf32>
          %mul3A_923 = arith.mulf %get3A_921, %mul3A_922 : vector<16xf32>
          %swap3A_924 = arith.index_cast %add3A_862 : i32 to index
          %swap3A_925 = arith.constant 80 : index
          %swap3A_926 = tpu.vector_load %arg13[%swap3A_924, %swap3A_925] {strides = array<i32>} : memref<80x128xf32, #tpu.memory_space<vmem>>, vector<1x16xf32>,
          %swap3A_927 = vector.shape_cast %swap3A_926 : vector<1x16xf32> to vector<16xf32>
          %swap3A_928 = vector.shape_cast %mul3A_923 : vector<16xf32> to vector<1x16xf32>
          tpu.vector_store %arg13[%swap3A_924, %swap3A_925], %swap3A_928 {strides = array<i32>} : memref<80x128xf32, #tpu.memory_space<vmem>>, vector<1x16xf32>,
          %get3A_929 = arith.index_cast %add3A_862 : i32 to index
          %get3A_930 = arith.constant 96 : index
          %get3A_931 = tpu.vector_load %arg13[%get3A_929, %get3A_930] {strides = array<i32>} : memref<80x128xf32, #tpu.memory_space<vmem>>, vector<1x16xf32>,
          %get3A_932 = vector.shape_cast %get3A_931 : vector<1x16xf32> to vector<16xf32>
          %mul3A_933 = vector.broadcast %squeeze3A_858 : f32 to vector<16xf32>
          %mul3A_934 = arith.mulf %get3A_932, %mul3A_933 : vector<16xf32>
          %swap3A_935 = arith.index_cast %add3A_862 : i32 to index
          %swap3A_936 = arith.constant 96 : index
          %swap3A_937 = tpu.vector_load %arg13[%swap3A_935, %swap3A_936] {strides = array<i32>} : memref<80x128xf32, #tpu.memory_space<vmem>>, vector<1x16xf32>,
          %swap3A_938 = vector.shape_cast %swap3A_937 : vector<1x16xf32> to vector<16xf32>
          %swap3A_939 = vector.shape_cast %mul3A_934 : vector<16xf32> to vector<1x16xf32>
          tpu.vector_store %arg13[%swap3A_935, %swap3A_936], %swap3A_939 {strides = array<i32>} : memref<80x128xf32, #tpu.memory_space<vmem>>, vector<1x16xf32>,
          %get3A_940 = arith.index_cast %add3A_862 : i32 to index
          %get3A_941 = arith.constant 112 : index
          %get3A_942 = tpu.vector_load %arg13[%get3A_940, %get3A_941] {strides = array<i32>} : memref<80x128xf32, #tpu.memory_space<vmem>>, vector<1x16xf32>,
          %get3A_943 = vector.shape_cast %get3A_942 : vector<1x16xf32> to vector<16xf32>
          %mul3A_944 = vector.broadcast %squeeze3A_858 : f32 to vector<16xf32>
          %mul3A_945 = arith.mulf %get3A_943, %mul3A_944 : vector<16xf32>
          %swap3A_946 = arith.index_cast %add3A_862 : i32 to index
          %swap3A_947 = arith.constant 112 : index
          %swap3A_948 = tpu.vector_load %arg13[%swap3A_946, %swap3A_947] {strides = array<i32>} : memref<80x128xf32, #tpu.memory_space<vmem>>, vector<1x16xf32>,
          %swap3A_949 = vector.shape_cast %swap3A_948 : vector<1x16xf32> to vector<16xf32>
          %swap3A_950 = vector.shape_cast %mul3A_945 : vector<16xf32> to vector<1x16xf32>
          tpu.vector_store %arg13[%swap3A_946, %swap3A_947], %swap3A_950 {strides = array<i32>} : memref<80x128xf32, #tpu.memory_space<vmem>>, vector<1x16xf32>,
          %slice3A_951 = vector.extract_strided_slice %get3A_107 {offsets = [9], sizes = [1], strides = [1]} : vector<16xf32> to vector<1xf32>
          %squeeze3A_952 = vector.extract %slice3A_951[0] : f32 from vector<1xf32>
          %mul3A_953 = arith.constant 16 : i32
          %mul3A_954 = arith.muli %scan3A_102, %mul3A_953 : i32
          %add3A_955 = arith.constant 9 : i32
          %add3A_956 = arith.addi %mul3A_954, %add3A_955 : i32
          %get3A_957 = arith.index_cast %add3A_956 : i32 to index
          %get3A_958 = arith.constant 0 : index
          %get3A_959 = tpu.vector_load %arg13[%get3A_957, %get3A_958] {strides = array<i32>} : memref<80x128xf32, #tpu.memory_space<vmem>>, vector<1x16xf32>,
          %get3A_960 = vector.shape_cast %get3A_959 : vector<1x16xf32> to vector<16xf32>
          %mul3A_961 = vector.broadcast %squeeze3A_952 : f32 to vector<16xf32>
          %mul3A_962 = arith.mulf %get3A_960, %mul3A_961 : vector<16xf32>
          %swap3A_963 = arith.index_cast %add3A_956 : i32 to index
          %swap3A_964 = arith.constant 0 : index
          %swap3A_965 = tpu.vector_load %arg13[%swap3A_963, %swap3A_964] {strides = array<i32>} : memref<80x128xf32, #tpu.memory_space<vmem>>, vector<1x16xf32>,
          %swap3A_966 = vector.shape_cast %swap3A_965 : vector<1x16xf32> to vector<16xf32>
          %swap3A_967 = vector.shape_cast %mul3A_962 : vector<16xf32> to vector<1x16xf32>
          tpu.vector_store %arg13[%swap3A_963, %swap3A_964], %swap3A_967 {strides = array<i32>} : memref<80x128xf32, #tpu.memory_space<vmem>>, vector<1x16xf32>,
          %get3A_968 = arith.index_cast %add3A_956 : i32 to index
          %get3A_969 = arith.constant 16 : index
          %get3A_970 = tpu.vector_load %arg13[%get3A_968, %get3A_969] {strides = array<i32>} : memref<80x128xf32, #tpu.memory_space<vmem>>, vector<1x16xf32>,
          %get3A_971 = vector.shape_cast %get3A_970 : vector<1x16xf32> to vector<16xf32>
          %mul3A_972 = vector.broadcast %squeeze3A_952 : f32 to vector<16xf32>
          %mul3A_973 = arith.mulf %get3A_971, %mul3A_972 : vector<16xf32>
          %swap3A_974 = arith.index_cast %add3A_956 : i32 to index
          %swap3A_975 = arith.constant 16 : index
          %swap3A_976 = tpu.vector_load %arg13[%swap3A_974, %swap3A_975] {strides = array<i32>} : memref<80x128xf32, #tpu.memory_space<vmem>>, vector<1x16xf32>,
          %swap3A_977 = vector.shape_cast %swap3A_976 : vector<1x16xf32> to vector<16xf32>
          %swap3A_978 = vector.shape_cast %mul3A_973 : vector<16xf32> to vector<1x16xf32>
          tpu.vector_store %arg13[%swap3A_974, %swap3A_975], %swap3A_978 {strides = array<i32>} : memref<80x128xf32, #tpu.memory_space<vmem>>, vector<1x16xf32>,
          %get3A_979 = arith.index_cast %add3A_956 : i32 to index
          %get3A_980 = arith.constant 32 : index
          %get3A_981 = tpu.vector_load %arg13[%get3A_979, %get3A_980] {strides = array<i32>} : memref<80x128xf32, #tpu.memory_space<vmem>>, vector<1x16xf32>,
          %get3A_982 = vector.shape_cast %get3A_981 : vector<1x16xf32> to vector<16xf32>
          %mul3A_983 = vector.broadcast %squeeze3A_952 : f32 to vector<16xf32>
          %mul3A_984 = arith.mulf %get3A_982, %mul3A_983 : vector<16xf32>
          %swap3A_985 = arith.index_cast %add3A_956 : i32 to index
          %swap3A_986 = arith.constant 32 : index
          %swap3A_987 = tpu.vector_load %arg13[%swap3A_985, %swap3A_986] {strides = array<i32>} : memref<80x128xf32, #tpu.memory_space<vmem>>, vector<1x16xf32>,
          %swap3A_988 = vector.shape_cast %swap3A_987 : vector<1x16xf32> to vector<16xf32>
          %swap3A_989 = vector.shape_cast %mul3A_984 : vector<16xf32> to vector<1x16xf32>
          tpu.vector_store %arg13[%swap3A_985, %swap3A_986], %swap3A_989 {strides = array<i32>} : memref<80x128xf32, #tpu.memory_space<vmem>>, vector<1x16xf32>,
          %get3A_990 = arith.index_cast %add3A_956 : i32 to index
          %get3A_991 = arith.constant 48 : index
          %get3A_992 = tpu.vector_load %arg13[%get3A_990, %get3A_991] {strides = array<i32>} : memref<80x128xf32, #tpu.memory_space<vmem>>, vector<1x16xf32>,
          %get3A_993 = vector.shape_cast %get3A_992 : vector<1x16xf32> to vector<16xf32>
          %mul3A_994 = vector.broadcast %squeeze3A_952 : f32 to vector<16xf32>
          %mul3A_995 = arith.mulf %get3A_993, %mul3A_994 : vector<16xf32>
          %swap3A_996 = arith.index_cast %add3A_956 : i32 to index
          %swap3A_997 = arith.constant 48 : index
          %swap3A_998 = tpu.vector_load %arg13[%swap3A_996, %swap3A_997] {strides = array<i32>} : memref<80x128xf32, #tpu.memory_space<vmem>>, vector<1x16xf32>,
          %swap3A_999 = vector.shape_cast %swap3A_998 : vector<1x16xf32> to vector<16xf32>
          %swap3A_1000 = vector.shape_cast %mul3A_995 : vector<16xf32> to vector<1x16xf32>
          tpu.vector_store %arg13[%swap3A_996, %swap3A_997], %swap3A_1000 {strides = array<i32>} : memref<80x128xf32, #tpu.memory_space<vmem>>, vector<1x16xf32>,
          %get3A_1001 = arith.index_cast %add3A_956 : i32 to index
          %get3A_1002 = arith.constant 64 : index
          %get3A_1003 = tpu.vector_load %arg13[%get3A_1001, %get3A_1002] {strides = array<i32>} : memref<80x128xf32, #tpu.memory_space<vmem>>, vector<1x16xf32>,
          %get3A_1004 = vector.shape_cast %get3A_1003 : vector<1x16xf32> to vector<16xf32>
          %mul3A_1005 = vector.broadcast %squeeze3A_952 : f32 to vector<16xf32>
          %mul3A_1006 = arith.mulf %get3A_1004, %mul3A_1005 : vector<16xf32>
          %swap3A_1007 = arith.index_cast %add3A_956 : i32 to index
          %swap3A_1008 = arith.constant 64 : index
          %swap3A_1009 = tpu.vector_load %arg13[%swap3A_1007, %swap3A_1008] {strides = array<i32>} : memref<80x128xf32, #tpu.memory_space<vmem>>, vector<1x16xf32>,
          %swap3A_1010 = vector.shape_cast %swap3A_1009 : vector<1x16xf32> to vector<16xf32>
          %swap3A_1011 = vector.shape_cast %mul3A_1006 : vector<16xf32> to vector<1x16xf32>
          tpu.vector_store %arg13[%swap3A_1007, %swap3A_1008], %swap3A_1011 {strides = array<i32>} : memref<80x128xf32, #tpu.memory_space<vmem>>, vector<1x16xf32>,
          %get3A_1012 = arith.index_cast %add3A_956 : i32 to index
          %get3A_1013 = arith.constant 80 : index
          %get3A_1014 = tpu.vector_load %arg13[%get3A_1012, %get3A_1013] {strides = array<i32>} : memref<80x128xf32, #tpu.memory_space<vmem>>, vector<1x16xf32>,
          %get3A_1015 = vector.shape_cast %get3A_1014 : vector<1x16xf32> to vector<16xf32>
          %mul3A_1016 = vector.broadcast %squeeze3A_952 : f32 to vector<16xf32>
          %mul3A_1017 = arith.mulf %get3A_1015, %mul3A_1016 : vector<16xf32>
          %swap3A_1018 = arith.index_cast %add3A_956 : i32 to index
          %swap3A_1019 = arith.constant 80 : index
          %swap3A_1020 = tpu.vector_load %arg13[%swap3A_1018, %swap3A_1019] {strides = array<i32>} : memref<80x128xf32, #tpu.memory_space<vmem>>, vector<1x16xf32>,
          %swap3A_1021 = vector.shape_cast %swap3A_1020 : vector<1x16xf32> to vector<16xf32>
          %swap3A_1022 = vector.shape_cast %mul3A_1017 : vector<16xf32> to vector<1x16xf32>
          tpu.vector_store %arg13[%swap3A_1018, %swap3A_1019], %swap3A_1022 {strides = array<i32>} : memref<80x128xf32, #tpu.memory_space<vmem>>, vector<1x16xf32>,
          %get3A_1023 = arith.index_cast %add3A_956 : i32 to index
          %get3A_1024 = arith.constant 96 : index
          %get3A_1025 = tpu.vector_load %arg13[%get3A_1023, %get3A_1024] {strides = array<i32>} : memref<80x128xf32, #tpu.memory_space<vmem>>, vector<1x16xf32>,
          %get3A_1026 = vector.shape_cast %get3A_1025 : vector<1x16xf32> to vector<16xf32>
          %mul3A_1027 = vector.broadcast %squeeze3A_952 : f32 to vector<16xf32>
          %mul3A_1028 = arith.mulf %get3A_1026, %mul3A_1027 : vector<16xf32>
          %swap3A_1029 = arith.index_cast %add3A_956 : i32 to index
          %swap3A_1030 = arith.constant 96 : index
          %swap3A_1031 = tpu.vector_load %arg13[%swap3A_1029, %swap3A_1030] {strides = array<i32>} : memref<80x128xf32, #tpu.memory_space<vmem>>, vector<1x16xf32>,
          %swap3A_1032 = vector.shape_cast %swap3A_1031 : vector<1x16xf32> to vector<16xf32>
          %swap3A_1033 = vector.shape_cast %mul3A_1028 : vector<16xf32> to vector<1x16xf32>
          tpu.vector_store %arg13[%swap3A_1029, %swap3A_1030], %swap3A_1033 {strides = array<i32>} : memref<80x128xf32, #tpu.memory_space<vmem>>, vector<1x16xf32>,
          %get3A_1034 = arith.index_cast %add3A_956 : i32 to index
          %get3A_1035 = arith.constant 112 : index
          %get3A_1036 = tpu.vector_load %arg13[%get3A_1034, %get3A_1035] {strides = array<i32>} : memref<80x128xf32, #tpu.memory_space<vmem>>, vector<1x16xf32>,
          %get3A_1037 = vector.shape_cast %get3A_1036 : vector<1x16xf32> to vector<16xf32>
          %mul3A_1038 = vector.broadcast %squeeze3A_952 : f32 to vector<16xf32>
          %mul3A_1039 = arith.mulf %get3A_1037, %mul3A_1038 : vector<16xf32>
          %swap3A_1040 = arith.index_cast %add3A_956 : i32 to index
          %swap3A_1041 = arith.constant 112 : index
          %swap3A_1042 = tpu.vector_load %arg13[%swap3A_1040, %swap3A_1041] {strides = array<i32>} : memref<80x128xf32, #tpu.memory_space<vmem>>, vector<1x16xf32>,
          %swap3A_1043 = vector.shape_cast %swap3A_1042 : vector<1x16xf32> to vector<16xf32>
          %swap3A_1044 = vector.shape_cast %mul3A_1039 : vector<16xf32> to vector<1x16xf32>
          tpu.vector_store %arg13[%swap3A_1040, %swap3A_1041], %swap3A_1044 {strides = array<i32>} : memref<80x128xf32, #tpu.memory_space<vmem>>, vector<1x16xf32>,
          %slice3A_1045 = vector.extract_strided_slice %get3A_107 {offsets = [10], sizes = [1], strides = [1]} : vector<16xf32> to vector<1xf32>
          %squeeze3A_1046 = vector.extract %slice3A_1045[0] : f32 from vector<1xf32>
          %mul3A_1047 = arith.constant 16 : i32
          %mul3A_1048 = arith.muli %scan3A_102, %mul3A_1047 : i32
          %add3A_1049 = arith.constant 10 : i32
          %add3A_1050 = arith.addi %mul3A_1048, %add3A_1049 : i32
          %get3A_1051 = arith.index_cast %add3A_1050 : i32 to index
          %get3A_1052 = arith.constant 0 : index
          %get3A_1053 = tpu.vector_load %arg13[%get3A_1051, %get3A_1052] {strides = array<i32>} : memref<80x128xf32, #tpu.memory_space<vmem>>, vector<1x16xf32>,
          %get3A_1054 = vector.shape_cast %get3A_1053 : vector<1x16xf32> to vector<16xf32>
          %mul3A_1055 = vector.broadcast %squeeze3A_1046 : f32 to vector<16xf32>
          %mul3A_1056 = arith.mulf %get3A_1054, %mul3A_1055 : vector<16xf32>
          %swap3A_1057 = arith.index_cast %add3A_1050 : i32 to index
          %swap3A_1058 = arith.constant 0 : index
          %swap3A_1059 = tpu.vector_load %arg13[%swap3A_1057, %swap3A_1058] {strides = array<i32>} : memref<80x128xf32, #tpu.memory_space<vmem>>, vector<1x16xf32>,
          %swap3A_1060 = vector.shape_cast %swap3A_1059 : vector<1x16xf32> to vector<16xf32>
          %swap3A_1061 = vector.shape_cast %mul3A_1056 : vector<16xf32> to vector<1x16xf32>
          tpu.vector_store %arg13[%swap3A_1057, %swap3A_1058], %swap3A_1061 {strides = array<i32>} : memref<80x128xf32, #tpu.memory_space<vmem>>, vector<1x16xf32>,
          %get3A_1062 = arith.index_cast %add3A_1050 : i32 to index
          %get3A_1063 = arith.constant 16 : index
          %get3A_1064 = tpu.vector_load %arg13[%get3A_1062, %get3A_1063] {strides = array<i32>} : memref<80x128xf32, #tpu.memory_space<vmem>>, vector<1x16xf32>,
          %get3A_1065 = vector.shape_cast %get3A_1064 : vector<1x16xf32> to vector<16xf32>
          %mul3A_1066 = vector.broadcast %squeeze3A_1046 : f32 to vector<16xf32>
          %mul3A_1067 = arith.mulf %get3A_1065, %mul3A_1066 : vector<16xf32>
          %swap3A_1068 = arith.index_cast %add3A_1050 : i32 to index
          %swap3A_1069 = arith.constant 16 : index
          %swap3A_1070 = tpu.vector_load %arg13[%swap3A_1068, %swap3A_1069] {strides = array<i32>} : memref<80x128xf32, #tpu.memory_space<vmem>>, vector<1x16xf32>,
          %swap3A_1071 = vector.shape_cast %swap3A_1070 : vector<1x16xf32> to vector<16xf32>
          %swap3A_1072 = vector.shape_cast %mul3A_1067 : vector<16xf32> to vector<1x16xf32>
          tpu.vector_store %arg13[%swap3A_1068, %swap3A_1069], %swap3A_1072 {strides = array<i32>} : memref<80x128xf32, #tpu.memory_space<vmem>>, vector<1x16xf32>,
          %get3A_1073 = arith.index_cast %add3A_1050 : i32 to index
          %get3A_1074 = arith.constant 32 : index
          %get3A_1075 = tpu.vector_load %arg13[%get3A_1073, %get3A_1074] {strides = array<i32>} : memref<80x128xf32, #tpu.memory_space<vmem>>, vector<1x16xf32>,
          %get3A_1076 = vector.shape_cast %get3A_1075 : vector<1x16xf32> to vector<16xf32>
          %mul3A_1077 = vector.broadcast %squeeze3A_1046 : f32 to vector<16xf32>
          %mul3A_1078 = arith.mulf %get3A_1076, %mul3A_1077 : vector<16xf32>
          %swap3A_1079 = arith.index_cast %add3A_1050 : i32 to index
          %swap3A_1080 = arith.constant 32 : index
          %swap3A_1081 = tpu.vector_load %arg13[%swap3A_1079, %swap3A_1080] {strides = array<i32>} : memref<80x128xf32, #tpu.memory_space<vmem>>, vector<1x16xf32>,
          %swap3A_1082 = vector.shape_cast %swap3A_1081 : vector<1x16xf32> to vector<16xf32>
          %swap3A_1083 = vector.shape_cast %mul3A_1078 : vector<16xf32> to vector<1x16xf32>
          tpu.vector_store %arg13[%swap3A_1079, %swap3A_1080], %swap3A_1083 {strides = array<i32>} : memref<80x128xf32, #tpu.memory_space<vmem>>, vector<1x16xf32>,
          %get3A_1084 = arith.index_cast %add3A_1050 : i32 to index
          %get3A_1085 = arith.constant 48 : index
          %get3A_1086 = tpu.vector_load %arg13[%get3A_1084, %get3A_1085] {strides = array<i32>} : memref<80x128xf32, #tpu.memory_space<vmem>>, vector<1x16xf32>,
          %get3A_1087 = vector.shape_cast %get3A_1086 : vector<1x16xf32> to vector<16xf32>
          %mul3A_1088 = vector.broadcast %squeeze3A_1046 : f32 to vector<16xf32>
          %mul3A_1089 = arith.mulf %get3A_1087, %mul3A_1088 : vector<16xf32>
          %swap3A_1090 = arith.index_cast %add3A_1050 : i32 to index
          %swap3A_1091 = arith.constant 48 : index
          %swap3A_1092 = tpu.vector_load %arg13[%swap3A_1090, %swap3A_1091] {strides = array<i32>} : memref<80x128xf32, #tpu.memory_space<vmem>>, vector<1x16xf32>,
          %swap3A_1093 = vector.shape_cast %swap3A_1092 : vector<1x16xf32> to vector<16xf32>
          %swap3A_1094 = vector.shape_cast %mul3A_1089 : vector<16xf32> to vector<1x16xf32>
          tpu.vector_store %arg13[%swap3A_1090, %swap3A_1091], %swap3A_1094 {strides = array<i32>} : memref<80x128xf32, #tpu.memory_space<vmem>>, vector<1x16xf32>,
          %get3A_1095 = arith.index_cast %add3A_1050 : i32 to index
          %get3A_1096 = arith.constant 64 : index
          %get3A_1097 = tpu.vector_load %arg13[%get3A_1095, %get3A_1096] {strides = array<i32>} : memref<80x128xf32, #tpu.memory_space<vmem>>, vector<1x16xf32>,
          %get3A_1098 = vector.shape_cast %get3A_1097 : vector<1x16xf32> to vector<16xf32>
          %mul3A_1099 = vector.broadcast %squeeze3A_1046 : f32 to vector<16xf32>
          %mul3A_1100 = arith.mulf %get3A_1098, %mul3A_1099 : vector<16xf32>
          %swap3A_1101 = arith.index_cast %add3A_1050 : i32 to index
          %swap3A_1102 = arith.constant 64 : index
          %swap3A_1103 = tpu.vector_load %arg13[%swap3A_1101, %swap3A_1102] {strides = array<i32>} : memref<80x128xf32, #tpu.memory_space<vmem>>, vector<1x16xf32>,
          %swap3A_1104 = vector.shape_cast %swap3A_1103 : vector<1x16xf32> to vector<16xf32>
          %swap3A_1105 = vector.shape_cast %mul3A_1100 : vector<16xf32> to vector<1x16xf32>
          tpu.vector_store %arg13[%swap3A_1101, %swap3A_1102], %swap3A_1105 {strides = array<i32>} : memref<80x128xf32, #tpu.memory_space<vmem>>, vector<1x16xf32>,
          %get3A_1106 = arith.index_cast %add3A_1050 : i32 to index
          %get3A_1107 = arith.constant 80 : index
          %get3A_1108 = tpu.vector_load %arg13[%get3A_1106, %get3A_1107] {strides = array<i32>} : memref<80x128xf32, #tpu.memory_space<vmem>>, vector<1x16xf32>,
          %get3A_1109 = vector.shape_cast %get3A_1108 : vector<1x16xf32> to vector<16xf32>
          %mul3A_1110 = vector.broadcast %squeeze3A_1046 : f32 to vector<16xf32>
          %mul3A_1111 = arith.mulf %get3A_1109, %mul3A_1110 : vector<16xf32>
          %swap3A_1112 = arith.index_cast %add3A_1050 : i32 to index
          %swap3A_1113 = arith.constant 80 : index
          %swap3A_1114 = tpu.vector_load %arg13[%swap3A_1112, %swap3A_1113] {strides = array<i32>} : memref<80x128xf32, #tpu.memory_space<vmem>>, vector<1x16xf32>,
          %swap3A_1115 = vector.shape_cast %swap3A_1114 : vector<1x16xf32> to vector<16xf32>
          %swap3A_1116 = vector.shape_cast %mul3A_1111 : vector<16xf32> to vector<1x16xf32>
          tpu.vector_store %arg13[%swap3A_1112, %swap3A_1113], %swap3A_1116 {strides = array<i32>} : memref<80x128xf32, #tpu.memory_space<vmem>>, vector<1x16xf32>,
          %get3A_1117 = arith.index_cast %add3A_1050 : i32 to index
          %get3A_1118 = arith.constant 96 : index
          %get3A_1119 = tpu.vector_load %arg13[%get3A_1117, %get3A_1118] {strides = array<i32>} : memref<80x128xf32, #tpu.memory_space<vmem>>, vector<1x16xf32>,
          %get3A_1120 = vector.shape_cast %get3A_1119 : vector<1x16xf32> to vector<16xf32>
          %mul3A_1121 = vector.broadcast %squeeze3A_1046 : f32 to vector<16xf32>
          %mul3A_1122 = arith.mulf %get3A_1120, %mul3A_1121 : vector<16xf32>
          %swap3A_1123 = arith.index_cast %add3A_1050 : i32 to index
          %swap3A_1124 = arith.constant 96 : index
          %swap3A_1125 = tpu.vector_load %arg13[%swap3A_1123, %swap3A_1124] {strides = array<i32>} : memref<80x128xf32, #tpu.memory_space<vmem>>, vector<1x16xf32>,
          %swap3A_1126 = vector.shape_cast %swap3A_1125 : vector<1x16xf32> to vector<16xf32>
          %swap3A_1127 = vector.shape_cast %mul3A_1122 : vector<16xf32> to vector<1x16xf32>
          tpu.vector_store %arg13[%swap3A_1123, %swap3A_1124], %swap3A_1127 {strides = array<i32>} : memref<80x128xf32, #tpu.memory_space<vmem>>, vector<1x16xf32>,
          %get3A_1128 = arith.index_cast %add3A_1050 : i32 to index
          %get3A_1129 = arith.constant 112 : index
          %get3A_1130 = tpu.vector_load %arg13[%get3A_1128, %get3A_1129] {strides = array<i32>} : memref<80x128xf32, #tpu.memory_space<vmem>>, vector<1x16xf32>,
          %get3A_1131 = vector.shape_cast %get3A_1130 : vector<1x16xf32> to vector<16xf32>
          %mul3A_1132 = vector.broadcast %squeeze3A_1046 : f32 to vector<16xf32>
          %mul3A_1133 = arith.mulf %get3A_1131, %mul3A_1132 : vector<16xf32>
          %swap3A_1134 = arith.index_cast %add3A_1050 : i32 to index
          %swap3A_1135 = arith.constant 112 : index
          %swap3A_1136 = tpu.vector_load %arg13[%swap3A_1134, %swap3A_1135] {strides = array<i32>} : memref<80x128xf32, #tpu.memory_space<vmem>>, vector<1x16xf32>,
          %swap3A_1137 = vector.shape_cast %swap3A_1136 : vector<1x16xf32> to vector<16xf32>
          %swap3A_1138 = vector.shape_cast %mul3A_1133 : vector<16xf32> to vector<1x16xf32>
          tpu.vector_store %arg13[%swap3A_1134, %swap3A_1135], %swap3A_1138 {strides = array<i32>} : memref<80x128xf32, #tpu.memory_space<vmem>>, vector<1x16xf32>,
          %slice3A_1139 = vector.extract_strided_slice %get3A_107 {offsets = [11], sizes = [1], strides = [1]} : vector<16xf32> to vector<1xf32>
          %squeeze3A_1140 = vector.extract %slice3A_1139[0] : f32 from vector<1xf32>
          %mul3A_1141 = arith.constant 16 : i32
          %mul3A_1142 = arith.muli %scan3A_102, %mul3A_1141 : i32
          %add3A_1143 = arith.constant 11 : i32
          %add3A_1144 = arith.addi %mul3A_1142, %add3A_1143 : i32
          %get3A_1145 = arith.index_cast %add3A_1144 : i32 to index
          %get3A_1146 = arith.constant 0 : index
          %get3A_1147 = tpu.vector_load %arg13[%get3A_1145, %get3A_1146] {strides = array<i32>} : memref<80x128xf32, #tpu.memory_space<vmem>>, vector<1x16xf32>,
          %get3A_1148 = vector.shape_cast %get3A_1147 : vector<1x16xf32> to vector<16xf32>
          %mul3A_1149 = vector.broadcast %squeeze3A_1140 : f32 to vector<16xf32>
          %mul3A_1150 = arith.mulf %get3A_1148, %mul3A_1149 : vector<16xf32>
          %swap3A_1151 = arith.index_cast %add3A_1144 : i32 to index
          %swap3A_1152 = arith.constant 0 : index
          %swap3A_1153 = tpu.vector_load %arg13[%swap3A_1151, %swap3A_1152] {strides = array<i32>} : memref<80x128xf32, #tpu.memory_space<vmem>>, vector<1x16xf32>,
          %swap3A_1154 = vector.shape_cast %swap3A_1153 : vector<1x16xf32> to vector<16xf32>
          %swap3A_1155 = vector.shape_cast %mul3A_1150 : vector<16xf32> to vector<1x16xf32>
          tpu.vector_store %arg13[%swap3A_1151, %swap3A_1152], %swap3A_1155 {strides = array<i32>} : memref<80x128xf32, #tpu.memory_space<vmem>>, vector<1x16xf32>,
          %get3A_1156 = arith.index_cast %add3A_1144 : i32 to index
          %get3A_1157 = arith.constant 16 : index
          %get3A_1158 = tpu.vector_load %arg13[%get3A_1156, %get3A_1157] {strides = array<i32>} : memref<80x128xf32, #tpu.memory_space<vmem>>, vector<1x16xf32>,
          %get3A_1159 = vector.shape_cast %get3A_1158 : vector<1x16xf32> to vector<16xf32>
          %mul3A_1160 = vector.broadcast %squeeze3A_1140 : f32 to vector<16xf32>
          %mul3A_1161 = arith.mulf %get3A_1159, %mul3A_1160 : vector<16xf32>
          %swap3A_1162 = arith.index_cast %add3A_1144 : i32 to index
          %swap3A_1163 = arith.constant 16 : index
          %swap3A_1164 = tpu.vector_load %arg13[%swap3A_1162, %swap3A_1163] {strides = array<i32>} : memref<80x128xf32, #tpu.memory_space<vmem>>, vector<1x16xf32>,
          %swap3A_1165 = vector.shape_cast %swap3A_1164 : vector<1x16xf32> to vector<16xf32>
          %swap3A_1166 = vector.shape_cast %mul3A_1161 : vector<16xf32> to vector<1x16xf32>
          tpu.vector_store %arg13[%swap3A_1162, %swap3A_1163], %swap3A_1166 {strides = array<i32>} : memref<80x128xf32, #tpu.memory_space<vmem>>, vector<1x16xf32>,
          %get3A_1167 = arith.index_cast %add3A_1144 : i32 to index
          %get3A_1168 = arith.constant 32 : index
          %get3A_1169 = tpu.vector_load %arg13[%get3A_1167, %get3A_1168] {strides = array<i32>} : memref<80x128xf32, #tpu.memory_space<vmem>>, vector<1x16xf32>,
          %get3A_1170 = vector.shape_cast %get3A_1169 : vector<1x16xf32> to vector<16xf32>
          %mul3A_1171 = vector.broadcast %squeeze3A_1140 : f32 to vector<16xf32>
          %mul3A_1172 = arith.mulf %get3A_1170, %mul3A_1171 : vector<16xf32>
          %swap3A_1173 = arith.index_cast %add3A_1144 : i32 to index
          %swap3A_1174 = arith.constant 32 : index
          %swap3A_1175 = tpu.vector_load %arg13[%swap3A_1173, %swap3A_1174] {strides = array<i32>} : memref<80x128xf32, #tpu.memory_space<vmem>>, vector<1x16xf32>,
          %swap3A_1176 = vector.shape_cast %swap3A_1175 : vector<1x16xf32> to vector<16xf32>
          %swap3A_1177 = vector.shape_cast %mul3A_1172 : vector<16xf32> to vector<1x16xf32>
          tpu.vector_store %arg13[%swap3A_1173, %swap3A_1174], %swap3A_1177 {strides = array<i32>} : memref<80x128xf32, #tpu.memory_space<vmem>>, vector<1x16xf32>,
          %get3A_1178 = arith.index_cast %add3A_1144 : i32 to index
          %get3A_1179 = arith.constant 48 : index
          %get3A_1180 = tpu.vector_load %arg13[%get3A_1178, %get3A_1179] {strides = array<i32>} : memref<80x128xf32, #tpu.memory_space<vmem>>, vector<1x16xf32>,
          %get3A_1181 = vector.shape_cast %get3A_1180 : vector<1x16xf32> to vector<16xf32>
          %mul3A_1182 = vector.broadcast %squeeze3A_1140 : f32 to vector<16xf32>
          %mul3A_1183 = arith.mulf %get3A_1181, %mul3A_1182 : vector<16xf32>
          %swap3A_1184 = arith.index_cast %add3A_1144 : i32 to index
          %swap3A_1185 = arith.constant 48 : index
          %swap3A_1186 = tpu.vector_load %arg13[%swap3A_1184, %swap3A_1185] {strides = array<i32>} : memref<80x128xf32, #tpu.memory_space<vmem>>, vector<1x16xf32>,
          %swap3A_1187 = vector.shape_cast %swap3A_1186 : vector<1x16xf32> to vector<16xf32>
          %swap3A_1188 = vector.shape_cast %mul3A_1183 : vector<16xf32> to vector<1x16xf32>
          tpu.vector_store %arg13[%swap3A_1184, %swap3A_1185], %swap3A_1188 {strides = array<i32>} : memref<80x128xf32, #tpu.memory_space<vmem>>, vector<1x16xf32>,
          %get3A_1189 = arith.index_cast %add3A_1144 : i32 to index
          %get3A_1190 = arith.constant 64 : index
          %get3A_1191 = tpu.vector_load %arg13[%get3A_1189, %get3A_1190] {strides = array<i32>} : memref<80x128xf32, #tpu.memory_space<vmem>>, vector<1x16xf32>,
          %get3A_1192 = vector.shape_cast %get3A_1191 : vector<1x16xf32> to vector<16xf32>
          %mul3A_1193 = vector.broadcast %squeeze3A_1140 : f32 to vector<16xf32>
          %mul3A_1194 = arith.mulf %get3A_1192, %mul3A_1193 : vector<16xf32>
          %swap3A_1195 = arith.index_cast %add3A_1144 : i32 to index
          %swap3A_1196 = arith.constant 64 : index
          %swap3A_1197 = tpu.vector_load %arg13[%swap3A_1195, %swap3A_1196] {strides = array<i32>} : memref<80x128xf32, #tpu.memory_space<vmem>>, vector<1x16xf32>,
          %swap3A_1198 = vector.shape_cast %swap3A_1197 : vector<1x16xf32> to vector<16xf32>
          %swap3A_1199 = vector.shape_cast %mul3A_1194 : vector<16xf32> to vector<1x16xf32>
          tpu.vector_store %arg13[%swap3A_1195, %swap3A_1196], %swap3A_1199 {strides = array<i32>} : memref<80x128xf32, #tpu.memory_space<vmem>>, vector<1x16xf32>,
          %get3A_1200 = arith.index_cast %add3A_1144 : i32 to index
          %get3A_1201 = arith.constant 80 : index
          %get3A_1202 = tpu.vector_load %arg13[%get3A_1200, %get3A_1201] {strides = array<i32>} : memref<80x128xf32, #tpu.memory_space<vmem>>, vector<1x16xf32>,
          %get3A_1203 = vector.shape_cast %get3A_1202 : vector<1x16xf32> to vector<16xf32>
          %mul3A_1204 = vector.broadcast %squeeze3A_1140 : f32 to vector<16xf32>
          %mul3A_1205 = arith.mulf %get3A_1203, %mul3A_1204 : vector<16xf32>
          %swap3A_1206 = arith.index_cast %add3A_1144 : i32 to index
          %swap3A_1207 = arith.constant 80 : index
          %swap3A_1208 = tpu.vector_load %arg13[%swap3A_1206, %swap3A_1207] {strides = array<i32>} : memref<80x128xf32, #tpu.memory_space<vmem>>, vector<1x16xf32>,
          %swap3A_1209 = vector.shape_cast %swap3A_1208 : vector<1x16xf32> to vector<16xf32>
          %swap3A_1210 = vector.shape_cast %mul3A_1205 : vector<16xf32> to vector<1x16xf32>
          tpu.vector_store %arg13[%swap3A_1206, %swap3A_1207], %swap3A_1210 {strides = array<i32>} : memref<80x128xf32, #tpu.memory_space<vmem>>, vector<1x16xf32>,
          %get3A_1211 = arith.index_cast %add3A_1144 : i32 to index
          %get3A_1212 = arith.constant 96 : index
          %get3A_1213 = tpu.vector_load %arg13[%get3A_1211, %get3A_1212] {strides = array<i32>} : memref<80x128xf32, #tpu.memory_space<vmem>>, vector<1x16xf32>,
          %get3A_1214 = vector.shape_cast %get3A_1213 : vector<1x16xf32> to vector<16xf32>
          %mul3A_1215 = vector.broadcast %squeeze3A_1140 : f32 to vector<16xf32>
          %mul3A_1216 = arith.mulf %get3A_1214, %mul3A_1215 : vector<16xf32>
          %swap3A_1217 = arith.index_cast %add3A_1144 : i32 to index
          %swap3A_1218 = arith.constant 96 : index
          %swap3A_1219 = tpu.vector_load %arg13[%swap3A_1217, %swap3A_1218] {strides = array<i32>} : memref<80x128xf32, #tpu.memory_space<vmem>>, vector<1x16xf32>,
          %swap3A_1220 = vector.shape_cast %swap3A_1219 : vector<1x16xf32> to vector<16xf32>
          %swap3A_1221 = vector.shape_cast %mul3A_1216 : vector<16xf32> to vector<1x16xf32>
          tpu.vector_store %arg13[%swap3A_1217, %swap3A_1218], %swap3A_1221 {strides = array<i32>} : memref<80x128xf32, #tpu.memory_space<vmem>>, vector<1x16xf32>,
          %get3A_1222 = arith.index_cast %add3A_1144 : i32 to index
          %get3A_1223 = arith.constant 112 : index
          %get3A_1224 = tpu.vector_load %arg13[%get3A_1222, %get3A_1223] {strides = array<i32>} : memref<80x128xf32, #tpu.memory_space<vmem>>, vector<1x16xf32>,
          %get3A_1225 = vector.shape_cast %get3A_1224 : vector<1x16xf32> to vector<16xf32>
          %mul3A_1226 = vector.broadcast %squeeze3A_1140 : f32 to vector<16xf32>
          %mul3A_1227 = arith.mulf %get3A_1225, %mul3A_1226 : vector<16xf32>
          %swap3A_1228 = arith.index_cast %add3A_1144 : i32 to index
          %swap3A_1229 = arith.constant 112 : index
          %swap3A_1230 = tpu.vector_load %arg13[%swap3A_1228, %swap3A_1229] {strides = array<i32>} : memref<80x128xf32, #tpu.memory_space<vmem>>, vector<1x16xf32>,
          %swap3A_1231 = vector.shape_cast %swap3A_1230 : vector<1x16xf32> to vector<16xf32>
          %swap3A_1232 = vector.shape_cast %mul3A_1227 : vector<16xf32> to vector<1x16xf32>
          tpu.vector_store %arg13[%swap3A_1228, %swap3A_1229], %swap3A_1232 {strides = array<i32>} : memref<80x128xf32, #tpu.memory_space<vmem>>, vector<1x16xf32>,
          %slice3A_1233 = vector.extract_strided_slice %get3A_107 {offsets = [12], sizes = [1], strides = [1]} : vector<16xf32> to vector<1xf32>
          %squeeze3A_1234 = vector.extract %slice3A_1233[0] : f32 from vector<1xf32>
          %mul3A_1235 = arith.constant 16 : i32
          %mul3A_1236 = arith.muli %scan3A_102, %mul3A_1235 : i32
          %add3A_1237 = arith.constant 12 : i32
          %add3A_1238 = arith.addi %mul3A_1236, %add3A_1237 : i32
          %get3A_1239 = arith.index_cast %add3A_1238 : i32 to index
          %get3A_1240 = arith.constant 0 : index
          %get3A_1241 = tpu.vector_load %arg13[%get3A_1239, %get3A_1240] {strides = array<i32>} : memref<80x128xf32, #tpu.memory_space<vmem>>, vector<1x16xf32>,
          %get3A_1242 = vector.shape_cast %get3A_1241 : vector<1x16xf32> to vector<16xf32>
          %mul3A_1243 = vector.broadcast %squeeze3A_1234 : f32 to vector<16xf32>
          %mul3A_1244 = arith.mulf %get3A_1242, %mul3A_1243 : vector<16xf32>
          %swap3A_1245 = arith.index_cast %add3A_1238 : i32 to index
          %swap3A_1246 = arith.constant 0 : index
          %swap3A_1247 = tpu.vector_load %arg13[%swap3A_1245, %swap3A_1246] {strides = array<i32>} : memref<80x128xf32, #tpu.memory_space<vmem>>, vector<1x16xf32>,
          %swap3A_1248 = vector.shape_cast %swap3A_1247 : vector<1x16xf32> to vector<16xf32>
          %swap3A_1249 = vector.shape_cast %mul3A_1244 : vector<16xf32> to vector<1x16xf32>
          tpu.vector_store %arg13[%swap3A_1245, %swap3A_1246], %swap3A_1249 {strides = array<i32>} : memref<80x128xf32, #tpu.memory_space<vmem>>, vector<1x16xf32>,
          %get3A_1250 = arith.index_cast %add3A_1238 : i32 to index
          %get3A_1251 = arith.constant 16 : index
          %get3A_1252 = tpu.vector_load %arg13[%get3A_1250, %get3A_1251] {strides = array<i32>} : memref<80x128xf32, #tpu.memory_space<vmem>>, vector<1x16xf32>,
          %get3A_1253 = vector.shape_cast %get3A_1252 : vector<1x16xf32> to vector<16xf32>
          %mul3A_1254 = vector.broadcast %squeeze3A_1234 : f32 to vector<16xf32>
          %mul3A_1255 = arith.mulf %get3A_1253, %mul3A_1254 : vector<16xf32>
          %swap3A_1256 = arith.index_cast %add3A_1238 : i32 to index
          %swap3A_1257 = arith.constant 16 : index
          %swap3A_1258 = tpu.vector_load %arg13[%swap3A_1256, %swap3A_1257] {strides = array<i32>} : memref<80x128xf32, #tpu.memory_space<vmem>>, vector<1x16xf32>,
          %swap3A_1259 = vector.shape_cast %swap3A_1258 : vector<1x16xf32> to vector<16xf32>
          %swap3A_1260 = vector.shape_cast %mul3A_1255 : vector<16xf32> to vector<1x16xf32>
          tpu.vector_store %arg13[%swap3A_1256, %swap3A_1257], %swap3A_1260 {strides = array<i32>} : memref<80x128xf32, #tpu.memory_space<vmem>>, vector<1x16xf32>,
          %get3A_1261 = arith.index_cast %add3A_1238 : i32 to index
          %get3A_1262 = arith.constant 32 : index
          %get3A_1263 = tpu.vector_load %arg13[%get3A_1261, %get3A_1262] {strides = array<i32>} : memref<80x128xf32, #tpu.memory_space<vmem>>, vector<1x16xf32>,
          %get3A_1264 = vector.shape_cast %get3A_1263 : vector<1x16xf32> to vector<16xf32>
          %mul3A_1265 = vector.broadcast %squeeze3A_1234 : f32 to vector<16xf32>
          %mul3A_1266 = arith.mulf %get3A_1264, %mul3A_1265 : vector<16xf32>
          %swap3A_1267 = arith.index_cast %add3A_1238 : i32 to index
          %swap3A_1268 = arith.constant 32 : index
          %swap3A_1269 = tpu.vector_load %arg13[%swap3A_1267, %swap3A_1268] {strides = array<i32>} : memref<80x128xf32, #tpu.memory_space<vmem>>, vector<1x16xf32>,
          %swap3A_1270 = vector.shape_cast %swap3A_1269 : vector<1x16xf32> to vector<16xf32>
          %swap3A_1271 = vector.shape_cast %mul3A_1266 : vector<16xf32> to vector<1x16xf32>
          tpu.vector_store %arg13[%swap3A_1267, %swap3A_1268], %swap3A_1271 {strides = array<i32>} : memref<80x128xf32, #tpu.memory_space<vmem>>, vector<1x16xf32>,
          %get3A_1272 = arith.index_cast %add3A_1238 : i32 to index
          %get3A_1273 = arith.constant 48 : index
          %get3A_1274 = tpu.vector_load %arg13[%get3A_1272, %get3A_1273] {strides = array<i32>} : memref<80x128xf32, #tpu.memory_space<vmem>>, vector<1x16xf32>,
          %get3A_1275 = vector.shape_cast %get3A_1274 : vector<1x16xf32> to vector<16xf32>
          %mul3A_1276 = vector.broadcast %squeeze3A_1234 : f32 to vector<16xf32>
          %mul3A_1277 = arith.mulf %get3A_1275, %mul3A_1276 : vector<16xf32>
          %swap3A_1278 = arith.index_cast %add3A_1238 : i32 to index
          %swap3A_1279 = arith.constant 48 : index
          %swap3A_1280 = tpu.vector_load %arg13[%swap3A_1278, %swap3A_1279] {strides = array<i32>} : memref<80x128xf32, #tpu.memory_space<vmem>>, vector<1x16xf32>,
          %swap3A_1281 = vector.shape_cast %swap3A_1280 : vector<1x16xf32> to vector<16xf32>
          %swap3A_1282 = vector.shape_cast %mul3A_1277 : vector<16xf32> to vector<1x16xf32>
          tpu.vector_store %arg13[%swap3A_1278, %swap3A_1279], %swap3A_1282 {strides = array<i32>} : memref<80x128xf32, #tpu.memory_space<vmem>>, vector<1x16xf32>,
          %get3A_1283 = arith.index_cast %add3A_1238 : i32 to index
          %get3A_1284 = arith.constant 64 : index
          %get3A_1285 = tpu.vector_load %arg13[%get3A_1283, %get3A_1284] {strides = array<i32>} : memref<80x128xf32, #tpu.memory_space<vmem>>, vector<1x16xf32>,
          %get3A_1286 = vector.shape_cast %get3A_1285 : vector<1x16xf32> to vector<16xf32>
          %mul3A_1287 = vector.broadcast %squeeze3A_1234 : f32 to vector<16xf32>
          %mul3A_1288 = arith.mulf %get3A_1286, %mul3A_1287 : vector<16xf32>
          %swap3A_1289 = arith.index_cast %add3A_1238 : i32 to index
          %swap3A_1290 = arith.constant 64 : index
          %swap3A_1291 = tpu.vector_load %arg13[%swap3A_1289, %swap3A_1290] {strides = array<i32>} : memref<80x128xf32, #tpu.memory_space<vmem>>, vector<1x16xf32>,
          %swap3A_1292 = vector.shape_cast %swap3A_1291 : vector<1x16xf32> to vector<16xf32>
          %swap3A_1293 = vector.shape_cast %mul3A_1288 : vector<16xf32> to vector<1x16xf32>
          tpu.vector_store %arg13[%swap3A_1289, %swap3A_1290], %swap3A_1293 {strides = array<i32>} : memref<80x128xf32, #tpu.memory_space<vmem>>, vector<1x16xf32>,
          %get3A_1294 = arith.index_cast %add3A_1238 : i32 to index
          %get3A_1295 = arith.constant 80 : index
          %get3A_1296 = tpu.vector_load %arg13[%get3A_1294, %get3A_1295] {strides = array<i32>} : memref<80x128xf32, #tpu.memory_space<vmem>>, vector<1x16xf32>,
          %get3A_1297 = vector.shape_cast %get3A_1296 : vector<1x16xf32> to vector<16xf32>
          %mul3A_1298 = vector.broadcast %squeeze3A_1234 : f32 to vector<16xf32>
          %mul3A_1299 = arith.mulf %get3A_1297, %mul3A_1298 : vector<16xf32>
          %swap3A_1300 = arith.index_cast %add3A_1238 : i32 to index
          %swap3A_1301 = arith.constant 80 : index
          %swap3A_1302 = tpu.vector_load %arg13[%swap3A_1300, %swap3A_1301] {strides = array<i32>} : memref<80x128xf32, #tpu.memory_space<vmem>>, vector<1x16xf32>,
          %swap3A_1303 = vector.shape_cast %swap3A_1302 : vector<1x16xf32> to vector<16xf32>
          %swap3A_1304 = vector.shape_cast %mul3A_1299 : vector<16xf32> to vector<1x16xf32>
          tpu.vector_store %arg13[%swap3A_1300, %swap3A_1301], %swap3A_1304 {strides = array<i32>} : memref<80x128xf32, #tpu.memory_space<vmem>>, vector<1x16xf32>,
          %get3A_1305 = arith.index_cast %add3A_1238 : i32 to index
          %get3A_1306 = arith.constant 96 : index
          %get3A_1307 = tpu.vector_load %arg13[%get3A_1305, %get3A_1306] {strides = array<i32>} : memref<80x128xf32, #tpu.memory_space<vmem>>, vector<1x16xf32>,
          %get3A_1308 = vector.shape_cast %get3A_1307 : vector<1x16xf32> to vector<16xf32>
          %mul3A_1309 = vector.broadcast %squeeze3A_1234 : f32 to vector<16xf32>
          %mul3A_1310 = arith.mulf %get3A_1308, %mul3A_1309 : vector<16xf32>
          %swap3A_1311 = arith.index_cast %add3A_1238 : i32 to index
          %swap3A_1312 = arith.constant 96 : index
          %swap3A_1313 = tpu.vector_load %arg13[%swap3A_1311, %swap3A_1312] {strides = array<i32>} : memref<80x128xf32, #tpu.memory_space<vmem>>, vector<1x16xf32>,
          %swap3A_1314 = vector.shape_cast %swap3A_1313 : vector<1x16xf32> to vector<16xf32>
          %swap3A_1315 = vector.shape_cast %mul3A_1310 : vector<16xf32> to vector<1x16xf32>
          tpu.vector_store %arg13[%swap3A_1311, %swap3A_1312], %swap3A_1315 {strides = array<i32>} : memref<80x128xf32, #tpu.memory_space<vmem>>, vector<1x16xf32>,
          %get3A_1316 = arith.index_cast %add3A_1238 : i32 to index
          %get3A_1317 = arith.constant 112 : index
          %get3A_1318 = tpu.vector_load %arg13[%get3A_1316, %get3A_1317] {strides = array<i32>} : memref<80x128xf32, #tpu.memory_space<vmem>>, vector<1x16xf32>,
          %get3A_1319 = vector.shape_cast %get3A_1318 : vector<1x16xf32> to vector<16xf32>
          %mul3A_1320 = vector.broadcast %squeeze3A_1234 : f32 to vector<16xf32>
          %mul3A_1321 = arith.mulf %get3A_1319, %mul3A_1320 : vector<16xf32>
          %swap3A_1322 = arith.index_cast %add3A_1238 : i32 to index
          %swap3A_1323 = arith.constant 112 : index
          %swap3A_1324 = tpu.vector_load %arg13[%swap3A_1322, %swap3A_1323] {strides = array<i32>} : memref<80x128xf32, #tpu.memory_space<vmem>>, vector<1x16xf32>,
          %swap3A_1325 = vector.shape_cast %swap3A_1324 : vector<1x16xf32> to vector<16xf32>
          %swap3A_1326 = vector.shape_cast %mul3A_1321 : vector<16xf32> to vector<1x16xf32>
          tpu.vector_store %arg13[%swap3A_1322, %swap3A_1323], %swap3A_1326 {strides = array<i32>} : memref<80x128xf32, #tpu.memory_space<vmem>>, vector<1x16xf32>,
          %slice3A_1327 = vector.extract_strided_slice %get3A_107 {offsets = [13], sizes = [1], strides = [1]} : vector<16xf32> to vector<1xf32>
          %squeeze3A_1328 = vector.extract %slice3A_1327[0] : f32 from vector<1xf32>
          %mul3A_1329 = arith.constant 16 : i32
          %mul3A_1330 = arith.muli %scan3A_102, %mul3A_1329 : i32
          %add3A_1331 = arith.constant 13 : i32
          %add3A_1332 = arith.addi %mul3A_1330, %add3A_1331 : i32
          %get3A_1333 = arith.index_cast %add3A_1332 : i32 to index
          %get3A_1334 = arith.constant 0 : index
          %get3A_1335 = tpu.vector_load %arg13[%get3A_1333, %get3A_1334] {strides = array<i32>} : memref<80x128xf32, #tpu.memory_space<vmem>>, vector<1x16xf32>,
          %get3A_1336 = vector.shape_cast %get3A_1335 : vector<1x16xf32> to vector<16xf32>
          %mul3A_1337 = vector.broadcast %squeeze3A_1328 : f32 to vector<16xf32>
          %mul3A_1338 = arith.mulf %get3A_1336, %mul3A_1337 : vector<16xf32>
          %swap3A_1339 = arith.index_cast %add3A_1332 : i32 to index
          %swap3A_1340 = arith.constant 0 : index
          %swap3A_1341 = tpu.vector_load %arg13[%swap3A_1339, %swap3A_1340] {strides = array<i32>} : memref<80x128xf32, #tpu.memory_space<vmem>>, vector<1x16xf32>,
          %swap3A_1342 = vector.shape_cast %swap3A_1341 : vector<1x16xf32> to vector<16xf32>
          %swap3A_1343 = vector.shape_cast %mul3A_1338 : vector<16xf32> to vector<1x16xf32>
          tpu.vector_store %arg13[%swap3A_1339, %swap3A_1340], %swap3A_1343 {strides = array<i32>} : memref<80x128xf32, #tpu.memory_space<vmem>>, vector<1x16xf32>,
          %get3A_1344 = arith.index_cast %add3A_1332 : i32 to index
          %get3A_1345 = arith.constant 16 : index
          %get3A_1346 = tpu.vector_load %arg13[%get3A_1344, %get3A_1345] {strides = array<i32>} : memref<80x128xf32, #tpu.memory_space<vmem>>, vector<1x16xf32>,
          %get3A_1347 = vector.shape_cast %get3A_1346 : vector<1x16xf32> to vector<16xf32>
          %mul3A_1348 = vector.broadcast %squeeze3A_1328 : f32 to vector<16xf32>
          %mul3A_1349 = arith.mulf %get3A_1347, %mul3A_1348 : vector<16xf32>
          %swap3A_1350 = arith.index_cast %add3A_1332 : i32 to index
          %swap3A_1351 = arith.constant 16 : index
          %swap3A_1352 = tpu.vector_load %arg13[%swap3A_1350, %swap3A_1351] {strides = array<i32>} : memref<80x128xf32, #tpu.memory_space<vmem>>, vector<1x16xf32>,
          %swap3A_1353 = vector.shape_cast %swap3A_1352 : vector<1x16xf32> to vector<16xf32>
          %swap3A_1354 = vector.shape_cast %mul3A_1349 : vector<16xf32> to vector<1x16xf32>
          tpu.vector_store %arg13[%swap3A_1350, %swap3A_1351], %swap3A_1354 {strides = array<i32>} : memref<80x128xf32, #tpu.memory_space<vmem>>, vector<1x16xf32>,
          %get3A_1355 = arith.index_cast %add3A_1332 : i32 to index
          %get3A_1356 = arith.constant 32 : index
          %get3A_1357 = tpu.vector_load %arg13[%get3A_1355, %get3A_1356] {strides = array<i32>} : memref<80x128xf32, #tpu.memory_space<vmem>>, vector<1x16xf32>,
          %get3A_1358 = vector.shape_cast %get3A_1357 : vector<1x16xf32> to vector<16xf32>
          %mul3A_1359 = vector.broadcast %squeeze3A_1328 : f32 to vector<16xf32>
          %mul3A_1360 = arith.mulf %get3A_1358, %mul3A_1359 : vector<16xf32>
          %swap3A_1361 = arith.index_cast %add3A_1332 : i32 to index
          %swap3A_1362 = arith.constant 32 : index
          %swap3A_1363 = tpu.vector_load %arg13[%swap3A_1361, %swap3A_1362] {strides = array<i32>} : memref<80x128xf32, #tpu.memory_space<vmem>>, vector<1x16xf32>,
          %swap3A_1364 = vector.shape_cast %swap3A_1363 : vector<1x16xf32> to vector<16xf32>
          %swap3A_1365 = vector.shape_cast %mul3A_1360 : vector<16xf32> to vector<1x16xf32>
          tpu.vector_store %arg13[%swap3A_1361, %swap3A_1362], %swap3A_1365 {strides = array<i32>} : memref<80x128xf32, #tpu.memory_space<vmem>>, vector<1x16xf32>,
          %get3A_1366 = arith.index_cast %add3A_1332 : i32 to index
          %get3A_1367 = arith.constant 48 : index
          %get3A_1368 = tpu.vector_load %arg13[%get3A_1366, %get3A_1367] {strides = array<i32>} : memref<80x128xf32, #tpu.memory_space<vmem>>, vector<1x16xf32>,
          %get3A_1369 = vector.shape_cast %get3A_1368 : vector<1x16xf32> to vector<16xf32>
          %mul3A_1370 = vector.broadcast %squeeze3A_1328 : f32 to vector<16xf32>
          %mul3A_1371 = arith.mulf %get3A_1369, %mul3A_1370 : vector<16xf32>
          %swap3A_1372 = arith.index_cast %add3A_1332 : i32 to index
          %swap3A_1373 = arith.constant 48 : index
          %swap3A_1374 = tpu.vector_load %arg13[%swap3A_1372, %swap3A_1373] {strides = array<i32>} : memref<80x128xf32, #tpu.memory_space<vmem>>, vector<1x16xf32>,
          %swap3A_1375 = vector.shape_cast %swap3A_1374 : vector<1x16xf32> to vector<16xf32>
          %swap3A_1376 = vector.shape_cast %mul3A_1371 : vector<16xf32> to vector<1x16xf32>
          tpu.vector_store %arg13[%swap3A_1372, %swap3A_1373], %swap3A_1376 {strides = array<i32>} : memref<80x128xf32, #tpu.memory_space<vmem>>, vector<1x16xf32>,
          %get3A_1377 = arith.index_cast %add3A_1332 : i32 to index
          %get3A_1378 = arith.constant 64 : index
          %get3A_1379 = tpu.vector_load %arg13[%get3A_1377, %get3A_1378] {strides = array<i32>} : memref<80x128xf32, #tpu.memory_space<vmem>>, vector<1x16xf32>,
          %get3A_1380 = vector.shape_cast %get3A_1379 : vector<1x16xf32> to vector<16xf32>
          %mul3A_1381 = vector.broadcast %squeeze3A_1328 : f32 to vector<16xf32>
          %mul3A_1382 = arith.mulf %get3A_1380, %mul3A_1381 : vector<16xf32>
          %swap3A_1383 = arith.index_cast %add3A_1332 : i32 to index
          %swap3A_1384 = arith.constant 64 : index
          %swap3A_1385 = tpu.vector_load %arg13[%swap3A_1383, %swap3A_1384] {strides = array<i32>} : memref<80x128xf32, #tpu.memory_space<vmem>>, vector<1x16xf32>,
          %swap3A_1386 = vector.shape_cast %swap3A_1385 : vector<1x16xf32> to vector<16xf32>
          %swap3A_1387 = vector.shape_cast %mul3A_1382 : vector<16xf32> to vector<1x16xf32>
          tpu.vector_store %arg13[%swap3A_1383, %swap3A_1384], %swap3A_1387 {strides = array<i32>} : memref<80x128xf32, #tpu.memory_space<vmem>>, vector<1x16xf32>,
          %get3A_1388 = arith.index_cast %add3A_1332 : i32 to index
          %get3A_1389 = arith.constant 80 : index
          %get3A_1390 = tpu.vector_load %arg13[%get3A_1388, %get3A_1389] {strides = array<i32>} : memref<80x128xf32, #tpu.memory_space<vmem>>, vector<1x16xf32>,
          %get3A_1391 = vector.shape_cast %get3A_1390 : vector<1x16xf32> to vector<16xf32>
          %mul3A_1392 = vector.broadcast %squeeze3A_1328 : f32 to vector<16xf32>
          %mul3A_1393 = arith.mulf %get3A_1391, %mul3A_1392 : vector<16xf32>
          %swap3A_1394 = arith.index_cast %add3A_1332 : i32 to index
          %swap3A_1395 = arith.constant 80 : index
          %swap3A_1396 = tpu.vector_load %arg13[%swap3A_1394, %swap3A_1395] {strides = array<i32>} : memref<80x128xf32, #tpu.memory_space<vmem>>, vector<1x16xf32>,
          %swap3A_1397 = vector.shape_cast %swap3A_1396 : vector<1x16xf32> to vector<16xf32>
          %swap3A_1398 = vector.shape_cast %mul3A_1393 : vector<16xf32> to vector<1x16xf32>
          tpu.vector_store %arg13[%swap3A_1394, %swap3A_1395], %swap3A_1398 {strides = array<i32>} : memref<80x128xf32, #tpu.memory_space<vmem>>, vector<1x16xf32>,
          %get3A_1399 = arith.index_cast %add3A_1332 : i32 to index
          %get3A_1400 = arith.constant 96 : index
          %get3A_1401 = tpu.vector_load %arg13[%get3A_1399, %get3A_1400] {strides = array<i32>} : memref<80x128xf32, #tpu.memory_space<vmem>>, vector<1x16xf32>,
          %get3A_1402 = vector.shape_cast %get3A_1401 : vector<1x16xf32> to vector<16xf32>
          %mul3A_1403 = vector.broadcast %squeeze3A_1328 : f32 to vector<16xf32>
          %mul3A_1404 = arith.mulf %get3A_1402, %mul3A_1403 : vector<16xf32>
          %swap3A_1405 = arith.index_cast %add3A_1332 : i32 to index
          %swap3A_1406 = arith.constant 96 : index
          %swap3A_1407 = tpu.vector_load %arg13[%swap3A_1405, %swap3A_1406] {strides = array<i32>} : memref<80x128xf32, #tpu.memory_space<vmem>>, vector<1x16xf32>,
          %swap3A_1408 = vector.shape_cast %swap3A_1407 : vector<1x16xf32> to vector<16xf32>
          %swap3A_1409 = vector.shape_cast %mul3A_1404 : vector<16xf32> to vector<1x16xf32>
          tpu.vector_store %arg13[%swap3A_1405, %swap3A_1406], %swap3A_1409 {strides = array<i32>} : memref<80x128xf32, #tpu.memory_space<vmem>>, vector<1x16xf32>,
          %get3A_1410 = arith.index_cast %add3A_1332 : i32 to index
          %get3A_1411 = arith.constant 112 : index
          %get3A_1412 = tpu.vector_load %arg13[%get3A_1410, %get3A_1411] {strides = array<i32>} : memref<80x128xf32, #tpu.memory_space<vmem>>, vector<1x16xf32>,
          %get3A_1413 = vector.shape_cast %get3A_1412 : vector<1x16xf32> to vector<16xf32>
          %mul3A_1414 = vector.broadcast %squeeze3A_1328 : f32 to vector<16xf32>
          %mul3A_1415 = arith.mulf %get3A_1413, %mul3A_1414 : vector<16xf32>
          %swap3A_1416 = arith.index_cast %add3A_1332 : i32 to index
          %swap3A_1417 = arith.constant 112 : index
          %swap3A_1418 = tpu.vector_load %arg13[%swap3A_1416, %swap3A_1417] {strides = array<i32>} : memref<80x128xf32, #tpu.memory_space<vmem>>, vector<1x16xf32>,
          %swap3A_1419 = vector.shape_cast %swap3A_1418 : vector<1x16xf32> to vector<16xf32>
          %swap3A_1420 = vector.shape_cast %mul3A_1415 : vector<16xf32> to vector<1x16xf32>
          tpu.vector_store %arg13[%swap3A_1416, %swap3A_1417], %swap3A_1420 {strides = array<i32>} : memref<80x128xf32, #tpu.memory_space<vmem>>, vector<1x16xf32>,
          %slice3A_1421 = vector.extract_strided_slice %get3A_107 {offsets = [14], sizes = [1], strides = [1]} : vector<16xf32> to vector<1xf32>
          %squeeze3A_1422 = vector.extract %slice3A_1421[0] : f32 from vector<1xf32>
          %mul3A_1423 = arith.constant 16 : i32
          %mul3A_1424 = arith.muli %scan3A_102, %mul3A_1423 : i32
          %add3A_1425 = arith.constant 14 : i32
          %add3A_1426 = arith.addi %mul3A_1424, %add3A_1425 : i32
          %get3A_1427 = arith.index_cast %add3A_1426 : i32 to index
          %get3A_1428 = arith.constant 0 : index
          %get3A_1429 = tpu.vector_load %arg13[%get3A_1427, %get3A_1428] {strides = array<i32>} : memref<80x128xf32, #tpu.memory_space<vmem>>, vector<1x16xf32>,
          %get3A_1430 = vector.shape_cast %get3A_1429 : vector<1x16xf32> to vector<16xf32>
          %mul3A_1431 = vector.broadcast %squeeze3A_1422 : f32 to vector<16xf32>
          %mul3A_1432 = arith.mulf %get3A_1430, %mul3A_1431 : vector<16xf32>
          %swap3A_1433 = arith.index_cast %add3A_1426 : i32 to index
          %swap3A_1434 = arith.constant 0 : index
          %swap3A_1435 = tpu.vector_load %arg13[%swap3A_1433, %swap3A_1434] {strides = array<i32>} : memref<80x128xf32, #tpu.memory_space<vmem>>, vector<1x16xf32>,
          %swap3A_1436 = vector.shape_cast %swap3A_1435 : vector<1x16xf32> to vector<16xf32>
          %swap3A_1437 = vector.shape_cast %mul3A_1432 : vector<16xf32> to vector<1x16xf32>
          tpu.vector_store %arg13[%swap3A_1433, %swap3A_1434], %swap3A_1437 {strides = array<i32>} : memref<80x128xf32, #tpu.memory_space<vmem>>, vector<1x16xf32>,
          %get3A_1438 = arith.index_cast %add3A_1426 : i32 to index
          %get3A_1439 = arith.constant 16 : index
          %get3A_1440 = tpu.vector_load %arg13[%get3A_1438, %get3A_1439] {strides = array<i32>} : memref<80x128xf32, #tpu.memory_space<vmem>>, vector<1x16xf32>,
          %get3A_1441 = vector.shape_cast %get3A_1440 : vector<1x16xf32> to vector<16xf32>
          %mul3A_1442 = vector.broadcast %squeeze3A_1422 : f32 to vector<16xf32>
          %mul3A_1443 = arith.mulf %get3A_1441, %mul3A_1442 : vector<16xf32>
          %swap3A_1444 = arith.index_cast %add3A_1426 : i32 to index
          %swap3A_1445 = arith.constant 16 : index
          %swap3A_1446 = tpu.vector_load %arg13[%swap3A_1444, %swap3A_1445] {strides = array<i32>} : memref<80x128xf32, #tpu.memory_space<vmem>>, vector<1x16xf32>,
          %swap3A_1447 = vector.shape_cast %swap3A_1446 : vector<1x16xf32> to vector<16xf32>
          %swap3A_1448 = vector.shape_cast %mul3A_1443 : vector<16xf32> to vector<1x16xf32>
          tpu.vector_store %arg13[%swap3A_1444, %swap3A_1445], %swap3A_1448 {strides = array<i32>} : memref<80x128xf32, #tpu.memory_space<vmem>>, vector<1x16xf32>,
          %get3A_1449 = arith.index_cast %add3A_1426 : i32 to index
          %get3A_1450 = arith.constant 32 : index
          %get3A_1451 = tpu.vector_load %arg13[%get3A_1449, %get3A_1450] {strides = array<i32>} : memref<80x128xf32, #tpu.memory_space<vmem>>, vector<1x16xf32>,
          %get3A_1452 = vector.shape_cast %get3A_1451 : vector<1x16xf32> to vector<16xf32>
          %mul3A_1453 = vector.broadcast %squeeze3A_1422 : f32 to vector<16xf32>
          %mul3A_1454 = arith.mulf %get3A_1452, %mul3A_1453 : vector<16xf32>
          %swap3A_1455 = arith.index_cast %add3A_1426 : i32 to index
          %swap3A_1456 = arith.constant 32 : index
          %swap3A_1457 = tpu.vector_load %arg13[%swap3A_1455, %swap3A_1456] {strides = array<i32>} : memref<80x128xf32, #tpu.memory_space<vmem>>, vector<1x16xf32>,
          %swap3A_1458 = vector.shape_cast %swap3A_1457 : vector<1x16xf32> to vector<16xf32>
          %swap3A_1459 = vector.shape_cast %mul3A_1454 : vector<16xf32> to vector<1x16xf32>
          tpu.vector_store %arg13[%swap3A_1455, %swap3A_1456], %swap3A_1459 {strides = array<i32>} : memref<80x128xf32, #tpu.memory_space<vmem>>, vector<1x16xf32>,
          %get3A_1460 = arith.index_cast %add3A_1426 : i32 to index
          %get3A_1461 = arith.constant 48 : index
          %get3A_1462 = tpu.vector_load %arg13[%get3A_1460, %get3A_1461] {strides = array<i32>} : memref<80x128xf32, #tpu.memory_space<vmem>>, vector<1x16xf32>,
          %get3A_1463 = vector.shape_cast %get3A_1462 : vector<1x16xf32> to vector<16xf32>
          %mul3A_1464 = vector.broadcast %squeeze3A_1422 : f32 to vector<16xf32>
          %mul3A_1465 = arith.mulf %get3A_1463, %mul3A_1464 : vector<16xf32>
          %swap3A_1466 = arith.index_cast %add3A_1426 : i32 to index
          %swap3A_1467 = arith.constant 48 : index
          %swap3A_1468 = tpu.vector_load %arg13[%swap3A_1466, %swap3A_1467] {strides = array<i32>} : memref<80x128xf32, #tpu.memory_space<vmem>>, vector<1x16xf32>,
          %swap3A_1469 = vector.shape_cast %swap3A_1468 : vector<1x16xf32> to vector<16xf32>
          %swap3A_1470 = vector.shape_cast %mul3A_1465 : vector<16xf32> to vector<1x16xf32>
          tpu.vector_store %arg13[%swap3A_1466, %swap3A_1467], %swap3A_1470 {strides = array<i32>} : memref<80x128xf32, #tpu.memory_space<vmem>>, vector<1x16xf32>,
          %get3A_1471 = arith.index_cast %add3A_1426 : i32 to index
          %get3A_1472 = arith.constant 64 : index
          %get3A_1473 = tpu.vector_load %arg13[%get3A_1471, %get3A_1472] {strides = array<i32>} : memref<80x128xf32, #tpu.memory_space<vmem>>, vector<1x16xf32>,
          %get3A_1474 = vector.shape_cast %get3A_1473 : vector<1x16xf32> to vector<16xf32>
          %mul3A_1475 = vector.broadcast %squeeze3A_1422 : f32 to vector<16xf32>
          %mul3A_1476 = arith.mulf %get3A_1474, %mul3A_1475 : vector<16xf32>
          %swap3A_1477 = arith.index_cast %add3A_1426 : i32 to index
          %swap3A_1478 = arith.constant 64 : index
          %swap3A_1479 = tpu.vector_load %arg13[%swap3A_1477, %swap3A_1478] {strides = array<i32>} : memref<80x128xf32, #tpu.memory_space<vmem>>, vector<1x16xf32>,
          %swap3A_1480 = vector.shape_cast %swap3A_1479 : vector<1x16xf32> to vector<16xf32>
          %swap3A_1481 = vector.shape_cast %mul3A_1476 : vector<16xf32> to vector<1x16xf32>
          tpu.vector_store %arg13[%swap3A_1477, %swap3A_1478], %swap3A_1481 {strides = array<i32>} : memref<80x128xf32, #tpu.memory_space<vmem>>, vector<1x16xf32>,
          %get3A_1482 = arith.index_cast %add3A_1426 : i32 to index
          %get3A_1483 = arith.constant 80 : index
          %get3A_1484 = tpu.vector_load %arg13[%get3A_1482, %get3A_1483] {strides = array<i32>} : memref<80x128xf32, #tpu.memory_space<vmem>>, vector<1x16xf32>,
          %get3A_1485 = vector.shape_cast %get3A_1484 : vector<1x16xf32> to vector<16xf32>
          %mul3A_1486 = vector.broadcast %squeeze3A_1422 : f32 to vector<16xf32>
          %mul3A_1487 = arith.mulf %get3A_1485, %mul3A_1486 : vector<16xf32>
          %swap3A_1488 = arith.index_cast %add3A_1426 : i32 to index
          %swap3A_1489 = arith.constant 80 : index
          %swap3A_1490 = tpu.vector_load %arg13[%swap3A_1488, %swap3A_1489] {strides = array<i32>} : memref<80x128xf32, #tpu.memory_space<vmem>>, vector<1x16xf32>,
          %swap3A_1491 = vector.shape_cast %swap3A_1490 : vector<1x16xf32> to vector<16xf32>
          %swap3A_1492 = vector.shape_cast %mul3A_1487 : vector<16xf32> to vector<1x16xf32>
          tpu.vector_store %arg13[%swap3A_1488, %swap3A_1489], %swap3A_1492 {strides = array<i32>} : memref<80x128xf32, #tpu.memory_space<vmem>>, vector<1x16xf32>,
          %get3A_1493 = arith.index_cast %add3A_1426 : i32 to index
          %get3A_1494 = arith.constant 96 : index
          %get3A_1495 = tpu.vector_load %arg13[%get3A_1493, %get3A_1494] {strides = array<i32>} : memref<80x128xf32, #tpu.memory_space<vmem>>, vector<1x16xf32>,
          %get3A_1496 = vector.shape_cast %get3A_1495 : vector<1x16xf32> to vector<16xf32>
          %mul3A_1497 = vector.broadcast %squeeze3A_1422 : f32 to vector<16xf32>
          %mul3A_1498 = arith.mulf %get3A_1496, %mul3A_1497 : vector<16xf32>
          %swap3A_1499 = arith.index_cast %add3A_1426 : i32 to index
          %swap3A_1500 = arith.constant 96 : index
          %swap3A_1501 = tpu.vector_load %arg13[%swap3A_1499, %swap3A_1500] {strides = array<i32>} : memref<80x128xf32, #tpu.memory_space<vmem>>, vector<1x16xf32>,
          %swap3A_1502 = vector.shape_cast %swap3A_1501 : vector<1x16xf32> to vector<16xf32>
          %swap3A_1503 = vector.shape_cast %mul3A_1498 : vector<16xf32> to vector<1x16xf32>
          tpu.vector_store %arg13[%swap3A_1499, %swap3A_1500], %swap3A_1503 {strides = array<i32>} : memref<80x128xf32, #tpu.memory_space<vmem>>, vector<1x16xf32>,
          %get3A_1504 = arith.index_cast %add3A_1426 : i32 to index
          %get3A_1505 = arith.constant 112 : index
          %get3A_1506 = tpu.vector_load %arg13[%get3A_1504, %get3A_1505] {strides = array<i32>} : memref<80x128xf32, #tpu.memory_space<vmem>>, vector<1x16xf32>,
          %get3A_1507 = vector.shape_cast %get3A_1506 : vector<1x16xf32> to vector<16xf32>
          %mul3A_1508 = vector.broadcast %squeeze3A_1422 : f32 to vector<16xf32>
          %mul3A_1509 = arith.mulf %get3A_1507, %mul3A_1508 : vector<16xf32>
          %swap3A_1510 = arith.index_cast %add3A_1426 : i32 to index
          %swap3A_1511 = arith.constant 112 : index
          %swap3A_1512 = tpu.vector_load %arg13[%swap3A_1510, %swap3A_1511] {strides = array<i32>} : memref<80x128xf32, #tpu.memory_space<vmem>>, vector<1x16xf32>,
          %swap3A_1513 = vector.shape_cast %swap3A_1512 : vector<1x16xf32> to vector<16xf32>
          %swap3A_1514 = vector.shape_cast %mul3A_1509 : vector<16xf32> to vector<1x16xf32>
          tpu.vector_store %arg13[%swap3A_1510, %swap3A_1511], %swap3A_1514 {strides = array<i32>} : memref<80x128xf32, #tpu.memory_space<vmem>>, vector<1x16xf32>,
          %slice3A_1515 = vector.extract_strided_slice %get3A_107 {offsets = [15], sizes = [1], strides = [1]} : vector<16xf32> to vector<1xf32>
          %squeeze3A_1516 = vector.extract %slice3A_1515[0] : f32 from vector<1xf32>
          %mul3A_1517 = arith.constant 16 : i32
          %mul3A_1518 = arith.muli %scan3A_102, %mul3A_1517 : i32
          %add3A_1519 = arith.constant 15 : i32
          %add3A_1520 = arith.addi %mul3A_1518, %add3A_1519 : i32
          %get3A_1521 = arith.index_cast %add3A_1520 : i32 to index
          %get3A_1522 = arith.constant 0 : index
          %get3A_1523 = tpu.vector_load %arg13[%get3A_1521, %get3A_1522] {strides = array<i32>} : memref<80x128xf32, #tpu.memory_space<vmem>>, vector<1x16xf32>,
          %get3A_1524 = vector.shape_cast %get3A_1523 : vector<1x16xf32> to vector<16xf32>
          %mul3A_1525 = vector.broadcast %squeeze3A_1516 : f32 to vector<16xf32>
          %mul3A_1526 = arith.mulf %get3A_1524, %mul3A_1525 : vector<16xf32>
          %swap3A_1527 = arith.index_cast %add3A_1520 : i32 to index
          %swap3A_1528 = arith.constant 0 : index
          %swap3A_1529 = tpu.vector_load %arg13[%swap3A_1527, %swap3A_1528] {strides = array<i32>} : memref<80x128xf32, #tpu.memory_space<vmem>>, vector<1x16xf32>,
          %swap3A_1530 = vector.shape_cast %swap3A_1529 : vector<1x16xf32> to vector<16xf32>
          %swap3A_1531 = vector.shape_cast %mul3A_1526 : vector<16xf32> to vector<1x16xf32>
          tpu.vector_store %arg13[%swap3A_1527, %swap3A_1528], %swap3A_1531 {strides = array<i32>} : memref<80x128xf32, #tpu.memory_space<vmem>>, vector<1x16xf32>,
          %get3A_1532 = arith.index_cast %add3A_1520 : i32 to index
          %get3A_1533 = arith.constant 16 : index
          %get3A_1534 = tpu.vector_load %arg13[%get3A_1532, %get3A_1533] {strides = array<i32>} : memref<80x128xf32, #tpu.memory_space<vmem>>, vector<1x16xf32>,
          %get3A_1535 = vector.shape_cast %get3A_1534 : vector<1x16xf32> to vector<16xf32>
          %mul3A_1536 = vector.broadcast %squeeze3A_1516 : f32 to vector<16xf32>
          %mul3A_1537 = arith.mulf %get3A_1535, %mul3A_1536 : vector<16xf32>
          %swap3A_1538 = arith.index_cast %add3A_1520 : i32 to index
          %swap3A_1539 = arith.constant 16 : index
          %swap3A_1540 = tpu.vector_load %arg13[%swap3A_1538, %swap3A_1539] {strides = array<i32>} : memref<80x128xf32, #tpu.memory_space<vmem>>, vector<1x16xf32>,
          %swap3A_1541 = vector.shape_cast %swap3A_1540 : vector<1x16xf32> to vector<16xf32>
          %swap3A_1542 = vector.shape_cast %mul3A_1537 : vector<16xf32> to vector<1x16xf32>
          tpu.vector_store %arg13[%swap3A_1538, %swap3A_1539], %swap3A_1542 {strides = array<i32>} : memref<80x128xf32, #tpu.memory_space<vmem>>, vector<1x16xf32>,
          %get3A_1543 = arith.index_cast %add3A_1520 : i32 to index
          %get3A_1544 = arith.constant 32 : index
          %get3A_1545 = tpu.vector_load %arg13[%get3A_1543, %get3A_1544] {strides = array<i32>} : memref<80x128xf32, #tpu.memory_space<vmem>>, vector<1x16xf32>,
          %get3A_1546 = vector.shape_cast %get3A_1545 : vector<1x16xf32> to vector<16xf32>
          %mul3A_1547 = vector.broadcast %squeeze3A_1516 : f32 to vector<16xf32>
          %mul3A_1548 = arith.mulf %get3A_1546, %mul3A_1547 : vector<16xf32>
          %swap3A_1549 = arith.index_cast %add3A_1520 : i32 to index
          %swap3A_1550 = arith.constant 32 : index
          %swap3A_1551 = tpu.vector_load %arg13[%swap3A_1549, %swap3A_1550] {strides = array<i32>} : memref<80x128xf32, #tpu.memory_space<vmem>>, vector<1x16xf32>,
          %swap3A_1552 = vector.shape_cast %swap3A_1551 : vector<1x16xf32> to vector<16xf32>
          %swap3A_1553 = vector.shape_cast %mul3A_1548 : vector<16xf32> to vector<1x16xf32>
          tpu.vector_store %arg13[%swap3A_1549, %swap3A_1550], %swap3A_1553 {strides = array<i32>} : memref<80x128xf32, #tpu.memory_space<vmem>>, vector<1x16xf32>,
          %get3A_1554 = arith.index_cast %add3A_1520 : i32 to index
          %get3A_1555 = arith.constant 48 : index
          %get3A_1556 = tpu.vector_load %arg13[%get3A_1554, %get3A_1555] {strides = array<i32>} : memref<80x128xf32, #tpu.memory_space<vmem>>, vector<1x16xf32>,
          %get3A_1557 = vector.shape_cast %get3A_1556 : vector<1x16xf32> to vector<16xf32>
          %mul3A_1558 = vector.broadcast %squeeze3A_1516 : f32 to vector<16xf32>
          %mul3A_1559 = arith.mulf %get3A_1557, %mul3A_1558 : vector<16xf32>
          %swap3A_1560 = arith.index_cast %add3A_1520 : i32 to index
          %swap3A_1561 = arith.constant 48 : index
          %swap3A_1562 = tpu.vector_load %arg13[%swap3A_1560, %swap3A_1561] {strides = array<i32>} : memref<80x128xf32, #tpu.memory_space<vmem>>, vector<1x16xf32>,
          %swap3A_1563 = vector.shape_cast %swap3A_1562 : vector<1x16xf32> to vector<16xf32>
          %swap3A_1564 = vector.shape_cast %mul3A_1559 : vector<16xf32> to vector<1x16xf32>
          tpu.vector_store %arg13[%swap3A_1560, %swap3A_1561], %swap3A_1564 {strides = array<i32>} : memref<80x128xf32, #tpu.memory_space<vmem>>, vector<1x16xf32>,
          %get3A_1565 = arith.index_cast %add3A_1520 : i32 to index
          %get3A_1566 = arith.constant 64 : index
          %get3A_1567 = tpu.vector_load %arg13[%get3A_1565, %get3A_1566] {strides = array<i32>} : memref<80x128xf32, #tpu.memory_space<vmem>>, vector<1x16xf32>,
          %get3A_1568 = vector.shape_cast %get3A_1567 : vector<1x16xf32> to vector<16xf32>
          %mul3A_1569 = vector.broadcast %squeeze3A_1516 : f32 to vector<16xf32>
          %mul3A_1570 = arith.mulf %get3A_1568, %mul3A_1569 : vector<16xf32>
          %swap3A_1571 = arith.index_cast %add3A_1520 : i32 to index
          %swap3A_1572 = arith.constant 64 : index
          %swap3A_1573 = tpu.vector_load %arg13[%swap3A_1571, %swap3A_1572] {strides = array<i32>} : memref<80x128xf32, #tpu.memory_space<vmem>>, vector<1x16xf32>,
          %swap3A_1574 = vector.shape_cast %swap3A_1573 : vector<1x16xf32> to vector<16xf32>
          %swap3A_1575 = vector.shape_cast %mul3A_1570 : vector<16xf32> to vector<1x16xf32>
          tpu.vector_store %arg13[%swap3A_1571, %swap3A_1572], %swap3A_1575 {strides = array<i32>} : memref<80x128xf32, #tpu.memory_space<vmem>>, vector<1x16xf32>,
          %get3A_1576 = arith.index_cast %add3A_1520 : i32 to index
          %get3A_1577 = arith.constant 80 : index
          %get3A_1578 = tpu.vector_load %arg13[%get3A_1576, %get3A_1577] {strides = array<i32>} : memref<80x128xf32, #tpu.memory_space<vmem>>, vector<1x16xf32>,
          %get3A_1579 = vector.shape_cast %get3A_1578 : vector<1x16xf32> to vector<16xf32>
          %mul3A_1580 = vector.broadcast %squeeze3A_1516 : f32 to vector<16xf32>
          %mul3A_1581 = arith.mulf %get3A_1579, %mul3A_1580 : vector<16xf32>
          %swap3A_1582 = arith.index_cast %add3A_1520 : i32 to index
          %swap3A_1583 = arith.constant 80 : index
          %swap3A_1584 = tpu.vector_load %arg13[%swap3A_1582, %swap3A_1583] {strides = array<i32>} : memref<80x128xf32, #tpu.memory_space<vmem>>, vector<1x16xf32>,
          %swap3A_1585 = vector.shape_cast %swap3A_1584 : vector<1x16xf32> to vector<16xf32>
          %swap3A_1586 = vector.shape_cast %mul3A_1581 : vector<16xf32> to vector<1x16xf32>
          tpu.vector_store %arg13[%swap3A_1582, %swap3A_1583], %swap3A_1586 {strides = array<i32>} : memref<80x128xf32, #tpu.memory_space<vmem>>, vector<1x16xf32>,
          %get3A_1587 = arith.index_cast %add3A_1520 : i32 to index
          %get3A_1588 = arith.constant 96 : index
          %get3A_1589 = tpu.vector_load %arg13[%get3A_1587, %get3A_1588] {strides = array<i32>} : memref<80x128xf32, #tpu.memory_space<vmem>>, vector<1x16xf32>,
          %get3A_1590 = vector.shape_cast %get3A_1589 : vector<1x16xf32> to vector<16xf32>
          %mul3A_1591 = vector.broadcast %squeeze3A_1516 : f32 to vector<16xf32>
          %mul3A_1592 = arith.mulf %get3A_1590, %mul3A_1591 : vector<16xf32>
          %swap3A_1593 = arith.index_cast %add3A_1520 : i32 to index
          %swap3A_1594 = arith.constant 96 : index
          %swap3A_1595 = tpu.vector_load %arg13[%swap3A_1593, %swap3A_1594] {strides = array<i32>} : memref<80x128xf32, #tpu.memory_space<vmem>>, vector<1x16xf32>,
          %swap3A_1596 = vector.shape_cast %swap3A_1595 : vector<1x16xf32> to vector<16xf32>
          %swap3A_1597 = vector.shape_cast %mul3A_1592 : vector<16xf32> to vector<1x16xf32>
          tpu.vector_store %arg13[%swap3A_1593, %swap3A_1594], %swap3A_1597 {strides = array<i32>} : memref<80x128xf32, #tpu.memory_space<vmem>>, vector<1x16xf32>,
          %get3A_1598 = arith.index_cast %add3A_1520 : i32 to index
          %get3A_1599 = arith.constant 112 : index
          %get3A_1600 = tpu.vector_load %arg13[%get3A_1598, %get3A_1599] {strides = array<i32>} : memref<80x128xf32, #tpu.memory_space<vmem>>, vector<1x16xf32>,
          %get3A_1601 = vector.shape_cast %get3A_1600 : vector<1x16xf32> to vector<16xf32>
          %mul3A_1602 = vector.broadcast %squeeze3A_1516 : f32 to vector<16xf32>
          %mul3A_1603 = arith.mulf %get3A_1601, %mul3A_1602 : vector<16xf32>
          %swap3A_1604 = arith.index_cast %add3A_1520 : i32 to index
          %swap3A_1605 = arith.constant 112 : index
          %swap3A_1606 = tpu.vector_load %arg13[%swap3A_1604, %swap3A_1605] {strides = array<i32>} : memref<80x128xf32, #tpu.memory_space<vmem>>, vector<1x16xf32>,
          %swap3A_1607 = vector.shape_cast %swap3A_1606 : vector<1x16xf32> to vector<16xf32>
          %swap3A_1608 = vector.shape_cast %mul3A_1603 : vector<16xf32> to vector<1x16xf32>
          tpu.vector_store %arg13[%swap3A_1604, %swap3A_1605], %swap3A_1608 {strides = array<i32>} : memref<80x128xf32, #tpu.memory_space<vmem>>, vector<1x16xf32>,
        }
        %scan3A_95 = arith.constant 5 : i32
        %mul3A_96 = arith.constant 80 : i32
        %mul3A_97 = arith.muli %scan3A_35, %mul3A_96 : i32
        %dma_start3A_98 = tpu.memref_slice %arg11[%mul3A_97] : memref<10000xi32, #tpu.memory_space<vmem>> -> memref<80xi32, #tpu.memory_space<vmem>>
        %dma_start3A_99 = arith.constant 0 : i32
        %dma_start3A_100 = arith.constant 0 : i32
        %dma_start3A_101 = tpu.memref_slice %arg14[%dma_start3A_99, %dma_start3A_100] : memref<10000x128xf32, #tpu.memory_space<vmem_shared>> -> memref<10000x128xf32, #tpu.memory_space<vmem_shared>>
        tpu.enqueue_indirect_dma source(%arg13 : memref<80x128xf32, #tpu.memory_space<vmem>>) target(%dma_start3A_101 : memref<10000x128xf32, #tpu.memory_space<vmem_shared>>) offsets(%dma_start3A_98 : memref<80xi32, #tpu.memory_space<vmem>>) semaphore(%arg18 : memref<!tpu.dma_semaphore, #tpu.memory_space<semaphore_mem>>) {add = true}
      } else {
      }
    }
    %scan3A_19 = arith.constant 125 : i32
    %dma_wait3A = arith.constant 9920 : i32
    %dma_wait3A_20 = tpu.memref_slice %arg11[%dma_wait3A] : memref<10000xi32, #tpu.memory_space<vmem>> -> memref<80xi32, #tpu.memory_space<vmem>>
    %dma_wait3A_21 = arith.constant 0 : i32
    %dma_wait3A_22 = arith.constant 0 : i32
    %dma_wait3A_23 = tpu.memref_slice %arg14[%dma_wait3A_21, %dma_wait3A_22] : memref<10000x128xf32, #tpu.memory_space<vmem_shared>> -> memref<10000x128xf32, #tpu.memory_space<vmem_shared>>
    tpu.wait_indirect_dma semaphore(%arg17 : memref<!tpu.dma_semaphore, #tpu.memory_space<semaphore_mem>>) src(%arg12 : memref<80x128xf32, #tpu.memory_space<vmem>>) dst(%dma_wait3A_23 : memref<10000x128xf32, #tpu.memory_space<vmem_shared>>)
    %barrier3A_24 = arith.constant 0 : index
    tpu.barrier barrier_id(%barrier3A_24)
    %eq3A_25 = arith.constant 0 : i32
    %eq3A_26 = arith.cmpi eq, %arg0, %eq3A_25 : i32
    %convert_element_type3A_27 = arith.extui %eq3A_26 : i1 to i32
    %cond3A_28 = arith.constant 0 : i32
    %cond3A_29 = arith.cmpi ne, %convert_element_type3A_27, %cond3A_28 : i32
    scf.if %cond3A_29 {
      %eq3A_35 = arith.constant 15 : i32
      %eq3A_36 = arith.cmpi eq, %arg1, %eq3A_35 : i32
      %convert_element_type3A_37 = arith.extui %eq3A_36 : i1 to i32
      %cond3A_38 = arith.constant 0 : i32
      %cond3A_39 = arith.cmpi ne, %convert_element_type3A_37, %cond3A_38 : i32
      scf.if %cond3A_39 {
        "tpu.region"() ({
          %run_scoped3A = tpu.sem_alloc : memref<!tpu.dma_semaphore, #tpu.memory_space<semaphore_mem>>
          %dma_start3A_45 = arith.constant 0 : i32
          %dma_start3A_46 = tpu.memref_slice %arg7[%mul3A_4, %dma_start3A_45] : memref<10000x128xf32, #tpu.memory_space<hbm>> -> memref<640x128xf32, #tpu.memory_space<hbm>>
          %dma_start3A_47 = arith.constant 0 : i32
          %dma_start3A_48 = tpu.memref_slice %arg14[%mul3A_4, %dma_start3A_47] : memref<10000x128xf32, #tpu.memory_space<vmem_shared>> -> memref<640x128xf32, #tpu.memory_space<vmem_shared>>
          tpu.enqueue_dma source(%dma_start3A_48 : memref<640x128xf32, #tpu.memory_space<vmem_shared>>) target(%dma_start3A_46 : memref<640x128xf32, #tpu.memory_space<hbm>>) target_semaphore(%run_scoped3A : memref<!tpu.dma_semaphore, #tpu.memory_space<semaphore_mem>>)
          %dma_wait3A_49 = arith.constant 0 : i32
          %dma_wait3A_50 = tpu.memref_slice %arg7[%mul3A_4, %dma_wait3A_49] : memref<10000x128xf32, #tpu.memory_space<hbm>> -> memref<640x128xf32, #tpu.memory_space<hbm>>
          %dma_wait3A_51 = arith.constant 0 : i32
          %dma_wait3A_52 = tpu.memref_slice %arg14[%mul3A_4, %dma_wait3A_51] : memref<10000x128xf32, #tpu.memory_space<vmem_shared>> -> memref<640x128xf32, #tpu.memory_space<vmem_shared>>
          tpu.wait_dma2 semaphore(%run_scoped3A : memref<!tpu.dma_semaphore, #tpu.memory_space<semaphore_mem>>) src(%dma_wait3A_52 : memref<640x128xf32, #tpu.memory_space<vmem_shared>>) dst(%dma_wait3A_50 : memref<640x128xf32, #tpu.memory_space<hbm>>)
          tpu.yield
        }) : () -> ()
      } else {
      }
      %ne3A_40 = arith.constant 15 : i32
      %ne3A_41 = arith.cmpi ne, %arg1, %ne3A_40 : i32
      %convert_element_type3A_42 = arith.extui %ne3A_41 : i1 to i32
      %cond3A_43 = arith.constant 0 : i32
      %cond3A_44 = arith.cmpi ne, %convert_element_type3A_42, %cond3A_43 : i32
      scf.if %cond3A_44 {
        "tpu.region"() ({
          %run_scoped3A = tpu.sem_alloc : memref<!tpu.dma_semaphore, #tpu.memory_space<semaphore_mem>>
          %dma_start3A_45 = arith.constant 0 : i32
          %dma_start3A_46 = tpu.memref_slice %arg7[%mul3A_4, %dma_start3A_45] : memref<10000x128xf32, #tpu.memory_space<hbm>> -> memref<624x128xf32, #tpu.memory_space<hbm>>
          %dma_start3A_47 = arith.constant 0 : i32
          %dma_start3A_48 = tpu.memref_slice %arg14[%mul3A_4, %dma_start3A_47] : memref<10000x128xf32, #tpu.memory_space<vmem_shared>> -> memref<624x128xf32, #tpu.memory_space<vmem_shared>>
          tpu.enqueue_dma source(%dma_start3A_48 : memref<624x128xf32, #tpu.memory_space<vmem_shared>>) target(%dma_start3A_46 : memref<624x128xf32, #tpu.memory_space<hbm>>) target_semaphore(%run_scoped3A : memref<!tpu.dma_semaphore, #tpu.memory_space<semaphore_mem>>)
          %dma_wait3A_49 = arith.constant 0 : i32
          %dma_wait3A_50 = tpu.memref_slice %arg7[%mul3A_4, %dma_wait3A_49] : memref<10000x128xf32, #tpu.memory_space<hbm>> -> memref<624x128xf32, #tpu.memory_space<hbm>>
          %dma_wait3A_51 = arith.constant 0 : i32
          %dma_wait3A_52 = tpu.memref_slice %arg14[%mul3A_4, %dma_wait3A_51] : memref<10000x128xf32, #tpu.memory_space<vmem_shared>> -> memref<624x128xf32, #tpu.memory_space<vmem_shared>>
          tpu.wait_dma2 semaphore(%run_scoped3A : memref<!tpu.dma_semaphore, #tpu.memory_space<semaphore_mem>>) src(%dma_wait3A_52 : memref<624x128xf32, #tpu.memory_space<vmem_shared>>) dst(%dma_wait3A_50 : memref<624x128xf32, #tpu.memory_space<hbm>>)
          tpu.yield
        }) : () -> ()
      } else {
      }
    } else {
    }
    %ne3A_30 = arith.constant 0 : i32
    %ne3A_31 = arith.cmpi ne, %arg0, %ne3A_30 : i32
    %convert_element_type3A_32 = arith.extui %ne3A_31 : i1 to i32
    %cond3A_33 = arith.constant 0 : i32
    %cond3A_34 = arith.cmpi ne, %convert_element_type3A_32, %cond3A_33 : i32
    scf.if %cond3A_34 {
      %eq3A_35 = arith.constant 15 : i32
      %eq3A_36 = arith.cmpi eq, %arg1, %eq3A_35 : i32
      %convert_element_type3A_37 = arith.extui %eq3A_36 : i1 to i32
      %cond3A_38 = arith.constant 0 : i32
      %cond3A_39 = arith.cmpi ne, %convert_element_type3A_37, %cond3A_38 : i32
      scf.if %cond3A_39 {
        "tpu.region"() ({
          %run_scoped3A = tpu.sem_alloc : memref<!tpu.dma_semaphore, #tpu.memory_space<semaphore_mem>>
          %dma_start3A_45 = arith.constant 0 : i32
          %dma_start3A_46 = tpu.memref_slice %arg8[%mul3A_4, %dma_start3A_45] : memref<10000x128xf32, #tpu.memory_space<hbm>> -> memref<640x128xf32, #tpu.memory_space<hbm>>
          %dma_start3A_47 = arith.constant 0 : i32
          %dma_start3A_48 = tpu.memref_slice %arg14[%mul3A_4, %dma_start3A_47] : memref<10000x128xf32, #tpu.memory_space<vmem_shared>> -> memref<640x128xf32, #tpu.memory_space<vmem_shared>>
          tpu.enqueue_dma source(%dma_start3A_48 : memref<640x128xf32, #tpu.memory_space<vmem_shared>>) target(%dma_start3A_46 : memref<640x128xf32, #tpu.memory_space<hbm>>) target_semaphore(%run_scoped3A : memref<!tpu.dma_semaphore, #tpu.memory_space<semaphore_mem>>)
          %dma_wait3A_49 = arith.constant 0 : i32
          %dma_wait3A_50 = tpu.memref_slice %arg8[%mul3A_4, %dma_wait3A_49] : memref<10000x128xf32, #tpu.memory_space<hbm>> -> memref<640x128xf32, #tpu.memory_space<hbm>>
          %dma_wait3A_51 = arith.constant 0 : i32
          %dma_wait3A_52 = tpu.memref_slice %arg14[%mul3A_4, %dma_wait3A_51] : memref<10000x128xf32, #tpu.memory_space<vmem_shared>> -> memref<640x128xf32, #tpu.memory_space<vmem_shared>>
          tpu.wait_dma2 semaphore(%run_scoped3A : memref<!tpu.dma_semaphore, #tpu.memory_space<semaphore_mem>>) src(%dma_wait3A_52 : memref<640x128xf32, #tpu.memory_space<vmem_shared>>) dst(%dma_wait3A_50 : memref<640x128xf32, #tpu.memory_space<hbm>>)
          tpu.yield
        }) : () -> ()
      } else {
      }
      %ne3A_40 = arith.constant 15 : i32
      %ne3A_41 = arith.cmpi ne, %arg1, %ne3A_40 : i32
      %convert_element_type3A_42 = arith.extui %ne3A_41 : i1 to i32
      %cond3A_43 = arith.constant 0 : i32
      %cond3A_44 = arith.cmpi ne, %convert_element_type3A_42, %cond3A_43 : i32
      scf.if %cond3A_44 {
        "tpu.region"() ({
          %run_scoped3A = tpu.sem_alloc : memref<!tpu.dma_semaphore, #tpu.memory_space<semaphore_mem>>
          %dma_start3A_45 = arith.constant 0 : i32
          %dma_start3A_46 = tpu.memref_slice %arg8[%mul3A_4, %dma_start3A_45] : memref<10000x128xf32, #tpu.memory_space<hbm>> -> memref<624x128xf32, #tpu.memory_space<hbm>>
          %dma_start3A_47 = arith.constant 0 : i32
          %dma_start3A_48 = tpu.memref_slice %arg14[%mul3A_4, %dma_start3A_47] : memref<10000x128xf32, #tpu.memory_space<vmem_shared>> -> memref<624x128xf32, #tpu.memory_space<vmem_shared>>
          tpu.enqueue_dma source(%dma_start3A_48 : memref<624x128xf32, #tpu.memory_space<vmem_shared>>) target(%dma_start3A_46 : memref<624x128xf32, #tpu.memory_space<hbm>>) target_semaphore(%run_scoped3A : memref<!tpu.dma_semaphore, #tpu.memory_space<semaphore_mem>>)
          %dma_wait3A_49 = arith.constant 0 : i32
          %dma_wait3A_50 = tpu.memref_slice %arg8[%mul3A_4, %dma_wait3A_49] : memref<10000x128xf32, #tpu.memory_space<hbm>> -> memref<624x128xf32, #tpu.memory_space<hbm>>
          %dma_wait3A_51 = arith.constant 0 : i32
          %dma_wait3A_52 = tpu.memref_slice %arg14[%mul3A_4, %dma_wait3A_51] : memref<10000x128xf32, #tpu.memory_space<vmem_shared>> -> memref<624x128xf32, #tpu.memory_space<vmem_shared>>
          tpu.wait_dma2 semaphore(%run_scoped3A : memref<!tpu.dma_semaphore, #tpu.memory_space<semaphore_mem>>) src(%dma_wait3A_52 : memref<624x128xf32, #tpu.memory_space<vmem_shared>>) dst(%dma_wait3A_50 : memref<624x128xf32, #tpu.memory_space<hbm>>)
          tpu.yield
        }) : () -> ()
      } else {
      }
    } else {
    }
    return
  }
}

module attributes {stable_mosaic.version = 14 : i64} {
  func.func @mm_body(%arg0: i32, %arg1: memref<2000x128xf32, #tpu.memory_space<vmem>>, %arg2: memref<2000x128xf32, #tpu.memory_space<vmem>>, %arg3: memref<128x128xf32, #tpu.memory_space<vmem>>, %arg4: memref<1x128xf32, #tpu.memory_space<vmem>>, %arg5: memref<2000x128xf32, #tpu.memory_space<vmem>>) attributes {dimension_semantics = [#tpu.dimension_semantics<arbitrary>], iteration_bounds = array<i64: 5>, scalar_prefetch = 0 : i64, scratch_operands = 0 : i64, tpu.core_type = #tpu.core_type<tc>, window_params = [{transform_indices = @transform_0, window_bounds = array<i64: 2000, 128>}, {transform_indices = @transform_1, window_bounds = array<i64: 2000, 128>}, {pipeline_mode = #tpu.pipeline_mode<synchronous>, transform_indices = @transform_2, window_bounds = array<i64: 128, 128>}, {pipeline_mode = #tpu.pipeline_mode<synchronous>, transform_indices = @transform_3, window_bounds = array<i64: 1, 128>}, {transform_indices = @transform_4, window_bounds = array<i64: 2000, 128>}]} {
    %get3A = arith.constant 0 : index
    %get3A_0 = arith.constant 0 : index
    %get3A_1 = vector.load %arg1[%get3A, %get3A_0] : memref<2000x128xf32, #tpu.memory_space<vmem>>, vector<2000x128xf32>
    %get3A_2 = arith.constant 0 : index
    %get3A_3 = arith.constant 0 : index
    %get3A_4 = vector.load %arg2[%get3A_2, %get3A_3] : memref<2000x128xf32, #tpu.memory_space<vmem>>, vector<2000x128xf32>
    %add3A = arith.addf %get3A_1, %get3A_4 : vector<2000x128xf32>
    %get3A_5 = arith.constant 0 : index
    %get3A_6 = arith.constant 0 : index
    %get3A_7 = vector.load %arg3[%get3A_5, %get3A_6] : memref<128x128xf32, #tpu.memory_space<vmem>>, vector<128x128xf32>
    %dot_general3A = arith.constant dense<0.000000e+00> : vector<2000x128xf32>
    %dot_general3A_8 = tpu.matmul %add3A, %get3A_7, %dot_general3A {dimension_numbers = #tpu.dot_dimension_numbers<[1], [0], [0], [1], [0, 0, 1, 1], [], []>, transpose_lhs_hint = false} : vector<2000x128xf32>, vector<128x128xf32>, vector<2000x128xf32> -> vector<2000x128xf32>
    %get3A_9 = arith.constant 0 : index
    %get3A_10 = arith.constant 0 : index
    %get3A_11 = vector.load %arg4[%get3A_9, %get3A_10] : memref<1x128xf32, #tpu.memory_space<vmem>>, vector<1x128xf32>
    %add3A_12 = vector.broadcast %get3A_11 : vector<1x128xf32> to vector<2000x128xf32>
    %add3A_13 = arith.addf %dot_general3A_8, %add3A_12 : vector<2000x128xf32>
    %swap3A = arith.constant 0 : index
    %swap3A_14 = arith.constant 0 : index
    %swap3A_15 = vector.load %arg5[%swap3A, %swap3A_14] : memref<2000x128xf32, #tpu.memory_space<vmem>>, vector<2000x128xf32>
    tpu.vector_store %arg5[%swap3A, %swap3A_14], %add3A_13 {strides = array<i32>} : memref<2000x128xf32, #tpu.memory_space<vmem>>, vector<2000x128xf32>,
    return
  }
  func.func @transform_0(%arg0: i32) -> (i32, i32) {
    %c0_i32 = arith.constant 0 : i32
    %c0_i32_0 = arith.constant 0 : i32
    return %arg0, %c0_i32 : i32, i32
  }
  func.func @transform_1(%arg0: i32) -> (i32, i32) {
    %c0_i32 = arith.constant 0 : i32
    %c0_i32_0 = arith.constant 0 : i32
    return %arg0, %c0_i32 : i32, i32
  }
  func.func @transform_2(%arg0: i32) -> (i32, i32) {
    %c0_i32 = arith.constant 0 : i32
    %c0_i32_0 = arith.constant 0 : i32
    %c0_i32_1 = arith.constant 0 : i32
    return %c0_i32, %c0_i32_0 : i32, i32
  }
  func.func @transform_3(%arg0: i32) -> (i32, i32) {
    %c0_i32 = arith.constant 0 : i32
    %c0_i32_0 = arith.constant 0 : i32
    %c0_i32_1 = arith.constant 0 : i32
    return %c0_i32, %c0_i32_0 : i32, i32
  }
  func.func @transform_4(%arg0: i32) -> (i32, i32) {
    %c0_i32 = arith.constant 0 : i32
    %c0_i32_0 = arith.constant 0 : i32
    return %arg0, %c0_i32 : i32, i32
  }
}

</mosaic_0001>

<sc_bundles>
// kernel: sage_agg_v3r.3.cloned.1.call-start
scs
__scs_entry_jumppad:
0x0: {  	(pc) =	sbr.rel $0x88, $3  }
0x1: {  	(tag) =	ssettag $0x0;
	lr =	simm.s32 $0x1  }
0x2: {  	[smem:$0x3F9C] =	sst lr;
	_ =	strace $0xD0000000  }
0x3: {  	_ = 	snop  }
0x4: {  	_ = 	snop  }
0x5: {  	_ = 	snop  }
0x6: {  	_ = 	snop  }
0x7: {  	_ = 	snop  }
__scs_overlays_trampoline_lowered:
0x8: {  	[smem:$0x3FAB] =	sst s0  }
0x9: {  	[smem:$0x3FAC] =	sst s1  }
0xa: {  	[smem:$0x3FAD] =	sst s2  }
0xb: {  	[smem:$0x3FAE] =	sst s3  }
0xc: {  	[smem:$0x3FAF] =	sst s4  }
0xd: {  	[smem:$0x3FB0] =	sst s5  }
0xe: {  	[smem:$0x3FB1] =	sst s6  }
0xf: {  	[smem:$0x3FB2] =	sst s7  }
0x10: {  	[smem:$0x3FB3] =	sst s8  }
0x11: {  	[smem:$0x3FB4] =	sst s9;
	s0 =	simm.s32 @!p0 $0x0  }
0x12: {  	s1 =	sld [smem:$0x3F9A];
	s0 =	simm.s32 @p0 $0x1  }
0x13: {  	[smem:$0x3FB5] =	sst s0;
	s0 =	simm.s32 @!p1 $0x0  }
0x14: {  	s2 =	sld [smem:$0x3F99];
	s0 =	simm.s32 @p1 $0x1  }
0x15: {  	[smem:$0x3FB6] =	sst s0;
	s0 =	simm.s32 @!p2 $0x0  }
0x16: {  	s3 =	sld [smem:$0x3FDB];
	s0 =	simm.s32 @p2 $0x1  }
0x17: {  	s4 =	simm.s32 $0x1BF5;
	[smem:$0x3FB8] =	sst s0  }
0x18: {  	s0 =	sld [smem:$0x3F9B];
	_ =	swait.ge [sflag:s4], $0x0  }
0x19: {  	s7 =	sld [smem:$0x3F9C]  }
0x1a: {  	s8 =	sadd.s32 $0xFFFFE003, lr  }
0x1b: {  	s9 =	sadd.s32 $0xFFFFFEF7, lr;
	s5 =	simm.s32 $0xFFFFFFFF;
	p2 =	slt.u32 s8, $0xFFFFF086  }
0x1c: {  	p1 =	slt.u32 s9, $0xF7A;
	s5 =	simm.s32 @!p2 $0x0  }
0x1d: {  	s5 =	simm.s32 @p1 $0x1;
	p0 =	seq.s32 s7, s2  }
0x1e: {  	s7 =	smul.u32 @!p0 $0xF7A, s2;
	p2 =	seq.s32 @!p0 s5, $0x0  }
0x1f: {  	s9 =	smul.u32 $0xF7A, s1;
	s8 =	simm.s32 @!p0 $0x1BF5;
	p2 =	por !p2, p0  }
0x20: {  	[sflag:s8] =	ssyncset.s32 @!p0 $0xFFFFF086;
	s6 =	sadd.s32 @!p0 s3, s7;
	s7 =	simm.s32 @!p0 $0x108  }
0x21: {  	s3 =	sadd.s32 s3, s9;
	s6 =	sadd.s32 @!p0 $0x88, s6;
	s7 =	simm.s32 @p2 $0x1082  }
0x22: {  	[simem:s7], [sflag:s8] =	dma.local @!p0 [hbm:s6], $0xF7A  }
0x23: {  	s9 =	sor.u32 $0xD0000000, s2;
	s6 =	simm.s32 $0x108;
	_ =	swait.ge @!p0 [sflag:s8], $0x0  }
0x24: {  	s3 =	sadd.s32 $0x88, s3;
	s6 =	simm.s32 @!p1 $0x1082;
	[sflag:s4] =	ssyncset.s32 $0xFFFFF086  }
0x25: {  	[simem:s6], [sflag:s4] =	dma.local [hbm:s3], $0xF7A  }
0x26: {  	[smem:$0x3F9C] =	sst s1;
	(tag) =	ssettag s2;
	_ =	strace s9  }
0x27: {  	s1 =	sld [smem:$0x3FAC]  }
0x28: {  	s2 =	sld [smem:$0x3FAD]  }
0x29: {  	s4 =	sld [smem:$0x3FAF]  }
0x2a: {  	p0 =	seq.s32 s5, $0x0;
	s5 =	sld [smem:$0x3FB0]  }
0x2b: {  	s6 =	sld [smem:$0x3FB1]  }
0x2c: {  	s7 =	sld [smem:$0x3FB2]  }
0x2d: {  	s3 =	simm.s32 $0x108;
	s8 =	sld [smem:$0x3FB3]  }
0x2e: {  	s3 =	simm.s32 @!p0 $0x1082;
	s9 =	sld [smem:$0x3FB4]  }
0x2f: {  	lr =	sadd.s32 s0, s3;
	s0 =	sld [smem:$0x3FAB]  }
0x30: {  	s3 =	sld [smem:$0x3FAE]  }
0x31: {  	[smem:$0x3FB7] =	sst s10  }
0x32: {  	s10 =	sld [smem:$0x3FB5];
	_ =	sdelay $0x3  }
0x33: {  	p0 =	seq.s32 s10, $0x1;
	s10 =	sld [smem:$0x3FB7];
	_ =	sdelay $0x3  }
0x34: {  	[smem:$0x3FB7] =	sst s10  }
0x35: {  	s10 =	sld [smem:$0x3FB6];
	_ =	sdelay $0x3  }
0x36: {  	p1 =	seq.s32 s10, $0x1;
	s10 =	sld [smem:$0x3FB7];
	_ =	sdelay $0x3  }
0x37: {  	[smem:$0x3FB7] =	sst s10  }
0x38: {  	s10 =	sld [smem:$0x3FB8]  }
0x39: {  	_ = 	snop;
	(pc) =	sbr.ind lr, $3  }
0x3a: {  	_ = 	snop  }
0x3b: {  	_ = 	snop  }
0x3c: {  	p2 =	seq.s32 s10, $0x1;
	s10 =	sld [smem:$0x3FB7]  }
0x3d: {  	_ =	shalt  }
0x3e: {  	_ =	shalt  }
0x3f: {  	_ =	shalt  }
0x40: {  	_ =	shalt  }
0x41: {  	_ =	shalt  }
0x42: {  	_ =	shalt  }
0x43: {  	_ =	shalt  }
0x44: {  	_ =	shalt  }
0x45: {  	_ =	shalt  }
0x46: {  	_ =	shalt  }
0x47: {  	_ =	shalt  }
0x48: {  	_ =	shalt  }
0x49: {  	_ =	shalt  }
0x4a: {  	_ =	shalt  }
0x4b: {  	_ =	shalt  }
0x4c: {  	_ =	shalt  }
0x4d: {  	_ =	shalt  }
0x4e: {  	_ =	shalt  }
0x4f: {  	_ =	shalt  }
0x50: {  	_ =	shalt  }
0x51: {  	_ =	shalt  }
0x52: {  	_ =	shalt  }
0x53: {  	_ =	shalt  }
0x54: {  	_ =	shalt  }
0x55: {  	_ =	shalt  }
0x56: {  	_ =	shalt  }
0x57: {  	_ =	shalt  }
0x58: {  	_ =	shalt  }
0x59: {  	_ =	shalt  }
0x5a: {  	_ =	shalt  }
0x5b: {  	_ =	shalt  }
0x5c: {  	_ =	shalt  }
0x5d: {  	_ =	shalt  }
0x5e: {  	_ =	shalt  }
0x5f: {  	_ =	shalt  }
0x60: {  	_ =	shalt  }
0x61: {  	_ =	shalt  }
0x62: {  	_ =	shalt  }
0x63: {  	_ =	shalt  }
0x64: {  	_ =	shalt  }
0x65: {  	_ =	shalt  }
0x66: {  	_ =	shalt  }
0x67: {  	_ =	shalt  }
0x68: {  	_ =	shalt  }
0x69: {  	_ =	shalt  }
0x6a: {  	_ =	shalt  }
0x6b: {  	_ =	shalt  }
0x6c: {  	_ =	shalt  }
0x6d: {  	_ =	shalt  }
0x6e: {  	_ =	shalt  }
0x6f: {  	_ =	shalt  }
0x70: {  	_ =	shalt  }
0x71: {  	_ =	shalt  }
0x72: {  	_ =	shalt  }
0x73: {  	_ =	shalt  }
0x74: {  	_ =	shalt  }
0x75: {  	_ =	shalt  }
0x76: {  	_ =	shalt  }
0x77: {  	_ =	shalt  }
0x78: {  	_ =	shalt  }
0x79: {  	_ =	shalt  }
0x7a: {  	_ =	shalt  }
0x7b: {  	_ =	shalt  }
0x7c: {  	_ =	shalt  }
0x7d: {  	_ =	shalt  }
0x7e: {  	_ =	shalt  }
0x7f: {  	_ =	shalt  }
0x80: {  	_ =	shalt  }
0x81: {  	_ =	shalt  }
0x82: {  	_ =	shalt  }
0x83: {  	_ =	shalt  }
0x84: {  	_ =	shalt  }
0x85: {  	_ =	shalt  }
0x86: {  	_ =	shalt  }
0x87: {  	_ =	shalt  }
.Lfunc_end0:
.L_simem_size_0:
called_computation_lowered:
.L_overlay_start_0:
0x88: {  	s2 =	sld [smem:$0x3FD9]  }
0x89: {  	s3 =	sld [smem:$0x3FFE];
	_ =	sdelay $0x1  }
0x8a: {  	s1 =	srdreg.scid  }
0x8b: {  	s0 =	sand.u32 $0x1, s1  }
0x8c: {  	s17 =	sshll.u32 s0, $0xA;
	s2 =	sadd.s32 s3, s2  }
0x8d: {  	s2 =	sadd.s32 s2, s17  }
0x8e: {  	[smem:$0x3FC3] =	sst s2  }
0x8f: {  	_ = 	snop  }
0x90: {  	s2 =	sld [smem:$0x3FC9]  }
0x91: {  	s18 =	sld [smem:$0x3FC7]  }
0x92: {  	s4 =	sld [smem:$0x3FD0];
	(tm) =	ssettm $0x1  }
0x93: {  	s5 =	sld [smem:$0x3FFB];
	_ =	sdelay $0x3  }
0x94: {  	_ =	strace s5  }
0x95: {  	s5 =	sld [smem:$0x3FFC];
	_ =	sdelay $0x3  }
0x96: {  	_ =	strace s5  }
0x97: {  	s5 =	sld [smem:$0x3FFD];
	_ =	sdelay $0x3  }
0x98: {  	_ =	strace s5  }
0x99: {  	_ =	strace $0x8FFFFFFF  }
0x9a: {  	s19 =	sld [smem:$0x3FDB];
	_ =	sdelay $0x1  }
0x9b: {  	s6 =	simm.s32 $_scs_section_size  }
0x9c: {  	s7 =	simm.s32 $_size__tile_overlayer_lowered;
	s8 =	simm.s32 $_tile_overlayer_lowered  }
0x9d: {  	s22 =	simm.s32 $0x1BFF;
	s21 =	sshll.u32 s8, $0x1;
	s5 =	sadd.s32 s6, s19  }
0x9e: {  	s9 =	simm.s32 $0x0;
	s20 =	sshll.u32 s7, $0x1;
	s7 =	sadd.s32 s21, s5  }
0x9f: {  	[timem:s9], [sflag:s22] =	dma.local [hbm:s7], s20  }
0xa0: {  	_ =	swait.ge [sflag:s22], s20  }
0xa1: {  	s6 =	ssub.s32 $0x0, s20;
	[sflag:s22] =	ssyncset.done $0x0  }
0xa2: {  	[sflag:s22] =	ssyncadd.s32 s6;
	_ =	sdelay $0x1  }
0xa3: {  	s23 =	simm.s32 $0x1B8B  }
0xa4: {  	_ =	swait.ge [sflag:s23], $0x1  }
0xa5: {  	[sflag:s23] =	ssyncset.done $0x0  }
0xa6: {  	s25 =	simm.s32 $0x1B8E;
	s24 =	sld [smem:$0x3FFE];
	[sflag:s23] =	ssyncadd.s32 $0xFFFFFFFF  }
0xa7: {  	s26 =	simm.s32 $execute0_lowered;
	[smem:$0x3FD2] =	sst s25  }
0xa8: {  	s7 =	sshll.u32 s26, $0x1;
	_ =	strace $0x80000046;
	[dreg:$0x1] =	wrdreg $0xFFFFFFFF  }
0xa9: {  	s28 =	simm.s32 $_size_execute0_lowered;
	s5 =	sadd.s32 s5, s7;
	[dreg:$0x0] =	wrdreg $0x0  }
0xaa: {  	s7 =	sshll.u32 s28, $0x1;
	[dreg:$0x2] =	wrdreg s5  }
0xab: {  	[dreg:$0x3] =	wrdreg s7  }
0xac: {  	[dreg:$0x4] =	wrdreg $0xC0  }
0xad: {  	_ =	task [dreg:s9], $0x5FFFF  }
0xae: {  	[dreg:$0x1] =	wrdreg $0xFFFFFFFF  }
0xaf: {  	[dreg:$0x0] =	wrdreg $0x60  }
0xb0: {  	[dreg:$0x2] =	wrdreg s2  }
0xb1: {  	[dreg:$0x3] =	wrdreg s24  }
0xb2: {  	[dreg:$0x4] =	wrdreg s18  }
0xb3: {  	[dreg:$0x5] =	wrdreg s4  }
0xb4: {  	[dreg:$0x6] =	wrdreg $0xC6800  }
0xb5: {  	[dreg:$0x7] =	wrdreg $0x9  }
0xb6: {  	_ =	task.clear_ibuf [dreg:s9], $0x8FFFF;
	_ =	strace $0x90000046  }
0xb7: {  	s29 =	simm.s32 $0x9;
	_ =	strace $0x80000048  }
0xb8: {  	_ =	swait.ge [sflag:s29], $0x1  }
0xb9: {  	[sflag:s29] =	ssyncadd.s32 $0xFFFFFFFF  }
0xba: {  	_ =	strace $0x90000048  }
0xbb: {  	_ =	sfence  }
0xbc: {  	s30 =	sld [smem:$0x0];
	_ =	sdelay $0x2  }
0xbd: {  	s31 =	sshll.u32 s1, $0xD;
	s1 =	sshrl.u32 s1, $0x2  }
0xbe: {  	s3 =	sand.u32 $0x4000, s31;
	s1 =	sadd.s32 s1, s30  }
0xbf: {  	s0 =	sor.u32 s3, s0;
	s1 =	sshll.u32 s1, $0x11  }
0xc0: {  	s0 =	sor.u32 s1, s0  }
0xc1: {  	s0 =	sadd.s32 $0x8F2B, s0  }
0xc2: {  	[sflag:s0] =	ssyncadd.remote.s32 $0x1  }
0xc3: {  	_ =	sfence.sel $0xFFFF  }
0xc4: {  	[dreg:$0x0] =	wrdreg $0xFFFFFFFF;
	(pc) =	sbr.abs _section_cstart, $3  }
0xc5: {  	[dreg:$0x1] =	wrdreg $0xFFFFFFFF  }
0xc6: {  	_ =	task.clear_ibuf [dreg:s9], $0x2FFFF;
	_ =	strace $0x9FFFFFFF  }
0xc7: {  	(tm) =	ssettm $0x7FFFFFFF  }
tec
execute0_lowered:
.L_overlay_start_1:
0x0: {  	(tag) =	ssettag $0x1  }
0x1: {  	s0 =	rddreg [dreg:$0x0]  }
0x2: {  	s2 =	rddreg [dreg:$0x1]  }
0x3: {  	s10 =	rddreg [dreg:$0x2]  }
0x4: {  	s14 =	rddreg [dreg:$0x3]  }
0x5: {  	s1 =	srdreg.scid;
	s3 =	rddreg [dreg:$0x4];
	s19 =	simm.s32 $0x5  }
0x6: {  	s22 =	simm.s32 $0x50;
	s23 =	simm.s32 $0x7680;
	s24 =	simm.s32 $0x3  }
0x7: {  	s25 =	simm.s32 $0x2;
	s20 =	sand.u32 $0x1, s1;
	s1 =	stileid.u32  }
0x8: {  	s26 =	simm.s32 $0x9E80;
	s28 =	simm.s32 $0x1;
	s13 =	smul.u32 $0x2700, s1  }
0x9: {  	s29 =	simm.s32 $0x0;
	s4 =	sshll.u32 s20, $0x4;
	s6 =	smul.u32 $0x4E000, s1  }
0xa: {  	s7 =	ssub.s32 $0x2, s20;
	p0 =	sne.s32 s1, $0xF;
	p4 =	sne.s32 s20, $0x0  }
0xb: {  	s5 =	sor.u32 s1, s4;
	s4 =	simm.s32 $0x0;
	s8 =	sshrl.u32 s7, $0x1  }
0xc: {  	p2 =	sne.s32 @p4 s1, $0xF;
	p5 =	sne.s32 @!p4 s1, $0xF;
	s11 =	smul.u32 $0x4E2, s5  }
0xd: {  	[smem:$0x7FF] =	sst s4;
	s5 =	sadd.s32 $0x14400, s2;
	s12 =	sadd.s32 s13, s2  }
0xe: {  	s6 =	sshrl.u32 s6, $0x2;
	s15 =	ssub.s32 s7, s8;
	s7 =	sadd.s32 $0x124800, s3  }
0xf: {  	s13 =	sadd.s32 s14, s13;
	s14 =	sadd.s32 $0x24900, s14;
	p1 =	por !p2, !p4  }
0x10: {  	p2 =	por p2, !p4;
	p3 =	por !p5, p4;
	p4 =	por p5, p4  }
.Ltmp0:
0x11: {  	_ =	strace $0x80000047;
	s6 =	sadd.s32 s6, s3;
	(pc) =	sbr.rel .LBB2_1-.Ltmp0, $4  }
0x12: {  	s15 =	smax.u32 s15, $0x1;
	s18 =	sshrl.u32 @!p0 s7, $0x3;
	s9 =	sadd.s32 s11, s2  }
0x13: {  	s10 =	sadd.s32 s10, s11;
	s11 =	sadd.s32 $0x16C00, s12;
	s12 =	sadd.s32 $0x3B500, s2  }
0x14: {  	s2 =	sshll.u32 @p0 s1, $0x6;
	s17 =	sshrl.u32 @p0 s6, $0x3;
	s31 =	sadd.s32 $0xA600, s9  }
0x15: {  	s9 =	sadd.s32 $0x800, s9;
	s16 =	sor.u32 @p0 $0x1C05, s2;
	[dreg:$0x6] =	wrdreg s31  }
.LBB2_10:
0x16: {  	_ =	swait.ge [sflag:s24], $0x2800  }
0x17: {  	[sflag:s24] =	ssyncset.done $0x0  }
0x18: {  	s2 =	sshll.u32 @!p1 s1, $0x6;
	[sflag:s24] =	ssyncadd.s32 $0xFFFFD800  }
0x19: {  	s8 =	sshrl.u32 @!p1 s6, $0x3;
	s2 =	sor.u32 @!p1 $0x1C05, s2;
	[bflag:$0x0] =	sbarrier.arrive $0xFFFF  }
0x1a: {  	[hbm:s11], [sflag:s2] =	dma.local @!p1 [spmem:s8], $0x2700  }
0x1b: {  	s2 =	simm.s32 @!p1 $0x5  }
0x1c: {  	_ =	swait.ge @!p1 [sflag:s2], $0x2700  }
0x1d: {  	[sflag:s2] =	ssyncset.done @!p1 $0x0  }
0x1e: {  	s8 =	simm.s32 @!p2 $0x1FC5;
	[sflag:s2] =	ssyncadd.s32 @!p1 $0xFFFFD900;
	s2 =	sshrl.u32 @!p2 s7, $0x3  }
0x1f: {  	[hbm:s12], [sflag:s8] =	dma.local @!p2 [spmem:s2], $0x2800  }
0x20: {  	s2 =	simm.s32 @!p2 $0x5  }
0x21: {  	_ =	swait.ge @!p2 [sflag:s2], $0x2800  }
0x22: {  	s8 =	sshll.u32 @!p3 s1, $0x6;
	[sflag:s2] =	ssyncset.done @!p2 $0x0  }
0x23: {  	[sflag:s2] =	ssyncadd.s32 @!p2 $0xFFFFD800;
	s2 =	sor.u32 @!p3 $0x1C05, s8;
	s8 =	sshrl.u32 @!p3 s6, $0x3  }
0x24: {  	[hbm:s13], [sflag:s2] =	dma.local @!p3 [spmem:s8], $0x2700  }
0x25: {  	s2 =	simm.s32 @!p3 $0x5  }
0x26: {  	s29 =	sadd.s32 $0x1, s29;
	_ =	swait.ge @!p3 [sflag:s2], $0x2700  }
0x27: {  	p5 =	sne.s32 s29, s15;
	[sflag:s2] =	ssyncset.done @!p3 $0x0  }
0x28: {  	s8 =	simm.s32 @!p4 $0x1FC5;
	[sflag:s2] =	ssyncadd.s32 @!p3 $0xFFFFD900;
	s2 =	sshrl.u32 @!p4 s7, $0x3  }
0x29: {  	[hbm:s14], [sflag:s8] =	dma.local @!p4 [spmem:s2], $0x2800  }
.Ltmp1:
0x2a: {  	_ = 	snop;
	(pc) =	sbr.rel @!p5 .LBB2_11-.Ltmp1, $4  }
0x2b: {  	s2 =	simm.s32 @!p4 $0x5  }
0x2c: {  	_ =	swait.ge @!p4 [sflag:s2], $0x2800  }
0x2d: {  	[sflag:s2] =	ssyncset.done @!p4 $0x0  }
0x2e: {  	[sflag:s2] =	ssyncadd.s32 @!p4 $0xFFFFD800  }
.LBB2_1:
0x2f: {  	[spmem:s17], [sflag:s16] =	dma.local @p0 [hbm:s5], $0x2700  }
0x30: {  	s2 =	simm.s32 @p0 $0x5  }
0x31: {  	_ =	swait.ge @p0 [sflag:s2], $0x2700  }
0x32: {  	[sflag:s2] =	ssyncset.done @p0 $0x0  }
0x33: {  	[sflag:s2] =	ssyncadd.s32 @p0 $0xFFFFD900;
	s2 =	simm.s32 @!p0 $0x1FC5  }
0x34: {  	[spmem:s18], [sflag:s2] =	dma.local @!p0 [hbm:s5], $0x2800  }
0x35: {  	s2 =	simm.s32 @!p0 $0x5  }
0x36: {  	_ =	swait.ge @!p0 [sflag:s2], $0x2800  }
0x37: {  	[sflag:s2] =	ssyncset.done @!p0 $0x0  }
0x38: {  	s20 =	rddreg [dreg:$0x6];
	[sflag:s2] =	ssyncadd.s32 @!p0 $0xFFFFD800  }
0x39: {  	[tilespmem:s4], [sflag:$0x5] =	stream.linear.gather [hbm4b:s20+s4], $0x2710, $0x38;
	[tilespmem:$0x1FF00] =	vst v63  }
0x3a: {  	_ =	swait.ge [sflag:s19], $0x2710  }
0x3b: {  	[sflag:s19] =	ssyncset.done $0x0  }
0x3c: {  	s21 =	simm.s32 $0x4F00;
	[sflag:s19] =	ssyncadd.s32 $0xFFFFD8F0  }
0x3d: {  	[tilespmem:s21], [sflag:$0x5] =	stream.linear.gather [hbm4b:s9+s4], $0x2710, $0x38;
	[tilespmem:$0x1FF00] =	vst v63  }
0x3e: {  	_ =	swait.ge [sflag:s19], $0x2710  }
0x3f: {  	[sflag:s19] =	ssyncset.done $0x0  }
0x40: {  	s31 =	simm.s32 $0x2780;
	[sflag:s19] =	ssyncadd.s32 $0xFFFFD8F0  }
0x41: {  	[tilespmem:s31], [sflag:$0x5] =	stream.linear.gather [hbm4b:s10+s4], $0x2710, $0x38;
	[tilespmem:$0x1FF00] =	vst v63  }
.Ltmp2:
0x42: {  	_ =	swait.ge [sflag:s19], $0x2710;
	(pc) =	sbr.rel .LBB2_2-.Ltmp2, $4  }
0x43: {  	[sflag:s19] =	ssyncset.done $0x0  }
0x44: {  	[sflag:s19] =	ssyncadd.s32 $0xFFFFD8F0  }
0x45: {  	s30 =	simm.s32 $0x0;
	[bflag:$0x0] =	sbarrier.arrive $0xFFFF  }
0x46: {  	[tilespmem:s23], [sflag:$0x1] =	stream.indirect.gather [hbm4b:s0+s22], $0x80, s4, s22, $0xb8;
	[tilespmem:$0x1FF00] =	vst v63  }
.LBB2_9:
0x47: {  	s30 =	sadd.s32 $0x1, s30  }
0x48: {  	p5 =	sne.s32 s30, $0x7D  }
.Ltmp3:
0x49: {  	_ = 	snop;
	(pc) =	sbr.rel @!p5 .LBB2_10-.Ltmp3, $1  }
0x4a: {  	_ =	sdelay $0x3  }
.LBB2_2:
0x4b: {  	s2 =	sand.u32 $0x1, s30  }
0x4c: {  	p5 =	seq.s32 s2, $0x1  }
.Ltmp4:
0x4d: {  	_ = 	snop;
	(pc) =	sbr.rel @p5 .LBB2_6-.Ltmp4, $2  }
0x4e: {  	_ =	sdelay $0x2  }
0x4f: {  	s31 =	smul.u32 $0x50, s30  }
0x50: {  	p5 =	seq.s32 s30, $0x0  }
0x51: {  	s20 =	simm.s32 @!p5 $0x4  }
0x52: {  	p6 =	seq.s32 @!p5 s30, $0x7C;
	_ =	swait.ge @!p5 [sflag:s20], $0x2800  }
0x53: {  	p6 =	por p5, !p6;
	[sflag:s20] =	ssyncset.done @!p5 $0x0  }
0x54: {  	[sflag:s20] =	ssyncadd.s32 @!p5 $0xFFFFD800;
	s20 =	smul.u32 @p6 $0x140, s30;
	_ =	sdelay $0x1  }
0x55: {  	s8 =	sadd.s32 $0x2780, s31;
	s20 =	sshra.s32 @p6 s20, $0x2  }
0x56: {  	v0 =	vmov s8;
	s20 =	sadd.s32 @p6 $0x50, s20  }
0x57: {  	[tilespmem:s26], [sflag:$0x2] =	stream.indirect.gather @p6 [hbm4b:s0+s22], $0x80, s20, s22, $0xb8;
	[tilespmem:$0x1FF00] =	vst v63  }
0x58: {  	_ =	swait.ge [sflag:s28], $0x2800  }
0x59: {  	s21 =	simm.s32 $0x0;
	[sflag:s28] =	ssyncset.done $0x0  }
0x5a: {  	s20 =	sand.u32 $0x3FFFFFF0, s21;
	[sflag:s28] =	ssyncadd.s32 $0xFFFFD800  }
0x5b: {  	s21 =	simm.s32 $0x0;
	v1 =	vld.idx.msk [tilespmem:v0+s20+$0x0 ss:$0x1], $0xffff  }
0x5c: {  	s20 =	sand.u32 $0x3FFFF800, s21  }
0x5d: {  	v3 =	vld [tilespmem:s20+$0x76A0]  }
0x5e: {  	v4 =	vld [tilespmem:s20+$0x76B0]  }
0x5f: {  	v10 =	vld [tilespmem:s20+$0x76E0]  }
0x60: {  	v11 =	vld [tilespmem:s20+$0x76F0];
	v2 =	vbroadcast v1, $0x0  }
0x61: {  	v12 =	vld [tilespmem:s20+$0x7700]  }
0x62: {  	v13 =	vld [tilespmem:s20+$0x7710];
	v3 =	vmul.f32 v3, v2  }
0x63: {  	v14 =	vld [tilespmem:s20+$0x7720];
	v4 =	vmul.f32 v4, v2  }
0x64: {  	v9 =	vld [tilespmem:s20+$0x7730];
	v23 =	vbroadcast v1, $0x1;
	v22 =	vmul.f32 v10, v2;
	[tilespmem:s20+$0x76A0] =	vst v3  }
0x65: {  	v7 =	vld [tilespmem:s20+$0x7740];
	v11 =	vmul.f32 v11, v2;
	[tilespmem:s20+$0x76B0] =	vst v4  }
0x66: {  	v8 =	vld [tilespmem:s20+$0x7750];
	v12 =	vmul.f32 v12, v23;
	[tilespmem:s20+$0x76E0] =	vst v22  }
0x67: {  	v25 =	vld [tilespmem:s20+$0x7770];
	v13 =	vmul.f32 v13, v23;
	[tilespmem:s20+$0x76F0] =	vst v11  }
0x68: {  	v26 =	vld [tilespmem:s20+$0x7780];
	v14 =	vmul.f32 v14, v23;
	[tilespmem:s20+$0x7700] =	vst v12  }
0x69: {  	v27 =	vld [tilespmem:s20+$0x7790];
	v9 =	vmul.f32 v9, v23;
	[tilespmem:s20+$0x7710] =	vst v13  }
0x6a: {  	v6 =	vld [tilespmem:s20+$0x7BF0];
	v7 =	vmul.f32 v7, v23;
	[tilespmem:s20+$0x7720] =	vst v14  }
0x6b: {  	v24 =	vld [tilespmem:s20+$0x7760];
	v15 =	vbroadcast v1, $0x2;
	v8 =	vmul.f32 v8, v23;
	[tilespmem:s20+$0x7730] =	vst v9  }
0x6c: {  	v28 =	vld [tilespmem:s20+$0x77A0];
	v10 =	vmul.f32 v25, v23;
	[tilespmem:s20+$0x7740] =	vst v7  }
0x6d: {  	v29 =	vld [tilespmem:s20+$0x77B0];
	v5 =	vbroadcast v1, $0xA;
	v32 =	vmul.f32 v26, v15;
	[tilespmem:s20+$0x7750] =	vst v8  }
0x6e: {  	v30 =	vld [tilespmem:s20+$0x77C0];
	v34 =	vmul.f32 v27, v15;
	[tilespmem:s20+$0x7770] =	vst v10  }
0x6f: {  	v33 =	vld [tilespmem:s20+$0x77E0];
	v3 =	vmul.f32 v6, v5;
	[tilespmem:s20+$0x7780] =	vst v32  }
0x70: {  	v35 =	vld [tilespmem:s20+$0x77F0];
	v11 =	vmul.f32 v24, v23;
	[tilespmem:s20+$0x7790] =	vst v34  }
0x71: {  	v36 =	vld [tilespmem:s20+$0x7800];
	v9 =	vmul.f32 v28, v15;
	[tilespmem:s20+$0x7BF0] =	vst v3  }
0x72: {  	v31 =	vld [tilespmem:s20+$0x77D0];
	v7 =	vmul.f32 v29, v15;
	[tilespmem:s20+$0x7760] =	vst v11  }
0x73: {  	v37 =	vld [tilespmem:s20+$0x7810];
	v8 =	vmul.f32 v30, v15;
	[tilespmem:s20+$0x77A0] =	vst v9  }
0x74: {  	v38 =	vld [tilespmem:s20+$0x7820];
	v41 =	vbroadcast v1, $0x3;
	v10 =	vmul.f32 v33, v15;
	[tilespmem:s20+$0x77B0] =	vst v7  }
0x75: {  	v39 =	vld [tilespmem:s20+$0x7830];
	v12 =	vmul.f32 v35, v15;
	[tilespmem:s20+$0x77C0] =	vst v8  }
0x76: {  	v42 =	vld [tilespmem:s20+$0x7850];
	v13 =	vmul.f32 v36, v41;
	[tilespmem:s20+$0x77E0] =	vst v10  }
0x77: {  	v43 =	vld [tilespmem:s20+$0x7860];
	v11 =	vmul.f32 v31, v15;
	[tilespmem:s20+$0x77F0] =	vst v12  }
0x78: {  	v44 =	vld [tilespmem:s20+$0x7870];
	v9 =	vmul.f32 v37, v41;
	[tilespmem:s20+$0x7800] =	vst v13  }
0x79: {  	v40 =	vld [tilespmem:s20+$0x7840];
	v7 =	vmul.f32 v38, v41;
	[tilespmem:s20+$0x77D0] =	vst v11  }
0x7a: {  	v45 =	vld [tilespmem:s20+$0x7880];
	v8 =	vmul.f32 v39, v41;
	[tilespmem:s20+$0x7810] =	vst v9  }
0x7b: {  	v46 =	vld [tilespmem:s20+$0x7890];
	v10 =	vmul.f32 v42, v41;
	[tilespmem:s20+$0x7820] =	vst v7  }
0x7c: {  	v47 =	vld [tilespmem:s20+$0x78A0];
	v12 =	vmul.f32 v43, v41;
	[tilespmem:s20+$0x7830] =	vst v8  }
0x7d: {  	v49 =	vld [tilespmem:s20+$0x78C0];
	v50 =	vbroadcast v1, $0x4;
	v13 =	vmul.f32 v44, v41;
	[tilespmem:s20+$0x7850] =	vst v10  }
0x7e: {  	v51 =	vld [tilespmem:s20+$0x78D0];
	v11 =	vmul.f32 v40, v41;
	[tilespmem:s20+$0x7860] =	vst v12  }
0x7f: {  	v52 =	vld [tilespmem:s20+$0x78E0];
	v9 =	vmul.f32 v45, v50;
	[tilespmem:s20+$0x7870] =	vst v13  }
0x80: {  	v48 =	vld [tilespmem:s20+$0x78B0];
	v7 =	vmul.f32 v46, v50;
	[tilespmem:s20+$0x7840] =	vst v11  }
0x81: {  	v53 =	vld [tilespmem:s20+$0x78F0];
	v8 =	vmul.f32 v47, v50;
	[tilespmem:s20+$0x7880] =	vst v9  }
0x82: {  	v54 =	vld [tilespmem:s20+$0x7900];
	v10 =	vmul.f32 v49, v50;
	[tilespmem:s20+$0x7890] =	vst v7  }
0x83: {  	v55 =	vld [tilespmem:s20+$0x7910];
	v12 =	vmul.f32 v51, v50;
	[tilespmem:s20+$0x78A0] =	vst v8  }
0x84: {  	v57 =	vld [tilespmem:s20+$0x7930];
	v13 =	vmul.f32 v52, v50;
	[tilespmem:s20+$0x78C0] =	vst v10  }
0x85: {  	v58 =	vld [tilespmem:s20+$0x7940];
	v59 =	vbroadcast v1, $0x5;
	v11 =	vmul.f32 v48, v50;
	[tilespmem:s20+$0x78D0] =	vst v12  }
0x86: {  	v60 =	vld [tilespmem:s20+$0x7950];
	v9 =	vmul.f32 v53, v50;
	[tilespmem:s20+$0x78E0] =	vst v13  }
0x87: {  	v56 =	vld [tilespmem:s20+$0x7920];
	v7 =	vmul.f32 v54, v59;
	[tilespmem:s20+$0x78B0] =	vst v11  }
0x88: {  	v61 =	vld [tilespmem:s20+$0x7960];
	v8 =	vmul.f32 v55, v59;
	[tilespmem:s20+$0x78F0] =	vst v9  }
0x89: {  	v62 =	vld [tilespmem:s20+$0x7970];
	v10 =	vmul.f32 v57, v59;
	[tilespmem:s20+$0x7900] =	vst v7  }
0x8a: {  	v63 =	vld [tilespmem:s20+$0x7980];
	v12 =	vmul.f32 v58, v59;
	[tilespmem:s20+$0x7910] =	vst v8  }
0x8b: {  	v19 =	vld [tilespmem:s20+$0x79A0];
	v13 =	vmul.f32 v60, v59;
	[tilespmem:s20+$0x7930] =	vst v10  }
0x8c: {  	v20 =	vld [tilespmem:s20+$0x79B0];
	v11 =	vmul.f32 v56, v59;
	[tilespmem:s20+$0x7940] =	vst v12  }
0x8d: {  	v21 =	vld [tilespmem:s20+$0x79C0];
	v22 =	vbroadcast v1, $0x6;
	v9 =	vmul.f32 v61, v59;
	[tilespmem:s20+$0x7950] =	vst v13  }
0x8e: {  	v18 =	vld [tilespmem:s20+$0x7990];
	v7 =	vmul.f32 v62, v59;
	[tilespmem:s20+$0x7920] =	vst v11  }
0x8f: {  	v23 =	vld [tilespmem:s20+$0x79D0];
	v8 =	vmul.f32 v63, v22;
	[tilespmem:s20+$0x7960] =	vst v9  }
0x90: {  	v24 =	vld [tilespmem:s20+$0x79E0];
	v10 =	vmul.f32 v19, v22;
	[tilespmem:s20+$0x7970] =	vst v7  }
0x91: {  	v25 =	vld [tilespmem:s20+$0x79F0];
	v12 =	vmul.f32 v20, v22;
	[tilespmem:s20+$0x7980] =	vst v8  }
0x92: {  	v27 =	vld [tilespmem:s20+$0x7A10];
	v13 =	vmul.f32 v21, v22;
	[tilespmem:s20+$0x79A0] =	vst v10  }
0x93: {  	v28 =	vld [tilespmem:s20+$0x7A20];
	v11 =	vmul.f32 v18, v22;
	[tilespmem:s20+$0x79B0] =	vst v12  }
0x94: {  	v29 =	vld [tilespmem:s20+$0x7A30];
	v9 =	vmul.f32 v23, v22;
	[tilespmem:s20+$0x79C0] =	vst v13  }
0x95: {  	v31 =	vbroadcast v1, $0x7;
	v53 =	vld [tilespmem:s20+$0x7B80];
	v7 =	vmul.f32 v24, v22;
	[tilespmem:s20+$0x7990] =	vst v11  }
0x96: {  	v57 =	vld [tilespmem:s20+$0x7BC0];
	v8 =	vmul.f32 v25, v22;
	[tilespmem:s20+$0x79D0] =	vst v9  }
0x97: {  	v58 =	vld [tilespmem:s20+$0x7BD0];
	v10 =	vmul.f32 v27, v31;
	[tilespmem:s20+$0x79E0] =	vst v7  }
0x98: {  	v26 =	vld [tilespmem:s20+$0x7A00];
	v12 =	vmul.f32 v28, v31;
	[tilespmem:s20+$0x79F0] =	vst v8  }
0x99: {  	v30 =	vld [tilespmem:s20+$0x7A40];
	v13 =	vmul.f32 v29, v31;
	[tilespmem:s20+$0x7A10] =	vst v10  }
0x9a: {  	v32 =	vld [tilespmem:s20+$0x7A50];
	v59 =	vmul.f32 v53, v5;
	[tilespmem:s20+$0x7A20] =	vst v12  }
0x9b: {  	v33 =	vld [tilespmem:s20+$0x7A60];
	v18 =	vmul.f32 v57, v5;
	[tilespmem:s20+$0x7A30] =	vst v13  }
0x9c: {  	v35 =	vld [tilespmem:s20+$0x7A80];
	v20 =	vmul.f32 v58, v5;
	[tilespmem:s20+$0x7B80] =	vst v59  }
0x9d: {  	v36 =	vld [tilespmem:s20+$0x7A90];
	v11 =	vmul.f32 v26, v31;
	[tilespmem:s20+$0x7BC0] =	vst v18  }
0x9e: {  	v37 =	vld [tilespmem:s20+$0x7AA0];
	v9 =	vmul.f32 v30, v31;
	[tilespmem:s20+$0x7BD0] =	vst v20  }
0x9f: {  	v4 =	vld [tilespmem:s20+$0x7C00];
	v40 =	vbroadcast v1, $0x8;
	v7 =	vmul.f32 v32, v31;
	[tilespmem:s20+$0x7A00] =	vst v11  }
0xa0: {  	v6 =	vld [tilespmem:s20+$0x7C10];
	v8 =	vmul.f32 v33, v31;
	[tilespmem:s20+$0x7A40] =	vst v9  }
0xa1: {  	v3 =	vld [tilespmem:s20+$0x7E50];
	v10 =	vmul.f32 v35, v40;
	[tilespmem:s20+$0x7A50] =	vst v7  }
0xa2: {  	v61 =	vld [tilespmem:s20+$0x7680];
	v23 =	vbroadcast v1, $0xB;
	v12 =	vmul.f32 v36, v40;
	[tilespmem:s20+$0x7A60] =	vst v8  }
0xa3: {  	v34 =	vld [tilespmem:s20+$0x7A70];
	v13 =	vmul.f32 v37, v40;
	[tilespmem:s20+$0x7A80] =	vst v10  }
0xa4: {  	v38 =	vld [tilespmem:s20+$0x7AB0];
	v27 =	vbroadcast v1, $0xF;
	v4 =	vmul.f32 v4, v23;
	[tilespmem:s20+$0x7A90] =	vst v12  }
0xa5: {  	v39 =	vld [tilespmem:s20+$0x7AC0];
	v6 =	vmul.f32 v6, v23;
	[tilespmem:s20+$0x7AA0] =	vst v13  }
0xa6: {  	v41 =	vld [tilespmem:s20+$0x7AD0];
	v3 =	vmul.f32 v3, v27;
	[tilespmem:s20+$0x7C00] =	vst v4  }
0xa7: {  	v43 =	vld [tilespmem:s20+$0x7AF0];
	v24 =	vmul.f32 v2, v61;
	[tilespmem:s20+$0x7C10] =	vst v6  }
0xa8: {  	v44 =	vld [tilespmem:s20+$0x7B00];
	v11 =	vmul.f32 v34, v31;
	[tilespmem:s20+$0x7E50] =	vst v3  }
0xa9: {  	v45 =	vld [tilespmem:s20+$0x7B10];
	v9 =	vmul.f32 v38, v40;
	[tilespmem:s20+$0x7680] =	vst v24  }
0xaa: {  	v63 =	vld [tilespmem:s20+$0x76C0];
	v7 =	vmul.f32 v39, v40;
	[tilespmem:s20+$0x7A70] =	vst v11  }
0xab: {  	v49 =	vbroadcast v1, $0x9;
	v29 =	vld [tilespmem:s20+$0x7C70];
	v8 =	vmul.f32 v41, v40;
	[tilespmem:s20+$0x7AB0] =	vst v9  }
0xac: {  	v42 =	vld [tilespmem:s20+$0x7AE0];
	v10 =	vmul.f32 v43, v40;
	[tilespmem:s20+$0x7AC0] =	vst v7  }
0xad: {  	v46 =	vld [tilespmem:s20+$0x7B20];
	v12 =	vmul.f32 v44, v49;
	[tilespmem:s20+$0x7AD0] =	vst v8  }
0xae: {  	v47 =	vld [tilespmem:s20+$0x7B30];
	v13 =	vmul.f32 v45, v49;
	[tilespmem:s20+$0x7AF0] =	vst v10  }
0xaf: {  	v48 =	vld [tilespmem:s20+$0x7B40];
	v3 =	vmul.f32 v63, v2;
	[tilespmem:s20+$0x7B00] =	vst v12  }
0xb0: {  	v51 =	vld [tilespmem:s20+$0x7B60];
	v6 =	vmul.f32 v29, v23;
	[tilespmem:s20+$0x7B10] =	vst v13  }
0xb1: {  	v52 =	vld [tilespmem:s20+$0x7B70];
	v11 =	vmul.f32 v42, v40;
	[tilespmem:s20+$0x76C0] =	vst v3  }
0xb2: {  	v28 =	vld [tilespmem:s20+$0x7C60];
	v9 =	vmul.f32 v46, v49;
	[tilespmem:s20+$0x7C70] =	vst v6  }
0xb3: {  	v26 =	vld [tilespmem:s20+$0x7C50];
	v7 =	vmul.f32 v47, v49;
	[tilespmem:s20+$0x7AE0] =	vst v11  }
0xb4: {  	v30 =	vld [tilespmem:s20+$0x7C80];
	v8 =	vmul.f32 v48, v49;
	[tilespmem:s20+$0x7B20] =	vst v9  }
0xb5: {  	v50 =	vld [tilespmem:s20+$0x7B50];
	v10 =	vmul.f32 v51, v49;
	[tilespmem:s20+$0x7B30] =	vst v7  }
0xb6: {  	v54 =	vld [tilespmem:s20+$0x7B90];
	v12 =	vmul.f32 v52, v49;
	[tilespmem:s20+$0x7B40] =	vst v8  }
0xb7: {  	v55 =	vld [tilespmem:s20+$0x7BA0];
	v35 =	vbroadcast v1, $0xC;
	v40 =	vmul.f32 v28, v23;
	[tilespmem:s20+$0x7B60] =	vst v10  }
0xb8: {  	v56 =	vld [tilespmem:s20+$0x7BB0];
	v32 =	vmul.f32 v26, v23;
	[tilespmem:s20+$0x7B70] =	vst v12  }
0xb9: {  	v60 =	vld [tilespmem:s20+$0x7BE0];
	v15 =	vmul.f32 v30, v35;
	[tilespmem:s20+$0x7C60] =	vst v40  }
0xba: {  	v62 =	vld [tilespmem:s20+$0x7690];
	v11 =	vmul.f32 v50, v49;
	[tilespmem:s20+$0x7C50] =	vst v32  }
0xbb: {  	v19 =	vld [tilespmem:s20+$0x76D0];
	v9 =	vmul.f32 v54, v5;
	[tilespmem:s20+$0x7C80] =	vst v15  }
0xbc: {  	v33 =	vld [tilespmem:s20+$0x7CB0];
	v7 =	vmul.f32 v55, v5;
	[tilespmem:s20+$0x7B50] =	vst v11  }
0xbd: {  	v61 =	vld [tilespmem:s20+$0x7E70];
	v8 =	vmul.f32 v56, v5;
	[tilespmem:s20+$0x7B90] =	vst v9  }
0xbe: {  	v38 =	vld [tilespmem:s20+$0x7CF0];
	v5 =	vmul.f32 v60, v5;
	[tilespmem:s20+$0x7BA0] =	vst v7  }
0xbf: {  	v21 =	vld [tilespmem:s20+$0x7C20];
	v12 =	vmul.f32 v62, v2;
	[tilespmem:s20+$0x7BB0] =	vst v8  }
0xc0: {  	v22 =	vld [tilespmem:s20+$0x7C30];
	v2 =	vmul.f32 v19, v2;
	[tilespmem:s20+$0x7BE0] =	vst v5  }
0xc1: {  	v25 =	vld [tilespmem:s20+$0x7C40];
	v62 =	vmul.f32 v33, v35;
	[tilespmem:s20+$0x7690] =	vst v12  }
0xc2: {  	v31 =	vld [tilespmem:s20+$0x7C90];
	v63 =	vmul.f32 v61, v27;
	[tilespmem:s20+$0x76D0] =	vst v2  }
0xc3: {  	v34 =	vld [tilespmem:s20+$0x7CC0];
	v15 =	vmul.f32 v38, v35;
	[tilespmem:s20+$0x7CB0] =	vst v62  }
0xc4: {  	v41 =	vld [tilespmem:s20+$0x7D20];
	v7 =	vmul.f32 v21, v23;
	[tilespmem:s20+$0x7E70] =	vst v63  }
0xc5: {  	v46 =	vld [tilespmem:s20+$0x7D60];
	v8 =	vmul.f32 v22, v23;
	[tilespmem:s20+$0x7CF0] =	vst v15  }
0xc6: {  	v36 =	vld [tilespmem:s20+$0x7CD0];
	v5 =	vmul.f32 v25, v23;
	[tilespmem:s20+$0x7C20] =	vst v7  }
0xc7: {  	v44 =	vbroadcast v1, $0xD;
	v9 =	vmul.f32 v31, v35;
	v2 =	vld [tilespmem:s20+$0x7D10];
	[tilespmem:s20+$0x7C30] =	vst v8  }
0xc8: {  	v37 =	vld [tilespmem:s20+$0x7CE0];
	v12 =	vmul.f32 v34, v35;
	[tilespmem:s20+$0x7C40] =	vst v5  }
0xc9: {  	v39 =	vld [tilespmem:s20+$0x7D00];
	v11 =	vmul.f32 v41, v44;
	[tilespmem:s20+$0x7C90] =	vst v9  }
0xca: {  	v42 =	vld [tilespmem:s20+$0x7D30];
	v51 =	vmul.f32 v46, v44;
	[tilespmem:s20+$0x7CC0] =	vst v12  }
0xcb: {  	v48 =	vld [tilespmem:s20+$0x7D90];
	v8 =	vmul.f32 v36, v35;
	[tilespmem:s20+$0x7D20] =	vst v11  }
0xcc: {  	v49 =	vld [tilespmem:s20+$0x7DA0];
	[tilespmem:s20+$0x7D60] =	vst v51;
	v2 =	vmul.f32 v2, v44  }
0xcd: {  	v50 =	vld [tilespmem:s20+$0x7DB0];
	v5 =	vmul.f32 v37, v35;
	[tilespmem:s20+$0x7CD0] =	vst v8  }
0xce: {  	v1 =	vbroadcast v1, $0xE;
	v9 =	vmul.f32 v39, v44;
	[tilespmem:s20+$0x7D10] =	vst v2;
	v2 =	vld [tilespmem:s20+$0x7D80]  }
0xcf: {  	v60 =	vld [tilespmem:s20+$0x7E60];
	v12 =	vmul.f32 v42, v44;
	[tilespmem:s20+$0x7CE0] =	vst v5  }
0xd0: {  	v45 =	vld [tilespmem:s20+$0x7D50];
	v11 =	vmul.f32 v48, v1;
	[tilespmem:s20+$0x7D00] =	vst v9  }
0xd1: {  	v47 =	vld [tilespmem:s20+$0x7D70];
	v10 =	vmul.f32 v49, v1;
	[tilespmem:s20+$0x7D30] =	vst v12  }
0xd2: {  	v43 =	vld [tilespmem:s20+$0x7D40];
	v6 =	vmul.f32 v50, v1;
	[tilespmem:s20+$0x7D90] =	vst v11  }
0xd3: {  	v55 =	vld [tilespmem:s20+$0x7E00];
	[tilespmem:s20+$0x7DA0] =	vst v10;
	v2 =	vmul.f32 v2, v1  }
0xd4: {  	v57 =	vld [tilespmem:s20+$0x7E20];
	v4 =	vmul.f32 v60, v27;
	[tilespmem:s20+$0x7DB0] =	vst v6  }
0xd5: {  	v5 =	vmul.f32 v45, v44;
	[tilespmem:s20+$0x7D80] =	vst v2;
	v2 =	vld [tilespmem:s20+$0x7DF0]  }
0xd6: {  	v52 =	vld [tilespmem:s20+$0x7DC0];
	v9 =	vmul.f32 v47, v44;
	[tilespmem:s20+$0x7E60] =	vst v4  }
0xd7: {  	v56 =	vld [tilespmem:s20+$0x7E10];
	v8 =	vmul.f32 v43, v44;
	[tilespmem:s20+$0x7D50] =	vst v5  }
0xd8: {  	v54 =	vld [tilespmem:s20+$0x7DE0];
	v11 =	vmul.f32 v55, v27;
	[tilespmem:s20+$0x7D70] =	vst v9  }
0xd9: {  	v58 =	vld [tilespmem:s20+$0x7E30];
	v6 =	vmul.f32 v57, v27;
	[tilespmem:s20+$0x7D40] =	vst v8  }
0xda: {  	v53 =	vld [tilespmem:s20+$0x7DD0];
	[tilespmem:s20+$0x7E00] =	vst v11;
	v2 =	vmul.f32 v2, v1  }
0xdb: {  	v59 =	vld [tilespmem:s20+$0x7E40];
	v5 =	vmul.f32 v52, v1;
	[tilespmem:s20+$0x7E20] =	vst v6  }
0xdc: {  	[tilespmem:s20+$0x7DF0] =	vst v2;
	v2 =	vmul.f32 v56, v27  }
0xdd: {  	v3 =	vld [tilespmem:s20+$0x7CA0];
	v9 =	vmul.f32 v54, v1;
	[tilespmem:s20+$0x7DC0] =	vst v5  }
0xde: {  	[tilespmem:s20+$0x7E10] =	vst v2;
	v2 =	vmul.f32 v58, v27  }
0xdf: {  	[tilespmem:s20+$0x7DE0] =	vst v9;
	v1 =	vmul.f32 v53, v1  }
0xe0: {  	[tilespmem:s20+$0x7E30] =	vst v2;
	v2 =	vmul.f32 v59, v27  }
0xe1: {  	[tilespmem:s20+$0x7DD0] =	vst v1  }
0xe2: {  	s21 =	simm.s32 $0x1;
	[tilespmem:s20+$0x7E40] =	vst v2;
	v2 =	vmul.f32 v3, v35  }
.LBB2_4:
0xe3: {  	s8 =	sshll.u32 s21, $0x4  }
0xe4: {  	p5 =	sne.s32 s21, $0x4;
	[tilespmem:s20+$0x7CA0] =	vst v2;
	s20 =	smov.u32 s21;
	s21 =	sadd.s32 $0x1, s21  }
0xe5: {  	s8 =	sand.u32 $0x3FFFFFF0, s8  }
0xe6: {  	v1 =	vld.idx.msk [tilespmem:v0+s8+$0x0 ss:$0x1], $0xffff  }
0xe7: {  	s8 =	sshll.u32 s20, $0xB  }
0xe8: {  	s20 =	sand.u32 $0x3FFFF800, s8  }
0xe9: {  	v8 =	vld [tilespmem:s20+$0x7740]  }
0xea: {  	v9 =	vld [tilespmem:s20+$0x7750]  }
0xeb: {  	v10 =	vld [tilespmem:s20+$0x7730]  }
0xec: {  	v2 =	vbroadcast v1, $0x0;
	v7 =	vbroadcast v1, $0x4;
	v3 =	vld [tilespmem:s20+$0x76A0]  }
0xed: {  	v5 =	vld [tilespmem:s20+$0x76B0]  }
0xee: {  	v6 =	vld [tilespmem:s20+$0x7BF0]  }
0xef: {  	v11 =	vld [tilespmem:s20+$0x76E0]  }
0xf0: {  	v12 =	vld [tilespmem:s20+$0x76F0]  }
0xf1: {  	v4 =	vbroadcast v1, $0xA;
	v3 =	vmul.f32 v3, v2;
	v13 =	vld [tilespmem:s20+$0x7700]  }
0xf2: {  	v5 =	vmul.f32 v5, v2;
	v14 =	vld [tilespmem:s20+$0x7710]  }
0xf3: {  	[tilespmem:s20+$0x76A0] =	vst v3;
	v15 =	vld [tilespmem:s20+$0x7720];
	v3 =	vmul.f32 v6, v4  }
0xf4: {  	[tilespmem:s20+$0x76B0] =	vst v5;
	v6 =	vmul.f32 v11, v2;
	v11 =	vbroadcast v1, $0x1;
	v5 =	vld [tilespmem:s20+$0x7C00]  }
0xf5: {  	v12 =	vmul.f32 v12, v2;
	[tilespmem:s20+$0x7BF0] =	vst v3;
	v3 =	vld [tilespmem:s20+$0x7E50]  }
0xf6: {  	[tilespmem:s20+$0x76E0] =	vst v6;
	v13 =	vmul.f32 v13, v11;
	v6 =	vld [tilespmem:s20+$0x7C10]  }
0xf7: {  	[tilespmem:s20+$0x76F0] =	vst v12;
	v12 =	vmul.f32 v14, v11;
	v14 =	vld [tilespmem:s20+$0x7760]  }
0xf8: {  	[tilespmem:s20+$0x7700] =	vst v13;
	v13 =	vmul.f32 v15, v11;
	v15 =	vld [tilespmem:s20+$0x7770]  }
0xf9: {  	v10 =	vmul.f32 v10, v11;
	[tilespmem:s20+$0x7710] =	vst v12;
	v12 =	vld [tilespmem:s20+$0x7780]  }
0xfa: {  	v8 =	vmul.f32 v8, v11;
	[tilespmem:s20+$0x7720] =	vst v13;
	v13 =	vld [tilespmem:s20+$0x7790]  }
0xfb: {  	v9 =	vmul.f32 v9, v11;
	[tilespmem:s20+$0x7730] =	vst v10;
	v10 =	vld [tilespmem:s20+$0x77A0]  }
0xfc: {  	[tilespmem:s20+$0x7740] =	vst v8;
	v8 =	vmul.f32 v14, v11;
	v14 =	vbroadcast v1, $0x2;
	v16 =	vld [tilespmem:s20+$0x77B0]  }
0xfd: {  	[tilespmem:s20+$0x7750] =	vst v9;
	v9 =	vmul.f32 v15, v11;
	v11 =	vld [tilespmem:s20+$0x77C0]  }
0xfe: {  	[tilespmem:s20+$0x7760] =	vst v8;
	v8 =	vmul.f32 v12, v14;
	v12 =	vld [tilespmem:s20+$0x77D0]  }
0xff: {  	[tilespmem:s20+$0x7770] =	vst v9;
	v9 =	vmul.f32 v13, v14;
	v13 =	vld [tilespmem:s20+$0x77E0]  }
0x100: {  	[tilespmem:s20+$0x7780] =	vst v8;
	v8 =	vmul.f32 v10, v14;
	v10 =	vld [tilespmem:s20+$0x77F0]  }
0x101: {  	[tilespmem:s20+$0x7790] =	vst v9;
	v9 =	vmul.f32 v16, v14;
	v15 =	vld [tilespmem:s20+$0x7800]  }
0x102: {  	[tilespmem:s20+$0x77A0] =	vst v8;
	v8 =	vmul.f32 v11, v14;
	v11 =	vld [tilespmem:s20+$0x7810]  }
0x103: {  	[tilespmem:s20+$0x77B0] =	vst v9;
	v9 =	vmul.f32 v12, v14;
	v12 =	vld [tilespmem:s20+$0x7820]  }
0x104: {  	[tilespmem:s20+$0x77C0] =	vst v8;
	v8 =	vmul.f32 v13, v14;
	v13 =	vbroadcast v1, $0x3;
	v16 =	vld [tilespmem:s20+$0x7830]  }
0x105: {  	[tilespmem:s20+$0x77D0] =	vst v9;
	v9 =	vmul.f32 v10, v14;
	v10 =	vld [tilespmem:s20+$0x7840]  }
0x106: {  	[tilespmem:s20+$0x77E0] =	vst v8;
	v8 =	vmul.f32 v15, v13;
	v14 =	vld [tilespmem:s20+$0x7850]  }
0x107: {  	[tilespmem:s20+$0x77F0] =	vst v9;
	v9 =	vmul.f32 v11, v13;
	v11 =	vld [tilespmem:s20+$0x7860]  }
0x108: {  	[tilespmem:s20+$0x7800] =	vst v8;
	v8 =	vmul.f32 v12, v13;
	v12 =	vld [tilespmem:s20+$0x7870]  }
0x109: {  	[tilespmem:s20+$0x7810] =	vst v9;
	v9 =	vmul.f32 v16, v13;
	v15 =	vld [tilespmem:s20+$0x7880]  }
0x10a: {  	[tilespmem:s20+$0x7820] =	vst v8;
	v8 =	vmul.f32 v10, v13;
	v10 =	vld [tilespmem:s20+$0x7890]  }
0x10b: {  	[tilespmem:s20+$0x7830] =	vst v9;
	v9 =	vmul.f32 v14, v13;
	v14 =	vld [tilespmem:s20+$0x78A0]  }
0x10c: {  	[tilespmem:s20+$0x7840] =	vst v8;
	v8 =	vmul.f32 v11, v13;
	v11 =	vld [tilespmem:s20+$0x78B0]  }
0x10d: {  	[tilespmem:s20+$0x7850] =	vst v9;
	v9 =	vmul.f32 v12, v13;
	v12 =	vld [tilespmem:s20+$0x78C0]  }
0x10e: {  	[tilespmem:s20+$0x7860] =	vst v8;
	v8 =	vmul.f32 v15, v7;
	v13 =	vld [tilespmem:s20+$0x78D0]  }
0x10f: {  	[tilespmem:s20+$0x7870] =	vst v9;
	v9 =	vmul.f32 v10, v7;
	v10 =	vld [tilespmem:s20+$0x78E0]  }
0x110: {  	[tilespmem:s20+$0x7880] =	vst v8;
	v8 =	vmul.f32 v14, v7;
	v14 =	vld [tilespmem:s20+$0x78F0]  }
0x111: {  	[tilespmem:s20+$0x7890] =	vst v9;
	v9 =	vmul.f32 v11, v7;
	v11 =	vld [tilespmem:s20+$0x7900]  }
0x112: {  	[tilespmem:s20+$0x78A0] =	vst v8;
	v8 =	vmul.f32 v12, v7;
	v12 =	vld [tilespmem:s20+$0x7910]  }
0x113: {  	[tilespmem:s20+$0x78B0] =	vst v9;
	v9 =	vmul.f32 v13, v7;
	v13 =	vld [tilespmem:s20+$0x7920]  }
0x114: {  	[tilespmem:s20+$0x78C0] =	vst v8;
	v8 =	vmul.f32 v10, v7;
	v10 =	vbroadcast v1, $0x5;
	v15 =	vld [tilespmem:s20+$0x7930]  }
0x115: {  	[tilespmem:s20+$0x78D0] =	vst v9;
	v7 =	vmul.f32 v14, v7;
	v9 =	vld [tilespmem:s20+$0x7940]  }
0x116: {  	[tilespmem:s20+$0x78E0] =	vst v8;
	v8 =	vmul.f32 v11, v10;
	v11 =	vld [tilespmem:s20+$0x7950]  }
0x117: {  	[tilespmem:s20+$0x78F0] =	vst v7;
	v7 =	vmul.f32 v12, v10;
	v12 =	vld [tilespmem:s20+$0x7960]  }
0x118: {  	[tilespmem:s20+$0x7900] =	vst v8;
	v8 =	vmul.f32 v13, v10;
	v13 =	vld [tilespmem:s20+$0x7970]  }
0x119: {  	[tilespmem:s20+$0x7910] =	vst v7;
	v7 =	vmul.f32 v15, v10;
	v14 =	vld [tilespmem:s20+$0x7980]  }
0x11a: {  	[tilespmem:s20+$0x7920] =	vst v8;
	v8 =	vmul.f32 v9, v10;
	v9 =	vld [tilespmem:s20+$0x7990]  }
0x11b: {  	[tilespmem:s20+$0x7930] =	vst v7;
	v7 =	vmul.f32 v11, v10;
	v11 =	vld [tilespmem:s20+$0x79A0]  }
0x11c: {  	[tilespmem:s20+$0x7940] =	vst v8;
	v8 =	vmul.f32 v12, v10;
	v12 =	vbroadcast v1, $0x6;
	v15 =	vld [tilespmem:s20+$0x79B0]  }
0x11d: {  	[tilespmem:s20+$0x7950] =	vst v7;
	v7 =	vmul.f32 v13, v10;
	v10 =	vld [tilespmem:s20+$0x79C0]  }
0x11e: {  	[tilespmem:s20+$0x7960] =	vst v8;
	v8 =	vmul.f32 v14, v12;
	v13 =	vld [tilespmem:s20+$0x79D0]  }
0x11f: {  	[tilespmem:s20+$0x7970] =	vst v7;
	v7 =	vmul.f32 v9, v12;
	v9 =	vld [tilespmem:s20+$0x79E0]  }
0x120: {  	[tilespmem:s20+$0x7980] =	vst v8;
	v8 =	vmul.f32 v11, v12;
	v11 =	vld [tilespmem:s20+$0x79F0]  }
0x121: {  	[tilespmem:s20+$0x7990] =	vst v7;
	v7 =	vmul.f32 v15, v12;
	v14 =	vld [tilespmem:s20+$0x7A00]  }
0x122: {  	[tilespmem:s20+$0x79A0] =	vst v8;
	v8 =	vmul.f32 v10, v12;
	v10 =	vld [tilespmem:s20+$0x7A10]  }
0x123: {  	[tilespmem:s20+$0x79B0] =	vst v7;
	v7 =	vmul.f32 v13, v12;
	v13 =	vld [tilespmem:s20+$0x7A20]  }
0x124: {  	[tilespmem:s20+$0x79C0] =	vst v8;
	v8 =	vmul.f32 v9, v12;
	v9 =	vbroadcast v1, $0x7;
	v15 =	vld [tilespmem:s20+$0x7A30]  }
0x125: {  	[tilespmem:s20+$0x79D0] =	vst v7;
	v7 =	vmul.f32 v11, v12;
	v11 =	vld [tilespmem:s20+$0x7A40]  }
0x126: {  	[tilespmem:s20+$0x79E0] =	vst v8;
	v8 =	vmul.f32 v14, v9;
	v12 =	vld [tilespmem:s20+$0x7A50]  }
0x127: {  	[tilespmem:s20+$0x79F0] =	vst v7;
	v7 =	vmul.f32 v10, v9;
	v10 =	vld [tilespmem:s20+$0x7A60]  }
0x128: {  	[tilespmem:s20+$0x7A00] =	vst v8;
	v8 =	vmul.f32 v13, v9;
	v13 =	vld [tilespmem:s20+$0x7A70]  }
0x129: {  	[tilespmem:s20+$0x7A10] =	vst v7;
	v7 =	vmul.f32 v15, v9;
	v14 =	vld [tilespmem:s20+$0x7A80]  }
0x12a: {  	[tilespmem:s20+$0x7A20] =	vst v8;
	v8 =	vmul.f32 v11, v9;
	v11 =	vld [tilespmem:s20+$0x7A90]  }
0x12b: {  	[tilespmem:s20+$0x7A30] =	vst v7;
	v7 =	vmul.f32 v12, v9;
	v12 =	vld [tilespmem:s20+$0x7AA0]  }
0x12c: {  	[tilespmem:s20+$0x7A40] =	vst v8;
	v8 =	vmul.f32 v10, v9;
	v10 =	vbroadcast v1, $0x8;
	v15 =	vld [tilespmem:s20+$0x7AB0]  }
0x12d: {  	[tilespmem:s20+$0x7A50] =	vst v7;
	v7 =	vmul.f32 v13, v9;
	v9 =	vld [tilespmem:s20+$0x7AC0]  }
0x12e: {  	[tilespmem:s20+$0x7A60] =	vst v8;
	v8 =	vmul.f32 v14, v10;
	v13 =	vld [tilespmem:s20+$0x7AD0]  }
0x12f: {  	[tilespmem:s20+$0x7A70] =	vst v7;
	v7 =	vmul.f32 v11, v10;
	v11 =	vld [tilespmem:s20+$0x7AE0]  }
0x130: {  	[tilespmem:s20+$0x7A80] =	vst v8;
	v8 =	vmul.f32 v12, v10;
	v12 =	vld [tilespmem:s20+$0x7AF0]  }
0x131: {  	[tilespmem:s20+$0x7A90] =	vst v7;
	v7 =	vmul.f32 v15, v10;
	v14 =	vld [tilespmem:s20+$0x7B00]  }
0x132: {  	[tilespmem:s20+$0x7AA0] =	vst v8;
	v8 =	vmul.f32 v9, v10;
	v9 =	vld [tilespmem:s20+$0x7B10]  }
0x133: {  	[tilespmem:s20+$0x7AB0] =	vst v7;
	v7 =	vmul.f32 v13, v10;
	v13 =	vld [tilespmem:s20+$0x7B20]  }
0x134: {  	[tilespmem:s20+$0x7AC0] =	vst v8;
	v8 =	vmul.f32 v11, v10;
	v11 =	vbroadcast v1, $0x9;
	v15 =	vld [tilespmem:s20+$0x7B30]  }
0x135: {  	[tilespmem:s20+$0x7AD0] =	vst v7;
	v7 =	vmul.f32 v12, v10;
	v10 =	vld [tilespmem:s20+$0x7B40]  }
0x136: {  	[tilespmem:s20+$0x7AE0] =	vst v8;
	v8 =	vmul.f32 v14, v11;
	v12 =	vld [tilespmem:s20+$0x7B50]  }
0x137: {  	[tilespmem:s20+$0x7AF0] =	vst v7;
	v7 =	vmul.f32 v9, v11;
	v9 =	vld [tilespmem:s20+$0x7B60]  }
0x138: {  	[tilespmem:s20+$0x7B00] =	vst v8;
	v8 =	vmul.f32 v13, v11;
	v13 =	vld [tilespmem:s20+$0x7B70]  }
0x139: {  	[tilespmem:s20+$0x7B10] =	vst v7;
	v7 =	vmul.f32 v15, v11;
	v14 =	vld [tilespmem:s20+$0x7B80]  }
0x13a: {  	[tilespmem:s20+$0x7B20] =	vst v8;
	v8 =	vmul.f32 v10, v11;
	v10 =	vld [tilespmem:s20+$0x7B90]  }
0x13b: {  	[tilespmem:s20+$0x7B30] =	vst v7;
	v7 =	vmul.f32 v12, v11;
	v12 =	vld [tilespmem:s20+$0x7BA0]  }
0x13c: {  	[tilespmem:s20+$0x7B40] =	vst v8;
	v8 =	vmul.f32 v9, v11;
	v9 =	vld [tilespmem:s20+$0x7BB0]  }
0x13d: {  	[tilespmem:s20+$0x7B50] =	vst v7;
	v7 =	vmul.f32 v13, v11;
	v11 =	vld [tilespmem:s20+$0x7BC0]  }
0x13e: {  	[tilespmem:s20+$0x7B60] =	vst v8;
	v8 =	vmul.f32 v14, v4;
	v13 =	vld [tilespmem:s20+$0x7BD0]  }
0x13f: {  	[tilespmem:s20+$0x7B70] =	vst v7;
	v7 =	vmul.f32 v10, v4;
	v10 =	vld [tilespmem:s20+$0x7BE0]  }
0x140: {  	v14 =	vld [tilespmem:s20+$0x7680];
	[tilespmem:s20+$0x7B80] =	vst v8;
	v8 =	vmul.f32 v12, v4  }
0x141: {  	v12 =	vld [tilespmem:s20+$0x7690];
	[tilespmem:s20+$0x7B90] =	vst v7;
	v7 =	vmul.f32 v9, v4  }
0x142: {  	v9 =	vld [tilespmem:s20+$0x76C0];
	[tilespmem:s20+$0x7BA0] =	vst v8;
	v8 =	vmul.f32 v11, v4  }
0x143: {  	v11 =	vld [tilespmem:s20+$0x76D0];
	[tilespmem:s20+$0x7BB0] =	vst v7;
	v7 =	vmul.f32 v13, v4  }
0x144: {  	[tilespmem:s20+$0x7BC0] =	vst v8;
	v8 =	vmul.f32 v10, v4;
	v10 =	vbroadcast v1, $0xB;
	v13 =	vld [tilespmem:s20+$0x7C20]  }
0x145: {  	v4 =	vbroadcast v1, $0xF;
	v14 =	vmul.f32 v2, v14;
	[tilespmem:s20+$0x7BD0] =	vst v7;
	v7 =	vld [tilespmem:s20+$0x7C30]  }
0x146: {  	v12 =	vmul.f32 v12, v2;
	[tilespmem:s20+$0x7BE0] =	vst v8;
	v5 =	vmul.f32 v5, v10;
	v8 =	vld [tilespmem:s20+$0x7C40]  }
0x147: {  	v6 =	vmul.f32 v6, v10;
	[tilespmem:s20+$0x7680] =	vst v14;
	v9 =	vmul.f32 v9, v2;
	v14 =	vld [tilespmem:s20+$0x7C50]  }
0x148: {  	v3 =	vmul.f32 v3, v4;
	v11 =	vmul.f32 v11, v2;
	[tilespmem:s20+$0x7C00] =	vst v5;
	v2 =	vld [tilespmem:s20+$0x7C60]  }
0x149: {  	[tilespmem:s20+$0x7C10] =	vst v6;
	v5 =	vmul.f32 v13, v10;
	v6 =	vld [tilespmem:s20+$0x7C70]  }
0x14a: {  	v7 =	vmul.f32 v7, v10;
	v13 =	vld [tilespmem:s20+$0x7C80];
	[tilespmem:s20+$0x7E50] =	vst v3  }
0x14b: {  	[tilespmem:s20+$0x7690] =	vst v12;
	v3 =	vmul.f32 v8, v10;
	v8 =	vld [tilespmem:s20+$0x7C90]  }
0x14c: {  	[tilespmem:s20+$0x76C0] =	vst v9;
	v9 =	vmul.f32 v14, v10;
	v12 =	vld [tilespmem:s20+$0x7CA0]  }
0x14d: {  	v14 =	vbroadcast v1, $0xC;
	[tilespmem:s20+$0x7C20] =	vst v5;
	v5 =	vmul.f32 v2, v10;
	v15 =	vld [tilespmem:s20+$0x7CB0]  }
0x14e: {  	[tilespmem:s20+$0x7C50] =	vst v9;
	v6 =	vmul.f32 v6, v10;
	v9 =	vld [tilespmem:s20+$0x7CC0]  }
0x14f: {  	[tilespmem:s20+$0x7C30] =	vst v7;
	v2 =	vmul.f32 v13, v14;
	v7 =	vld [tilespmem:s20+$0x7CD0]  }
0x150: {  	[tilespmem:s20+$0x7C40] =	vst v3;
	v3 =	vmul.f32 v8, v14;
	v8 =	vld [tilespmem:s20+$0x7CE0]  }
0x151: {  	[tilespmem:s20+$0x7C80] =	vst v2;
	v2 =	vmul.f32 v12, v14;
	v10 =	vld [tilespmem:s20+$0x7CF0]  }
0x152: {  	[tilespmem:s20+$0x7C90] =	vst v3;
	v3 =	vld [tilespmem:s20+$0x7D00]  }
0x153: {  	[tilespmem:s20+$0x76D0] =	vst v11;
	v9 =	vmul.f32 v9, v14;
	v11 =	vld [tilespmem:s20+$0x7D10]  }
0x154: {  	[tilespmem:s20+$0x7C60] =	vst v5;
	v5 =	vmul.f32 v7, v14;
	v7 =	vld [tilespmem:s20+$0x7D20]  }
0x155: {  	[tilespmem:s20+$0x7CC0] =	vst v9;
	v8 =	vmul.f32 v8, v14;
	v9 =	vbroadcast v1, $0xD;
	v12 =	vld [tilespmem:s20+$0x7D30]  }
0x156: {  	[tilespmem:s20+$0x7CD0] =	vst v5;
	v5 =	vmul.f32 v10, v14;
	v10 =	vld [tilespmem:s20+$0x7D40]  }
0x157: {  	[tilespmem:s20+$0x7CE0] =	vst v8;
	v3 =	vmul.f32 v3, v9;
	v8 =	vld [tilespmem:s20+$0x7D50]  }
0x158: {  	[tilespmem:s20+$0x7CF0] =	vst v5;
	v5 =	vmul.f32 v11, v9;
	v11 =	vld [tilespmem:s20+$0x7D60]  }
0x159: {  	[tilespmem:s20+$0x7D00] =	vst v3;
	v3 =	vmul.f32 v7, v9;
	v7 =	vld [tilespmem:s20+$0x7D70]  }
0x15a: {  	[tilespmem:s20+$0x7D10] =	vst v5;
	v5 =	vmul.f32 v12, v9;
	v12 =	vld [tilespmem:s20+$0x7D80]  }
0x15b: {  	[tilespmem:s20+$0x7D20] =	vst v3;
	v3 =	vmul.f32 v10, v9;
	v10 =	vld [tilespmem:s20+$0x7D90]  }
0x15c: {  	[tilespmem:s20+$0x7D30] =	vst v5;
	v5 =	vmul.f32 v8, v9;
	v8 =	vld [tilespmem:s20+$0x7DA0]  }
0x15d: {  	v1 =	vbroadcast v1, $0xE;
	[tilespmem:s20+$0x7C70] =	vst v6;
	v6 =	vmul.f32 v11, v9;
	v11 =	vld [tilespmem:s20+$0x7DB0]  }
0x15e: {  	[tilespmem:s20+$0x7D50] =	vst v5;
	v5 =	vmul.f32 v7, v9;
	v7 =	vld [tilespmem:s20+$0x7DC0]  }
0x15f: {  	[tilespmem:s20+$0x7D60] =	vst v6;
	v6 =	vmul.f32 v12, v1;
	v9 =	vld [tilespmem:s20+$0x7DD0]  }
0x160: {  	[tilespmem:s20+$0x7D70] =	vst v5;
	v5 =	vmul.f32 v10, v1;
	v10 =	vld [tilespmem:s20+$0x7DE0]  }
0x161: {  	[tilespmem:s20+$0x7D80] =	vst v6;
	v6 =	vmul.f32 v8, v1;
	v8 =	vld [tilespmem:s20+$0x7DF0]  }
0x162: {  	[tilespmem:s20+$0x7D90] =	vst v5;
	v5 =	vmul.f32 v11, v1;
	v11 =	vld [tilespmem:s20+$0x7E00]  }
0x163: {  	[tilespmem:s20+$0x7DA0] =	vst v6;
	v6 =	vmul.f32 v7, v1;
	v7 =	vld [tilespmem:s20+$0x7E10]  }
0x164: {  	[tilespmem:s20+$0x7DB0] =	vst v5;
	v5 =	vmul.f32 v9, v1;
	v9 =	vld [tilespmem:s20+$0x7E20]  }
0x165: {  	[tilespmem:s20+$0x7DC0] =	vst v6;
	v6 =	vmul.f32 v10, v1;
	v10 =	vld [tilespmem:s20+$0x7E30]  }
0x166: {  	[tilespmem:s20+$0x7D40] =	vst v3;
	v1 =	vmul.f32 v8, v1;
	v3 =	vld [tilespmem:s20+$0x7E40]  }
0x167: {  	[tilespmem:s20+$0x7DE0] =	vst v6;
	v6 =	vmul.f32 v11, v4;
	v8 =	vld [tilespmem:s20+$0x7E60]  }
0x168: {  	[tilespmem:s20+$0x7DF0] =	vst v1;
	v1 =	vmul.f32 v7, v4;
	v7 =	vld [tilespmem:s20+$0x7E70]  }
0x169: {  	[tilespmem:s20+$0x7E00] =	vst v6;
	v6 =	vmul.f32 v9, v4  }
0x16a: {  	[tilespmem:s20+$0x7E10] =	vst v1;
	v1 =	vmul.f32 v10, v4  }
0x16b: {  	v9 =	vmul.f32 v15, v14;
	[tilespmem:s20+$0x7E20] =	vst v6  }
0x16c: {  	[tilespmem:s20+$0x7E30] =	vst v1;
	v1 =	vmul.f32 v3, v4  }
.Ltmp5:
0x16d: {  	[tilespmem:s20+$0x7CB0] =	vst v9;
	v3 =	vmul.f32 v7, v4;
	(pc) =	sbr.rel @p5 .LBB2_4-.Ltmp5, $4  }
0x16e: {  	[tilespmem:s20+$0x7E40] =	vst v1  }
0x16f: {  	v1 =	vmul.f32 v8, v4;
	[tilespmem:s20+$0x7E70] =	vst v3  }
0x170: {  	[tilespmem:s20+$0x7DD0] =	vst v5  }
0x171: {  	[tilespmem:s20+$0x7E60] =	vst v1  }
0x172: {  	p5 =	seq.s32 s2, $0x0  }
.Ltmp6:
0x173: {  	_ = 	snop;
	(pc) =	sbr.rel @p5 .LBB2_9-.Ltmp6, $3  }
0x174: {  	_ =	sdelay $0x1  }
0x175: {  	[tilespmem:s20+$0x7CA0] =	vst v2;
	s8 =	sadd.s32 $0x4F00, s31  }
0x176: {  	[spmem:s3] =	stream.indirect.scatter.add.f32 [tilespmem:s23], [sflag:$0x3], $0x80, s8, s22, $0xb8;
	[tilespmem:$0x1FF00] =	vst v63  }
.LBB2_6:
0x177: {  	p5 =	seq.s32 s30, $0x7C  }
0x178: {  	_ =	swait.ge [sflag:s24], $0x2800;
	s2 =	smul.u32 @!p5 $0x140, s30  }
0x179: {  	[sflag:s24] =	ssyncset.done $0x0  }
0x17a: {  	s8 =	sadd.s32 $0x2780, s31;
	s20 =	simm.s32 @!p5 $0x50;
	s2 =	sshra.s32 @!p5 s2, $0x2  }
0x17b: {  	[sflag:s24] =	ssyncadd.s32 $0xFFFFD800;
	v0 =	vmov s8;
	s8 =	simm.s32 @!p5 $0x7680;
	s2 =	sadd.s32 @!p5 $0x50, s2  }
0x17c: {  	[tilespmem:s8], [sflag:$0x1] =	stream.indirect.gather @!p5 [hbm4b:s0+s20], $0x80, s2, s20, $0xb8;
	[tilespmem:$0x1FF00] =	vst v63  }
0x17d: {  	_ =	swait.ge [sflag:s25], $0x2800  }
0x17e: {  	s20 =	simm.s32 $0x0;
	[sflag:s25] =	ssyncset.done $0x0  }
0x17f: {  	s2 =	sand.u32 $0x3FFFFFF0, s20;
	[sflag:s25] =	ssyncadd.s32 $0xFFFFD800  }
0x180: {  	s21 =	simm.s32 $0x0;
	v1 =	vld.idx.msk [tilespmem:v0+s2+$0x0 ss:$0x1], $0xffff  }
0x181: {  	s2 =	sand.u32 $0x3FFFF800, s21  }
0x182: {  	v3 =	vld [tilespmem:s2+$0x9EA0]  }
0x183: {  	v4 =	vld [tilespmem:s2+$0x9EB0]  }
0x184: {  	v10 =	vld [tilespmem:s2+$0x9EE0]  }
0x185: {  	v11 =	vld [tilespmem:s2+$0x9EF0];
	v2 =	vbroadcast v1, $0x0  }
0x186: {  	v12 =	vld [tilespmem:s2+$0x9F00]  }
0x187: {  	v13 =	vld [tilespmem:s2+$0x9F10];
	v3 =	vmul.f32 v3, v2  }
0x188: {  	v14 =	vld [tilespmem:s2+$0x9F20];
	v4 =	vmul.f32 v4, v2  }
0x189: {  	v9 =	vld [tilespmem:s2+$0x9F30];
	v23 =	vbroadcast v1, $0x1;
	v22 =	vmul.f32 v10, v2;
	[tilespmem:s2+$0x9EA0] =	vst v3  }
0x18a: {  	v7 =	vld [tilespmem:s2+$0x9F40];
	v11 =	vmul.f32 v11, v2;
	[tilespmem:s2+$0x9EB0] =	vst v4  }
0x18b: {  	v8 =	vld [tilespmem:s2+$0x9F50];
	v12 =	vmul.f32 v12, v23;
	[tilespmem:s2+$0x9EE0] =	vst v22  }
0x18c: {  	v25 =	vld [tilespmem:s2+$0x9F70];
	v13 =	vmul.f32 v13, v23;
	[tilespmem:s2+$0x9EF0] =	vst v11  }
0x18d: {  	v26 =	vld [tilespmem:s2+$0x9F80];
	v14 =	vmul.f32 v14, v23;
	[tilespmem:s2+$0x9F00] =	vst v12  }
0x18e: {  	v27 =	vld [tilespmem:s2+$0x9F90];
	v9 =	vmul.f32 v9, v23;
	[tilespmem:s2+$0x9F10] =	vst v13  }
0x18f: {  	v6 =	vld [tilespmem:s2+$0xA3F0];
	v7 =	vmul.f32 v7, v23;
	[tilespmem:s2+$0x9F20] =	vst v14  }
0x190: {  	v24 =	vld [tilespmem:s2+$0x9F60];
	v15 =	vbroadcast v1, $0x2;
	v8 =	vmul.f32 v8, v23;
	[tilespmem:s2+$0x9F30] =	vst v9  }
0x191: {  	v28 =	vld [tilespmem:s2+$0x9FA0];
	v10 =	vmul.f32 v25, v23;
	[tilespmem:s2+$0x9F40] =	vst v7  }
0x192: {  	v29 =	vld [tilespmem:s2+$0x9FB0];
	v5 =	vbroadcast v1, $0xA;
	v32 =	vmul.f32 v26, v15;
	[tilespmem:s2+$0x9F50] =	vst v8  }
0x193: {  	v30 =	vld [tilespmem:s2+$0x9FC0];
	v34 =	vmul.f32 v27, v15;
	[tilespmem:s2+$0x9F70] =	vst v10  }
0x194: {  	v33 =	vld [tilespmem:s2+$0x9FE0];
	v3 =	vmul.f32 v6, v5;
	[tilespmem:s2+$0x9F80] =	vst v32  }
0x195: {  	v35 =	vld [tilespmem:s2+$0x9FF0];
	v11 =	vmul.f32 v24, v23;
	[tilespmem:s2+$0x9F90] =	vst v34  }
0x196: {  	v36 =	vld [tilespmem:s2+$0xA000];
	v9 =	vmul.f32 v28, v15;
	[tilespmem:s2+$0xA3F0] =	vst v3  }
0x197: {  	v31 =	vld [tilespmem:s2+$0x9FD0];
	v7 =	vmul.f32 v29, v15;
	[tilespmem:s2+$0x9F60] =	vst v11  }
0x198: {  	v37 =	vld [tilespmem:s2+$0xA010];
	v8 =	vmul.f32 v30, v15;
	[tilespmem:s2+$0x9FA0] =	vst v9  }
0x199: {  	v38 =	vld [tilespmem:s2+$0xA020];
	v41 =	vbroadcast v1, $0x3;
	v10 =	vmul.f32 v33, v15;
	[tilespmem:s2+$0x9FB0] =	vst v7  }
0x19a: {  	v39 =	vld [tilespmem:s2+$0xA030];
	v12 =	vmul.f32 v35, v15;
	[tilespmem:s2+$0x9FC0] =	vst v8  }
0x19b: {  	v42 =	vld [tilespmem:s2+$0xA050];
	v13 =	vmul.f32 v36, v41;
	[tilespmem:s2+$0x9FE0] =	vst v10  }
0x19c: {  	v43 =	vld [tilespmem:s2+$0xA060];
	v11 =	vmul.f32 v31, v15;
	[tilespmem:s2+$0x9FF0] =	vst v12  }
0x19d: {  	v44 =	vld [tilespmem:s2+$0xA070];
	v9 =	vmul.f32 v37, v41;
	[tilespmem:s2+$0xA000] =	vst v13  }
0x19e: {  	v40 =	vld [tilespmem:s2+$0xA040];
	v7 =	vmul.f32 v38, v41;
	[tilespmem:s2+$0x9FD0] =	vst v11  }
0x19f: {  	v45 =	vld [tilespmem:s2+$0xA080];
	v8 =	vmul.f32 v39, v41;
	[tilespmem:s2+$0xA010] =	vst v9  }
0x1a0: {  	v46 =	vld [tilespmem:s2+$0xA090];
	v10 =	vmul.f32 v42, v41;
	[tilespmem:s2+$0xA020] =	vst v7  }
0x1a1: {  	v47 =	vld [tilespmem:s2+$0xA0A0];
	v12 =	vmul.f32 v43, v41;
	[tilespmem:s2+$0xA030] =	vst v8  }
0x1a2: {  	v49 =	vld [tilespmem:s2+$0xA0C0];
	v50 =	vbroadcast v1, $0x4;
	v13 =	vmul.f32 v44, v41;
	[tilespmem:s2+$0xA050] =	vst v10  }
0x1a3: {  	v51 =	vld [tilespmem:s2+$0xA0D0];
	v11 =	vmul.f32 v40, v41;
	[tilespmem:s2+$0xA060] =	vst v12  }
0x1a4: {  	v52 =	vld [tilespmem:s2+$0xA0E0];
	v9 =	vmul.f32 v45, v50;
	[tilespmem:s2+$0xA070] =	vst v13  }
0x1a5: {  	v48 =	vld [tilespmem:s2+$0xA0B0];
	v7 =	vmul.f32 v46, v50;
	[tilespmem:s2+$0xA040] =	vst v11  }
0x1a6: {  	v53 =	vld [tilespmem:s2+$0xA0F0];
	v8 =	vmul.f32 v47, v50;
	[tilespmem:s2+$0xA080] =	vst v9  }
0x1a7: {  	v54 =	vld [tilespmem:s2+$0xA100];
	v10 =	vmul.f32 v49, v50;
	[tilespmem:s2+$0xA090] =	vst v7  }
0x1a8: {  	v55 =	vld [tilespmem:s2+$0xA110];
	v12 =	vmul.f32 v51, v50;
	[tilespmem:s2+$0xA0A0] =	vst v8  }
0x1a9: {  	v57 =	vld [tilespmem:s2+$0xA130];
	v13 =	vmul.f32 v52, v50;
	[tilespmem:s2+$0xA0C0] =	vst v10  }
0x1aa: {  	v58 =	vld [tilespmem:s2+$0xA140];
	v59 =	vbroadcast v1, $0x5;
	v11 =	vmul.f32 v48, v50;
	[tilespmem:s2+$0xA0D0] =	vst v12  }
0x1ab: {  	v60 =	vld [tilespmem:s2+$0xA150];
	v9 =	vmul.f32 v53, v50;
	[tilespmem:s2+$0xA0E0] =	vst v13  }
0x1ac: {  	v56 =	vld [tilespmem:s2+$0xA120];
	v7 =	vmul.f32 v54, v59;
	[tilespmem:s2+$0xA0B0] =	vst v11  }
0x1ad: {  	v61 =	vld [tilespmem:s2+$0xA160];
	v8 =	vmul.f32 v55, v59;
	[tilespmem:s2+$0xA0F0] =	vst v9  }
0x1ae: {  	v62 =	vld [tilespmem:s2+$0xA170];
	v10 =	vmul.f32 v57, v59;
	[tilespmem:s2+$0xA100] =	vst v7  }
0x1af: {  	v63 =	vld [tilespmem:s2+$0xA180];
	v12 =	vmul.f32 v58, v59;
	[tilespmem:s2+$0xA110] =	vst v8  }
0x1b0: {  	v19 =	vld [tilespmem:s2+$0xA1A0];
	v13 =	vmul.f32 v60, v59;
	[tilespmem:s2+$0xA130] =	vst v10  }
0x1b1: {  	v20 =	vld [tilespmem:s2+$0xA1B0];
	v11 =	vmul.f32 v56, v59;
	[tilespmem:s2+$0xA140] =	vst v12  }
0x1b2: {  	v21 =	vld [tilespmem:s2+$0xA1C0];
	v22 =	vbroadcast v1, $0x6;
	v9 =	vmul.f32 v61, v59;
	[tilespmem:s2+$0xA150] =	vst v13  }
0x1b3: {  	v18 =	vld [tilespmem:s2+$0xA190];
	v7 =	vmul.f32 v62, v59;
	[tilespmem:s2+$0xA120] =	vst v11  }
0x1b4: {  	v23 =	vld [tilespmem:s2+$0xA1D0];
	v8 =	vmul.f32 v63, v22;
	[tilespmem:s2+$0xA160] =	vst v9  }
0x1b5: {  	v24 =	vld [tilespmem:s2+$0xA1E0];
	v10 =	vmul.f32 v19, v22;
	[tilespmem:s2+$0xA170] =	vst v7  }
0x1b6: {  	v25 =	vld [tilespmem:s2+$0xA1F0];
	v12 =	vmul.f32 v20, v22;
	[tilespmem:s2+$0xA180] =	vst v8  }
0x1b7: {  	v27 =	vld [tilespmem:s2+$0xA210];
	v13 =	vmul.f32 v21, v22;
	[tilespmem:s2+$0xA1A0] =	vst v10  }
0x1b8: {  	v28 =	vld [tilespmem:s2+$0xA220];
	v11 =	vmul.f32 v18, v22;
	[tilespmem:s2+$0xA1B0] =	vst v12  }
0x1b9: {  	v29 =	vld [tilespmem:s2+$0xA230];
	v9 =	vmul.f32 v23, v22;
	[tilespmem:s2+$0xA1C0] =	vst v13  }
0x1ba: {  	v31 =	vbroadcast v1, $0x7;
	v53 =	vld [tilespmem:s2+$0xA380];
	v7 =	vmul.f32 v24, v22;
	[tilespmem:s2+$0xA190] =	vst v11  }
0x1bb: {  	v57 =	vld [tilespmem:s2+$0xA3C0];
	v8 =	vmul.f32 v25, v22;
	[tilespmem:s2+$0xA1D0] =	vst v9  }
0x1bc: {  	v58 =	vld [tilespmem:s2+$0xA3D0];
	v10 =	vmul.f32 v27, v31;
	[tilespmem:s2+$0xA1E0] =	vst v7  }
0x1bd: {  	v26 =	vld [tilespmem:s2+$0xA200];
	v12 =	vmul.f32 v28, v31;
	[tilespmem:s2+$0xA1F0] =	vst v8  }
0x1be: {  	v30 =	vld [tilespmem:s2+$0xA240];
	v13 =	vmul.f32 v29, v31;
	[tilespmem:s2+$0xA210] =	vst v10  }
0x1bf: {  	v32 =	vld [tilespmem:s2+$0xA250];
	v59 =	vmul.f32 v53, v5;
	[tilespmem:s2+$0xA220] =	vst v12  }
0x1c0: {  	v33 =	vld [tilespmem:s2+$0xA260];
	v18 =	vmul.f32 v57, v5;
	[tilespmem:s2+$0xA230] =	vst v13  }
0x1c1: {  	v35 =	vld [tilespmem:s2+$0xA280];
	v20 =	vmul.f32 v58, v5;
	[tilespmem:s2+$0xA380] =	vst v59  }
0x1c2: {  	v36 =	vld [tilespmem:s2+$0xA290];
	v11 =	vmul.f32 v26, v31;
	[tilespmem:s2+$0xA3C0] =	vst v18  }
0x1c3: {  	v37 =	vld [tilespmem:s2+$0xA2A0];
	v9 =	vmul.f32 v30, v31;
	[tilespmem:s2+$0xA3D0] =	vst v20  }
0x1c4: {  	v4 =	vld [tilespmem:s2+$0xA400];
	v40 =	vbroadcast v1, $0x8;
	v7 =	vmul.f32 v32, v31;
	[tilespmem:s2+$0xA200] =	vst v11  }
0x1c5: {  	v6 =	vld [tilespmem:s2+$0xA410];
	v8 =	vmul.f32 v33, v31;
	[tilespmem:s2+$0xA240] =	vst v9  }
0x1c6: {  	v3 =	vld [tilespmem:s2+$0xA650];
	v10 =	vmul.f32 v35, v40;
	[tilespmem:s2+$0xA250] =	vst v7  }
0x1c7: {  	v61 =	vld [tilespmem:s2+$0x9E80];
	v23 =	vbroadcast v1, $0xB;
	v12 =	vmul.f32 v36, v40;
	[tilespmem:s2+$0xA260] =	vst v8  }
0x1c8: {  	v34 =	vld [tilespmem:s2+$0xA270];
	v13 =	vmul.f32 v37, v40;
	[tilespmem:s2+$0xA280] =	vst v10  }
0x1c9: {  	v38 =	vld [tilespmem:s2+$0xA2B0];
	v27 =	vbroadcast v1, $0xF;
	v4 =	vmul.f32 v4, v23;
	[tilespmem:s2+$0xA290] =	vst v12  }
0x1ca: {  	v39 =	vld [tilespmem:s2+$0xA2C0];
	v6 =	vmul.f32 v6, v23;
	[tilespmem:s2+$0xA2A0] =	vst v13  }
0x1cb: {  	v41 =	vld [tilespmem:s2+$0xA2D0];
	v3 =	vmul.f32 v3, v27;
	[tilespmem:s2+$0xA400] =	vst v4  }
0x1cc: {  	v43 =	vld [tilespmem:s2+$0xA2F0];
	v24 =	vmul.f32 v2, v61;
	[tilespmem:s2+$0xA410] =	vst v6  }
0x1cd: {  	v44 =	vld [tilespmem:s2+$0xA300];
	v11 =	vmul.f32 v34, v31;
	[tilespmem:s2+$0xA650] =	vst v3  }
0x1ce: {  	v45 =	vld [tilespmem:s2+$0xA310];
	v9 =	vmul.f32 v38, v40;
	[tilespmem:s2+$0x9E80] =	vst v24  }
0x1cf: {  	v63 =	vld [tilespmem:s2+$0x9EC0];
	v7 =	vmul.f32 v39, v40;
	[tilespmem:s2+$0xA270] =	vst v11  }
0x1d0: {  	v49 =	vbroadcast v1, $0x9;
	v29 =	vld [tilespmem:s2+$0xA470];
	v8 =	vmul.f32 v41, v40;
	[tilespmem:s2+$0xA2B0] =	vst v9  }
0x1d1: {  	v42 =	vld [tilespmem:s2+$0xA2E0];
	v10 =	vmul.f32 v43, v40;
	[tilespmem:s2+$0xA2C0] =	vst v7  }
0x1d2: {  	v46 =	vld [tilespmem:s2+$0xA320];
	v12 =	vmul.f32 v44, v49;
	[tilespmem:s2+$0xA2D0] =	vst v8  }
0x1d3: {  	v47 =	vld [tilespmem:s2+$0xA330];
	v13 =	vmul.f32 v45, v49;
	[tilespmem:s2+$0xA2F0] =	vst v10  }
0x1d4: {  	v48 =	vld [tilespmem:s2+$0xA340];
	v3 =	vmul.f32 v63, v2;
	[tilespmem:s2+$0xA300] =	vst v12  }
0x1d5: {  	v51 =	vld [tilespmem:s2+$0xA360];
	v6 =	vmul.f32 v29, v23;
	[tilespmem:s2+$0xA310] =	vst v13  }
0x1d6: {  	v52 =	vld [tilespmem:s2+$0xA370];
	v11 =	vmul.f32 v42, v40;
	[tilespmem:s2+$0x9EC0] =	vst v3  }
0x1d7: {  	v28 =	vld [tilespmem:s2+$0xA460];
	v9 =	vmul.f32 v46, v49;
	[tilespmem:s2+$0xA470] =	vst v6  }
0x1d8: {  	v26 =	vld [tilespmem:s2+$0xA450];
	v7 =	vmul.f32 v47, v49;
	[tilespmem:s2+$0xA2E0] =	vst v11  }
0x1d9: {  	v30 =	vld [tilespmem:s2+$0xA480];
	v8 =	vmul.f32 v48, v49;
	[tilespmem:s2+$0xA320] =	vst v9  }
0x1da: {  	v50 =	vld [tilespmem:s2+$0xA350];
	v10 =	vmul.f32 v51, v49;
	[tilespmem:s2+$0xA330] =	vst v7  }
0x1db: {  	v54 =	vld [tilespmem:s2+$0xA390];
	v12 =	vmul.f32 v52, v49;
	[tilespmem:s2+$0xA340] =	vst v8  }
0x1dc: {  	v55 =	vld [tilespmem:s2+$0xA3A0];
	v35 =	vbroadcast v1, $0xC;
	v40 =	vmul.f32 v28, v23;
	[tilespmem:s2+$0xA360] =	vst v10  }
0x1dd: {  	v56 =	vld [tilespmem:s2+$0xA3B0];
	v32 =	vmul.f32 v26, v23;
	[tilespmem:s2+$0xA370] =	vst v12  }
0x1de: {  	v60 =	vld [tilespmem:s2+$0xA3E0];
	v15 =	vmul.f32 v30, v35;
	[tilespmem:s2+$0xA460] =	vst v40  }
0x1df: {  	v62 =	vld [tilespmem:s2+$0x9E90];
	v11 =	vmul.f32 v50, v49;
	[tilespmem:s2+$0xA450] =	vst v32  }
0x1e0: {  	v19 =	vld [tilespmem:s2+$0x9ED0];
	v9 =	vmul.f32 v54, v5;
	[tilespmem:s2+$0xA480] =	vst v15  }
0x1e1: {  	v33 =	vld [tilespmem:s2+$0xA4B0];
	v7 =	vmul.f32 v55, v5;
	[tilespmem:s2+$0xA350] =	vst v11  }
0x1e2: {  	v61 =	vld [tilespmem:s2+$0xA670];
	v8 =	vmul.f32 v56, v5;
	[tilespmem:s2+$0xA390] =	vst v9  }
0x1e3: {  	v38 =	vld [tilespmem:s2+$0xA4F0];
	v5 =	vmul.f32 v60, v5;
	[tilespmem:s2+$0xA3A0] =	vst v7  }
0x1e4: {  	v21 =	vld [tilespmem:s2+$0xA420];
	v12 =	vmul.f32 v62, v2;
	[tilespmem:s2+$0xA3B0] =	vst v8  }
0x1e5: {  	v22 =	vld [tilespmem:s2+$0xA430];
	v2 =	vmul.f32 v19, v2;
	[tilespmem:s2+$0xA3E0] =	vst v5  }
0x1e6: {  	v25 =	vld [tilespmem:s2+$0xA440];
	v62 =	vmul.f32 v33, v35;
	[tilespmem:s2+$0x9E90] =	vst v12  }
0x1e7: {  	v31 =	vld [tilespmem:s2+$0xA490];
	v63 =	vmul.f32 v61, v27;
	[tilespmem:s2+$0x9ED0] =	vst v2  }
0x1e8: {  	v34 =	vld [tilespmem:s2+$0xA4C0];
	v15 =	vmul.f32 v38, v35;
	[tilespmem:s2+$0xA4B0] =	vst v62  }
0x1e9: {  	v41 =	vld [tilespmem:s2+$0xA520];
	v7 =	vmul.f32 v21, v23;
	[tilespmem:s2+$0xA670] =	vst v63  }
0x1ea: {  	v46 =	vld [tilespmem:s2+$0xA560];
	v8 =	vmul.f32 v22, v23;
	[tilespmem:s2+$0xA4F0] =	vst v15  }
0x1eb: {  	v36 =	vld [tilespmem:s2+$0xA4D0];
	v5 =	vmul.f32 v25, v23;
	[tilespmem:s2+$0xA420] =	vst v7  }
0x1ec: {  	v44 =	vbroadcast v1, $0xD;
	v9 =	vmul.f32 v31, v35;
	v2 =	vld [tilespmem:s2+$0xA510];
	[tilespmem:s2+$0xA430] =	vst v8  }
0x1ed: {  	v37 =	vld [tilespmem:s2+$0xA4E0];
	v12 =	vmul.f32 v34, v35;
	[tilespmem:s2+$0xA440] =	vst v5  }
0x1ee: {  	v39 =	vld [tilespmem:s2+$0xA500];
	v11 =	vmul.f32 v41, v44;
	[tilespmem:s2+$0xA490] =	vst v9  }
0x1ef: {  	v42 =	vld [tilespmem:s2+$0xA530];
	v51 =	vmul.f32 v46, v44;
	[tilespmem:s2+$0xA4C0] =	vst v12  }
0x1f0: {  	v48 =	vld [tilespmem:s2+$0xA590];
	v8 =	vmul.f32 v36, v35;
	[tilespmem:s2+$0xA520] =	vst v11  }
0x1f1: {  	v49 =	vld [tilespmem:s2+$0xA5A0];
	[tilespmem:s2+$0xA560] =	vst v51;
	v2 =	vmul.f32 v2, v44  }
0x1f2: {  	v50 =	vld [tilespmem:s2+$0xA5B0];
	v5 =	vmul.f32 v37, v35;
	[tilespmem:s2+$0xA4D0] =	vst v8  }
0x1f3: {  	v1 =	vbroadcast v1, $0xE;
	v9 =	vmul.f32 v39, v44;
	[tilespmem:s2+$0xA510] =	vst v2;
	v2 =	vld [tilespmem:s2+$0xA580]  }
0x1f4: {  	v60 =	vld [tilespmem:s2+$0xA660];
	v12 =	vmul.f32 v42, v44;
	[tilespmem:s2+$0xA4E0] =	vst v5  }
0x1f5: {  	v45 =	vld [tilespmem:s2+$0xA550];
	v11 =	vmul.f32 v48, v1;
	[tilespmem:s2+$0xA500] =	vst v9  }
0x1f6: {  	v47 =	vld [tilespmem:s2+$0xA570];
	v10 =	vmul.f32 v49, v1;
	[tilespmem:s2+$0xA530] =	vst v12  }
0x1f7: {  	v43 =	vld [tilespmem:s2+$0xA540];
	v6 =	vmul.f32 v50, v1;
	[tilespmem:s2+$0xA590] =	vst v11  }
0x1f8: {  	v55 =	vld [tilespmem:s2+$0xA600];
	[tilespmem:s2+$0xA5A0] =	vst v10;
	v2 =	vmul.f32 v2, v1  }
0x1f9: {  	v57 =	vld [tilespmem:s2+$0xA620];
	v4 =	vmul.f32 v60, v27;
	[tilespmem:s2+$0xA5B0] =	vst v6  }
0x1fa: {  	v5 =	vmul.f32 v45, v44;
	[tilespmem:s2+$0xA580] =	vst v2;
	v2 =	vld [tilespmem:s2+$0xA5F0]  }
0x1fb: {  	v52 =	vld [tilespmem:s2+$0xA5C0];
	v9 =	vmul.f32 v47, v44;
	[tilespmem:s2+$0xA660] =	vst v4  }
0x1fc: {  	v56 =	vld [tilespmem:s2+$0xA610];
	v8 =	vmul.f32 v43, v44;
	[tilespmem:s2+$0xA550] =	vst v5  }
0x1fd: {  	v54 =	vld [tilespmem:s2+$0xA5E0];
	v11 =	vmul.f32 v55, v27;
	[tilespmem:s2+$0xA570] =	vst v9  }
0x1fe: {  	v58 =	vld [tilespmem:s2+$0xA630];
	v6 =	vmul.f32 v57, v27;
	[tilespmem:s2+$0xA540] =	vst v8  }
0x1ff: {  	v53 =	vld [tilespmem:s2+$0xA5D0];
	[tilespmem:s2+$0xA600] =	vst v11;
	v2 =	vmul.f32 v2, v1  }
0x200: {  	v59 =	vld [tilespmem:s2+$0xA640];
	v5 =	vmul.f32 v52, v1;
	[tilespmem:s2+$0xA620] =	vst v6  }
0x201: {  	[tilespmem:s2+$0xA5F0] =	vst v2;
	v2 =	vmul.f32 v56, v27  }
0x202: {  	v3 =	vld [tilespmem:s2+$0xA4A0];
	v9 =	vmul.f32 v54, v1;
	[tilespmem:s2+$0xA5C0] =	vst v5  }
0x203: {  	[tilespmem:s2+$0xA610] =	vst v2;
	v2 =	vmul.f32 v58, v27  }
0x204: {  	[tilespmem:s2+$0xA5E0] =	vst v9;
	v1 =	vmul.f32 v53, v1  }
0x205: {  	[tilespmem:s2+$0xA630] =	vst v2;
	v2 =	vmul.f32 v59, v27  }
0x206: {  	[tilespmem:s2+$0xA5D0] =	vst v1  }
0x207: {  	s20 =	simm.s32 $0x1;
	[tilespmem:s2+$0xA640] =	vst v2;
	v2 =	vmul.f32 v3, v35  }
.LBB2_7:
0x208: {  	s8 =	sshll.u32 s20, $0x4  }
0x209: {  	p5 =	sne.s32 s20, $0x4;
	[tilespmem:s2+$0xA4A0] =	vst v2;
	s2 =	smov.u32 s20;
	s20 =	sadd.s32 $0x1, s20  }
0x20a: {  	s8 =	sand.u32 $0x3FFFFFF0, s8  }
0x20b: {  	v1 =	vld.idx.msk [tilespmem:v0+s8+$0x0 ss:$0x1], $0xffff  }
0x20c: {  	s2 =	sshll.u32 s2, $0xB  }
0x20d: {  	s2 =	sand.u32 $0x3FFFF800, s2  }
0x20e: {  	v8 =	vld [tilespmem:s2+$0x9F40]  }
0x20f: {  	v9 =	vld [tilespmem:s2+$0x9F50]  }
0x210: {  	v10 =	vld [tilespmem:s2+$0x9F30]  }
0x211: {  	v2 =	vbroadcast v1, $0x0;
	v7 =	vbroadcast v1, $0x4;
	v3 =	vld [tilespmem:s2+$0x9EA0]  }
0x212: {  	v5 =	vld [tilespmem:s2+$0x9EB0]  }
0x213: {  	v6 =	vld [tilespmem:s2+$0xA3F0]  }
0x214: {  	v11 =	vld [tilespmem:s2+$0x9EE0]  }
0x215: {  	v12 =	vld [tilespmem:s2+$0x9EF0]  }
0x216: {  	v4 =	vbroadcast v1, $0xA;
	v3 =	vmul.f32 v3, v2;
	v13 =	vld [tilespmem:s2+$0x9F00]  }
0x217: {  	v5 =	vmul.f32 v5, v2;
	v14 =	vld [tilespmem:s2+$0x9F10]  }
0x218: {  	[tilespmem:s2+$0x9EA0] =	vst v3;
	v15 =	vld [tilespmem:s2+$0x9F20];
	v3 =	vmul.f32 v6, v4  }
0x219: {  	[tilespmem:s2+$0x9EB0] =	vst v5;
	v6 =	vmul.f32 v11, v2;
	v11 =	vbroadcast v1, $0x1;
	v5 =	vld [tilespmem:s2+$0xA400]  }
0x21a: {  	v12 =	vmul.f32 v12, v2;
	[tilespmem:s2+$0xA3F0] =	vst v3;
	v3 =	vld [tilespmem:s2+$0xA650]  }
0x21b: {  	[tilespmem:s2+$0x9EE0] =	vst v6;
	v13 =	vmul.f32 v13, v11;
	v6 =	vld [tilespmem:s2+$0xA410]  }
0x21c: {  	[tilespmem:s2+$0x9EF0] =	vst v12;
	v12 =	vmul.f32 v14, v11;
	v14 =	vld [tilespmem:s2+$0x9F60]  }
0x21d: {  	[tilespmem:s2+$0x9F00] =	vst v13;
	v13 =	vmul.f32 v15, v11;
	v15 =	vld [tilespmem:s2+$0x9F70]  }
0x21e: {  	v10 =	vmul.f32 v10, v11;
	[tilespmem:s2+$0x9F10] =	vst v12;
	v12 =	vld [tilespmem:s2+$0x9F80]  }
0x21f: {  	v8 =	vmul.f32 v8, v11;
	[tilespmem:s2+$0x9F20] =	vst v13;
	v13 =	vld [tilespmem:s2+$0x9F90]  }
0x220: {  	v9 =	vmul.f32 v9, v11;
	[tilespmem:s2+$0x9F30] =	vst v10;
	v10 =	vld [tilespmem:s2+$0x9FA0]  }
0x221: {  	[tilespmem:s2+$0x9F40] =	vst v8;
	v8 =	vmul.f32 v14, v11;
	v14 =	vbroadcast v1, $0x2;
	v16 =	vld [tilespmem:s2+$0x9FB0]  }
0x222: {  	[tilespmem:s2+$0x9F50] =	vst v9;
	v9 =	vmul.f32 v15, v11;
	v11 =	vld [tilespmem:s2+$0x9FC0]  }
0x223: {  	[tilespmem:s2+$0x9F60] =	vst v8;
	v8 =	vmul.f32 v12, v14;
	v12 =	vld [tilespmem:s2+$0x9FD0]  }
0x224: {  	[tilespmem:s2+$0x9F70] =	vst v9;
	v9 =	vmul.f32 v13, v14;
	v13 =	vld [tilespmem:s2+$0x9FE0]  }
0x225: {  	[tilespmem:s2+$0x9F80] =	vst v8;
	v8 =	vmul.f32 v10, v14;
	v10 =	vld [tilespmem:s2+$0x9FF0]  }
0x226: {  	[tilespmem:s2+$0x9F90] =	vst v9;
	v9 =	vmul.f32 v16, v14;
	v15 =	vld [tilespmem:s2+$0xA000]  }
0x227: {  	[tilespmem:s2+$0x9FA0] =	vst v8;
	v8 =	vmul.f32 v11, v14;
	v11 =	vld [tilespmem:s2+$0xA010]  }
0x228: {  	[tilespmem:s2+$0x9FB0] =	vst v9;
	v9 =	vmul.f32 v12, v14;
	v12 =	vld [tilespmem:s2+$0xA020]  }
0x229: {  	[tilespmem:s2+$0x9FC0] =	vst v8;
	v8 =	vmul.f32 v13, v14;
	v13 =	vbroadcast v1, $0x3;
	v16 =	vld [tilespmem:s2+$0xA030]  }
0x22a: {  	[tilespmem:s2+$0x9FD0] =	vst v9;
	v9 =	vmul.f32 v10, v14;
	v10 =	vld [tilespmem:s2+$0xA040]  }
0x22b: {  	[tilespmem:s2+$0x9FE0] =	vst v8;
	v8 =	vmul.f32 v15, v13;
	v14 =	vld [tilespmem:s2+$0xA050]  }
0x22c: {  	[tilespmem:s2+$0x9FF0] =	vst v9;
	v9 =	vmul.f32 v11, v13;
	v11 =	vld [tilespmem:s2+$0xA060]  }
0x22d: {  	[tilespmem:s2+$0xA000] =	vst v8;
	v8 =	vmul.f32 v12, v13;
	v12 =	vld [tilespmem:s2+$0xA070]  }
0x22e: {  	[tilespmem:s2+$0xA010] =	vst v9;
	v9 =	vmul.f32 v16, v13;
	v15 =	vld [tilespmem:s2+$0xA080]  }
0x22f: {  	[tilespmem:s2+$0xA020] =	vst v8;
	v8 =	vmul.f32 v10, v13;
	v10 =	vld [tilespmem:s2+$0xA090]  }
0x230: {  	[tilespmem:s2+$0xA030] =	vst v9;
	v9 =	vmul.f32 v14, v13;
	v14 =	vld [tilespmem:s2+$0xA0A0]  }
0x231: {  	[tilespmem:s2+$0xA040] =	vst v8;
	v8 =	vmul.f32 v11, v13;
	v11 =	vld [tilespmem:s2+$0xA0B0]  }
0x232: {  	[tilespmem:s2+$0xA050] =	vst v9;
	v9 =	vmul.f32 v12, v13;
	v12 =	vld [tilespmem:s2+$0xA0C0]  }
0x233: {  	[tilespmem:s2+$0xA060] =	vst v8;
	v8 =	vmul.f32 v15, v7;
	v13 =	vld [tilespmem:s2+$0xA0D0]  }
0x234: {  	[tilespmem:s2+$0xA070] =	vst v9;
	v9 =	vmul.f32 v10, v7;
	v10 =	vld [tilespmem:s2+$0xA0E0]  }
0x235: {  	[tilespmem:s2+$0xA080] =	vst v8;
	v8 =	vmul.f32 v14, v7;
	v14 =	vld [tilespmem:s2+$0xA0F0]  }
0x236: {  	[tilespmem:s2+$0xA090] =	vst v9;
	v9 =	vmul.f32 v11, v7;
	v11 =	vld [tilespmem:s2+$0xA100]  }
0x237: {  	[tilespmem:s2+$0xA0A0] =	vst v8;
	v8 =	vmul.f32 v12, v7;
	v12 =	vld [tilespmem:s2+$0xA110]  }
0x238: {  	[tilespmem:s2+$0xA0B0] =	vst v9;
	v9 =	vmul.f32 v13, v7;
	v13 =	vld [tilespmem:s2+$0xA120]  }
0x239: {  	[tilespmem:s2+$0xA0C0] =	vst v8;
	v8 =	vmul.f32 v10, v7;
	v10 =	vbroadcast v1, $0x5;
	v15 =	vld [tilespmem:s2+$0xA130]  }
0x23a: {  	[tilespmem:s2+$0xA0D0] =	vst v9;
	v7 =	vmul.f32 v14, v7;
	v9 =	vld [tilespmem:s2+$0xA140]  }
0x23b: {  	[tilespmem:s2+$0xA0E0] =	vst v8;
	v8 =	vmul.f32 v11, v10;
	v11 =	vld [tilespmem:s2+$0xA150]  }
0x23c: {  	[tilespmem:s2+$0xA0F0] =	vst v7;
	v7 =	vmul.f32 v12, v10;
	v12 =	vld [tilespmem:s2+$0xA160]  }
0x23d: {  	[tilespmem:s2+$0xA100] =	vst v8;
	v8 =	vmul.f32 v13, v10;
	v13 =	vld [tilespmem:s2+$0xA170]  }
0x23e: {  	[tilespmem:s2+$0xA110] =	vst v7;
	v7 =	vmul.f32 v15, v10;
	v14 =	vld [tilespmem:s2+$0xA180]  }
0x23f: {  	[tilespmem:s2+$0xA120] =	vst v8;
	v8 =	vmul.f32 v9, v10;
	v9 =	vld [tilespmem:s2+$0xA190]  }
0x240: {  	[tilespmem:s2+$0xA130] =	vst v7;
	v7 =	vmul.f32 v11, v10;
	v11 =	vld [tilespmem:s2+$0xA1A0]  }
0x241: {  	[tilespmem:s2+$0xA140] =	vst v8;
	v8 =	vmul.f32 v12, v10;
	v12 =	vbroadcast v1, $0x6;
	v15 =	vld [tilespmem:s2+$0xA1B0]  }
0x242: {  	[tilespmem:s2+$0xA150] =	vst v7;
	v7 =	vmul.f32 v13, v10;
	v10 =	vld [tilespmem:s2+$0xA1C0]  }
0x243: {  	[tilespmem:s2+$0xA160] =	vst v8;
	v8 =	vmul.f32 v14, v12;
	v13 =	vld [tilespmem:s2+$0xA1D0]  }
0x244: {  	[tilespmem:s2+$0xA170] =	vst v7;
	v7 =	vmul.f32 v9, v12;
	v9 =	vld [tilespmem:s2+$0xA1E0]  }
0x245: {  	[tilespmem:s2+$0xA180] =	vst v8;
	v8 =	vmul.f32 v11, v12;
	v11 =	vld [tilespmem:s2+$0xA1F0]  }
0x246: {  	[tilespmem:s2+$0xA190] =	vst v7;
	v7 =	vmul.f32 v15, v12;
	v14 =	vld [tilespmem:s2+$0xA200]  }
0x247: {  	[tilespmem:s2+$0xA1A0] =	vst v8;
	v8 =	vmul.f32 v10, v12;
	v10 =	vld [tilespmem:s2+$0xA210]  }
0x248: {  	[tilespmem:s2+$0xA1B0] =	vst v7;
	v7 =	vmul.f32 v13, v12;
	v13 =	vld [tilespmem:s2+$0xA220]  }
0x249: {  	[tilespmem:s2+$0xA1C0] =	vst v8;
	v8 =	vmul.f32 v9, v12;
	v9 =	vbroadcast v1, $0x7;
	v15 =	vld [tilespmem:s2+$0xA230]  }
0x24a: {  	[tilespmem:s2+$0xA1D0] =	vst v7;
	v7 =	vmul.f32 v11, v12;
	v11 =	vld [tilespmem:s2+$0xA240]  }
0x24b: {  	[tilespmem:s2+$0xA1E0] =	vst v8;
	v8 =	vmul.f32 v14, v9;
	v12 =	vld [tilespmem:s2+$0xA250]  }
0x24c: {  	[tilespmem:s2+$0xA1F0] =	vst v7;
	v7 =	vmul.f32 v10, v9;
	v10 =	vld [tilespmem:s2+$0xA260]  }
0x24d: {  	[tilespmem:s2+$0xA200] =	vst v8;
	v8 =	vmul.f32 v13, v9;
	v13 =	vld [tilespmem:s2+$0xA270]  }
0x24e: {  	[tilespmem:s2+$0xA210] =	vst v7;
	v7 =	vmul.f32 v15, v9;
	v14 =	vld [tilespmem:s2+$0xA280]  }
0x24f: {  	[tilespmem:s2+$0xA220] =	vst v8;
	v8 =	vmul.f32 v11, v9;
	v11 =	vld [tilespmem:s2+$0xA290]  }
0x250: {  	[tilespmem:s2+$0xA230] =	vst v7;
	v7 =	vmul.f32 v12, v9;
	v12 =	vld [tilespmem:s2+$0xA2A0]  }
0x251: {  	[tilespmem:s2+$0xA240] =	vst v8;
	v8 =	vmul.f32 v10, v9;
	v10 =	vbroadcast v1, $0x8;
	v15 =	vld [tilespmem:s2+$0xA2B0]  }
0x252: {  	[tilespmem:s2+$0xA250] =	vst v7;
	v7 =	vmul.f32 v13, v9;
	v9 =	vld [tilespmem:s2+$0xA2C0]  }
0x253: {  	[tilespmem:s2+$0xA260] =	vst v8;
	v8 =	vmul.f32 v14, v10;
	v13 =	vld [tilespmem:s2+$0xA2D0]  }
0x254: {  	[tilespmem:s2+$0xA270] =	vst v7;
	v7 =	vmul.f32 v11, v10;
	v11 =	vld [tilespmem:s2+$0xA2E0]  }
0x255: {  	[tilespmem:s2+$0xA280] =	vst v8;
	v8 =	vmul.f32 v12, v10;
	v12 =	vld [tilespmem:s2+$0xA2F0]  }
0x256: {  	[tilespmem:s2+$0xA290] =	vst v7;
	v7 =	vmul.f32 v15, v10;
	v14 =	vld [tilespmem:s2+$0xA300]  }
0x257: {  	[tilespmem:s2+$0xA2A0] =	vst v8;
	v8 =	vmul.f32 v9, v10;
	v9 =	vld [tilespmem:s2+$0xA310]  }
0x258: {  	[tilespmem:s2+$0xA2B0] =	vst v7;
	v7 =	vmul.f32 v13, v10;
	v13 =	vld [tilespmem:s2+$0xA320]  }
0x259: {  	[tilespmem:s2+$0xA2C0] =	vst v8;
	v8 =	vmul.f32 v11, v10;
	v11 =	vbroadcast v1, $0x9;
	v15 =	vld [tilespmem:s2+$0xA330]  }
0x25a: {  	[tilespmem:s2+$0xA2D0] =	vst v7;
	v7 =	vmul.f32 v12, v10;
	v10 =	vld [tilespmem:s2+$0xA340]  }
0x25b: {  	[tilespmem:s2+$0xA2E0] =	vst v8;
	v8 =	vmul.f32 v14, v11;
	v12 =	vld [tilespmem:s2+$0xA350]  }
0x25c: {  	[tilespmem:s2+$0xA2F0] =	vst v7;
	v7 =	vmul.f32 v9, v11;
	v9 =	vld [tilespmem:s2+$0xA360]  }
0x25d: {  	[tilespmem:s2+$0xA300] =	vst v8;
	v8 =	vmul.f32 v13, v11;
	v13 =	vld [tilespmem:s2+$0xA370]  }
0x25e: {  	[tilespmem:s2+$0xA310] =	vst v7;
	v7 =	vmul.f32 v15, v11;
	v14 =	vld [tilespmem:s2+$0xA380]  }
0x25f: {  	[tilespmem:s2+$0xA320] =	vst v8;
	v8 =	vmul.f32 v10, v11;
	v10 =	vld [tilespmem:s2+$0xA390]  }
0x260: {  	[tilespmem:s2+$0xA330] =	vst v7;
	v7 =	vmul.f32 v12, v11;
	v12 =	vld [tilespmem:s2+$0xA3A0]  }
0x261: {  	[tilespmem:s2+$0xA340] =	vst v8;
	v8 =	vmul.f32 v9, v11;
	v9 =	vld [tilespmem:s2+$0xA3B0]  }
0x262: {  	[tilespmem:s2+$0xA350] =	vst v7;
	v7 =	vmul.f32 v13, v11;
	v11 =	vld [tilespmem:s2+$0xA3C0]  }
0x263: {  	[tilespmem:s2+$0xA360] =	vst v8;
	v8 =	vmul.f32 v14, v4;
	v13 =	vld [tilespmem:s2+$0xA3D0]  }
0x264: {  	[tilespmem:s2+$0xA370] =	vst v7;
	v7 =	vmul.f32 v10, v4;
	v10 =	vld [tilespmem:s2+$0xA3E0]  }
0x265: {  	v14 =	vld [tilespmem:s2+$0x9E80];
	[tilespmem:s2+$0xA380] =	vst v8;
	v8 =	vmul.f32 v12, v4  }
0x266: {  	v12 =	vld [tilespmem:s2+$0x9E90];
	[tilespmem:s2+$0xA390] =	vst v7;
	v7 =	vmul.f32 v9, v4  }
0x267: {  	v9 =	vld [tilespmem:s2+$0x9EC0];
	[tilespmem:s2+$0xA3A0] =	vst v8;
	v8 =	vmul.f32 v11, v4  }
0x268: {  	v11 =	vld [tilespmem:s2+$0x9ED0];
	[tilespmem:s2+$0xA3B0] =	vst v7;
	v7 =	vmul.f32 v13, v4  }
0x269: {  	[tilespmem:s2+$0xA3C0] =	vst v8;
	v8 =	vmul.f32 v10, v4;
	v10 =	vbroadcast v1, $0xB;
	v13 =	vld [tilespmem:s2+$0xA420]  }
0x26a: {  	v4 =	vbroadcast v1, $0xF;
	v14 =	vmul.f32 v2, v14;
	[tilespmem:s2+$0xA3D0] =	vst v7;
	v7 =	vld [tilespmem:s2+$0xA430]  }
0x26b: {  	v12 =	vmul.f32 v12, v2;
	[tilespmem:s2+$0xA3E0] =	vst v8;
	v5 =	vmul.f32 v5, v10;
	v8 =	vld [tilespmem:s2+$0xA440]  }
0x26c: {  	v6 =	vmul.f32 v6, v10;
	[tilespmem:s2+$0x9E80] =	vst v14;
	v9 =	vmul.f32 v9, v2;
	v14 =	vld [tilespmem:s2+$0xA450]  }
0x26d: {  	v3 =	vmul.f32 v3, v4;
	v11 =	vmul.f32 v11, v2;
	[tilespmem:s2+$0xA400] =	vst v5;
	v2 =	vld [tilespmem:s2+$0xA460]  }
0x26e: {  	[tilespmem:s2+$0xA410] =	vst v6;
	v5 =	vmul.f32 v13, v10;
	v6 =	vld [tilespmem:s2+$0xA470]  }
0x26f: {  	v7 =	vmul.f32 v7, v10;
	v13 =	vld [tilespmem:s2+$0xA480];
	[tilespmem:s2+$0xA650] =	vst v3  }
0x270: {  	[tilespmem:s2+$0x9E90] =	vst v12;
	v3 =	vmul.f32 v8, v10;
	v8 =	vld [tilespmem:s2+$0xA490]  }
0x271: {  	[tilespmem:s2+$0x9EC0] =	vst v9;
	v9 =	vmul.f32 v14, v10;
	v12 =	vld [tilespmem:s2+$0xA4A0]  }
0x272: {  	v14 =	vbroadcast v1, $0xC;
	[tilespmem:s2+$0xA420] =	vst v5;
	v5 =	vmul.f32 v2, v10;
	v15 =	vld [tilespmem:s2+$0xA4B0]  }
0x273: {  	[tilespmem:s2+$0xA450] =	vst v9;
	v6 =	vmul.f32 v6, v10;
	v9 =	vld [tilespmem:s2+$0xA4C0]  }
0x274: {  	[tilespmem:s2+$0xA430] =	vst v7;
	v2 =	vmul.f32 v13, v14;
	v7 =	vld [tilespmem:s2+$0xA4D0]  }
0x275: {  	[tilespmem:s2+$0xA440] =	vst v3;
	v3 =	vmul.f32 v8, v14;
	v8 =	vld [tilespmem:s2+$0xA4E0]  }
0x276: {  	[tilespmem:s2+$0xA480] =	vst v2;
	v2 =	vmul.f32 v12, v14;
	v10 =	vld [tilespmem:s2+$0xA4F0]  }
0x277: {  	[tilespmem:s2+$0xA490] =	vst v3;
	v3 =	vld [tilespmem:s2+$0xA500]  }
0x278: {  	[tilespmem:s2+$0x9ED0] =	vst v11;
	v9 =	vmul.f32 v9, v14;
	v11 =	vld [tilespmem:s2+$0xA510]  }
0x279: {  	[tilespmem:s2+$0xA460] =	vst v5;
	v5 =	vmul.f32 v7, v14;
	v7 =	vld [tilespmem:s2+$0xA520]  }
0x27a: {  	[tilespmem:s2+$0xA4C0] =	vst v9;
	v8 =	vmul.f32 v8, v14;
	v9 =	vbroadcast v1, $0xD;
	v12 =	vld [tilespmem:s2+$0xA530]  }
0x27b: {  	[tilespmem:s2+$0xA4D0] =	vst v5;
	v5 =	vmul.f32 v10, v14;
	v10 =	vld [tilespmem:s2+$0xA540]  }
0x27c: {  	[tilespmem:s2+$0xA4E0] =	vst v8;
	v3 =	vmul.f32 v3, v9;
	v8 =	vld [tilespmem:s2+$0xA550]  }
0x27d: {  	[tilespmem:s2+$0xA4F0] =	vst v5;
	v5 =	vmul.f32 v11, v9;
	v11 =	vld [tilespmem:s2+$0xA560]  }
0x27e: {  	[tilespmem:s2+$0xA500] =	vst v3;
	v3 =	vmul.f32 v7, v9;
	v7 =	vld [tilespmem:s2+$0xA570]  }
0x27f: {  	[tilespmem:s2+$0xA510] =	vst v5;
	v5 =	vmul.f32 v12, v9;
	v12 =	vld [tilespmem:s2+$0xA580]  }
0x280: {  	[tilespmem:s2+$0xA520] =	vst v3;
	v3 =	vmul.f32 v10, v9;
	v10 =	vld [tilespmem:s2+$0xA590]  }
0x281: {  	[tilespmem:s2+$0xA530] =	vst v5;
	v5 =	vmul.f32 v8, v9;
	v8 =	vld [tilespmem:s2+$0xA5A0]  }
0x282: {  	v1 =	vbroadcast v1, $0xE;
	[tilespmem:s2+$0xA470] =	vst v6;
	v6 =	vmul.f32 v11, v9;
	v11 =	vld [tilespmem:s2+$0xA5B0]  }
0x283: {  	[tilespmem:s2+$0xA550] =	vst v5;
	v5 =	vmul.f32 v7, v9;
	v7 =	vld [tilespmem:s2+$0xA5C0]  }
0x284: {  	[tilespmem:s2+$0xA560] =	vst v6;
	v6 =	vmul.f32 v12, v1;
	v9 =	vld [tilespmem:s2+$0xA5D0]  }
0x285: {  	[tilespmem:s2+$0xA570] =	vst v5;
	v5 =	vmul.f32 v10, v1;
	v10 =	vld [tilespmem:s2+$0xA5E0]  }
0x286: {  	[tilespmem:s2+$0xA580] =	vst v6;
	v6 =	vmul.f32 v8, v1;
	v8 =	vld [tilespmem:s2+$0xA5F0]  }
0x287: {  	[tilespmem:s2+$0xA590] =	vst v5;
	v5 =	vmul.f32 v11, v1;
	v11 =	vld [tilespmem:s2+$0xA600]  }
0x288: {  	[tilespmem:s2+$0xA5A0] =	vst v6;
	v6 =	vmul.f32 v7, v1;
	v7 =	vld [tilespmem:s2+$0xA610]  }
0x289: {  	[tilespmem:s2+$0xA5B0] =	vst v5;
	v5 =	vmul.f32 v9, v1;
	v9 =	vld [tilespmem:s2+$0xA620]  }
0x28a: {  	[tilespmem:s2+$0xA5C0] =	vst v6;
	v6 =	vmul.f32 v10, v1;
	v10 =	vld [tilespmem:s2+$0xA630]  }
0x28b: {  	[tilespmem:s2+$0xA540] =	vst v3;
	v1 =	vmul.f32 v8, v1;
	v3 =	vld [tilespmem:s2+$0xA640]  }
0x28c: {  	[tilespmem:s2+$0xA5E0] =	vst v6;
	v6 =	vmul.f32 v11, v4;
	v8 =	vld [tilespmem:s2+$0xA660]  }
0x28d: {  	[tilespmem:s2+$0xA5F0] =	vst v1;
	v1 =	vmul.f32 v7, v4;
	v7 =	vld [tilespmem:s2+$0xA670]  }
0x28e: {  	[tilespmem:s2+$0xA600] =	vst v6;
	v6 =	vmul.f32 v9, v4  }
0x28f: {  	[tilespmem:s2+$0xA610] =	vst v1;
	v1 =	vmul.f32 v10, v4  }
0x290: {  	v9 =	vmul.f32 v15, v14;
	[tilespmem:s2+$0xA620] =	vst v6  }
0x291: {  	[tilespmem:s2+$0xA630] =	vst v1;
	v1 =	vmul.f32 v3, v4  }
.Ltmp7:
0x292: {  	[tilespmem:s2+$0xA4B0] =	vst v9;
	v3 =	vmul.f32 v7, v4;
	(pc) =	sbr.rel @p5 .LBB2_7-.Ltmp7, $4  }
0x293: {  	[tilespmem:s2+$0xA640] =	vst v1  }
0x294: {  	v1 =	vmul.f32 v8, v4;
	[tilespmem:s2+$0xA670] =	vst v3  }
0x295: {  	[tilespmem:s2+$0xA5D0] =	vst v5  }
0x296: {  	[tilespmem:s2+$0xA660] =	vst v1  }
.Ltmp8:
0x297: {  	(pc) =	sbr.rel .LBB2_9-.Ltmp8, $3  }
0x298: {  	_ =	sdelay $0x1  }
0x299: {  	[tilespmem:s2+$0xA4A0] =	vst v2;
	s31 =	sadd.s32 $0x4F00, s31  }
0x29a: {  	[spmem:s3] =	stream.indirect.scatter.add.f32 [tilespmem:s26], [sflag:$0x4], $0x80, s31, s22, $0xb8;
	[tilespmem:$0x1FF00] =	vst v63  }
.LBB2_11:
0x29b: {  	_ =	sfence.sel $0x180000  }
0x29c: {  	[bflag:$0x0] =	sbarrier.arrive $0xFFFF  }
0x29d: {  	_ =	strace $0x90000047  }
0x29e: {  	[bflag:$0x2] =	sbarrier.arrive $0xFFFF  }
0x29f: {  	p0 =	sne.s32 s1, $0x0;
	s0 =	rddreg [dreg:$0x5]  }
0x2a0: {  	s0 =	sadd.s32 @!p0 $0x100000, s0  }
0x2a1: {  	[sflag:s0] =	ssyncadd.tile.s32 @!p0 $0x1;
	_ =	shalt  }
.Lfunc_end2:
_tile_overlayer_lowered:
.L_overlay_start_2:
0x2a2: {  	(tag) =	ssettag $0x2  }
0x2a3: {  	s0 =	rddreg [dreg:$0x0];
	s2 =	stileid.u32  }
0x2a4: {  	s1 =	rddreg [dreg:$0x1];
	p0 =	sne.s32 s2, $0x0  }
0x2a5: {  	s3 =	rddreg [dreg:$0x2];
	[bflag:$0x3] =	sbarrier.arrive $0xFFFF;
	s2 =	simm.s32 @!p0 $0x1C05  }
0x2a6: {  	[timem:s3], [sflag:s2] =	dma.local @!p0 [hbm:s0], s1  }
0x2a7: {  	s0 =	simm.s32 @!p0 $0x5  }
0x2a8: {  	_ =	swait.ge @!p0 [sflag:s0], s1  }
0x2a9: {  	s1 =	ssub.s32 @!p0 $0x0, s1;
	[sflag:s0] =	ssyncset.done @!p0 $0x0  }
0x2aa: {  	[sflag:s0] =	ssyncadd.s32 @!p0 s1  }
0x2ab: {  	[bflag:$0x3] =	sbarrier.arrive $0xFFFF  }
0x2ac: {  	_ =	shalt  }

</sc_bundles>
